<compile_context>
chip_gen: v7x
topology: tpu7x:2x2x1
jax: 0.10.2.dev20260603
libtpu: 0.0.44.dev20260713+nightly
codegen_flags: <defaults>
</compile_context>

<pallas_src>
import jax
import jax.numpy as jnp
from jax import lax
from jax.experimental import pallas as pl
from jax.experimental.pallas import tpu as pltpu
from jax.experimental.pallas import tpu_sc as plsc

_N = 10000
_E = 320000
_D = 128
_H = 4
_NEG = 0.2
_NC = 2
_NS = 16
_NW = _NC * _NS
_EPW = _E // _NW
_CH = 16
_NCH = _EPW // _CH
_DEPTH = 4
_AW = 144
_RPT = _N // _NS
_ZR = 25
_NPK = (_NCH + 1) // 2


def _proj_body(x_ref, wl_ref, wr_ref, xl_ref, xr_ref):
    xv = x_ref[...]
    xl_ref[...] = jnp.dot(xv, wl_ref[...], preferred_element_type=jnp.float32)
    xr_ref[...] = jnp.dot(xv, wr_ref[...], preferred_element_type=jnp.float32)


def _project(x, W_l, W_r):
    blk = 1000
    return pl.pallas_call(
        _proj_body,
        grid=(_N // blk,),
        in_specs=[
            pl.BlockSpec((blk, _D), lambda i: (i, 0)),
            pl.BlockSpec((_D, _D), lambda i: (0, 0)),
            pl.BlockSpec((_D, _D), lambda i: (0, 0)),
        ],
        out_specs=[
            pl.BlockSpec((blk, _D), lambda i: (i, 0)),
            pl.BlockSpec((blk, _D), lambda i: (i, 0)),
        ],
        out_shape=[jax.ShapeDtypeStruct((_N, _D), jnp.float32)] * 2,
    )(x, W_l, W_r)


def _edge_body(psrc_hbm, pdst_hbm, xl_hbm, xr_hbm, att_hbm, out_hbm,
               psrcv, pdstv, gsrc, gdst, sdst,
               rl0, rl1, rl2, rl3, rr0, rr1, rr2, rr3,
               buf0, buf1, buf2, buf3, attv, zbuf, acc,
               sl0, sl1, sl2, sl3, sr0, sr1, sr2, sr3,
               ss0, ss1, ss2, ss3):
    c = lax.axis_index("c")
    s = lax.axis_index("s")
    wid = c * _NS + s

    pltpu.sync_copy(att_hbm, attv)

    pltpu.sync_copy(psrc_hbm.at[wid], psrcv)
    pltpu.sync_copy(pdst_hbm.at[wid], pdstv)

    zero16 = jnp.zeros((16,), jnp.float32)

    def zrow(r, carry):
        for cc in range(_AW // 16):
            zbuf[r, pl.ds(cc * 16, 16)] = zero16
        return carry

    lax.fori_loop(0, _ZR, zrow, 0)
    for b in range(_RPT // _ZR):
        pltpu.sync_copy(zbuf, acc.at[pl.ds(s * _RPT + b * _ZR, _ZR)])
    plsc.subcore_barrier()

    att_k = [attv[pl.ds(k * 16, 16)] for k in range(8)]
    iota16 = lax.iota(jnp.int32, 16)
    masks = [iota16 == h for h in range(_H - 1)]

    rl = (rl0, rl1, rl2, rl3)
    rr = (rr0, rr1, rr2, rr3)
    buf = (buf0, buf1, buf2, buf3)
    sls = (sl0, sl1, sl2, sl3)
    srs = (sr0, sr1, sr2, sr3)
    sss = (ss0, ss1, ss2, ss3)

    def unpack_idx(j, slot):
        m = j // 2
        sel_hi = (j % 2) == 1
        ws = psrcv[m]
        wd = pdstv[m]
        lo_s, hi_s = ws & 0xFFFF, lax.shift_right_logical(ws, 16)
        lo_d, hi_d = wd & 0xFFFF, lax.shift_right_logical(wd, 16)
        gsrc[slot] = jnp.where(sel_hi, hi_s, lo_s)
        gdst[slot] = jnp.where(sel_hi, hi_d, lo_d)

    def issue(slot):
        pltpu.async_copy(xl_hbm.at[gsrc.at[slot]], rl[slot], sls[slot])
        pltpu.async_copy(xr_hbm.at[gdst.at[slot]], rr[slot], srs[slot])

    def wait_gather(slot):
        pltpu.make_async_copy(xl_hbm.at[gsrc.at[0]], rl[slot], sls[slot]).wait()
        pltpu.make_async_copy(xr_hbm.at[gdst.at[0]], rr[slot], srs[slot]).wait()

    def compute_chunk(slot):
        rls, rrs, bufs = rl[slot], rr[slot], buf[slot]
        sdst[slot] = gdst[slot]

        @plsc.parallel_loop(0, _CH, unroll=4)
        def edge(e):
            a = [rls[e, pl.ds(k * 16, 16)] for k in range(8)]
            t = []
            for k in range(8):
                sv = a[k] + rrs[e, pl.ds(k * 16, 16)]
                v = jnp.maximum(sv, _NEG * sv)
                t.append(v * att_k[k])
            pv = []
            for h in range(_H):
                r_h = jnp.sum(t[2 * h] + t[2 * h + 1])
                pv.append(jnp.exp(jnp.broadcast_to(r_h, (16,))))
            p_pack = jnp.where(masks[0], pv[0],
                               jnp.where(masks[1], pv[1],
                                         jnp.where(masks[2], pv[2], pv[3])))
            bufs[e, pl.ds(128, 16)] = p_pack
            for k in range(8):
                bufs[e, pl.ds(k * 16, 16)] = a[k] * pv[k // 2]

    def scatter(slot):
        pltpu.async_copy(buf[slot], acc.at[sdst.at[slot]], sss[slot], add=True)

    def wait_scatter(slot):
        pltpu.make_async_copy(buf[slot], acc.at[sdst.at[0]], sss[slot]).wait()

    for slot in range(_DEPTH):
        unpack_idx(slot, slot)
        issue(slot)

    def body(jj, carry):
        j0 = _DEPTH * jj
        for slot in range(_DEPTH):
            j = j0 + slot
            wait_gather(slot)

            @pl.when(jj > 0)
            def _():
                wait_scatter(slot)

            compute_chunk(slot)
            scatter(slot)
            unpack_idx(lax.rem(j + _DEPTH, _NCH), slot)
            issue(slot)
        return carry

    lax.fori_loop(0, _NCH // _DEPTH, body, 0)
    wait_gather(0)
    wait_scatter(0)
    compute_chunk(0)
    scatter(0)
    for slot in range(1, _DEPTH):
        wait_gather(slot)
        wait_scatter(slot)
    wait_scatter(0)
    plsc.subcore_barrier()

    pltpu.sync_copy(acc.at[pl.ds(s * _RPT, _RPT)],
                    out_hbm.at[pl.ds(c * _N + s * _RPT, _RPT)])


def _edge_pass(psrc, pdst, xl, xr, att_flat):
    mesh = plsc.VectorSubcoreMesh(core_axis_name="c", subcore_axis_name="s",
                                  num_cores=_NC, num_subcores=_NS)
    k = pl.kernel(
        _edge_body,
        out_type=jax.ShapeDtypeStruct((_NC * _N, _AW), jnp.float32),
        mesh=mesh,
        scratch_types=[
            pltpu.VMEM((_NPK, _CH), jnp.int32),
            pltpu.VMEM((_NPK, _CH), jnp.int32),
            pltpu.VMEM((_DEPTH, 16), jnp.int32),
            pltpu.VMEM((_DEPTH, 16), jnp.int32),
            pltpu.VMEM((_DEPTH, 16), jnp.int32),
            pltpu.VMEM((_CH, _D), jnp.float32),
            pltpu.VMEM((_CH, _D), jnp.float32),
            pltpu.VMEM((_CH, _D), jnp.float32),
            pltpu.VMEM((_CH, _D), jnp.float32),
            pltpu.VMEM((_CH, _D), jnp.float32),
            pltpu.VMEM((_CH, _D), jnp.float32),
            pltpu.VMEM((_CH, _D), jnp.float32),
            pltpu.VMEM((_CH, _D), jnp.float32),
            pltpu.VMEM((_CH, _AW), jnp.float32),
            pltpu.VMEM((_CH, _AW), jnp.float32),
            pltpu.VMEM((_CH, _AW), jnp.float32),
            pltpu.VMEM((_CH, _AW), jnp.float32),
            pltpu.VMEM((_D,), jnp.float32),
            pltpu.VMEM((_ZR, _AW), jnp.float32),
            pltpu.VMEM_SHARED((_N, _AW), jnp.float32),
            pltpu.SemaphoreType.DMA,
            pltpu.SemaphoreType.DMA,
            pltpu.SemaphoreType.DMA,
            pltpu.SemaphoreType.DMA,
            pltpu.SemaphoreType.DMA,
            pltpu.SemaphoreType.DMA,
            pltpu.SemaphoreType.DMA,
            pltpu.SemaphoreType.DMA,
            pltpu.SemaphoreType.DMA,
            pltpu.SemaphoreType.DMA,
            pltpu.SemaphoreType.DMA,
            pltpu.SemaphoreType.DMA,
        ],
        compiler_params=pltpu.CompilerParams(use_tc_tiling_on_sc=False,
                                             needs_layout_passes=False),
    )
    return k(psrc, pdst, xl, xr, att_flat)


def _final_body(a0_ref, a1_ref, x_ref, b_ref, g_ref, bt_ref, o_ref):
    a = a0_ref[...] + a1_ref[...]
    msg = a[:, :_D]
    den = a[:, _D:_D + _H]
    lane = lax.broadcasted_iota(jnp.int32, (_H, _D), 1) // (_D // _H)
    head = lax.broadcasted_iota(jnp.int32, (_H, _D), 0)
    expand = (lane == head).astype(jnp.float32)
    den_b = lax.dot_general(den, expand, (((1,), (0,)), ((), ())),
                            preferred_element_type=jnp.float32)
    o = msg / (den_b + 1e-16) + b_ref[...] + x_ref[...]
    m = jnp.mean(o, axis=1, keepdims=True)
    d = o - m
    var = jnp.mean(d * d, axis=1, keepdims=True)
    o = d * lax.rsqrt(var + 1e-5)
    o_ref[...] = o * g_ref[...] + bt_ref[...]


def _final(acc, x, bias, gamma, beta):
    blk = 1000
    return pl.pallas_call(
        _final_body,
        grid=(_N // blk,),
        in_specs=[
            pl.BlockSpec((blk, _AW), lambda i: (i, 0)),
            pl.BlockSpec((blk, _AW), lambda i: (_N // blk + i, 0)),
            pl.BlockSpec((blk, _D), lambda i: (i, 0)),
            pl.BlockSpec((1, _D), lambda i: (0, 0)),
            pl.BlockSpec((1, _D), lambda i: (0, 0)),
            pl.BlockSpec((1, _D), lambda i: (0, 0)),
        ],
        out_specs=pl.BlockSpec((blk, _D), lambda i: (i, 0)),
        out_shape=jax.ShapeDtypeStruct((_N, _D), jnp.float32),
    )(acc, acc, x, bias, gamma, beta)


def kernel(x, edge_index, W_l, W_r, att, bias, ln_gamma, ln_beta):
    src = edge_index[0].astype(jnp.int32).reshape(_NW, _EPW)
    dst = edge_index[1].astype(jnp.int32).reshape(_NW, _EPW)
    pad = 2 * _NPK * _CH - _EPW
    src = jnp.pad(src, ((0, 0), (0, pad))).reshape(_NW, _NPK, 2, _CH)
    dst = jnp.pad(dst, ((0, 0), (0, pad))).reshape(_NW, _NPK, 2, _CH)
    psrc = src[:, :, 0, :] | (src[:, :, 1, :] << 16)
    pdst = dst[:, :, 0, :] | (dst[:, :, 1, :] << 16)
    xl, xr = _project(x, W_l, W_r)
    acc = _edge_pass(psrc, pdst, xl, xr, att.reshape(_D))
    return _final(acc, x, bias[None, :], ln_gamma[None, :], ln_beta[None, :])

# --- scband reference (transcript-rebuilt; emitter-appended) ---
"""Pipeline reference for scband-gat-layer-57166014709949 (READ-ONLY COPY).

The authoritative reference and input builder live on the scoring server;
editing this copy changes nothing except your own understanding.
"""

import jax, jax.numpy as jnp
import numpy as np

N = 10000
E = 320000
D_IN = 128
HIDDEN = 128
HEADS = 4
HEAD_DIM = HIDDEN // HEADS
NEG_SLOPE = 0.2


def setup_inputs(seed: int = 0) -> dict:
    key = jax.random.key(seed)
    ks = jax.random.split(key, 8)
    x = jax.random.normal(ks[0], (N, D_IN), dtype=jnp.float32)
    edge_index = jax.random.randint(ks[1], (2, E), 0, N, dtype=jnp.int64)
    glorot = (2.0 / (D_IN + HIDDEN)) ** 0.5
    W_l = jax.random.normal(ks[2], (D_IN, HIDDEN), dtype=jnp.float32) * glorot
    W_r = jax.random.normal(ks[3], (D_IN, HIDDEN), dtype=jnp.float32) * glorot
    att = jax.random.normal(ks[4], (HEADS, HEAD_DIM), dtype=jnp.float32) * (1.0 / HEAD_DIM ** 0.5)
    bias = jnp.zeros((HIDDEN,), dtype=jnp.float32)
    ln_gamma = jnp.ones((HIDDEN,), dtype=jnp.float32)
    ln_beta = jnp.zeros((HIDDEN,), dtype=jnp.float32)
    return {"x": x, "edge_index": edge_index, "W_l": W_l, "W_r": W_r,
            "att": att, "bias": bias, "ln_gamma": ln_gamma, "ln_beta": ln_beta}


def _gatv2_layer(x, edge_index, W_l, W_r, att, bias, ln_gamma, ln_beta):
    src = edge_index[0]
    dst = edge_index[1]
    # GATv2: lin_l applied to source nodes, lin_r to target nodes
    x_l = (x @ W_l).reshape(N, HEADS, HEAD_DIM)
    x_r = (x @ W_r).reshape(N, HEADS, HEAD_DIM)
    # edge features: x_j (source, via lin_l) + x_i (target, via lin_r)
    e = x_l[src] + x_r[dst]                       # [E, H, D]
    e = jnp.where(e > 0, e, NEG_SLOPE * e)        # LeakyReLU
    logits = jnp.sum(e * att[None, :, :], axis=-1)  # [E, H]
    # segment softmax over incoming edges of each dst node
    seg_max = jax.ops.segment_max(logits, dst, num_segments=N)  # [N, H]
    seg_max = jnp.where(jnp.isfinite(seg_max), seg_max, 0.0)
    logits = logits - seg_max[dst]
    p = jnp.exp(logits)                           # [E, H]
    denom = jax.ops.segment_sum(p, dst, num_segments=N)  # [N, H]
    alpha = p / (denom[dst] + 1e-16)              # [E, H]
    msg = x_l[src] * alpha[:, :, None]            # [E, H, D]
    out = jax.ops.segment_sum(msg, dst, num_segments=N)  # [N, H, D]
    out = out.reshape(N, HIDDEN) + bias[None, :]
    # residual connection (in_channels == hidden_channels -> identity add)
    out = out + x
    # LayerNorm over feature dim
    mean = jnp.mean(out, axis=-1, keepdims=True)
    var = jnp.var(out, axis=-1, keepdims=True)
    out = (out - mean) / jnp.sqrt(var + 1e-5)
    out = out * ln_gamma[None, :] + ln_beta[None, :]
    return out


def reference(x, edge_index, W_l, W_r, att, bias, ln_gamma, ln_beta):
    return _gatv2_layer(x, edge_index, W_l, W_r, att, bias, ln_gamma, ln_beta)

if __name__ == "__main__":
    import jax
    _d = setup_inputs()
    print(jax.jit(kernel)(*tuple(_d.values())))

</pallas_src>

<mosaic_0001>
#map = affine_map<(d0, d1) -> (0, 0, 0)>
#map1 = affine_map<(d0, d1) -> (0, 0)>
#map2 = affine_map<(d0, d1) -> (0)>
module attributes {stable_mosaic.version = 14 : i64} {
  func.func @_edge_body(%arg0: i32, %arg1: i32, %arg2: memref<32x313x16xi32, #tpu.memory_space<hbm>>, %arg3: memref<32x313x16xi32, #tpu.memory_space<hbm>>, %arg4: memref<10000x128xf32, #tpu.memory_space<hbm>>, %arg5: memref<10000x128xf32, #tpu.memory_space<hbm>>, %arg6: memref<128xf32, #tpu.memory_space<hbm>>, %arg7: memref<20000x144xf32, #tpu.memory_space<hbm>>, %arg8: memref<313x16xi32, #tpu.memory_space<vmem>>, %arg9: memref<313x16xi32, #tpu.memory_space<vmem>>, %arg10: memref<4x16xi32, #tpu.memory_space<vmem>>, %arg11: memref<4x16xi32, #tpu.memory_space<vmem>>, %arg12: memref<4x16xi32, #tpu.memory_space<vmem>>, %arg13: memref<16x128xf32, #tpu.memory_space<vmem>>, %arg14: memref<16x128xf32, #tpu.memory_space<vmem>>, %arg15: memref<16x128xf32, #tpu.memory_space<vmem>>, %arg16: memref<16x128xf32, #tpu.memory_space<vmem>>, %arg17: memref<16x128xf32, #tpu.memory_space<vmem>>, %arg18: memref<16x128xf32, #tpu.memory_space<vmem>>, %arg19: memref<16x128xf32, #tpu.memory_space<vmem>>, %arg20: memref<16x128xf32, #tpu.memory_space<vmem>>, %arg21: memref<16x144xf32, #tpu.memory_space<vmem>>, %arg22: memref<16x144xf32, #tpu.memory_space<vmem>>, %arg23: memref<16x144xf32, #tpu.memory_space<vmem>>, %arg24: memref<16x144xf32, #tpu.memory_space<vmem>>, %arg25: memref<128xf32, #tpu.memory_space<vmem>>, %arg26: memref<25x144xf32, #tpu.memory_space<vmem>>, %arg27: memref<10000x144xf32, #tpu.memory_space<vmem_shared>>, %arg28: memref<!tpu.dma_semaphore, #tpu.memory_space<semaphore_mem>>, %arg29: memref<!tpu.dma_semaphore, #tpu.memory_space<semaphore_mem>>, %arg30: memref<!tpu.dma_semaphore, #tpu.memory_space<semaphore_mem>>, %arg31: memref<!tpu.dma_semaphore, #tpu.memory_space<semaphore_mem>>, %arg32: memref<!tpu.dma_semaphore, #tpu.memory_space<semaphore_mem>>, %arg33: memref<!tpu.dma_semaphore, #tpu.memory_space<semaphore_mem>>, %arg34: memref<!tpu.dma_semaphore, #tpu.memory_space<semaphore_mem>>, %arg35: memref<!tpu.dma_semaphore, #tpu.memory_space<semaphore_mem>>, %arg36: memref<!tpu.dma_semaphore, #tpu.memory_space<semaphore_mem>>, %arg37: memref<!tpu.dma_semaphore, #tpu.memory_space<semaphore_mem>>, %arg38: memref<!tpu.dma_semaphore, #tpu.memory_space<semaphore_mem>>, %arg39: memref<!tpu.dma_semaphore, #tpu.memory_space<semaphore_mem>>) attributes {dimension_semantics = [#tpu.dimension_semantics<core_parallel>, #tpu.dimension_semantics<subcore_parallel>], iteration_bounds = array<i64: 2, 16>, scalar_prefetch = 0 : i64, scratch_operands = 32 : i64, tpu.core_type = #tpu.core_type<sc_vector_subcore>, window_params = [{transform_indices = #map}, {transform_indices = #map}, {transform_indices = #map1}, {transform_indices = #map1}, {transform_indices = #map2}, {transform_indices = #map1}]} {
    %mul3A = arith.constant 16 : i32
    %mul3A_0 = arith.muli %arg0, %mul3A : i32
    %add3A = arith.addi %mul3A_0, %arg1 : i32
    "tpu.region"() ({
      %run_scoped3A = tpu.sem_alloc : memref<!tpu.dma_semaphore, #tpu.memory_space<semaphore_mem>>
      tpu.enqueue_dma source(%arg6 : memref<128xf32, #tpu.memory_space<hbm>>) target(%arg25 : memref<128xf32, #tpu.memory_space<vmem>>) target_semaphore(%run_scoped3A : memref<!tpu.dma_semaphore, #tpu.memory_space<semaphore_mem>>)
      tpu.wait_dma2 semaphore(%run_scoped3A : memref<!tpu.dma_semaphore, #tpu.memory_space<semaphore_mem>>) src(%arg6 : memref<128xf32, #tpu.memory_space<hbm>>) dst(%arg25 : memref<128xf32, #tpu.memory_space<vmem>>)
      tpu.yield
    }) : () -> ()
    "tpu.region"() ({
      %run_scoped3A = tpu.sem_alloc : memref<!tpu.dma_semaphore, #tpu.memory_space<semaphore_mem>>
      %dma_start3A_429 = arith.constant 0 : i32
      %dma_start3A_430 = arith.constant 0 : i32
      %dma_start3A_431 = tpu.memref_slice %arg2[%add3A, %dma_start3A_429, %dma_start3A_430] : memref<32x313x16xi32, #tpu.memory_space<hbm>> -> memref<1x313x16xi32, #tpu.memory_space<hbm>>
      %dma_start3A_432 = tpu.memref_squeeze %dma_start3A_431 : memref<1x313x16xi32, #tpu.memory_space<hbm>> -> memref<313x16xi32, #tpu.memory_space<hbm>>
      %dma_start3A_433 = arith.constant 0 : i32
      %dma_start3A_434 = arith.constant 0 : i32
      %dma_start3A_435 = tpu.memref_slice %arg2[%add3A, %dma_start3A_433, %dma_start3A_434] : memref<32x313x16xi32, #tpu.memory_space<hbm>> -> memref<1x313x16xi32, #tpu.memory_space<hbm>>
      %dma_start3A_436 = tpu.memref_squeeze %dma_start3A_435 : memref<1x313x16xi32, #tpu.memory_space<hbm>> -> memref<313x16xi32, #tpu.memory_space<hbm>>
      tpu.enqueue_dma source(%dma_start3A_436 : memref<313x16xi32, #tpu.memory_space<hbm>>) target(%arg8 : memref<313x16xi32, #tpu.memory_space<vmem>>) target_semaphore(%run_scoped3A : memref<!tpu.dma_semaphore, #tpu.memory_space<semaphore_mem>>)
      %dma_wait3A_437 = arith.constant 0 : i32
      %dma_wait3A_438 = arith.constant 0 : i32
      %dma_wait3A_439 = tpu.memref_slice %arg2[%add3A, %dma_wait3A_437, %dma_wait3A_438] : memref<32x313x16xi32, #tpu.memory_space<hbm>> -> memref<1x313x16xi32, #tpu.memory_space<hbm>>
      %dma_wait3A_440 = tpu.memref_squeeze %dma_wait3A_439 : memref<1x313x16xi32, #tpu.memory_space<hbm>> -> memref<313x16xi32, #tpu.memory_space<hbm>>
      %dma_wait3A_441 = arith.constant 0 : i32
      %dma_wait3A_442 = arith.constant 0 : i32
      %dma_wait3A_443 = tpu.memref_slice %arg2[%add3A, %dma_wait3A_441, %dma_wait3A_442] : memref<32x313x16xi32, #tpu.memory_space<hbm>> -> memref<1x313x16xi32, #tpu.memory_space<hbm>>
      %dma_wait3A_444 = tpu.memref_squeeze %dma_wait3A_443 : memref<1x313x16xi32, #tpu.memory_space<hbm>> -> memref<313x16xi32, #tpu.memory_space<hbm>>
      tpu.wait_dma2 semaphore(%run_scoped3A : memref<!tpu.dma_semaphore, #tpu.memory_space<semaphore_mem>>) src(%dma_wait3A_444 : memref<313x16xi32, #tpu.memory_space<hbm>>) dst(%arg8 : memref<313x16xi32, #tpu.memory_space<vmem>>)
      tpu.yield
    }) : () -> ()
    "tpu.region"() ({
      %run_scoped3A = tpu.sem_alloc : memref<!tpu.dma_semaphore, #tpu.memory_space<semaphore_mem>>
      %dma_start3A_429 = arith.constant 0 : i32
      %dma_start3A_430 = arith.constant 0 : i32
      %dma_start3A_431 = tpu.memref_slice %arg3[%add3A, %dma_start3A_429, %dma_start3A_430] : memref<32x313x16xi32, #tpu.memory_space<hbm>> -> memref<1x313x16xi32, #tpu.memory_space<hbm>>
      %dma_start3A_432 = tpu.memref_squeeze %dma_start3A_431 : memref<1x313x16xi32, #tpu.memory_space<hbm>> -> memref<313x16xi32, #tpu.memory_space<hbm>>
      %dma_start3A_433 = arith.constant 0 : i32
      %dma_start3A_434 = arith.constant 0 : i32
      %dma_start3A_435 = tpu.memref_slice %arg3[%add3A, %dma_start3A_433, %dma_start3A_434] : memref<32x313x16xi32, #tpu.memory_space<hbm>> -> memref<1x313x16xi32, #tpu.memory_space<hbm>>
      %dma_start3A_436 = tpu.memref_squeeze %dma_start3A_435 : memref<1x313x16xi32, #tpu.memory_space<hbm>> -> memref<313x16xi32, #tpu.memory_space<hbm>>
      tpu.enqueue_dma source(%dma_start3A_436 : memref<313x16xi32, #tpu.memory_space<hbm>>) target(%arg9 : memref<313x16xi32, #tpu.memory_space<vmem>>) target_semaphore(%run_scoped3A : memref<!tpu.dma_semaphore, #tpu.memory_space<semaphore_mem>>)
      %dma_wait3A_437 = arith.constant 0 : i32
      %dma_wait3A_438 = arith.constant 0 : i32
      %dma_wait3A_439 = tpu.memref_slice %arg3[%add3A, %dma_wait3A_437, %dma_wait3A_438] : memref<32x313x16xi32, #tpu.memory_space<hbm>> -> memref<1x313x16xi32, #tpu.memory_space<hbm>>
      %dma_wait3A_440 = tpu.memref_squeeze %dma_wait3A_439 : memref<1x313x16xi32, #tpu.memory_space<hbm>> -> memref<313x16xi32, #tpu.memory_space<hbm>>
      %dma_wait3A_441 = arith.constant 0 : i32
      %dma_wait3A_442 = arith.constant 0 : i32
      %dma_wait3A_443 = tpu.memref_slice %arg3[%add3A, %dma_wait3A_441, %dma_wait3A_442] : memref<32x313x16xi32, #tpu.memory_space<hbm>> -> memref<1x313x16xi32, #tpu.memory_space<hbm>>
      %dma_wait3A_444 = tpu.memref_squeeze %dma_wait3A_443 : memref<1x313x16xi32, #tpu.memory_space<hbm>> -> memref<313x16xi32, #tpu.memory_space<hbm>>
      tpu.wait_dma2 semaphore(%run_scoped3A : memref<!tpu.dma_semaphore, #tpu.memory_space<semaphore_mem>>) src(%dma_wait3A_444 : memref<313x16xi32, #tpu.memory_space<hbm>>) dst(%arg9 : memref<313x16xi32, #tpu.memory_space<vmem>>)
      tpu.yield
    }) : () -> ()
    %broadcast_in_dim3A = arith.constant 0.000000e+00 : f32
    %broadcast_in_dim3A_1 = vector.broadcast %broadcast_in_dim3A : f32 to vector<16xf32>
    %scan3A = arith.constant 0 : i32
    %scan3A_2 = arith.constant 0 : i32
    %scan3A_3 = arith.constant 25 : i32
    %scan3A_4 = arith.addi %scan3A_2, %scan3A_3 : i32
    %scan3A_5 = arith.constant 1 : i32
    scf.for %scan3A_429 = %scan3A_2 to %scan3A_4 step %scan3A_5  : i32 {
      %swap3A_430 = arith.index_cast %scan3A_429 : i32 to index
      %swap3A_431 = arith.constant 0 : index
      %swap3A_432 = tpu.vector_load %arg26[%swap3A_430, %swap3A_431] {strides = array<i32>} : memref<25x144xf32, #tpu.memory_space<vmem>>, vector<16xf32>,
      tpu.vector_store %arg26[%swap3A_430, %swap3A_431], %broadcast_in_dim3A_1 {strides = array<i32>} : memref<25x144xf32, #tpu.memory_space<vmem>>, vector<16xf32>,
      %swap3A_433 = arith.index_cast %scan3A_429 : i32 to index
      %swap3A_434 = arith.constant 16 : index
      %swap3A_435 = tpu.vector_load %arg26[%swap3A_433, %swap3A_434] {strides = array<i32>} : memref<25x144xf32, #tpu.memory_space<vmem>>, vector<16xf32>,
      tpu.vector_store %arg26[%swap3A_433, %swap3A_434], %broadcast_in_dim3A_1 {strides = array<i32>} : memref<25x144xf32, #tpu.memory_space<vmem>>, vector<16xf32>,
      %swap3A_436 = arith.index_cast %scan3A_429 : i32 to index
      %swap3A_437 = arith.constant 32 : index
      %swap3A_438 = tpu.vector_load %arg26[%swap3A_436, %swap3A_437] {strides = array<i32>} : memref<25x144xf32, #tpu.memory_space<vmem>>, vector<16xf32>,
      tpu.vector_store %arg26[%swap3A_436, %swap3A_437], %broadcast_in_dim3A_1 {strides = array<i32>} : memref<25x144xf32, #tpu.memory_space<vmem>>, vector<16xf32>,
      %swap3A_439 = arith.index_cast %scan3A_429 : i32 to index
      %swap3A_440 = arith.constant 48 : index
      %swap3A_441 = tpu.vector_load %arg26[%swap3A_439, %swap3A_440] {strides = array<i32>} : memref<25x144xf32, #tpu.memory_space<vmem>>, vector<16xf32>,
      tpu.vector_store %arg26[%swap3A_439, %swap3A_440], %broadcast_in_dim3A_1 {strides = array<i32>} : memref<25x144xf32, #tpu.memory_space<vmem>>, vector<16xf32>,
      %swap3A_442 = arith.index_cast %scan3A_429 : i32 to index
      %swap3A_443 = arith.constant 64 : index
      %swap3A_444 = tpu.vector_load %arg26[%swap3A_442, %swap3A_443] {strides = array<i32>} : memref<25x144xf32, #tpu.memory_space<vmem>>, vector<16xf32>,
      tpu.vector_store %arg26[%swap3A_442, %swap3A_443], %broadcast_in_dim3A_1 {strides = array<i32>} : memref<25x144xf32, #tpu.memory_space<vmem>>, vector<16xf32>,
      %swap3A_445 = arith.index_cast %scan3A_429 : i32 to index
      %swap3A_446 = arith.constant 80 : index
      %swap3A_447 = tpu.vector_load %arg26[%swap3A_445, %swap3A_446] {strides = array<i32>} : memref<25x144xf32, #tpu.memory_space<vmem>>, vector<16xf32>,
      tpu.vector_store %arg26[%swap3A_445, %swap3A_446], %broadcast_in_dim3A_1 {strides = array<i32>} : memref<25x144xf32, #tpu.memory_space<vmem>>, vector<16xf32>,
      %swap3A_448 = arith.index_cast %scan3A_429 : i32 to index
      %swap3A_449 = arith.constant 96 : index
      %swap3A_450 = tpu.vector_load %arg26[%swap3A_448, %swap3A_449] {strides = array<i32>} : memref<25x144xf32, #tpu.memory_space<vmem>>, vector<16xf32>,
      tpu.vector_store %arg26[%swap3A_448, %swap3A_449], %broadcast_in_dim3A_1 {strides = array<i32>} : memref<25x144xf32, #tpu.memory_space<vmem>>, vector<16xf32>,
      %swap3A_451 = arith.index_cast %scan3A_429 : i32 to index
      %swap3A_452 = arith.constant 112 : index
      %swap3A_453 = tpu.vector_load %arg26[%swap3A_451, %swap3A_452] {strides = array<i32>} : memref<25x144xf32, #tpu.memory_space<vmem>>, vector<16xf32>,
      tpu.vector_store %arg26[%swap3A_451, %swap3A_452], %broadcast_in_dim3A_1 {strides = array<i32>} : memref<25x144xf32, #tpu.memory_space<vmem>>, vector<16xf32>,
      %swap3A_454 = arith.index_cast %scan3A_429 : i32 to index
      %swap3A_455 = arith.constant 128 : index
      %swap3A_456 = tpu.vector_load %arg26[%swap3A_454, %swap3A_455] {strides = array<i32>} : memref<25x144xf32, #tpu.memory_space<vmem>>, vector<16xf32>,
      tpu.vector_store %arg26[%swap3A_454, %swap3A_455], %broadcast_in_dim3A_1 {strides = array<i32>} : memref<25x144xf32, #tpu.memory_space<vmem>>, vector<16xf32>,
    }
    %scan3A_6 = arith.constant 25 : i32
    %mul3A_7 = arith.constant 625 : i32
    %mul3A_8 = arith.muli %arg1, %mul3A_7 : i32
    %add3A_9 = arith.constant 0 : i32
    %add3A_10 = arith.addi %mul3A_8, %add3A_9 : i32
    "tpu.region"() ({
      %run_scoped3A = tpu.sem_alloc : memref<!tpu.dma_semaphore, #tpu.memory_space<semaphore_mem>>
      %dma_start3A_429 = arith.constant 0 : i32
      %dma_start3A_430 = tpu.memref_slice %arg27[%add3A_10, %dma_start3A_429] : memref<10000x144xf32, #tpu.memory_space<vmem_shared>> -> memref<25x144xf32, #tpu.memory_space<vmem_shared>>
      %dma_start3A_431 = arith.constant 0 : i32
      %dma_start3A_432 = tpu.memref_slice %arg27[%add3A_10, %dma_start3A_431] : memref<10000x144xf32, #tpu.memory_space<vmem_shared>> -> memref<25x144xf32, #tpu.memory_space<vmem_shared>>
      tpu.enqueue_dma source(%arg26 : memref<25x144xf32, #tpu.memory_space<vmem>>) target(%dma_start3A_432 : memref<25x144xf32, #tpu.memory_space<vmem_shared>>) target_semaphore(%run_scoped3A : memref<!tpu.dma_semaphore, #tpu.memory_space<semaphore_mem>>)
      %dma_wait3A_433 = arith.constant 0 : i32
      %dma_wait3A_434 = tpu.memref_slice %arg27[%add3A_10, %dma_wait3A_433] : memref<10000x144xf32, #tpu.memory_space<vmem_shared>> -> memref<25x144xf32, #tpu.memory_space<vmem_shared>>
      %dma_wait3A_435 = arith.constant 0 : i32
      %dma_wait3A_436 = tpu.memref_slice %arg27[%add3A_10, %dma_wait3A_435] : memref<10000x144xf32, #tpu.memory_space<vmem_shared>> -> memref<25x144xf32, #tpu.memory_space<vmem_shared>>
      tpu.wait_dma2 semaphore(%run_scoped3A : memref<!tpu.dma_semaphore, #tpu.memory_space<semaphore_mem>>) src(%arg26 : memref<25x144xf32, #tpu.memory_space<vmem>>) dst(%dma_wait3A_436 : memref<25x144xf32, #tpu.memory_space<vmem_shared>>)
      tpu.yield
    }) : () -> ()
    %mul3A_11 = arith.constant 625 : i32
    %mul3A_12 = arith.muli %arg1, %mul3A_11 : i32
    %add3A_13 = arith.constant 25 : i32
    %add3A_14 = arith.addi %mul3A_12, %add3A_13 : i32
    "tpu.region"() ({
      %run_scoped3A = tpu.sem_alloc : memref<!tpu.dma_semaphore, #tpu.memory_space<semaphore_mem>>
      %dma_start3A_429 = arith.constant 0 : i32
      %dma_start3A_430 = tpu.memref_slice %arg27[%add3A_14, %dma_start3A_429] : memref<10000x144xf32, #tpu.memory_space<vmem_shared>> -> memref<25x144xf32, #tpu.memory_space<vmem_shared>>
      %dma_start3A_431 = arith.constant 0 : i32
      %dma_start3A_432 = tpu.memref_slice %arg27[%add3A_14, %dma_start3A_431] : memref<10000x144xf32, #tpu.memory_space<vmem_shared>> -> memref<25x144xf32, #tpu.memory_space<vmem_shared>>
      tpu.enqueue_dma source(%arg26 : memref<25x144xf32, #tpu.memory_space<vmem>>) target(%dma_start3A_432 : memref<25x144xf32, #tpu.memory_space<vmem_shared>>) target_semaphore(%run_scoped3A : memref<!tpu.dma_semaphore, #tpu.memory_space<semaphore_mem>>)
      %dma_wait3A_433 = arith.constant 0 : i32
      %dma_wait3A_434 = tpu.memref_slice %arg27[%add3A_14, %dma_wait3A_433] : memref<10000x144xf32, #tpu.memory_space<vmem_shared>> -> memref<25x144xf32, #tpu.memory_space<vmem_shared>>
      %dma_wait3A_435 = arith.constant 0 : i32
      %dma_wait3A_436 = tpu.memref_slice %arg27[%add3A_14, %dma_wait3A_435] : memref<10000x144xf32, #tpu.memory_space<vmem_shared>> -> memref<25x144xf32, #tpu.memory_space<vmem_shared>>
      tpu.wait_dma2 semaphore(%run_scoped3A : memref<!tpu.dma_semaphore, #tpu.memory_space<semaphore_mem>>) src(%arg26 : memref<25x144xf32, #tpu.memory_space<vmem>>) dst(%dma_wait3A_436 : memref<25x144xf32, #tpu.memory_space<vmem_shared>>)
      tpu.yield
    }) : () -> ()
    %mul3A_15 = arith.constant 625 : i32
    %mul3A_16 = arith.muli %arg1, %mul3A_15 : i32
    %add3A_17 = arith.constant 50 : i32
    %add3A_18 = arith.addi %mul3A_16, %add3A_17 : i32
    "tpu.region"() ({
      %run_scoped3A = tpu.sem_alloc : memref<!tpu.dma_semaphore, #tpu.memory_space<semaphore_mem>>
      %dma_start3A_429 = arith.constant 0 : i32
      %dma_start3A_430 = tpu.memref_slice %arg27[%add3A_18, %dma_start3A_429] : memref<10000x144xf32, #tpu.memory_space<vmem_shared>> -> memref<25x144xf32, #tpu.memory_space<vmem_shared>>
      %dma_start3A_431 = arith.constant 0 : i32
      %dma_start3A_432 = tpu.memref_slice %arg27[%add3A_18, %dma_start3A_431] : memref<10000x144xf32, #tpu.memory_space<vmem_shared>> -> memref<25x144xf32, #tpu.memory_space<vmem_shared>>
      tpu.enqueue_dma source(%arg26 : memref<25x144xf32, #tpu.memory_space<vmem>>) target(%dma_start3A_432 : memref<25x144xf32, #tpu.memory_space<vmem_shared>>) target_semaphore(%run_scoped3A : memref<!tpu.dma_semaphore, #tpu.memory_space<semaphore_mem>>)
      %dma_wait3A_433 = arith.constant 0 : i32
      %dma_wait3A_434 = tpu.memref_slice %arg27[%add3A_18, %dma_wait3A_433] : memref<10000x144xf32, #tpu.memory_space<vmem_shared>> -> memref<25x144xf32, #tpu.memory_space<vmem_shared>>
      %dma_wait3A_435 = arith.constant 0 : i32
      %dma_wait3A_436 = tpu.memref_slice %arg27[%add3A_18, %dma_wait3A_435] : memref<10000x144xf32, #tpu.memory_space<vmem_shared>> -> memref<25x144xf32, #tpu.memory_space<vmem_shared>>
      tpu.wait_dma2 semaphore(%run_scoped3A : memref<!tpu.dma_semaphore, #tpu.memory_space<semaphore_mem>>) src(%arg26 : memref<25x144xf32, #tpu.memory_space<vmem>>) dst(%dma_wait3A_436 : memref<25x144xf32, #tpu.memory_space<vmem_shared>>)
      tpu.yield
    }) : () -> ()
    %mul3A_19 = arith.constant 625 : i32
    %mul3A_20 = arith.muli %arg1, %mul3A_19 : i32
    %add3A_21 = arith.constant 75 : i32
    %add3A_22 = arith.addi %mul3A_20, %add3A_21 : i32
    "tpu.region"() ({
      %run_scoped3A = tpu.sem_alloc : memref<!tpu.dma_semaphore, #tpu.memory_space<semaphore_mem>>
      %dma_start3A_429 = arith.constant 0 : i32
      %dma_start3A_430 = tpu.memref_slice %arg27[%add3A_22, %dma_start3A_429] : memref<10000x144xf32, #tpu.memory_space<vmem_shared>> -> memref<25x144xf32, #tpu.memory_space<vmem_shared>>
      %dma_start3A_431 = arith.constant 0 : i32
      %dma_start3A_432 = tpu.memref_slice %arg27[%add3A_22, %dma_start3A_431] : memref<10000x144xf32, #tpu.memory_space<vmem_shared>> -> memref<25x144xf32, #tpu.memory_space<vmem_shared>>
      tpu.enqueue_dma source(%arg26 : memref<25x144xf32, #tpu.memory_space<vmem>>) target(%dma_start3A_432 : memref<25x144xf32, #tpu.memory_space<vmem_shared>>) target_semaphore(%run_scoped3A : memref<!tpu.dma_semaphore, #tpu.memory_space<semaphore_mem>>)
      %dma_wait3A_433 = arith.constant 0 : i32
      %dma_wait3A_434 = tpu.memref_slice %arg27[%add3A_22, %dma_wait3A_433] : memref<10000x144xf32, #tpu.memory_space<vmem_shared>> -> memref<25x144xf32, #tpu.memory_space<vmem_shared>>
      %dma_wait3A_435 = arith.constant 0 : i32
      %dma_wait3A_436 = tpu.memref_slice %arg27[%add3A_22, %dma_wait3A_435] : memref<10000x144xf32, #tpu.memory_space<vmem_shared>> -> memref<25x144xf32, #tpu.memory_space<vmem_shared>>
      tpu.wait_dma2 semaphore(%run_scoped3A : memref<!tpu.dma_semaphore, #tpu.memory_space<semaphore_mem>>) src(%arg26 : memref<25x144xf32, #tpu.memory_space<vmem>>) dst(%dma_wait3A_436 : memref<25x144xf32, #tpu.memory_space<vmem_shared>>)
      tpu.yield
    }) : () -> ()
    %mul3A_23 = arith.constant 625 : i32
    %mul3A_24 = arith.muli %arg1, %mul3A_23 : i32
    %add3A_25 = arith.constant 100 : i32
    %add3A_26 = arith.addi %mul3A_24, %add3A_25 : i32
    "tpu.region"() ({
      %run_scoped3A = tpu.sem_alloc : memref<!tpu.dma_semaphore, #tpu.memory_space<semaphore_mem>>
      %dma_start3A_429 = arith.constant 0 : i32
      %dma_start3A_430 = tpu.memref_slice %arg27[%add3A_26, %dma_start3A_429] : memref<10000x144xf32, #tpu.memory_space<vmem_shared>> -> memref<25x144xf32, #tpu.memory_space<vmem_shared>>
      %dma_start3A_431 = arith.constant 0 : i32
      %dma_start3A_432 = tpu.memref_slice %arg27[%add3A_26, %dma_start3A_431] : memref<10000x144xf32, #tpu.memory_space<vmem_shared>> -> memref<25x144xf32, #tpu.memory_space<vmem_shared>>
      tpu.enqueue_dma source(%arg26 : memref<25x144xf32, #tpu.memory_space<vmem>>) target(%dma_start3A_432 : memref<25x144xf32, #tpu.memory_space<vmem_shared>>) target_semaphore(%run_scoped3A : memref<!tpu.dma_semaphore, #tpu.memory_space<semaphore_mem>>)
      %dma_wait3A_433 = arith.constant 0 : i32
      %dma_wait3A_434 = tpu.memref_slice %arg27[%add3A_26, %dma_wait3A_433] : memref<10000x144xf32, #tpu.memory_space<vmem_shared>> -> memref<25x144xf32, #tpu.memory_space<vmem_shared>>
      %dma_wait3A_435 = arith.constant 0 : i32
      %dma_wait3A_436 = tpu.memref_slice %arg27[%add3A_26, %dma_wait3A_435] : memref<10000x144xf32, #tpu.memory_space<vmem_shared>> -> memref<25x144xf32, #tpu.memory_space<vmem_shared>>
      tpu.wait_dma2 semaphore(%run_scoped3A : memref<!tpu.dma_semaphore, #tpu.memory_space<semaphore_mem>>) src(%arg26 : memref<25x144xf32, #tpu.memory_space<vmem>>) dst(%dma_wait3A_436 : memref<25x144xf32, #tpu.memory_space<vmem_shared>>)
      tpu.yield
    }) : () -> ()
    %mul3A_27 = arith.constant 625 : i32
    %mul3A_28 = arith.muli %arg1, %mul3A_27 : i32
    %add3A_29 = arith.constant 125 : i32
    %add3A_30 = arith.addi %mul3A_28, %add3A_29 : i32
    "tpu.region"() ({
      %run_scoped3A = tpu.sem_alloc : memref<!tpu.dma_semaphore, #tpu.memory_space<semaphore_mem>>
      %dma_start3A_429 = arith.constant 0 : i32
      %dma_start3A_430 = tpu.memref_slice %arg27[%add3A_30, %dma_start3A_429] : memref<10000x144xf32, #tpu.memory_space<vmem_shared>> -> memref<25x144xf32, #tpu.memory_space<vmem_shared>>
      %dma_start3A_431 = arith.constant 0 : i32
      %dma_start3A_432 = tpu.memref_slice %arg27[%add3A_30, %dma_start3A_431] : memref<10000x144xf32, #tpu.memory_space<vmem_shared>> -> memref<25x144xf32, #tpu.memory_space<vmem_shared>>
      tpu.enqueue_dma source(%arg26 : memref<25x144xf32, #tpu.memory_space<vmem>>) target(%dma_start3A_432 : memref<25x144xf32, #tpu.memory_space<vmem_shared>>) target_semaphore(%run_scoped3A : memref<!tpu.dma_semaphore, #tpu.memory_space<semaphore_mem>>)
      %dma_wait3A_433 = arith.constant 0 : i32
      %dma_wait3A_434 = tpu.memref_slice %arg27[%add3A_30, %dma_wait3A_433] : memref<10000x144xf32, #tpu.memory_space<vmem_shared>> -> memref<25x144xf32, #tpu.memory_space<vmem_shared>>
      %dma_wait3A_435 = arith.constant 0 : i32
      %dma_wait3A_436 = tpu.memref_slice %arg27[%add3A_30, %dma_wait3A_435] : memref<10000x144xf32, #tpu.memory_space<vmem_shared>> -> memref<25x144xf32, #tpu.memory_space<vmem_shared>>
      tpu.wait_dma2 semaphore(%run_scoped3A : memref<!tpu.dma_semaphore, #tpu.memory_space<semaphore_mem>>) src(%arg26 : memref<25x144xf32, #tpu.memory_space<vmem>>) dst(%dma_wait3A_436 : memref<25x144xf32, #tpu.memory_space<vmem_shared>>)
      tpu.yield
    }) : () -> ()
    %mul3A_31 = arith.constant 625 : i32
    %mul3A_32 = arith.muli %arg1, %mul3A_31 : i32
    %add3A_33 = arith.constant 150 : i32
    %add3A_34 = arith.addi %mul3A_32, %add3A_33 : i32
    "tpu.region"() ({
      %run_scoped3A = tpu.sem_alloc : memref<!tpu.dma_semaphore, #tpu.memory_space<semaphore_mem>>
      %dma_start3A_429 = arith.constant 0 : i32
      %dma_start3A_430 = tpu.memref_slice %arg27[%add3A_34, %dma_start3A_429] : memref<10000x144xf32, #tpu.memory_space<vmem_shared>> -> memref<25x144xf32, #tpu.memory_space<vmem_shared>>
      %dma_start3A_431 = arith.constant 0 : i32
      %dma_start3A_432 = tpu.memref_slice %arg27[%add3A_34, %dma_start3A_431] : memref<10000x144xf32, #tpu.memory_space<vmem_shared>> -> memref<25x144xf32, #tpu.memory_space<vmem_shared>>
      tpu.enqueue_dma source(%arg26 : memref<25x144xf32, #tpu.memory_space<vmem>>) target(%dma_start3A_432 : memref<25x144xf32, #tpu.memory_space<vmem_shared>>) target_semaphore(%run_scoped3A : memref<!tpu.dma_semaphore, #tpu.memory_space<semaphore_mem>>)
      %dma_wait3A_433 = arith.constant 0 : i32
      %dma_wait3A_434 = tpu.memref_slice %arg27[%add3A_34, %dma_wait3A_433] : memref<10000x144xf32, #tpu.memory_space<vmem_shared>> -> memref<25x144xf32, #tpu.memory_space<vmem_shared>>
      %dma_wait3A_435 = arith.constant 0 : i32
      %dma_wait3A_436 = tpu.memref_slice %arg27[%add3A_34, %dma_wait3A_435] : memref<10000x144xf32, #tpu.memory_space<vmem_shared>> -> memref<25x144xf32, #tpu.memory_space<vmem_shared>>
      tpu.wait_dma2 semaphore(%run_scoped3A : memref<!tpu.dma_semaphore, #tpu.memory_space<semaphore_mem>>) src(%arg26 : memref<25x144xf32, #tpu.memory_space<vmem>>) dst(%dma_wait3A_436 : memref<25x144xf32, #tpu.memory_space<vmem_shared>>)
      tpu.yield
    }) : () -> ()
    %mul3A_35 = arith.constant 625 : i32
    %mul3A_36 = arith.muli %arg1, %mul3A_35 : i32
    %add3A_37 = arith.constant 175 : i32
    %add3A_38 = arith.addi %mul3A_36, %add3A_37 : i32
    "tpu.region"() ({
      %run_scoped3A = tpu.sem_alloc : memref<!tpu.dma_semaphore, #tpu.memory_space<semaphore_mem>>
      %dma_start3A_429 = arith.constant 0 : i32
      %dma_start3A_430 = tpu.memref_slice %arg27[%add3A_38, %dma_start3A_429] : memref<10000x144xf32, #tpu.memory_space<vmem_shared>> -> memref<25x144xf32, #tpu.memory_space<vmem_shared>>
      %dma_start3A_431 = arith.constant 0 : i32
      %dma_start3A_432 = tpu.memref_slice %arg27[%add3A_38, %dma_start3A_431] : memref<10000x144xf32, #tpu.memory_space<vmem_shared>> -> memref<25x144xf32, #tpu.memory_space<vmem_shared>>
      tpu.enqueue_dma source(%arg26 : memref<25x144xf32, #tpu.memory_space<vmem>>) target(%dma_start3A_432 : memref<25x144xf32, #tpu.memory_space<vmem_shared>>) target_semaphore(%run_scoped3A : memref<!tpu.dma_semaphore, #tpu.memory_space<semaphore_mem>>)
      %dma_wait3A_433 = arith.constant 0 : i32
      %dma_wait3A_434 = tpu.memref_slice %arg27[%add3A_38, %dma_wait3A_433] : memref<10000x144xf32, #tpu.memory_space<vmem_shared>> -> memref<25x144xf32, #tpu.memory_space<vmem_shared>>
      %dma_wait3A_435 = arith.constant 0 : i32
      %dma_wait3A_436 = tpu.memref_slice %arg27[%add3A_38, %dma_wait3A_435] : memref<10000x144xf32, #tpu.memory_space<vmem_shared>> -> memref<25x144xf32, #tpu.memory_space<vmem_shared>>
      tpu.wait_dma2 semaphore(%run_scoped3A : memref<!tpu.dma_semaphore, #tpu.memory_space<semaphore_mem>>) src(%arg26 : memref<25x144xf32, #tpu.memory_space<vmem>>) dst(%dma_wait3A_436 : memref<25x144xf32, #tpu.memory_space<vmem_shared>>)
      tpu.yield
    }) : () -> ()
    %mul3A_39 = arith.constant 625 : i32
    %mul3A_40 = arith.muli %arg1, %mul3A_39 : i32
    %add3A_41 = arith.constant 200 : i32
    %add3A_42 = arith.addi %mul3A_40, %add3A_41 : i32
    "tpu.region"() ({
      %run_scoped3A = tpu.sem_alloc : memref<!tpu.dma_semaphore, #tpu.memory_space<semaphore_mem>>
      %dma_start3A_429 = arith.constant 0 : i32
      %dma_start3A_430 = tpu.memref_slice %arg27[%add3A_42, %dma_start3A_429] : memref<10000x144xf32, #tpu.memory_space<vmem_shared>> -> memref<25x144xf32, #tpu.memory_space<vmem_shared>>
      %dma_start3A_431 = arith.constant 0 : i32
      %dma_start3A_432 = tpu.memref_slice %arg27[%add3A_42, %dma_start3A_431] : memref<10000x144xf32, #tpu.memory_space<vmem_shared>> -> memref<25x144xf32, #tpu.memory_space<vmem_shared>>
      tpu.enqueue_dma source(%arg26 : memref<25x144xf32, #tpu.memory_space<vmem>>) target(%dma_start3A_432 : memref<25x144xf32, #tpu.memory_space<vmem_shared>>) target_semaphore(%run_scoped3A : memref<!tpu.dma_semaphore, #tpu.memory_space<semaphore_mem>>)
      %dma_wait3A_433 = arith.constant 0 : i32
      %dma_wait3A_434 = tpu.memref_slice %arg27[%add3A_42, %dma_wait3A_433] : memref<10000x144xf32, #tpu.memory_space<vmem_shared>> -> memref<25x144xf32, #tpu.memory_space<vmem_shared>>
      %dma_wait3A_435 = arith.constant 0 : i32
      %dma_wait3A_436 = tpu.memref_slice %arg27[%add3A_42, %dma_wait3A_435] : memref<10000x144xf32, #tpu.memory_space<vmem_shared>> -> memref<25x144xf32, #tpu.memory_space<vmem_shared>>
      tpu.wait_dma2 semaphore(%run_scoped3A : memref<!tpu.dma_semaphore, #tpu.memory_space<semaphore_mem>>) src(%arg26 : memref<25x144xf32, #tpu.memory_space<vmem>>) dst(%dma_wait3A_436 : memref<25x144xf32, #tpu.memory_space<vmem_shared>>)
      tpu.yield
    }) : () -> ()
    %mul3A_43 = arith.constant 625 : i32
    %mul3A_44 = arith.muli %arg1, %mul3A_43 : i32
    %add3A_45 = arith.constant 225 : i32
    %add3A_46 = arith.addi %mul3A_44, %add3A_45 : i32
    "tpu.region"() ({
      %run_scoped3A = tpu.sem_alloc : memref<!tpu.dma_semaphore, #tpu.memory_space<semaphore_mem>>
      %dma_start3A_429 = arith.constant 0 : i32
      %dma_start3A_430 = tpu.memref_slice %arg27[%add3A_46, %dma_start3A_429] : memref<10000x144xf32, #tpu.memory_space<vmem_shared>> -> memref<25x144xf32, #tpu.memory_space<vmem_shared>>
      %dma_start3A_431 = arith.constant 0 : i32
      %dma_start3A_432 = tpu.memref_slice %arg27[%add3A_46, %dma_start3A_431] : memref<10000x144xf32, #tpu.memory_space<vmem_shared>> -> memref<25x144xf32, #tpu.memory_space<vmem_shared>>
      tpu.enqueue_dma source(%arg26 : memref<25x144xf32, #tpu.memory_space<vmem>>) target(%dma_start3A_432 : memref<25x144xf32, #tpu.memory_space<vmem_shared>>) target_semaphore(%run_scoped3A : memref<!tpu.dma_semaphore, #tpu.memory_space<semaphore_mem>>)
      %dma_wait3A_433 = arith.constant 0 : i32
      %dma_wait3A_434 = tpu.memref_slice %arg27[%add3A_46, %dma_wait3A_433] : memref<10000x144xf32, #tpu.memory_space<vmem_shared>> -> memref<25x144xf32, #tpu.memory_space<vmem_shared>>
      %dma_wait3A_435 = arith.constant 0 : i32
      %dma_wait3A_436 = tpu.memref_slice %arg27[%add3A_46, %dma_wait3A_435] : memref<10000x144xf32, #tpu.memory_space<vmem_shared>> -> memref<25x144xf32, #tpu.memory_space<vmem_shared>>
      tpu.wait_dma2 semaphore(%run_scoped3A : memref<!tpu.dma_semaphore, #tpu.memory_space<semaphore_mem>>) src(%arg26 : memref<25x144xf32, #tpu.memory_space<vmem>>) dst(%dma_wait3A_436 : memref<25x144xf32, #tpu.memory_space<vmem_shared>>)
      tpu.yield
    }) : () -> ()
    %mul3A_47 = arith.constant 625 : i32
    %mul3A_48 = arith.muli %arg1, %mul3A_47 : i32
    %add3A_49 = arith.constant 250 : i32
    %add3A_50 = arith.addi %mul3A_48, %add3A_49 : i32
    "tpu.region"() ({
      %run_scoped3A = tpu.sem_alloc : memref<!tpu.dma_semaphore, #tpu.memory_space<semaphore_mem>>
      %dma_start3A_429 = arith.constant 0 : i32
      %dma_start3A_430 = tpu.memref_slice %arg27[%add3A_50, %dma_start3A_429] : memref<10000x144xf32, #tpu.memory_space<vmem_shared>> -> memref<25x144xf32, #tpu.memory_space<vmem_shared>>
      %dma_start3A_431 = arith.constant 0 : i32
      %dma_start3A_432 = tpu.memref_slice %arg27[%add3A_50, %dma_start3A_431] : memref<10000x144xf32, #tpu.memory_space<vmem_shared>> -> memref<25x144xf32, #tpu.memory_space<vmem_shared>>
      tpu.enqueue_dma source(%arg26 : memref<25x144xf32, #tpu.memory_space<vmem>>) target(%dma_start3A_432 : memref<25x144xf32, #tpu.memory_space<vmem_shared>>) target_semaphore(%run_scoped3A : memref<!tpu.dma_semaphore, #tpu.memory_space<semaphore_mem>>)
      %dma_wait3A_433 = arith.constant 0 : i32
      %dma_wait3A_434 = tpu.memref_slice %arg27[%add3A_50, %dma_wait3A_433] : memref<10000x144xf32, #tpu.memory_space<vmem_shared>> -> memref<25x144xf32, #tpu.memory_space<vmem_shared>>
      %dma_wait3A_435 = arith.constant 0 : i32
      %dma_wait3A_436 = tpu.memref_slice %arg27[%add3A_50, %dma_wait3A_435] : memref<10000x144xf32, #tpu.memory_space<vmem_shared>> -> memref<25x144xf32, #tpu.memory_space<vmem_shared>>
      tpu.wait_dma2 semaphore(%run_scoped3A : memref<!tpu.dma_semaphore, #tpu.memory_space<semaphore_mem>>) src(%arg26 : memref<25x144xf32, #tpu.memory_space<vmem>>) dst(%dma_wait3A_436 : memref<25x144xf32, #tpu.memory_space<vmem_shared>>)
      tpu.yield
    }) : () -> ()
    %mul3A_51 = arith.constant 625 : i32
    %mul3A_52 = arith.muli %arg1, %mul3A_51 : i32
    %add3A_53 = arith.constant 275 : i32
    %add3A_54 = arith.addi %mul3A_52, %add3A_53 : i32
    "tpu.region"() ({
      %run_scoped3A = tpu.sem_alloc : memref<!tpu.dma_semaphore, #tpu.memory_space<semaphore_mem>>
      %dma_start3A_429 = arith.constant 0 : i32
      %dma_start3A_430 = tpu.memref_slice %arg27[%add3A_54, %dma_start3A_429] : memref<10000x144xf32, #tpu.memory_space<vmem_shared>> -> memref<25x144xf32, #tpu.memory_space<vmem_shared>>
      %dma_start3A_431 = arith.constant 0 : i32
      %dma_start3A_432 = tpu.memref_slice %arg27[%add3A_54, %dma_start3A_431] : memref<10000x144xf32, #tpu.memory_space<vmem_shared>> -> memref<25x144xf32, #tpu.memory_space<vmem_shared>>
      tpu.enqueue_dma source(%arg26 : memref<25x144xf32, #tpu.memory_space<vmem>>) target(%dma_start3A_432 : memref<25x144xf32, #tpu.memory_space<vmem_shared>>) target_semaphore(%run_scoped3A : memref<!tpu.dma_semaphore, #tpu.memory_space<semaphore_mem>>)
      %dma_wait3A_433 = arith.constant 0 : i32
      %dma_wait3A_434 = tpu.memref_slice %arg27[%add3A_54, %dma_wait3A_433] : memref<10000x144xf32, #tpu.memory_space<vmem_shared>> -> memref<25x144xf32, #tpu.memory_space<vmem_shared>>
      %dma_wait3A_435 = arith.constant 0 : i32
      %dma_wait3A_436 = tpu.memref_slice %arg27[%add3A_54, %dma_wait3A_435] : memref<10000x144xf32, #tpu.memory_space<vmem_shared>> -> memref<25x144xf32, #tpu.memory_space<vmem_shared>>
      tpu.wait_dma2 semaphore(%run_scoped3A : memref<!tpu.dma_semaphore, #tpu.memory_space<semaphore_mem>>) src(%arg26 : memref<25x144xf32, #tpu.memory_space<vmem>>) dst(%dma_wait3A_436 : memref<25x144xf32, #tpu.memory_space<vmem_shared>>)
      tpu.yield
    }) : () -> ()
    %mul3A_55 = arith.constant 625 : i32
    %mul3A_56 = arith.muli %arg1, %mul3A_55 : i32
    %add3A_57 = arith.constant 300 : i32
    %add3A_58 = arith.addi %mul3A_56, %add3A_57 : i32
    "tpu.region"() ({
      %run_scoped3A = tpu.sem_alloc : memref<!tpu.dma_semaphore, #tpu.memory_space<semaphore_mem>>
      %dma_start3A_429 = arith.constant 0 : i32
      %dma_start3A_430 = tpu.memref_slice %arg27[%add3A_58, %dma_start3A_429] : memref<10000x144xf32, #tpu.memory_space<vmem_shared>> -> memref<25x144xf32, #tpu.memory_space<vmem_shared>>
      %dma_start3A_431 = arith.constant 0 : i32
      %dma_start3A_432 = tpu.memref_slice %arg27[%add3A_58, %dma_start3A_431] : memref<10000x144xf32, #tpu.memory_space<vmem_shared>> -> memref<25x144xf32, #tpu.memory_space<vmem_shared>>
      tpu.enqueue_dma source(%arg26 : memref<25x144xf32, #tpu.memory_space<vmem>>) target(%dma_start3A_432 : memref<25x144xf32, #tpu.memory_space<vmem_shared>>) target_semaphore(%run_scoped3A : memref<!tpu.dma_semaphore, #tpu.memory_space<semaphore_mem>>)
      %dma_wait3A_433 = arith.constant 0 : i32
      %dma_wait3A_434 = tpu.memref_slice %arg27[%add3A_58, %dma_wait3A_433] : memref<10000x144xf32, #tpu.memory_space<vmem_shared>> -> memref<25x144xf32, #tpu.memory_space<vmem_shared>>
      %dma_wait3A_435 = arith.constant 0 : i32
      %dma_wait3A_436 = tpu.memref_slice %arg27[%add3A_58, %dma_wait3A_435] : memref<10000x144xf32, #tpu.memory_space<vmem_shared>> -> memref<25x144xf32, #tpu.memory_space<vmem_shared>>
      tpu.wait_dma2 semaphore(%run_scoped3A : memref<!tpu.dma_semaphore, #tpu.memory_space<semaphore_mem>>) src(%arg26 : memref<25x144xf32, #tpu.memory_space<vmem>>) dst(%dma_wait3A_436 : memref<25x144xf32, #tpu.memory_space<vmem_shared>>)
      tpu.yield
    }) : () -> ()
    %mul3A_59 = arith.constant 625 : i32
    %mul3A_60 = arith.muli %arg1, %mul3A_59 : i32
    %add3A_61 = arith.constant 325 : i32
    %add3A_62 = arith.addi %mul3A_60, %add3A_61 : i32
    "tpu.region"() ({
      %run_scoped3A = tpu.sem_alloc : memref<!tpu.dma_semaphore, #tpu.memory_space<semaphore_mem>>
      %dma_start3A_429 = arith.constant 0 : i32
      %dma_start3A_430 = tpu.memref_slice %arg27[%add3A_62, %dma_start3A_429] : memref<10000x144xf32, #tpu.memory_space<vmem_shared>> -> memref<25x144xf32, #tpu.memory_space<vmem_shared>>
      %dma_start3A_431 = arith.constant 0 : i32
      %dma_start3A_432 = tpu.memref_slice %arg27[%add3A_62, %dma_start3A_431] : memref<10000x144xf32, #tpu.memory_space<vmem_shared>> -> memref<25x144xf32, #tpu.memory_space<vmem_shared>>
      tpu.enqueue_dma source(%arg26 : memref<25x144xf32, #tpu.memory_space<vmem>>) target(%dma_start3A_432 : memref<25x144xf32, #tpu.memory_space<vmem_shared>>) target_semaphore(%run_scoped3A : memref<!tpu.dma_semaphore, #tpu.memory_space<semaphore_mem>>)
      %dma_wait3A_433 = arith.constant 0 : i32
      %dma_wait3A_434 = tpu.memref_slice %arg27[%add3A_62, %dma_wait3A_433] : memref<10000x144xf32, #tpu.memory_space<vmem_shared>> -> memref<25x144xf32, #tpu.memory_space<vmem_shared>>
      %dma_wait3A_435 = arith.constant 0 : i32
      %dma_wait3A_436 = tpu.memref_slice %arg27[%add3A_62, %dma_wait3A_435] : memref<10000x144xf32, #tpu.memory_space<vmem_shared>> -> memref<25x144xf32, #tpu.memory_space<vmem_shared>>
      tpu.wait_dma2 semaphore(%run_scoped3A : memref<!tpu.dma_semaphore, #tpu.memory_space<semaphore_mem>>) src(%arg26 : memref<25x144xf32, #tpu.memory_space<vmem>>) dst(%dma_wait3A_436 : memref<25x144xf32, #tpu.memory_space<vmem_shared>>)
      tpu.yield
    }) : () -> ()
    %mul3A_63 = arith.constant 625 : i32
    %mul3A_64 = arith.muli %arg1, %mul3A_63 : i32
    %add3A_65 = arith.constant 350 : i32
    %add3A_66 = arith.addi %mul3A_64, %add3A_65 : i32
    "tpu.region"() ({
      %run_scoped3A = tpu.sem_alloc : memref<!tpu.dma_semaphore, #tpu.memory_space<semaphore_mem>>
      %dma_start3A_429 = arith.constant 0 : i32
      %dma_start3A_430 = tpu.memref_slice %arg27[%add3A_66, %dma_start3A_429] : memref<10000x144xf32, #tpu.memory_space<vmem_shared>> -> memref<25x144xf32, #tpu.memory_space<vmem_shared>>
      %dma_start3A_431 = arith.constant 0 : i32
      %dma_start3A_432 = tpu.memref_slice %arg27[%add3A_66, %dma_start3A_431] : memref<10000x144xf32, #tpu.memory_space<vmem_shared>> -> memref<25x144xf32, #tpu.memory_space<vmem_shared>>
      tpu.enqueue_dma source(%arg26 : memref<25x144xf32, #tpu.memory_space<vmem>>) target(%dma_start3A_432 : memref<25x144xf32, #tpu.memory_space<vmem_shared>>) target_semaphore(%run_scoped3A : memref<!tpu.dma_semaphore, #tpu.memory_space<semaphore_mem>>)
      %dma_wait3A_433 = arith.constant 0 : i32
      %dma_wait3A_434 = tpu.memref_slice %arg27[%add3A_66, %dma_wait3A_433] : memref<10000x144xf32, #tpu.memory_space<vmem_shared>> -> memref<25x144xf32, #tpu.memory_space<vmem_shared>>
      %dma_wait3A_435 = arith.constant 0 : i32
      %dma_wait3A_436 = tpu.memref_slice %arg27[%add3A_66, %dma_wait3A_435] : memref<10000x144xf32, #tpu.memory_space<vmem_shared>> -> memref<25x144xf32, #tpu.memory_space<vmem_shared>>
      tpu.wait_dma2 semaphore(%run_scoped3A : memref<!tpu.dma_semaphore, #tpu.memory_space<semaphore_mem>>) src(%arg26 : memref<25x144xf32, #tpu.memory_space<vmem>>) dst(%dma_wait3A_436 : memref<25x144xf32, #tpu.memory_space<vmem_shared>>)
      tpu.yield
    }) : () -> ()
    %mul3A_67 = arith.constant 625 : i32
    %mul3A_68 = arith.muli %arg1, %mul3A_67 : i32
    %add3A_69 = arith.constant 375 : i32
    %add3A_70 = arith.addi %mul3A_68, %add3A_69 : i32
    "tpu.region"() ({
      %run_scoped3A = tpu.sem_alloc : memref<!tpu.dma_semaphore, #tpu.memory_space<semaphore_mem>>
      %dma_start3A_429 = arith.constant 0 : i32
      %dma_start3A_430 = tpu.memref_slice %arg27[%add3A_70, %dma_start3A_429] : memref<10000x144xf32, #tpu.memory_space<vmem_shared>> -> memref<25x144xf32, #tpu.memory_space<vmem_shared>>
      %dma_start3A_431 = arith.constant 0 : i32
      %dma_start3A_432 = tpu.memref_slice %arg27[%add3A_70, %dma_start3A_431] : memref<10000x144xf32, #tpu.memory_space<vmem_shared>> -> memref<25x144xf32, #tpu.memory_space<vmem_shared>>
      tpu.enqueue_dma source(%arg26 : memref<25x144xf32, #tpu.memory_space<vmem>>) target(%dma_start3A_432 : memref<25x144xf32, #tpu.memory_space<vmem_shared>>) target_semaphore(%run_scoped3A : memref<!tpu.dma_semaphore, #tpu.memory_space<semaphore_mem>>)
      %dma_wait3A_433 = arith.constant 0 : i32
      %dma_wait3A_434 = tpu.memref_slice %arg27[%add3A_70, %dma_wait3A_433] : memref<10000x144xf32, #tpu.memory_space<vmem_shared>> -> memref<25x144xf32, #tpu.memory_space<vmem_shared>>
      %dma_wait3A_435 = arith.constant 0 : i32
      %dma_wait3A_436 = tpu.memref_slice %arg27[%add3A_70, %dma_wait3A_435] : memref<10000x144xf32, #tpu.memory_space<vmem_shared>> -> memref<25x144xf32, #tpu.memory_space<vmem_shared>>
      tpu.wait_dma2 semaphore(%run_scoped3A : memref<!tpu.dma_semaphore, #tpu.memory_space<semaphore_mem>>) src(%arg26 : memref<25x144xf32, #tpu.memory_space<vmem>>) dst(%dma_wait3A_436 : memref<25x144xf32, #tpu.memory_space<vmem_shared>>)
      tpu.yield
    }) : () -> ()
    %mul3A_71 = arith.constant 625 : i32
    %mul3A_72 = arith.muli %arg1, %mul3A_71 : i32
    %add3A_73 = arith.constant 400 : i32
    %add3A_74 = arith.addi %mul3A_72, %add3A_73 : i32
    "tpu.region"() ({
      %run_scoped3A = tpu.sem_alloc : memref<!tpu.dma_semaphore, #tpu.memory_space<semaphore_mem>>
      %dma_start3A_429 = arith.constant 0 : i32
      %dma_start3A_430 = tpu.memref_slice %arg27[%add3A_74, %dma_start3A_429] : memref<10000x144xf32, #tpu.memory_space<vmem_shared>> -> memref<25x144xf32, #tpu.memory_space<vmem_shared>>
      %dma_start3A_431 = arith.constant 0 : i32
      %dma_start3A_432 = tpu.memref_slice %arg27[%add3A_74, %dma_start3A_431] : memref<10000x144xf32, #tpu.memory_space<vmem_shared>> -> memref<25x144xf32, #tpu.memory_space<vmem_shared>>
      tpu.enqueue_dma source(%arg26 : memref<25x144xf32, #tpu.memory_space<vmem>>) target(%dma_start3A_432 : memref<25x144xf32, #tpu.memory_space<vmem_shared>>) target_semaphore(%run_scoped3A : memref<!tpu.dma_semaphore, #tpu.memory_space<semaphore_mem>>)
      %dma_wait3A_433 = arith.constant 0 : i32
      %dma_wait3A_434 = tpu.memref_slice %arg27[%add3A_74, %dma_wait3A_433] : memref<10000x144xf32, #tpu.memory_space<vmem_shared>> -> memref<25x144xf32, #tpu.memory_space<vmem_shared>>
      %dma_wait3A_435 = arith.constant 0 : i32
      %dma_wait3A_436 = tpu.memref_slice %arg27[%add3A_74, %dma_wait3A_435] : memref<10000x144xf32, #tpu.memory_space<vmem_shared>> -> memref<25x144xf32, #tpu.memory_space<vmem_shared>>
      tpu.wait_dma2 semaphore(%run_scoped3A : memref<!tpu.dma_semaphore, #tpu.memory_space<semaphore_mem>>) src(%arg26 : memref<25x144xf32, #tpu.memory_space<vmem>>) dst(%dma_wait3A_436 : memref<25x144xf32, #tpu.memory_space<vmem_shared>>)
      tpu.yield
    }) : () -> ()
    %mul3A_75 = arith.constant 625 : i32
    %mul3A_76 = arith.muli %arg1, %mul3A_75 : i32
    %add3A_77 = arith.constant 425 : i32
    %add3A_78 = arith.addi %mul3A_76, %add3A_77 : i32
    "tpu.region"() ({
      %run_scoped3A = tpu.sem_alloc : memref<!tpu.dma_semaphore, #tpu.memory_space<semaphore_mem>>
      %dma_start3A_429 = arith.constant 0 : i32
      %dma_start3A_430 = tpu.memref_slice %arg27[%add3A_78, %dma_start3A_429] : memref<10000x144xf32, #tpu.memory_space<vmem_shared>> -> memref<25x144xf32, #tpu.memory_space<vmem_shared>>
      %dma_start3A_431 = arith.constant 0 : i32
      %dma_start3A_432 = tpu.memref_slice %arg27[%add3A_78, %dma_start3A_431] : memref<10000x144xf32, #tpu.memory_space<vmem_shared>> -> memref<25x144xf32, #tpu.memory_space<vmem_shared>>
      tpu.enqueue_dma source(%arg26 : memref<25x144xf32, #tpu.memory_space<vmem>>) target(%dma_start3A_432 : memref<25x144xf32, #tpu.memory_space<vmem_shared>>) target_semaphore(%run_scoped3A : memref<!tpu.dma_semaphore, #tpu.memory_space<semaphore_mem>>)
      %dma_wait3A_433 = arith.constant 0 : i32
      %dma_wait3A_434 = tpu.memref_slice %arg27[%add3A_78, %dma_wait3A_433] : memref<10000x144xf32, #tpu.memory_space<vmem_shared>> -> memref<25x144xf32, #tpu.memory_space<vmem_shared>>
      %dma_wait3A_435 = arith.constant 0 : i32
      %dma_wait3A_436 = tpu.memref_slice %arg27[%add3A_78, %dma_wait3A_435] : memref<10000x144xf32, #tpu.memory_space<vmem_shared>> -> memref<25x144xf32, #tpu.memory_space<vmem_shared>>
      tpu.wait_dma2 semaphore(%run_scoped3A : memref<!tpu.dma_semaphore, #tpu.memory_space<semaphore_mem>>) src(%arg26 : memref<25x144xf32, #tpu.memory_space<vmem>>) dst(%dma_wait3A_436 : memref<25x144xf32, #tpu.memory_space<vmem_shared>>)
      tpu.yield
    }) : () -> ()
    %mul3A_79 = arith.constant 625 : i32
    %mul3A_80 = arith.muli %arg1, %mul3A_79 : i32
    %add3A_81 = arith.constant 450 : i32
    %add3A_82 = arith.addi %mul3A_80, %add3A_81 : i32
    "tpu.region"() ({
      %run_scoped3A = tpu.sem_alloc : memref<!tpu.dma_semaphore, #tpu.memory_space<semaphore_mem>>
      %dma_start3A_429 = arith.constant 0 : i32
      %dma_start3A_430 = tpu.memref_slice %arg27[%add3A_82, %dma_start3A_429] : memref<10000x144xf32, #tpu.memory_space<vmem_shared>> -> memref<25x144xf32, #tpu.memory_space<vmem_shared>>
      %dma_start3A_431 = arith.constant 0 : i32
      %dma_start3A_432 = tpu.memref_slice %arg27[%add3A_82, %dma_start3A_431] : memref<10000x144xf32, #tpu.memory_space<vmem_shared>> -> memref<25x144xf32, #tpu.memory_space<vmem_shared>>
      tpu.enqueue_dma source(%arg26 : memref<25x144xf32, #tpu.memory_space<vmem>>) target(%dma_start3A_432 : memref<25x144xf32, #tpu.memory_space<vmem_shared>>) target_semaphore(%run_scoped3A : memref<!tpu.dma_semaphore, #tpu.memory_space<semaphore_mem>>)
      %dma_wait3A_433 = arith.constant 0 : i32
      %dma_wait3A_434 = tpu.memref_slice %arg27[%add3A_82, %dma_wait3A_433] : memref<10000x144xf32, #tpu.memory_space<vmem_shared>> -> memref<25x144xf32, #tpu.memory_space<vmem_shared>>
      %dma_wait3A_435 = arith.constant 0 : i32
      %dma_wait3A_436 = tpu.memref_slice %arg27[%add3A_82, %dma_wait3A_435] : memref<10000x144xf32, #tpu.memory_space<vmem_shared>> -> memref<25x144xf32, #tpu.memory_space<vmem_shared>>
      tpu.wait_dma2 semaphore(%run_scoped3A : memref<!tpu.dma_semaphore, #tpu.memory_space<semaphore_mem>>) src(%arg26 : memref<25x144xf32, #tpu.memory_space<vmem>>) dst(%dma_wait3A_436 : memref<25x144xf32, #tpu.memory_space<vmem_shared>>)
      tpu.yield
    }) : () -> ()
    %mul3A_83 = arith.constant 625 : i32
    %mul3A_84 = arith.muli %arg1, %mul3A_83 : i32
    %add3A_85 = arith.constant 475 : i32
    %add3A_86 = arith.addi %mul3A_84, %add3A_85 : i32
    "tpu.region"() ({
      %run_scoped3A = tpu.sem_alloc : memref<!tpu.dma_semaphore, #tpu.memory_space<semaphore_mem>>
      %dma_start3A_429 = arith.constant 0 : i32
      %dma_start3A_430 = tpu.memref_slice %arg27[%add3A_86, %dma_start3A_429] : memref<10000x144xf32, #tpu.memory_space<vmem_shared>> -> memref<25x144xf32, #tpu.memory_space<vmem_shared>>
      %dma_start3A_431 = arith.constant 0 : i32
      %dma_start3A_432 = tpu.memref_slice %arg27[%add3A_86, %dma_start3A_431] : memref<10000x144xf32, #tpu.memory_space<vmem_shared>> -> memref<25x144xf32, #tpu.memory_space<vmem_shared>>
      tpu.enqueue_dma source(%arg26 : memref<25x144xf32, #tpu.memory_space<vmem>>) target(%dma_start3A_432 : memref<25x144xf32, #tpu.memory_space<vmem_shared>>) target_semaphore(%run_scoped3A : memref<!tpu.dma_semaphore, #tpu.memory_space<semaphore_mem>>)
      %dma_wait3A_433 = arith.constant 0 : i32
      %dma_wait3A_434 = tpu.memref_slice %arg27[%add3A_86, %dma_wait3A_433] : memref<10000x144xf32, #tpu.memory_space<vmem_shared>> -> memref<25x144xf32, #tpu.memory_space<vmem_shared>>
      %dma_wait3A_435 = arith.constant 0 : i32
      %dma_wait3A_436 = tpu.memref_slice %arg27[%add3A_86, %dma_wait3A_435] : memref<10000x144xf32, #tpu.memory_space<vmem_shared>> -> memref<25x144xf32, #tpu.memory_space<vmem_shared>>
      tpu.wait_dma2 semaphore(%run_scoped3A : memref<!tpu.dma_semaphore, #tpu.memory_space<semaphore_mem>>) src(%arg26 : memref<25x144xf32, #tpu.memory_space<vmem>>) dst(%dma_wait3A_436 : memref<25x144xf32, #tpu.memory_space<vmem_shared>>)
      tpu.yield
    }) : () -> ()
    %mul3A_87 = arith.constant 625 : i32
    %mul3A_88 = arith.muli %arg1, %mul3A_87 : i32
    %add3A_89 = arith.constant 500 : i32
    %add3A_90 = arith.addi %mul3A_88, %add3A_89 : i32
    "tpu.region"() ({
      %run_scoped3A = tpu.sem_alloc : memref<!tpu.dma_semaphore, #tpu.memory_space<semaphore_mem>>
      %dma_start3A_429 = arith.constant 0 : i32
      %dma_start3A_430 = tpu.memref_slice %arg27[%add3A_90, %dma_start3A_429] : memref<10000x144xf32, #tpu.memory_space<vmem_shared>> -> memref<25x144xf32, #tpu.memory_space<vmem_shared>>
      %dma_start3A_431 = arith.constant 0 : i32
      %dma_start3A_432 = tpu.memref_slice %arg27[%add3A_90, %dma_start3A_431] : memref<10000x144xf32, #tpu.memory_space<vmem_shared>> -> memref<25x144xf32, #tpu.memory_space<vmem_shared>>
      tpu.enqueue_dma source(%arg26 : memref<25x144xf32, #tpu.memory_space<vmem>>) target(%dma_start3A_432 : memref<25x144xf32, #tpu.memory_space<vmem_shared>>) target_semaphore(%run_scoped3A : memref<!tpu.dma_semaphore, #tpu.memory_space<semaphore_mem>>)
      %dma_wait3A_433 = arith.constant 0 : i32
      %dma_wait3A_434 = tpu.memref_slice %arg27[%add3A_90, %dma_wait3A_433] : memref<10000x144xf32, #tpu.memory_space<vmem_shared>> -> memref<25x144xf32, #tpu.memory_space<vmem_shared>>
      %dma_wait3A_435 = arith.constant 0 : i32
      %dma_wait3A_436 = tpu.memref_slice %arg27[%add3A_90, %dma_wait3A_435] : memref<10000x144xf32, #tpu.memory_space<vmem_shared>> -> memref<25x144xf32, #tpu.memory_space<vmem_shared>>
      tpu.wait_dma2 semaphore(%run_scoped3A : memref<!tpu.dma_semaphore, #tpu.memory_space<semaphore_mem>>) src(%arg26 : memref<25x144xf32, #tpu.memory_space<vmem>>) dst(%dma_wait3A_436 : memref<25x144xf32, #tpu.memory_space<vmem_shared>>)
      tpu.yield
    }) : () -> ()
    %mul3A_91 = arith.constant 625 : i32
    %mul3A_92 = arith.muli %arg1, %mul3A_91 : i32
    %add3A_93 = arith.constant 525 : i32
    %add3A_94 = arith.addi %mul3A_92, %add3A_93 : i32
    "tpu.region"() ({
      %run_scoped3A = tpu.sem_alloc : memref<!tpu.dma_semaphore, #tpu.memory_space<semaphore_mem>>
      %dma_start3A_429 = arith.constant 0 : i32
      %dma_start3A_430 = tpu.memref_slice %arg27[%add3A_94, %dma_start3A_429] : memref<10000x144xf32, #tpu.memory_space<vmem_shared>> -> memref<25x144xf32, #tpu.memory_space<vmem_shared>>
      %dma_start3A_431 = arith.constant 0 : i32
      %dma_start3A_432 = tpu.memref_slice %arg27[%add3A_94, %dma_start3A_431] : memref<10000x144xf32, #tpu.memory_space<vmem_shared>> -> memref<25x144xf32, #tpu.memory_space<vmem_shared>>
      tpu.enqueue_dma source(%arg26 : memref<25x144xf32, #tpu.memory_space<vmem>>) target(%dma_start3A_432 : memref<25x144xf32, #tpu.memory_space<vmem_shared>>) target_semaphore(%run_scoped3A : memref<!tpu.dma_semaphore, #tpu.memory_space<semaphore_mem>>)
      %dma_wait3A_433 = arith.constant 0 : i32
      %dma_wait3A_434 = tpu.memref_slice %arg27[%add3A_94, %dma_wait3A_433] : memref<10000x144xf32, #tpu.memory_space<vmem_shared>> -> memref<25x144xf32, #tpu.memory_space<vmem_shared>>
      %dma_wait3A_435 = arith.constant 0 : i32
      %dma_wait3A_436 = tpu.memref_slice %arg27[%add3A_94, %dma_wait3A_435] : memref<10000x144xf32, #tpu.memory_space<vmem_shared>> -> memref<25x144xf32, #tpu.memory_space<vmem_shared>>
      tpu.wait_dma2 semaphore(%run_scoped3A : memref<!tpu.dma_semaphore, #tpu.memory_space<semaphore_mem>>) src(%arg26 : memref<25x144xf32, #tpu.memory_space<vmem>>) dst(%dma_wait3A_436 : memref<25x144xf32, #tpu.memory_space<vmem_shared>>)
      tpu.yield
    }) : () -> ()
    %mul3A_95 = arith.constant 625 : i32
    %mul3A_96 = arith.muli %arg1, %mul3A_95 : i32
    %add3A_97 = arith.constant 550 : i32
    %add3A_98 = arith.addi %mul3A_96, %add3A_97 : i32
    "tpu.region"() ({
      %run_scoped3A = tpu.sem_alloc : memref<!tpu.dma_semaphore, #tpu.memory_space<semaphore_mem>>
      %dma_start3A_429 = arith.constant 0 : i32
      %dma_start3A_430 = tpu.memref_slice %arg27[%add3A_98, %dma_start3A_429] : memref<10000x144xf32, #tpu.memory_space<vmem_shared>> -> memref<25x144xf32, #tpu.memory_space<vmem_shared>>
      %dma_start3A_431 = arith.constant 0 : i32
      %dma_start3A_432 = tpu.memref_slice %arg27[%add3A_98, %dma_start3A_431] : memref<10000x144xf32, #tpu.memory_space<vmem_shared>> -> memref<25x144xf32, #tpu.memory_space<vmem_shared>>
      tpu.enqueue_dma source(%arg26 : memref<25x144xf32, #tpu.memory_space<vmem>>) target(%dma_start3A_432 : memref<25x144xf32, #tpu.memory_space<vmem_shared>>) target_semaphore(%run_scoped3A : memref<!tpu.dma_semaphore, #tpu.memory_space<semaphore_mem>>)
      %dma_wait3A_433 = arith.constant 0 : i32
      %dma_wait3A_434 = tpu.memref_slice %arg27[%add3A_98, %dma_wait3A_433] : memref<10000x144xf32, #tpu.memory_space<vmem_shared>> -> memref<25x144xf32, #tpu.memory_space<vmem_shared>>
      %dma_wait3A_435 = arith.constant 0 : i32
      %dma_wait3A_436 = tpu.memref_slice %arg27[%add3A_98, %dma_wait3A_435] : memref<10000x144xf32, #tpu.memory_space<vmem_shared>> -> memref<25x144xf32, #tpu.memory_space<vmem_shared>>
      tpu.wait_dma2 semaphore(%run_scoped3A : memref<!tpu.dma_semaphore, #tpu.memory_space<semaphore_mem>>) src(%arg26 : memref<25x144xf32, #tpu.memory_space<vmem>>) dst(%dma_wait3A_436 : memref<25x144xf32, #tpu.memory_space<vmem_shared>>)
      tpu.yield
    }) : () -> ()
    %mul3A_99 = arith.constant 625 : i32
    %mul3A_100 = arith.muli %arg1, %mul3A_99 : i32
    %add3A_101 = arith.constant 575 : i32
    %add3A_102 = arith.addi %mul3A_100, %add3A_101 : i32
    "tpu.region"() ({
      %run_scoped3A = tpu.sem_alloc : memref<!tpu.dma_semaphore, #tpu.memory_space<semaphore_mem>>
      %dma_start3A_429 = arith.constant 0 : i32
      %dma_start3A_430 = tpu.memref_slice %arg27[%add3A_102, %dma_start3A_429] : memref<10000x144xf32, #tpu.memory_space<vmem_shared>> -> memref<25x144xf32, #tpu.memory_space<vmem_shared>>
      %dma_start3A_431 = arith.constant 0 : i32
      %dma_start3A_432 = tpu.memref_slice %arg27[%add3A_102, %dma_start3A_431] : memref<10000x144xf32, #tpu.memory_space<vmem_shared>> -> memref<25x144xf32, #tpu.memory_space<vmem_shared>>
      tpu.enqueue_dma source(%arg26 : memref<25x144xf32, #tpu.memory_space<vmem>>) target(%dma_start3A_432 : memref<25x144xf32, #tpu.memory_space<vmem_shared>>) target_semaphore(%run_scoped3A : memref<!tpu.dma_semaphore, #tpu.memory_space<semaphore_mem>>)
      %dma_wait3A_433 = arith.constant 0 : i32
      %dma_wait3A_434 = tpu.memref_slice %arg27[%add3A_102, %dma_wait3A_433] : memref<10000x144xf32, #tpu.memory_space<vmem_shared>> -> memref<25x144xf32, #tpu.memory_space<vmem_shared>>
      %dma_wait3A_435 = arith.constant 0 : i32
      %dma_wait3A_436 = tpu.memref_slice %arg27[%add3A_102, %dma_wait3A_435] : memref<10000x144xf32, #tpu.memory_space<vmem_shared>> -> memref<25x144xf32, #tpu.memory_space<vmem_shared>>
      tpu.wait_dma2 semaphore(%run_scoped3A : memref<!tpu.dma_semaphore, #tpu.memory_space<semaphore_mem>>) src(%arg26 : memref<25x144xf32, #tpu.memory_space<vmem>>) dst(%dma_wait3A_436 : memref<25x144xf32, #tpu.memory_space<vmem_shared>>)
      tpu.yield
    }) : () -> ()
    %mul3A_103 = arith.constant 625 : i32
    %mul3A_104 = arith.muli %arg1, %mul3A_103 : i32
    %add3A_105 = arith.constant 600 : i32
    %add3A_106 = arith.addi %mul3A_104, %add3A_105 : i32
    "tpu.region"() ({
      %run_scoped3A = tpu.sem_alloc : memref<!tpu.dma_semaphore, #tpu.memory_space<semaphore_mem>>
      %dma_start3A_429 = arith.constant 0 : i32
      %dma_start3A_430 = tpu.memref_slice %arg27[%add3A_106, %dma_start3A_429] : memref<10000x144xf32, #tpu.memory_space<vmem_shared>> -> memref<25x144xf32, #tpu.memory_space<vmem_shared>>
      %dma_start3A_431 = arith.constant 0 : i32
      %dma_start3A_432 = tpu.memref_slice %arg27[%add3A_106, %dma_start3A_431] : memref<10000x144xf32, #tpu.memory_space<vmem_shared>> -> memref<25x144xf32, #tpu.memory_space<vmem_shared>>
      tpu.enqueue_dma source(%arg26 : memref<25x144xf32, #tpu.memory_space<vmem>>) target(%dma_start3A_432 : memref<25x144xf32, #tpu.memory_space<vmem_shared>>) target_semaphore(%run_scoped3A : memref<!tpu.dma_semaphore, #tpu.memory_space<semaphore_mem>>)
      %dma_wait3A_433 = arith.constant 0 : i32
      %dma_wait3A_434 = tpu.memref_slice %arg27[%add3A_106, %dma_wait3A_433] : memref<10000x144xf32, #tpu.memory_space<vmem_shared>> -> memref<25x144xf32, #tpu.memory_space<vmem_shared>>
      %dma_wait3A_435 = arith.constant 0 : i32
      %dma_wait3A_436 = tpu.memref_slice %arg27[%add3A_106, %dma_wait3A_435] : memref<10000x144xf32, #tpu.memory_space<vmem_shared>> -> memref<25x144xf32, #tpu.memory_space<vmem_shared>>
      tpu.wait_dma2 semaphore(%run_scoped3A : memref<!tpu.dma_semaphore, #tpu.memory_space<semaphore_mem>>) src(%arg26 : memref<25x144xf32, #tpu.memory_space<vmem>>) dst(%dma_wait3A_436 : memref<25x144xf32, #tpu.memory_space<vmem_shared>>)
      tpu.yield
    }) : () -> ()
    %barrier3A = arith.constant 0 : index
    tpu.barrier barrier_id(%barrier3A)
    %get3A = arith.constant 0 : index
    %get3A_107 = tpu.vector_load %arg25[%get3A] {strides = array<i32>} : memref<128xf32, #tpu.memory_space<vmem>>, vector<16xf32>,
    %get3A_108 = arith.constant 16 : index
    %get3A_109 = tpu.vector_load %arg25[%get3A_108] {strides = array<i32>} : memref<128xf32, #tpu.memory_space<vmem>>, vector<16xf32>,
    %get3A_110 = arith.constant 32 : index
    %get3A_111 = tpu.vector_load %arg25[%get3A_110] {strides = array<i32>} : memref<128xf32, #tpu.memory_space<vmem>>, vector<16xf32>,
    %get3A_112 = arith.constant 48 : index
    %get3A_113 = tpu.vector_load %arg25[%get3A_112] {strides = array<i32>} : memref<128xf32, #tpu.memory_space<vmem>>, vector<16xf32>,
    %get3A_114 = arith.constant 64 : index
    %get3A_115 = tpu.vector_load %arg25[%get3A_114] {strides = array<i32>} : memref<128xf32, #tpu.memory_space<vmem>>, vector<16xf32>,
    %get3A_116 = arith.constant 80 : index
    %get3A_117 = tpu.vector_load %arg25[%get3A_116] {strides = array<i32>} : memref<128xf32, #tpu.memory_space<vmem>>, vector<16xf32>,
    %get3A_118 = arith.constant 96 : index
    %get3A_119 = tpu.vector_load %arg25[%get3A_118] {strides = array<i32>} : memref<128xf32, #tpu.memory_space<vmem>>, vector<16xf32>,
    %get3A_120 = arith.constant 112 : index
    %get3A_121 = tpu.vector_load %arg25[%get3A_120] {strides = array<i32>} : memref<128xf32, #tpu.memory_space<vmem>>, vector<16xf32>,
    %iota3A = tpu.iota {dimensions = array<i32: 0>} : vector<16xi32>
    %eq3A = arith.constant 0 : i32
    %eq3A_122 = vector.broadcast %eq3A : i32 to vector<16xi32>
    %eq3A_123 = arith.cmpi eq, %iota3A, %eq3A_122 : vector<16xi32>
    %eq3A_124 = arith.constant 1 : i32
    %eq3A_125 = vector.broadcast %eq3A_124 : i32 to vector<16xi32>
    %eq3A_126 = arith.cmpi eq, %iota3A, %eq3A_125 : vector<16xi32>
    %eq3A_127 = arith.constant 2 : i32
    %eq3A_128 = vector.broadcast %eq3A_127 : i32 to vector<16xi32>
    %eq3A_129 = arith.cmpi eq, %iota3A, %eq3A_128 : vector<16xi32>
    %get3A_130 = arith.constant 0 : i32
    %get3A_131 = arith.index_cast %get3A_130 : i32 to index
    %get3A_132 = arith.constant 0 : index
    %get3A_133 = tpu.vector_load %arg8[%get3A_131, %get3A_132] {strides = array<i32>} : memref<313x16xi32, #tpu.memory_space<vmem>>, vector<16xi32>,
    %get3A_134 = arith.constant 0 : i32
    %get3A_135 = arith.index_cast %get3A_134 : i32 to index
    %get3A_136 = arith.constant 0 : index
    %get3A_137 = tpu.vector_load %arg9[%get3A_135, %get3A_136] {strides = array<i32>} : memref<313x16xi32, #tpu.memory_space<vmem>>, vector<16xi32>,
    %and3A = arith.constant 65535 : i32
    %and3A_138 = vector.broadcast %and3A : i32 to vector<16xi32>
    %and3A_139 = arith.andi %get3A_133, %and3A_138 : vector<16xi32>
    %shift_right_logical3A = arith.constant 16 : i32
    %shift_right_logical3A_140 = vector.broadcast %shift_right_logical3A : i32 to vector<16xi32>
    %shift_right_logical3A_141 = arith.shrui %get3A_133, %shift_right_logical3A_140 : vector<16xi32>
    %and3A_142 = arith.constant 65535 : i32
    %and3A_143 = vector.broadcast %and3A_142 : i32 to vector<16xi32>
    %and3A_144 = arith.andi %get3A_137, %and3A_143 : vector<16xi32>
    %shift_right_logical3A_145 = arith.constant 16 : i32
    %shift_right_logical3A_146 = vector.broadcast %shift_right_logical3A_145 : i32 to vector<16xi32>
    %shift_right_logical3A_147 = arith.shrui %get3A_137, %shift_right_logical3A_146 : vector<16xi32>
    %jit3A = arith.constant false
    %select_n3A = arith.select %jit3A, %shift_right_logical3A_141, %and3A_139 : vector<16xi32>
    %swap3A = arith.constant 0 : i32
    %swap3A_148 = arith.index_cast %swap3A : i32 to index
    %swap3A_149 = arith.constant 0 : index
    %swap3A_150 = tpu.vector_load %arg10[%swap3A_148, %swap3A_149] {strides = array<i32>} : memref<4x16xi32, #tpu.memory_space<vmem>>, vector<16xi32>,
    tpu.vector_store %arg10[%swap3A_148, %swap3A_149], %select_n3A {strides = array<i32>} : memref<4x16xi32, #tpu.memory_space<vmem>>, vector<16xi32>,
    %jit3A_151 = arith.constant false
    %select_n3A_152 = arith.select %jit3A_151, %shift_right_logical3A_147, %and3A_144 : vector<16xi32>
    %swap3A_153 = arith.constant 0 : i32
    %swap3A_154 = arith.index_cast %swap3A_153 : i32 to index
    %swap3A_155 = arith.constant 0 : index
    %swap3A_156 = tpu.vector_load %arg11[%swap3A_154, %swap3A_155] {strides = array<i32>} : memref<4x16xi32, #tpu.memory_space<vmem>>, vector<16xi32>,
    tpu.vector_store %arg11[%swap3A_154, %swap3A_155], %select_n3A_152 {strides = array<i32>} : memref<4x16xi32, #tpu.memory_space<vmem>>, vector<16xi32>,
    %dma_start3A = arith.constant 0 : i32
    %dma_start3A_157 = arith.constant 0 : i32
    %dma_start3A_158 = tpu.memref_slice %arg10[%dma_start3A, %dma_start3A_157] : memref<4x16xi32, #tpu.memory_space<vmem>> -> memref<1x16xi32, #tpu.memory_space<vmem>>
    %dma_start3A_159 = tpu.memref_squeeze %dma_start3A_158 : memref<1x16xi32, #tpu.memory_space<vmem>> -> memref<16xi32, #tpu.memory_space<vmem>>
    %dma_start3A_160 = arith.constant 0 : i32
    %dma_start3A_161 = arith.constant 0 : i32
    %dma_start3A_162 = tpu.memref_slice %arg4[%dma_start3A_160, %dma_start3A_161] : memref<10000x128xf32, #tpu.memory_space<hbm>> -> memref<10000x128xf32, #tpu.memory_space<hbm>>
    tpu.enqueue_indirect_dma source(%dma_start3A_162 : memref<10000x128xf32, #tpu.memory_space<hbm>>) target(%arg13 : memref<16x128xf32, #tpu.memory_space<vmem>>) offsets(%dma_start3A_159 : memref<16xi32, #tpu.memory_space<vmem>>) semaphore(%arg28 : memref<!tpu.dma_semaphore, #tpu.memory_space<semaphore_mem>>)
    %dma_start3A_163 = arith.constant 0 : i32
    %dma_start3A_164 = arith.constant 0 : i32
    %dma_start3A_165 = tpu.memref_slice %arg11[%dma_start3A_163, %dma_start3A_164] : memref<4x16xi32, #tpu.memory_space<vmem>> -> memref<1x16xi32, #tpu.memory_space<vmem>>
    %dma_start3A_166 = tpu.memref_squeeze %dma_start3A_165 : memref<1x16xi32, #tpu.memory_space<vmem>> -> memref<16xi32, #tpu.memory_space<vmem>>
    %dma_start3A_167 = arith.constant 0 : i32
    %dma_start3A_168 = arith.constant 0 : i32
    %dma_start3A_169 = tpu.memref_slice %arg5[%dma_start3A_167, %dma_start3A_168] : memref<10000x128xf32, #tpu.memory_space<hbm>> -> memref<10000x128xf32, #tpu.memory_space<hbm>>
    tpu.enqueue_indirect_dma source(%dma_start3A_169 : memref<10000x128xf32, #tpu.memory_space<hbm>>) target(%arg17 : memref<16x128xf32, #tpu.memory_space<vmem>>) offsets(%dma_start3A_166 : memref<16xi32, #tpu.memory_space<vmem>>) semaphore(%arg32 : memref<!tpu.dma_semaphore, #tpu.memory_space<semaphore_mem>>)
    %get3A_170 = arith.constant 0 : i32
    %get3A_171 = arith.index_cast %get3A_170 : i32 to index
    %get3A_172 = arith.constant 0 : index
    %get3A_173 = tpu.vector_load %arg8[%get3A_171, %get3A_172] {strides = array<i32>} : memref<313x16xi32, #tpu.memory_space<vmem>>, vector<16xi32>,
    %get3A_174 = arith.constant 0 : i32
    %get3A_175 = arith.index_cast %get3A_174 : i32 to index
    %get3A_176 = arith.constant 0 : index
    %get3A_177 = tpu.vector_load %arg9[%get3A_175, %get3A_176] {strides = array<i32>} : memref<313x16xi32, #tpu.memory_space<vmem>>, vector<16xi32>,
    %and3A_178 = arith.constant 65535 : i32
    %and3A_179 = vector.broadcast %and3A_178 : i32 to vector<16xi32>
    %and3A_180 = arith.andi %get3A_173, %and3A_179 : vector<16xi32>
    %shift_right_logical3A_181 = arith.constant 16 : i32
    %shift_right_logical3A_182 = vector.broadcast %shift_right_logical3A_181 : i32 to vector<16xi32>
    %shift_right_logical3A_183 = arith.shrui %get3A_173, %shift_right_logical3A_182 : vector<16xi32>
    %and3A_184 = arith.constant 65535 : i32
    %and3A_185 = vector.broadcast %and3A_184 : i32 to vector<16xi32>
    %and3A_186 = arith.andi %get3A_177, %and3A_185 : vector<16xi32>
    %shift_right_logical3A_187 = arith.constant 16 : i32
    %shift_right_logical3A_188 = vector.broadcast %shift_right_logical3A_187 : i32 to vector<16xi32>
    %shift_right_logical3A_189 = arith.shrui %get3A_177, %shift_right_logical3A_188 : vector<16xi32>
    %jit3A_190 = arith.constant true
    %select_n3A_191 = arith.select %jit3A_190, %shift_right_logical3A_183, %and3A_180 : vector<16xi32>
    %swap3A_192 = arith.constant 1 : i32
    %swap3A_193 = arith.index_cast %swap3A_192 : i32 to index
    %swap3A_194 = arith.constant 0 : index
    %swap3A_195 = tpu.vector_load %arg10[%swap3A_193, %swap3A_194] {strides = array<i32>} : memref<4x16xi32, #tpu.memory_space<vmem>>, vector<16xi32>,
    tpu.vector_store %arg10[%swap3A_193, %swap3A_194], %select_n3A_191 {strides = array<i32>} : memref<4x16xi32, #tpu.memory_space<vmem>>, vector<16xi32>,
    %jit3A_196 = arith.constant true
    %select_n3A_197 = arith.select %jit3A_196, %shift_right_logical3A_189, %and3A_186 : vector<16xi32>
    %swap3A_198 = arith.constant 1 : i32
    %swap3A_199 = arith.index_cast %swap3A_198 : i32 to index
    %swap3A_200 = arith.constant 0 : index
    %swap3A_201 = tpu.vector_load %arg11[%swap3A_199, %swap3A_200] {strides = array<i32>} : memref<4x16xi32, #tpu.memory_space<vmem>>, vector<16xi32>,
    tpu.vector_store %arg11[%swap3A_199, %swap3A_200], %select_n3A_197 {strides = array<i32>} : memref<4x16xi32, #tpu.memory_space<vmem>>, vector<16xi32>,
    %dma_start3A_202 = arith.constant 1 : i32
    %dma_start3A_203 = arith.constant 0 : i32
    %dma_start3A_204 = tpu.memref_slice %arg10[%dma_start3A_202, %dma_start3A_203] : memref<4x16xi32, #tpu.memory_space<vmem>> -> memref<1x16xi32, #tpu.memory_space<vmem>>
    %dma_start3A_205 = tpu.memref_squeeze %dma_start3A_204 : memref<1x16xi32, #tpu.memory_space<vmem>> -> memref<16xi32, #tpu.memory_space<vmem>>
    %dma_start3A_206 = arith.constant 0 : i32
    %dma_start3A_207 = arith.constant 0 : i32
    %dma_start3A_208 = tpu.memref_slice %arg4[%dma_start3A_206, %dma_start3A_207] : memref<10000x128xf32, #tpu.memory_space<hbm>> -> memref<10000x128xf32, #tpu.memory_space<hbm>>
    tpu.enqueue_indirect_dma source(%dma_start3A_208 : memref<10000x128xf32, #tpu.memory_space<hbm>>) target(%arg14 : memref<16x128xf32, #tpu.memory_space<vmem>>) offsets(%dma_start3A_205 : memref<16xi32, #tpu.memory_space<vmem>>) semaphore(%arg29 : memref<!tpu.dma_semaphore, #tpu.memory_space<semaphore_mem>>)
    %dma_start3A_209 = arith.constant 1 : i32
    %dma_start3A_210 = arith.constant 0 : i32
    %dma_start3A_211 = tpu.memref_slice %arg11[%dma_start3A_209, %dma_start3A_210] : memref<4x16xi32, #tpu.memory_space<vmem>> -> memref<1x16xi32, #tpu.memory_space<vmem>>
    %dma_start3A_212 = tpu.memref_squeeze %dma_start3A_211 : memref<1x16xi32, #tpu.memory_space<vmem>> -> memref<16xi32, #tpu.memory_space<vmem>>
    %dma_start3A_213 = arith.constant 0 : i32
    %dma_start3A_214 = arith.constant 0 : i32
    %dma_start3A_215 = tpu.memref_slice %arg5[%dma_start3A_213, %dma_start3A_214] : memref<10000x128xf32, #tpu.memory_space<hbm>> -> memref<10000x128xf32, #tpu.memory_space<hbm>>
    tpu.enqueue_indirect_dma source(%dma_start3A_215 : memref<10000x128xf32, #tpu.memory_space<hbm>>) target(%arg18 : memref<16x128xf32, #tpu.memory_space<vmem>>) offsets(%dma_start3A_212 : memref<16xi32, #tpu.memory_space<vmem>>) semaphore(%arg33 : memref<!tpu.dma_semaphore, #tpu.memory_space<semaphore_mem>>)
    %get3A_216 = arith.constant 1 : i32
    %get3A_217 = arith.index_cast %get3A_216 : i32 to index
    %get3A_218 = arith.constant 0 : index
    %get3A_219 = tpu.vector_load %arg8[%get3A_217, %get3A_218] {strides = array<i32>} : memref<313x16xi32, #tpu.memory_space<vmem>>, vector<16xi32>,
    %get3A_220 = arith.constant 1 : i32
    %get3A_221 = arith.index_cast %get3A_220 : i32 to index
    %get3A_222 = arith.constant 0 : index
    %get3A_223 = tpu.vector_load %arg9[%get3A_221, %get3A_222] {strides = array<i32>} : memref<313x16xi32, #tpu.memory_space<vmem>>, vector<16xi32>,
    %and3A_224 = arith.constant 65535 : i32
    %and3A_225 = vector.broadcast %and3A_224 : i32 to vector<16xi32>
    %and3A_226 = arith.andi %get3A_219, %and3A_225 : vector<16xi32>
    %shift_right_logical3A_227 = arith.constant 16 : i32
    %shift_right_logical3A_228 = vector.broadcast %shift_right_logical3A_227 : i32 to vector<16xi32>
    %shift_right_logical3A_229 = arith.shrui %get3A_219, %shift_right_logical3A_228 : vector<16xi32>
    %and3A_230 = arith.constant 65535 : i32
    %and3A_231 = vector.broadcast %and3A_230 : i32 to vector<16xi32>
    %and3A_232 = arith.andi %get3A_223, %and3A_231 : vector<16xi32>
    %shift_right_logical3A_233 = arith.constant 16 : i32
    %shift_right_logical3A_234 = vector.broadcast %shift_right_logical3A_233 : i32 to vector<16xi32>
    %shift_right_logical3A_235 = arith.shrui %get3A_223, %shift_right_logical3A_234 : vector<16xi32>
    %jit3A_236 = arith.constant false
    %select_n3A_237 = arith.select %jit3A_236, %shift_right_logical3A_229, %and3A_226 : vector<16xi32>
    %swap3A_238 = arith.constant 2 : i32
    %swap3A_239 = arith.index_cast %swap3A_238 : i32 to index
    %swap3A_240 = arith.constant 0 : index
    %swap3A_241 = tpu.vector_load %arg10[%swap3A_239, %swap3A_240] {strides = array<i32>} : memref<4x16xi32, #tpu.memory_space<vmem>>, vector<16xi32>,
    tpu.vector_store %arg10[%swap3A_239, %swap3A_240], %select_n3A_237 {strides = array<i32>} : memref<4x16xi32, #tpu.memory_space<vmem>>, vector<16xi32>,
    %jit3A_242 = arith.constant false
    %select_n3A_243 = arith.select %jit3A_242, %shift_right_logical3A_235, %and3A_232 : vector<16xi32>
    %swap3A_244 = arith.constant 2 : i32
    %swap3A_245 = arith.index_cast %swap3A_244 : i32 to index
    %swap3A_246 = arith.constant 0 : index
    %swap3A_247 = tpu.vector_load %arg11[%swap3A_245, %swap3A_246] {strides = array<i32>} : memref<4x16xi32, #tpu.memory_space<vmem>>, vector<16xi32>,
    tpu.vector_store %arg11[%swap3A_245, %swap3A_246], %select_n3A_243 {strides = array<i32>} : memref<4x16xi32, #tpu.memory_space<vmem>>, vector<16xi32>,
    %dma_start3A_248 = arith.constant 2 : i32
    %dma_start3A_249 = arith.constant 0 : i32
    %dma_start3A_250 = tpu.memref_slice %arg10[%dma_start3A_248, %dma_start3A_249] : memref<4x16xi32, #tpu.memory_space<vmem>> -> memref<1x16xi32, #tpu.memory_space<vmem>>
    %dma_start3A_251 = tpu.memref_squeeze %dma_start3A_250 : memref<1x16xi32, #tpu.memory_space<vmem>> -> memref<16xi32, #tpu.memory_space<vmem>>
    %dma_start3A_252 = arith.constant 0 : i32
    %dma_start3A_253 = arith.constant 0 : i32
    %dma_start3A_254 = tpu.memref_slice %arg4[%dma_start3A_252, %dma_start3A_253] : memref<10000x128xf32, #tpu.memory_space<hbm>> -> memref<10000x128xf32, #tpu.memory_space<hbm>>
    tpu.enqueue_indirect_dma source(%dma_start3A_254 : memref<10000x128xf32, #tpu.memory_space<hbm>>) target(%arg15 : memref<16x128xf32, #tpu.memory_space<vmem>>) offsets(%dma_start3A_251 : memref<16xi32, #tpu.memory_space<vmem>>) semaphore(%arg30 : memref<!tpu.dma_semaphore, #tpu.memory_space<semaphore_mem>>)
    %dma_start3A_255 = arith.constant 2 : i32
    %dma_start3A_256 = arith.constant 0 : i32
    %dma_start3A_257 = tpu.memref_slice %arg11[%dma_start3A_255, %dma_start3A_256] : memref<4x16xi32, #tpu.memory_space<vmem>> -> memref<1x16xi32, #tpu.memory_space<vmem>>
    %dma_start3A_258 = tpu.memref_squeeze %dma_start3A_257 : memref<1x16xi32, #tpu.memory_space<vmem>> -> memref<16xi32, #tpu.memory_space<vmem>>
    %dma_start3A_259 = arith.constant 0 : i32
    %dma_start3A_260 = arith.constant 0 : i32
    %dma_start3A_261 = tpu.memref_slice %arg5[%dma_start3A_259, %dma_start3A_260] : memref<10000x128xf32, #tpu.memory_space<hbm>> -> memref<10000x128xf32, #tpu.memory_space<hbm>>
    tpu.enqueue_indirect_dma source(%dma_start3A_261 : memref<10000x128xf32, #tpu.memory_space<hbm>>) target(%arg19 : memref<16x128xf32, #tpu.memory_space<vmem>>) offsets(%dma_start3A_258 : memref<16xi32, #tpu.memory_space<vmem>>) semaphore(%arg34 : memref<!tpu.dma_semaphore, #tpu.memory_space<semaphore_mem>>)
    %get3A_262 = arith.constant 1 : i32
    %get3A_263 = arith.index_cast %get3A_262 : i32 to index
    %get3A_264 = arith.constant 0 : index
    %get3A_265 = tpu.vector_load %arg8[%get3A_263, %get3A_264] {strides = array<i32>} : memref<313x16xi32, #tpu.memory_space<vmem>>, vector<16xi32>,
    %get3A_266 = arith.constant 1 : i32
    %get3A_267 = arith.index_cast %get3A_266 : i32 to index
    %get3A_268 = arith.constant 0 : index
    %get3A_269 = tpu.vector_load %arg9[%get3A_267, %get3A_268] {strides = array<i32>} : memref<313x16xi32, #tpu.memory_space<vmem>>, vector<16xi32>,
    %and3A_270 = arith.constant 65535 : i32
    %and3A_271 = vector.broadcast %and3A_270 : i32 to vector<16xi32>
    %and3A_272 = arith.andi %get3A_265, %and3A_271 : vector<16xi32>
    %shift_right_logical3A_273 = arith.constant 16 : i32
    %shift_right_logical3A_274 = vector.broadcast %shift_right_logical3A_273 : i32 to vector<16xi32>
    %shift_right_logical3A_275 = arith.shrui %get3A_265, %shift_right_logical3A_274 : vector<16xi32>
    %and3A_276 = arith.constant 65535 : i32
    %and3A_277 = vector.broadcast %and3A_276 : i32 to vector<16xi32>
    %and3A_278 = arith.andi %get3A_269, %and3A_277 : vector<16xi32>
    %shift_right_logical3A_279 = arith.constant 16 : i32
    %shift_right_logical3A_280 = vector.broadcast %shift_right_logical3A_279 : i32 to vector<16xi32>
    %shift_right_logical3A_281 = arith.shrui %get3A_269, %shift_right_logical3A_280 : vector<16xi32>
    %jit3A_282 = arith.constant true
    %select_n3A_283 = arith.select %jit3A_282, %shift_right_logical3A_275, %and3A_272 : vector<16xi32>
    %swap3A_284 = arith.constant 3 : i32
    %swap3A_285 = arith.index_cast %swap3A_284 : i32 to index
    %swap3A_286 = arith.constant 0 : index
    %swap3A_287 = tpu.vector_load %arg10[%swap3A_285, %swap3A_286] {strides = array<i32>} : memref<4x16xi32, #tpu.memory_space<vmem>>, vector<16xi32>,
    tpu.vector_store %arg10[%swap3A_285, %swap3A_286], %select_n3A_283 {strides = array<i32>} : memref<4x16xi32, #tpu.memory_space<vmem>>, vector<16xi32>,
    %jit3A_288 = arith.constant true
    %select_n3A_289 = arith.select %jit3A_288, %shift_right_logical3A_281, %and3A_278 : vector<16xi32>
    %swap3A_290 = arith.constant 3 : i32
    %swap3A_291 = arith.index_cast %swap3A_290 : i32 to index
    %swap3A_292 = arith.constant 0 : index
    %swap3A_293 = tpu.vector_load %arg11[%swap3A_291, %swap3A_292] {strides = array<i32>} : memref<4x16xi32, #tpu.memory_space<vmem>>, vector<16xi32>,
    tpu.vector_store %arg11[%swap3A_291, %swap3A_292], %select_n3A_289 {strides = array<i32>} : memref<4x16xi32, #tpu.memory_space<vmem>>, vector<16xi32>,
    %dma_start3A_294 = arith.constant 3 : i32
    %dma_start3A_295 = arith.constant 0 : i32
    %dma_start3A_296 = tpu.memref_slice %arg10[%dma_start3A_294, %dma_start3A_295] : memref<4x16xi32, #tpu.memory_space<vmem>> -> memref<1x16xi32, #tpu.memory_space<vmem>>
    %dma_start3A_297 = tpu.memref_squeeze %dma_start3A_296 : memref<1x16xi32, #tpu.memory_space<vmem>> -> memref<16xi32, #tpu.memory_space<vmem>>
    %dma_start3A_298 = arith.constant 0 : i32
    %dma_start3A_299 = arith.constant 0 : i32
    %dma_start3A_300 = tpu.memref_slice %arg4[%dma_start3A_298, %dma_start3A_299] : memref<10000x128xf32, #tpu.memory_space<hbm>> -> memref<10000x128xf32, #tpu.memory_space<hbm>>
    tpu.enqueue_indirect_dma source(%dma_start3A_300 : memref<10000x128xf32, #tpu.memory_space<hbm>>) target(%arg16 : memref<16x128xf32, #tpu.memory_space<vmem>>) offsets(%dma_start3A_297 : memref<16xi32, #tpu.memory_space<vmem>>) semaphore(%arg31 : memref<!tpu.dma_semaphore, #tpu.memory_space<semaphore_mem>>)
    %dma_start3A_301 = arith.constant 3 : i32
    %dma_start3A_302 = arith.constant 0 : i32
    %dma_start3A_303 = tpu.memref_slice %arg11[%dma_start3A_301, %dma_start3A_302] : memref<4x16xi32, #tpu.memory_space<vmem>> -> memref<1x16xi32, #tpu.memory_space<vmem>>
    %dma_start3A_304 = tpu.memref_squeeze %dma_start3A_303 : memref<1x16xi32, #tpu.memory_space<vmem>> -> memref<16xi32, #tpu.memory_space<vmem>>
    %dma_start3A_305 = arith.constant 0 : i32
    %dma_start3A_306 = arith.constant 0 : i32
    %dma_start3A_307 = tpu.memref_slice %arg5[%dma_start3A_305, %dma_start3A_306] : memref<10000x128xf32, #tpu.memory_space<hbm>> -> memref<10000x128xf32, #tpu.memory_space<hbm>>
    tpu.enqueue_indirect_dma source(%dma_start3A_307 : memref<10000x128xf32, #tpu.memory_space<hbm>>) target(%arg20 : memref<16x128xf32, #tpu.memory_space<vmem>>) offsets(%dma_start3A_304 : memref<16xi32, #tpu.memory_space<vmem>>) semaphore(%arg35 : memref<!tpu.dma_semaphore, #tpu.memory_space<semaphore_mem>>)
    %scan3A_308 = arith.constant 0 : i32
    %scan3A_309 = arith.constant 0 : i32
    %scan3A_310 = arith.constant 156 : i32
    %scan3A_311 = arith.addi %scan3A_309, %scan3A_310 : i32
    %scan3A_312 = arith.constant 1 : i32
    scf.for %scan3A_429 = %scan3A_309 to %scan3A_311 step %scan3A_312  : i32 {
      %mul3A_430 = arith.constant 4 : i32
      %mul3A_431 = arith.muli %mul3A_430, %scan3A_429 : i32
      %add3A_432 = arith.constant 0 : i32
      %add3A_433 = arith.addi %mul3A_431, %add3A_432 : i32
      %dma_wait3A_434 = arith.constant 0 : i32
      %dma_wait3A_435 = arith.constant 0 : i32
      %dma_wait3A_436 = tpu.memref_slice %arg10[%dma_wait3A_434, %dma_wait3A_435] : memref<4x16xi32, #tpu.memory_space<vmem>> -> memref<1x16xi32, #tpu.memory_space<vmem>>
      %dma_wait3A_437 = tpu.memref_squeeze %dma_wait3A_436 : memref<1x16xi32, #tpu.memory_space<vmem>> -> memref<16xi32, #tpu.memory_space<vmem>>
      %dma_wait3A_438 = arith.constant 0 : i32
      %dma_wait3A_439 = arith.constant 0 : i32
      %dma_wait3A_440 = tpu.memref_slice %arg4[%dma_wait3A_438, %dma_wait3A_439] : memref<10000x128xf32, #tpu.memory_space<hbm>> -> memref<10000x128xf32, #tpu.memory_space<hbm>>
      tpu.wait_indirect_dma semaphore(%arg28 : memref<!tpu.dma_semaphore, #tpu.memory_space<semaphore_mem>>) src(%dma_wait3A_440 : memref<10000x128xf32, #tpu.memory_space<hbm>>) dst(%arg13 : memref<16x128xf32, #tpu.memory_space<vmem>>)
      %dma_wait3A_441 = arith.constant 0 : i32
      %dma_wait3A_442 = arith.constant 0 : i32
      %dma_wait3A_443 = tpu.memref_slice %arg11[%dma_wait3A_441, %dma_wait3A_442] : memref<4x16xi32, #tpu.memory_space<vmem>> -> memref<1x16xi32, #tpu.memory_space<vmem>>
      %dma_wait3A_444 = tpu.memref_squeeze %dma_wait3A_443 : memref<1x16xi32, #tpu.memory_space<vmem>> -> memref<16xi32, #tpu.memory_space<vmem>>
      %dma_wait3A_445 = arith.constant 0 : i32
      %dma_wait3A_446 = arith.constant 0 : i32
      %dma_wait3A_447 = tpu.memref_slice %arg5[%dma_wait3A_445, %dma_wait3A_446] : memref<10000x128xf32, #tpu.memory_space<hbm>> -> memref<10000x128xf32, #tpu.memory_space<hbm>>
      tpu.wait_indirect_dma semaphore(%arg32 : memref<!tpu.dma_semaphore, #tpu.memory_space<semaphore_mem>>) src(%dma_wait3A_447 : memref<10000x128xf32, #tpu.memory_space<hbm>>) dst(%arg17 : memref<16x128xf32, #tpu.memory_space<vmem>>)
      %gt3A = arith.constant 0 : i32
      %gt3A_448 = arith.cmpi sgt, %scan3A_429, %gt3A : i32
      %convert_element_type3A = arith.extui %gt3A_448 : i1 to i32
      %cond3A = arith.constant 0 : i32
      %cond3A_449 = arith.cmpi ne, %convert_element_type3A, %cond3A : i32
      scf.if %cond3A_449 {
        %dma_wait3A_931 = arith.constant 0 : i32
        %dma_wait3A_932 = arith.constant 0 : i32
        %dma_wait3A_933 = tpu.memref_slice %arg12[%dma_wait3A_931, %dma_wait3A_932] : memref<4x16xi32, #tpu.memory_space<vmem>> -> memref<1x16xi32, #tpu.memory_space<vmem>>
        %dma_wait3A_934 = tpu.memref_squeeze %dma_wait3A_933 : memref<1x16xi32, #tpu.memory_space<vmem>> -> memref<16xi32, #tpu.memory_space<vmem>>
        %dma_wait3A_935 = arith.constant 0 : i32
        %dma_wait3A_936 = arith.constant 0 : i32
        %dma_wait3A_937 = tpu.memref_slice %arg27[%dma_wait3A_935, %dma_wait3A_936] : memref<10000x144xf32, #tpu.memory_space<vmem_shared>> -> memref<10000x144xf32, #tpu.memory_space<vmem_shared>>
        tpu.wait_indirect_dma semaphore(%arg36 : memref<!tpu.dma_semaphore, #tpu.memory_space<semaphore_mem>>) src(%arg21 : memref<16x144xf32, #tpu.memory_space<vmem>>) dst(%dma_wait3A_937 : memref<10000x144xf32, #tpu.memory_space<vmem_shared>>)
      } else {
      }
      %get3A_450 = arith.constant 0 : i32
      %get3A_451 = arith.index_cast %get3A_450 : i32 to index
      %get3A_452 = arith.constant 0 : index
      %get3A_453 = tpu.vector_load %arg11[%get3A_451, %get3A_452] {strides = array<i32>} : memref<4x16xi32, #tpu.memory_space<vmem>>, vector<16xi32>,
      %swap3A_454 = arith.constant 0 : i32
      %swap3A_455 = arith.index_cast %swap3A_454 : i32 to index
      %swap3A_456 = arith.constant 0 : index
      %swap3A_457 = tpu.vector_load %arg12[%swap3A_455, %swap3A_456] {strides = array<i32>} : memref<4x16xi32, #tpu.memory_space<vmem>>, vector<16xi32>,
      tpu.vector_store %arg12[%swap3A_455, %swap3A_456], %get3A_453 {strides = array<i32>} : memref<4x16xi32, #tpu.memory_space<vmem>>, vector<16xi32>,
      %parallel_loop3A_458 = arith.constant 0 : i32
      %parallel_loop3A_459 = arith.constant 16 : i32
      %parallel_loop3A_460 = arith.constant 1 : i32
      scf.for %parallel_loop3A_931 = %parallel_loop3A_458 to %parallel_loop3A_459 step %parallel_loop3A_460  : i32 {
        %parallel_loop3A_932 = arith.index_cast %parallel_loop3A_931 : i32 to index
        %parallel_loop3A_933 = arith.constant 0 : index
        %parallel_loop3A_934 = tpu.vector_load %arg13[%parallel_loop3A_932, %parallel_loop3A_933] {strides = array<i32>} : memref<16x128xf32, #tpu.memory_space<vmem>>, vector<16xf32>,
        %parallel_loop3A_935 = arith.index_cast %parallel_loop3A_931 : i32 to index
        %parallel_loop3A_936 = arith.constant 16 : index
        %parallel_loop3A_937 = tpu.vector_load %arg13[%parallel_loop3A_935, %parallel_loop3A_936] {strides = array<i32>} : memref<16x128xf32, #tpu.memory_space<vmem>>, vector<16xf32>,
        %parallel_loop3A_938 = arith.index_cast %parallel_loop3A_931 : i32 to index
        %parallel_loop3A_939 = arith.constant 32 : index
        %parallel_loop3A_940 = tpu.vector_load %arg13[%parallel_loop3A_938, %parallel_loop3A_939] {strides = array<i32>} : memref<16x128xf32, #tpu.memory_space<vmem>>, vector<16xf32>,
        %parallel_loop3A_941 = arith.index_cast %parallel_loop3A_931 : i32 to index
        %parallel_loop3A_942 = arith.constant 48 : index
        %parallel_loop3A_943 = tpu.vector_load %arg13[%parallel_loop3A_941, %parallel_loop3A_942] {strides = array<i32>} : memref<16x128xf32, #tpu.memory_space<vmem>>, vector<16xf32>,
        %parallel_loop3A_944 = arith.index_cast %parallel_loop3A_931 : i32 to index
        %parallel_loop3A_945 = arith.constant 64 : index
        %parallel_loop3A_946 = tpu.vector_load %arg13[%parallel_loop3A_944, %parallel_loop3A_945] {strides = array<i32>} : memref<16x128xf32, #tpu.memory_space<vmem>>, vector<16xf32>,
        %parallel_loop3A_947 = arith.index_cast %parallel_loop3A_931 : i32 to index
        %parallel_loop3A_948 = arith.constant 80 : index
        %parallel_loop3A_949 = tpu.vector_load %arg13[%parallel_loop3A_947, %parallel_loop3A_948] {strides = array<i32>} : memref<16x128xf32, #tpu.memory_space<vmem>>, vector<16xf32>,
        %parallel_loop3A_950 = arith.index_cast %parallel_loop3A_931 : i32 to index
        %parallel_loop3A_951 = arith.constant 96 : index
        %parallel_loop3A_952 = tpu.vector_load %arg13[%parallel_loop3A_950, %parallel_loop3A_951] {strides = array<i32>} : memref<16x128xf32, #tpu.memory_space<vmem>>, vector<16xf32>,
        %parallel_loop3A_953 = arith.index_cast %parallel_loop3A_931 : i32 to index
        %parallel_loop3A_954 = arith.constant 112 : index
        %parallel_loop3A_955 = tpu.vector_load %arg13[%parallel_loop3A_953, %parallel_loop3A_954] {strides = array<i32>} : memref<16x128xf32, #tpu.memory_space<vmem>>, vector<16xf32>,
        %parallel_loop3A_956 = arith.index_cast %parallel_loop3A_931 : i32 to index
        %parallel_loop3A_957 = arith.constant 0 : index
        %parallel_loop3A_958 = tpu.vector_load %arg17[%parallel_loop3A_956, %parallel_loop3A_957] {strides = array<i32>} : memref<16x128xf32, #tpu.memory_space<vmem>>, vector<16xf32>,
        %parallel_loop3A_959 = arith.addf %parallel_loop3A_934, %parallel_loop3A_958 : vector<16xf32>
        %parallel_loop3A_960 = arith.constant 2.000000e-01 : f32
        %parallel_loop3A_961 = vector.broadcast %parallel_loop3A_960 : f32 to vector<16xf32>
        %parallel_loop3A_962 = arith.mulf %parallel_loop3A_961, %parallel_loop3A_959 : vector<16xf32>
        %parallel_loop3A_963 = arith.maximumf %parallel_loop3A_959, %parallel_loop3A_962 : vector<16xf32>
        %parallel_loop3A_964 = arith.mulf %parallel_loop3A_963, %get3A_107 : vector<16xf32>
        %parallel_loop3A_965 = arith.index_cast %parallel_loop3A_931 : i32 to index
        %parallel_loop3A_966 = arith.constant 16 : index
        %parallel_loop3A_967 = tpu.vector_load %arg17[%parallel_loop3A_965, %parallel_loop3A_966] {strides = array<i32>} : memref<16x128xf32, #tpu.memory_space<vmem>>, vector<16xf32>,
        %parallel_loop3A_968 = arith.addf %parallel_loop3A_937, %parallel_loop3A_967 : vector<16xf32>
        %parallel_loop3A_969 = arith.constant 2.000000e-01 : f32
        %parallel_loop3A_970 = vector.broadcast %parallel_loop3A_969 : f32 to vector<16xf32>
        %parallel_loop3A_971 = arith.mulf %parallel_loop3A_970, %parallel_loop3A_968 : vector<16xf32>
        %parallel_loop3A_972 = arith.maximumf %parallel_loop3A_968, %parallel_loop3A_971 : vector<16xf32>
        %parallel_loop3A_973 = arith.mulf %parallel_loop3A_972, %get3A_109 : vector<16xf32>
        %parallel_loop3A_974 = arith.index_cast %parallel_loop3A_931 : i32 to index
        %parallel_loop3A_975 = arith.constant 32 : index
        %parallel_loop3A_976 = tpu.vector_load %arg17[%parallel_loop3A_974, %parallel_loop3A_975] {strides = array<i32>} : memref<16x128xf32, #tpu.memory_space<vmem>>, vector<16xf32>,
        %parallel_loop3A_977 = arith.addf %parallel_loop3A_940, %parallel_loop3A_976 : vector<16xf32>
        %parallel_loop3A_978 = arith.constant 2.000000e-01 : f32
        %parallel_loop3A_979 = vector.broadcast %parallel_loop3A_978 : f32 to vector<16xf32>
        %parallel_loop3A_980 = arith.mulf %parallel_loop3A_979, %parallel_loop3A_977 : vector<16xf32>
        %parallel_loop3A_981 = arith.maximumf %parallel_loop3A_977, %parallel_loop3A_980 : vector<16xf32>
        %parallel_loop3A_982 = arith.mulf %parallel_loop3A_981, %get3A_111 : vector<16xf32>
        %parallel_loop3A_983 = arith.index_cast %parallel_loop3A_931 : i32 to index
        %parallel_loop3A_984 = arith.constant 48 : index
        %parallel_loop3A_985 = tpu.vector_load %arg17[%parallel_loop3A_983, %parallel_loop3A_984] {strides = array<i32>} : memref<16x128xf32, #tpu.memory_space<vmem>>, vector<16xf32>,
        %parallel_loop3A_986 = arith.addf %parallel_loop3A_943, %parallel_loop3A_985 : vector<16xf32>
        %parallel_loop3A_987 = arith.constant 2.000000e-01 : f32
        %parallel_loop3A_988 = vector.broadcast %parallel_loop3A_987 : f32 to vector<16xf32>
        %parallel_loop3A_989 = arith.mulf %parallel_loop3A_988, %parallel_loop3A_986 : vector<16xf32>
        %parallel_loop3A_990 = arith.maximumf %parallel_loop3A_986, %parallel_loop3A_989 : vector<16xf32>
        %parallel_loop3A_991 = arith.mulf %parallel_loop3A_990, %get3A_113 : vector<16xf32>
        %parallel_loop3A_992 = arith.index_cast %parallel_loop3A_931 : i32 to index
        %parallel_loop3A_993 = arith.constant 64 : index
        %parallel_loop3A_994 = tpu.vector_load %arg17[%parallel_loop3A_992, %parallel_loop3A_993] {strides = array<i32>} : memref<16x128xf32, #tpu.memory_space<vmem>>, vector<16xf32>,
        %parallel_loop3A_995 = arith.addf %parallel_loop3A_946, %parallel_loop3A_994 : vector<16xf32>
        %parallel_loop3A_996 = arith.constant 2.000000e-01 : f32
        %parallel_loop3A_997 = vector.broadcast %parallel_loop3A_996 : f32 to vector<16xf32>
        %parallel_loop3A_998 = arith.mulf %parallel_loop3A_997, %parallel_loop3A_995 : vector<16xf32>
        %parallel_loop3A_999 = arith.maximumf %parallel_loop3A_995, %parallel_loop3A_998 : vector<16xf32>
        %parallel_loop3A_1000 = arith.mulf %parallel_loop3A_999, %get3A_115 : vector<16xf32>
        %parallel_loop3A_1001 = arith.index_cast %parallel_loop3A_931 : i32 to index
        %parallel_loop3A_1002 = arith.constant 80 : index
        %parallel_loop3A_1003 = tpu.vector_load %arg17[%parallel_loop3A_1001, %parallel_loop3A_1002] {strides = array<i32>} : memref<16x128xf32, #tpu.memory_space<vmem>>, vector<16xf32>,
        %parallel_loop3A_1004 = arith.addf %parallel_loop3A_949, %parallel_loop3A_1003 : vector<16xf32>
        %parallel_loop3A_1005 = arith.constant 2.000000e-01 : f32
        %parallel_loop3A_1006 = vector.broadcast %parallel_loop3A_1005 : f32 to vector<16xf32>
        %parallel_loop3A_1007 = arith.mulf %parallel_loop3A_1006, %parallel_loop3A_1004 : vector<16xf32>
        %parallel_loop3A_1008 = arith.maximumf %parallel_loop3A_1004, %parallel_loop3A_1007 : vector<16xf32>
        %parallel_loop3A_1009 = arith.mulf %parallel_loop3A_1008, %get3A_117 : vector<16xf32>
        %parallel_loop3A_1010 = arith.index_cast %parallel_loop3A_931 : i32 to index
        %parallel_loop3A_1011 = arith.constant 96 : index
        %parallel_loop3A_1012 = tpu.vector_load %arg17[%parallel_loop3A_1010, %parallel_loop3A_1011] {strides = array<i32>} : memref<16x128xf32, #tpu.memory_space<vmem>>, vector<16xf32>,
        %parallel_loop3A_1013 = arith.addf %parallel_loop3A_952, %parallel_loop3A_1012 : vector<16xf32>
        %parallel_loop3A_1014 = arith.constant 2.000000e-01 : f32
        %parallel_loop3A_1015 = vector.broadcast %parallel_loop3A_1014 : f32 to vector<16xf32>
        %parallel_loop3A_1016 = arith.mulf %parallel_loop3A_1015, %parallel_loop3A_1013 : vector<16xf32>
        %parallel_loop3A_1017 = arith.maximumf %parallel_loop3A_1013, %parallel_loop3A_1016 : vector<16xf32>
        %parallel_loop3A_1018 = arith.mulf %parallel_loop3A_1017, %get3A_119 : vector<16xf32>
        %parallel_loop3A_1019 = arith.index_cast %parallel_loop3A_931 : i32 to index
        %parallel_loop3A_1020 = arith.constant 112 : index
        %parallel_loop3A_1021 = tpu.vector_load %arg17[%parallel_loop3A_1019, %parallel_loop3A_1020] {strides = array<i32>} : memref<16x128xf32, #tpu.memory_space<vmem>>, vector<16xf32>,
        %parallel_loop3A_1022 = arith.addf %parallel_loop3A_955, %parallel_loop3A_1021 : vector<16xf32>
        %parallel_loop3A_1023 = arith.constant 2.000000e-01 : f32
        %parallel_loop3A_1024 = vector.broadcast %parallel_loop3A_1023 : f32 to vector<16xf32>
        %parallel_loop3A_1025 = arith.mulf %parallel_loop3A_1024, %parallel_loop3A_1022 : vector<16xf32>
        %parallel_loop3A_1026 = arith.maximumf %parallel_loop3A_1022, %parallel_loop3A_1025 : vector<16xf32>
        %parallel_loop3A_1027 = arith.mulf %parallel_loop3A_1026, %get3A_121 : vector<16xf32>
        %parallel_loop3A_1028 = arith.addf %parallel_loop3A_964, %parallel_loop3A_973 : vector<16xf32>
        %parallel_loop3A_1029 = arith.constant true
        %parallel_loop3A_1030 = vector.broadcast %parallel_loop3A_1029 : i1 to vector<16xi1>
        %parallel_loop3A_1031 = tpu.scan <sum>, %parallel_loop3A_1028 masked %parallel_loop3A_1030 : vector<16xf32>, vector<16xi1> -> vector<16xf32>
        %parallel_loop3A_1032 = vector.extract %parallel_loop3A_1031[15] : f32 from vector<16xf32>
        %parallel_loop3A_1033 = vector.broadcast %parallel_loop3A_1032 : f32 to vector<16xf32>
        %parallel_loop3A_1034 = math.exp %parallel_loop3A_1033 : vector<16xf32>
        %parallel_loop3A_1035 = arith.addf %parallel_loop3A_982, %parallel_loop3A_991 : vector<16xf32>
        %parallel_loop3A_1036 = arith.constant true
        %parallel_loop3A_1037 = vector.broadcast %parallel_loop3A_1036 : i1 to vector<16xi1>
        %parallel_loop3A_1038 = tpu.scan <sum>, %parallel_loop3A_1035 masked %parallel_loop3A_1037 : vector<16xf32>, vector<16xi1> -> vector<16xf32>
        %parallel_loop3A_1039 = vector.extract %parallel_loop3A_1038[15] : f32 from vector<16xf32>
        %parallel_loop3A_1040 = vector.broadcast %parallel_loop3A_1039 : f32 to vector<16xf32>
        %parallel_loop3A_1041 = math.exp %parallel_loop3A_1040 : vector<16xf32>
        %parallel_loop3A_1042 = arith.addf %parallel_loop3A_1000, %parallel_loop3A_1009 : vector<16xf32>
        %parallel_loop3A_1043 = arith.constant true
        %parallel_loop3A_1044 = vector.broadcast %parallel_loop3A_1043 : i1 to vector<16xi1>
        %parallel_loop3A_1045 = tpu.scan <sum>, %parallel_loop3A_1042 masked %parallel_loop3A_1044 : vector<16xf32>, vector<16xi1> -> vector<16xf32>
        %parallel_loop3A_1046 = vector.extract %parallel_loop3A_1045[15] : f32 from vector<16xf32>
        %parallel_loop3A_1047 = vector.broadcast %parallel_loop3A_1046 : f32 to vector<16xf32>
        %parallel_loop3A_1048 = math.exp %parallel_loop3A_1047 : vector<16xf32>
        %parallel_loop3A_1049 = arith.addf %parallel_loop3A_1018, %parallel_loop3A_1027 : vector<16xf32>
        %parallel_loop3A_1050 = arith.constant true
        %parallel_loop3A_1051 = vector.broadcast %parallel_loop3A_1050 : i1 to vector<16xi1>
        %parallel_loop3A_1052 = tpu.scan <sum>, %parallel_loop3A_1049 masked %parallel_loop3A_1051 : vector<16xf32>, vector<16xi1> -> vector<16xf32>
        %parallel_loop3A_1053 = vector.extract %parallel_loop3A_1052[15] : f32 from vector<16xf32>
        %parallel_loop3A_1054 = vector.broadcast %parallel_loop3A_1053 : f32 to vector<16xf32>
        %parallel_loop3A_1055 = math.exp %parallel_loop3A_1054 : vector<16xf32>
        %parallel_loop3A_1056 = arith.select %eq3A_129, %parallel_loop3A_1048, %parallel_loop3A_1055 : vector<16xi1>, vector<16xf32>
        %parallel_loop3A_1057 = arith.select %eq3A_126, %parallel_loop3A_1041, %parallel_loop3A_1056 : vector<16xi1>, vector<16xf32>
        %parallel_loop3A_1058 = arith.select %eq3A_123, %parallel_loop3A_1034, %parallel_loop3A_1057 : vector<16xi1>, vector<16xf32>
        %parallel_loop3A_1059 = arith.index_cast %parallel_loop3A_931 : i32 to index
        %parallel_loop3A_1060 = arith.constant 128 : index
        %parallel_loop3A_1061 = tpu.vector_load %arg21[%parallel_loop3A_1059, %parallel_loop3A_1060] {strides = array<i32>} : memref<16x144xf32, #tpu.memory_space<vmem>>, vector<16xf32>,
        tpu.vector_store %arg21[%parallel_loop3A_1059, %parallel_loop3A_1060], %parallel_loop3A_1058 {strides = array<i32>} : memref<16x144xf32, #tpu.memory_space<vmem>>, vector<16xf32>,
        %parallel_loop3A_1062 = arith.mulf %parallel_loop3A_934, %parallel_loop3A_1034 : vector<16xf32>
        %parallel_loop3A_1063 = arith.index_cast %parallel_loop3A_931 : i32 to index
        %parallel_loop3A_1064 = arith.constant 0 : index
        %parallel_loop3A_1065 = tpu.vector_load %arg21[%parallel_loop3A_1063, %parallel_loop3A_1064] {strides = array<i32>} : memref<16x144xf32, #tpu.memory_space<vmem>>, vector<16xf32>,
        tpu.vector_store %arg21[%parallel_loop3A_1063, %parallel_loop3A_1064], %parallel_loop3A_1062 {strides = array<i32>} : memref<16x144xf32, #tpu.memory_space<vmem>>, vector<16xf32>,
        %parallel_loop3A_1066 = arith.mulf %parallel_loop3A_937, %parallel_loop3A_1034 : vector<16xf32>
        %parallel_loop3A_1067 = arith.index_cast %parallel_loop3A_931 : i32 to index
        %parallel_loop3A_1068 = arith.constant 16 : index
        %parallel_loop3A_1069 = tpu.vector_load %arg21[%parallel_loop3A_1067, %parallel_loop3A_1068] {strides = array<i32>} : memref<16x144xf32, #tpu.memory_space<vmem>>, vector<16xf32>,
        tpu.vector_store %arg21[%parallel_loop3A_1067, %parallel_loop3A_1068], %parallel_loop3A_1066 {strides = array<i32>} : memref<16x144xf32, #tpu.memory_space<vmem>>, vector<16xf32>,
        %parallel_loop3A_1070 = arith.mulf %parallel_loop3A_940, %parallel_loop3A_1041 : vector<16xf32>
        %parallel_loop3A_1071 = arith.index_cast %parallel_loop3A_931 : i32 to index
        %parallel_loop3A_1072 = arith.constant 32 : index
        %parallel_loop3A_1073 = tpu.vector_load %arg21[%parallel_loop3A_1071, %parallel_loop3A_1072] {strides = array<i32>} : memref<16x144xf32, #tpu.memory_space<vmem>>, vector<16xf32>,
        tpu.vector_store %arg21[%parallel_loop3A_1071, %parallel_loop3A_1072], %parallel_loop3A_1070 {strides = array<i32>} : memref<16x144xf32, #tpu.memory_space<vmem>>, vector<16xf32>,
        %parallel_loop3A_1074 = arith.mulf %parallel_loop3A_943, %parallel_loop3A_1041 : vector<16xf32>
        %parallel_loop3A_1075 = arith.index_cast %parallel_loop3A_931 : i32 to index
        %parallel_loop3A_1076 = arith.constant 48 : index
        %parallel_loop3A_1077 = tpu.vector_load %arg21[%parallel_loop3A_1075, %parallel_loop3A_1076] {strides = array<i32>} : memref<16x144xf32, #tpu.memory_space<vmem>>, vector<16xf32>,
        tpu.vector_store %arg21[%parallel_loop3A_1075, %parallel_loop3A_1076], %parallel_loop3A_1074 {strides = array<i32>} : memref<16x144xf32, #tpu.memory_space<vmem>>, vector<16xf32>,
        %parallel_loop3A_1078 = arith.mulf %parallel_loop3A_946, %parallel_loop3A_1048 : vector<16xf32>
        %parallel_loop3A_1079 = arith.index_cast %parallel_loop3A_931 : i32 to index
        %parallel_loop3A_1080 = arith.constant 64 : index
        %parallel_loop3A_1081 = tpu.vector_load %arg21[%parallel_loop3A_1079, %parallel_loop3A_1080] {strides = array<i32>} : memref<16x144xf32, #tpu.memory_space<vmem>>, vector<16xf32>,
        tpu.vector_store %arg21[%parallel_loop3A_1079, %parallel_loop3A_1080], %parallel_loop3A_1078 {strides = array<i32>} : memref<16x144xf32, #tpu.memory_space<vmem>>, vector<16xf32>,
        %parallel_loop3A_1082 = arith.mulf %parallel_loop3A_949, %parallel_loop3A_1048 : vector<16xf32>
        %parallel_loop3A_1083 = arith.index_cast %parallel_loop3A_931 : i32 to index
        %parallel_loop3A_1084 = arith.constant 80 : index
        %parallel_loop3A_1085 = tpu.vector_load %arg21[%parallel_loop3A_1083, %parallel_loop3A_1084] {strides = array<i32>} : memref<16x144xf32, #tpu.memory_space<vmem>>, vector<16xf32>,
        tpu.vector_store %arg21[%parallel_loop3A_1083, %parallel_loop3A_1084], %parallel_loop3A_1082 {strides = array<i32>} : memref<16x144xf32, #tpu.memory_space<vmem>>, vector<16xf32>,
        %parallel_loop3A_1086 = arith.mulf %parallel_loop3A_952, %parallel_loop3A_1055 : vector<16xf32>
        %parallel_loop3A_1087 = arith.index_cast %parallel_loop3A_931 : i32 to index
        %parallel_loop3A_1088 = arith.constant 96 : index
        %parallel_loop3A_1089 = tpu.vector_load %arg21[%parallel_loop3A_1087, %parallel_loop3A_1088] {strides = array<i32>} : memref<16x144xf32, #tpu.memory_space<vmem>>, vector<16xf32>,
        tpu.vector_store %arg21[%parallel_loop3A_1087, %parallel_loop3A_1088], %parallel_loop3A_1086 {strides = array<i32>} : memref<16x144xf32, #tpu.memory_space<vmem>>, vector<16xf32>,
        %parallel_loop3A_1090 = arith.mulf %parallel_loop3A_955, %parallel_loop3A_1055 : vector<16xf32>
        %parallel_loop3A_1091 = arith.index_cast %parallel_loop3A_931 : i32 to index
        %parallel_loop3A_1092 = arith.constant 112 : index
        %parallel_loop3A_1093 = tpu.vector_load %arg21[%parallel_loop3A_1091, %parallel_loop3A_1092] {strides = array<i32>} : memref<16x144xf32, #tpu.memory_space<vmem>>, vector<16xf32>,
        tpu.vector_store %arg21[%parallel_loop3A_1091, %parallel_loop3A_1092], %parallel_loop3A_1090 {strides = array<i32>} : memref<16x144xf32, #tpu.memory_space<vmem>>, vector<16xf32>,
      } {sc.loop_unroll_factor = 4 : i64, sc.parallel_access}
      %dma_start3A_461 = arith.constant 0 : i32
      %dma_start3A_462 = arith.constant 0 : i32
      %dma_start3A_463 = tpu.memref_slice %arg12[%dma_start3A_461, %dma_start3A_462] : memref<4x16xi32, #tpu.memory_space<vmem>> -> memref<1x16xi32, #tpu.memory_space<vmem>>
      %dma_start3A_464 = tpu.memref_squeeze %dma_start3A_463 : memref<1x16xi32, #tpu.memory_space<vmem>> -> memref<16xi32, #tpu.memory_space<vmem>>
      %dma_start3A_465 = arith.constant 0 : i32
      %dma_start3A_466 = arith.constant 0 : i32
      %dma_start3A_467 = tpu.memref_slice %arg27[%dma_start3A_465, %dma_start3A_466] : memref<10000x144xf32, #tpu.memory_space<vmem_shared>> -> memref<10000x144xf32, #tpu.memory_space<vmem_shared>>
      tpu.enqueue_indirect_dma source(%arg21 : memref<16x144xf32, #tpu.memory_space<vmem>>) target(%dma_start3A_467 : memref<10000x144xf32, #tpu.memory_space<vmem_shared>>) offsets(%dma_start3A_464 : memref<16xi32, #tpu.memory_space<vmem>>) semaphore(%arg36 : memref<!tpu.dma_semaphore, #tpu.memory_space<semaphore_mem>>) {add = true}
      %add3A_468 = arith.constant 4 : i32
      %add3A_469 = arith.addi %add3A_433, %add3A_468 : i32
      %rem3A = arith.constant 625 : i32
      %rem3A_470 = arith.remsi %add3A_469, %rem3A : i32
      %jit3A_471 = arith.constant 2 : i32
      %div3A = arith.divsi %rem3A_470, %jit3A_471 : i32
      %sign3A = arith.constant 0 : i32
      %sign3A_472 = arith.cmpi sgt, %rem3A_470, %sign3A : i32
      %sign3A_473 = arith.extui %sign3A_472 : i1 to i32
      %sign3A_474 = arith.constant 0 : i32
      %sign3A_475 = arith.cmpi slt, %rem3A_470, %sign3A_474 : i32
      %sign3A_476 = arith.extui %sign3A_475 : i1 to i32
      %sign3A_477 = arith.subi %sign3A_473, %sign3A_476 : i32
      %sign3A_478 = arith.constant 0 : i32
      %sign3A_479 = arith.cmpi sgt, %jit3A_471, %sign3A_478 : i32
      %sign3A_480 = arith.extui %sign3A_479 : i1 to i32
      %sign3A_481 = arith.constant 0 : i32
      %sign3A_482 = arith.cmpi slt, %jit3A_471, %sign3A_481 : i32
      %sign3A_483 = arith.extui %sign3A_482 : i1 to i32
      %sign3A_484 = arith.subi %sign3A_480, %sign3A_483 : i32
      %ne3A = arith.cmpi ne, %sign3A_477, %sign3A_484 : i32
      %rem3A_485 = arith.remsi %rem3A_470, %jit3A_471 : i32
      %ne3A_486 = arith.constant 0 : i32
      %ne3A_487 = arith.cmpi ne, %rem3A_485, %ne3A_486 : i32
      %and3A_488 = arith.andi %ne3A, %ne3A_487 : i1
      %sub3A = arith.constant 1 : i32
      %sub3A_489 = arith.subi %div3A, %sub3A : i32
      %select_n3A_490 = arith.select %and3A_488, %sub3A_489, %div3A : i32
      %jit3A_491 = arith.constant 2 : i32
      %eq3A_492 = arith.constant 0 : i32
      %eq3A_493 = arith.cmpi eq, %jit3A_491, %eq3A_492 : i32
      %jit3A_494 = arith.constant 1 : i32
      %select_n3A_495 = arith.select %eq3A_493, %jit3A_494, %jit3A_491 : i32
      %rem3A_496 = arith.remsi %rem3A_470, %select_n3A_495 : i32
      %ne3A_497 = arith.constant 0 : i32
      %ne3A_498 = arith.cmpi ne, %rem3A_496, %ne3A_497 : i32
      %lt3A = arith.constant 0 : i32
      %lt3A_499 = arith.cmpi slt, %rem3A_496, %lt3A : i32
      %lt3A_500 = arith.constant 0 : i32
      %lt3A_501 = arith.cmpi slt, %select_n3A_495, %lt3A_500 : i32
      %ne3A_502 = arith.xori %lt3A_499, %lt3A_501 : i1
      %and3A_503 = arith.andi %ne3A_502, %ne3A_498 : i1
      %add3A_504 = arith.addi %rem3A_496, %select_n3A_495 : i32
      %select_n3A_505 = arith.select %and3A_503, %add3A_504, %rem3A_496 : i32
      %eq3A_506 = arith.constant 1 : i32
      %eq3A_507 = arith.cmpi eq, %select_n3A_505, %eq3A_506 : i32
      %get3A_508 = arith.index_cast %select_n3A_490 : i32 to index
      %get3A_509 = arith.constant 0 : index
      %get3A_510 = tpu.vector_load %arg8[%get3A_508, %get3A_509] {strides = array<i32>} : memref<313x16xi32, #tpu.memory_space<vmem>>, vector<16xi32>,
      %get3A_511 = arith.index_cast %select_n3A_490 : i32 to index
      %get3A_512 = arith.constant 0 : index
      %get3A_513 = tpu.vector_load %arg9[%get3A_511, %get3A_512] {strides = array<i32>} : memref<313x16xi32, #tpu.memory_space<vmem>>, vector<16xi32>,
      %and3A_514 = arith.constant 65535 : i32
      %and3A_515 = vector.broadcast %and3A_514 : i32 to vector<16xi32>
      %and3A_516 = arith.andi %get3A_510, %and3A_515 : vector<16xi32>
      %shift_right_logical3A_517 = arith.constant 16 : i32
      %shift_right_logical3A_518 = vector.broadcast %shift_right_logical3A_517 : i32 to vector<16xi32>
      %shift_right_logical3A_519 = arith.shrui %get3A_510, %shift_right_logical3A_518 : vector<16xi32>
      %and3A_520 = arith.constant 65535 : i32
      %and3A_521 = vector.broadcast %and3A_520 : i32 to vector<16xi32>
      %and3A_522 = arith.andi %get3A_513, %and3A_521 : vector<16xi32>
      %shift_right_logical3A_523 = arith.constant 16 : i32
      %shift_right_logical3A_524 = vector.broadcast %shift_right_logical3A_523 : i32 to vector<16xi32>
      %shift_right_logical3A_525 = arith.shrui %get3A_513, %shift_right_logical3A_524 : vector<16xi32>
      %select_n3A_526 = arith.select %eq3A_507, %shift_right_logical3A_519, %and3A_516 : vector<16xi32>
      %swap3A_527 = arith.constant 0 : i32
      %swap3A_528 = arith.index_cast %swap3A_527 : i32 to index
      %swap3A_529 = arith.constant 0 : index
      %swap3A_530 = tpu.vector_load %arg10[%swap3A_528, %swap3A_529] {strides = array<i32>} : memref<4x16xi32, #tpu.memory_space<vmem>>, vector<16xi32>,
      tpu.vector_store %arg10[%swap3A_528, %swap3A_529], %select_n3A_526 {strides = array<i32>} : memref<4x16xi32, #tpu.memory_space<vmem>>, vector<16xi32>,
      %select_n3A_531 = arith.select %eq3A_507, %shift_right_logical3A_525, %and3A_522 : vector<16xi32>
      %swap3A_532 = arith.constant 0 : i32
      %swap3A_533 = arith.index_cast %swap3A_532 : i32 to index
      %swap3A_534 = arith.constant 0 : index
      %swap3A_535 = tpu.vector_load %arg11[%swap3A_533, %swap3A_534] {strides = array<i32>} : memref<4x16xi32, #tpu.memory_space<vmem>>, vector<16xi32>,
      tpu.vector_store %arg11[%swap3A_533, %swap3A_534], %select_n3A_531 {strides = array<i32>} : memref<4x16xi32, #tpu.memory_space<vmem>>, vector<16xi32>,
      %dma_start3A_536 = arith.constant 0 : i32
      %dma_start3A_537 = arith.constant 0 : i32
      %dma_start3A_538 = tpu.memref_slice %arg10[%dma_start3A_536, %dma_start3A_537] : memref<4x16xi32, #tpu.memory_space<vmem>> -> memref<1x16xi32, #tpu.memory_space<vmem>>
      %dma_start3A_539 = tpu.memref_squeeze %dma_start3A_538 : memref<1x16xi32, #tpu.memory_space<vmem>> -> memref<16xi32, #tpu.memory_space<vmem>>
      %dma_start3A_540 = arith.constant 0 : i32
      %dma_start3A_541 = arith.constant 0 : i32
      %dma_start3A_542 = tpu.memref_slice %arg4[%dma_start3A_540, %dma_start3A_541] : memref<10000x128xf32, #tpu.memory_space<hbm>> -> memref<10000x128xf32, #tpu.memory_space<hbm>>
      tpu.enqueue_indirect_dma source(%dma_start3A_542 : memref<10000x128xf32, #tpu.memory_space<hbm>>) target(%arg13 : memref<16x128xf32, #tpu.memory_space<vmem>>) offsets(%dma_start3A_539 : memref<16xi32, #tpu.memory_space<vmem>>) semaphore(%arg28 : memref<!tpu.dma_semaphore, #tpu.memory_space<semaphore_mem>>)
      %dma_start3A_543 = arith.constant 0 : i32
      %dma_start3A_544 = arith.constant 0 : i32
      %dma_start3A_545 = tpu.memref_slice %arg11[%dma_start3A_543, %dma_start3A_544] : memref<4x16xi32, #tpu.memory_space<vmem>> -> memref<1x16xi32, #tpu.memory_space<vmem>>
      %dma_start3A_546 = tpu.memref_squeeze %dma_start3A_545 : memref<1x16xi32, #tpu.memory_space<vmem>> -> memref<16xi32, #tpu.memory_space<vmem>>
      %dma_start3A_547 = arith.constant 0 : i32
      %dma_start3A_548 = arith.constant 0 : i32
      %dma_start3A_549 = tpu.memref_slice %arg5[%dma_start3A_547, %dma_start3A_548] : memref<10000x128xf32, #tpu.memory_space<hbm>> -> memref<10000x128xf32, #tpu.memory_space<hbm>>
      tpu.enqueue_indirect_dma source(%dma_start3A_549 : memref<10000x128xf32, #tpu.memory_space<hbm>>) target(%arg17 : memref<16x128xf32, #tpu.memory_space<vmem>>) offsets(%dma_start3A_546 : memref<16xi32, #tpu.memory_space<vmem>>) semaphore(%arg32 : memref<!tpu.dma_semaphore, #tpu.memory_space<semaphore_mem>>)
      %add3A_550 = arith.constant 1 : i32
      %add3A_551 = arith.addi %mul3A_431, %add3A_550 : i32
      %dma_wait3A_552 = arith.constant 0 : i32
      %dma_wait3A_553 = arith.constant 0 : i32
      %dma_wait3A_554 = tpu.memref_slice %arg10[%dma_wait3A_552, %dma_wait3A_553] : memref<4x16xi32, #tpu.memory_space<vmem>> -> memref<1x16xi32, #tpu.memory_space<vmem>>
      %dma_wait3A_555 = tpu.memref_squeeze %dma_wait3A_554 : memref<1x16xi32, #tpu.memory_space<vmem>> -> memref<16xi32, #tpu.memory_space<vmem>>
      %dma_wait3A_556 = arith.constant 0 : i32
      %dma_wait3A_557 = arith.constant 0 : i32
      %dma_wait3A_558 = tpu.memref_slice %arg4[%dma_wait3A_556, %dma_wait3A_557] : memref<10000x128xf32, #tpu.memory_space<hbm>> -> memref<10000x128xf32, #tpu.memory_space<hbm>>
      tpu.wait_indirect_dma semaphore(%arg29 : memref<!tpu.dma_semaphore, #tpu.memory_space<semaphore_mem>>) src(%dma_wait3A_558 : memref<10000x128xf32, #tpu.memory_space<hbm>>) dst(%arg14 : memref<16x128xf32, #tpu.memory_space<vmem>>)
      %dma_wait3A_559 = arith.constant 0 : i32
      %dma_wait3A_560 = arith.constant 0 : i32
      %dma_wait3A_561 = tpu.memref_slice %arg11[%dma_wait3A_559, %dma_wait3A_560] : memref<4x16xi32, #tpu.memory_space<vmem>> -> memref<1x16xi32, #tpu.memory_space<vmem>>
      %dma_wait3A_562 = tpu.memref_squeeze %dma_wait3A_561 : memref<1x16xi32, #tpu.memory_space<vmem>> -> memref<16xi32, #tpu.memory_space<vmem>>
      %dma_wait3A_563 = arith.constant 0 : i32
      %dma_wait3A_564 = arith.constant 0 : i32
      %dma_wait3A_565 = tpu.memref_slice %arg5[%dma_wait3A_563, %dma_wait3A_564] : memref<10000x128xf32, #tpu.memory_space<hbm>> -> memref<10000x128xf32, #tpu.memory_space<hbm>>
      tpu.wait_indirect_dma semaphore(%arg33 : memref<!tpu.dma_semaphore, #tpu.memory_space<semaphore_mem>>) src(%dma_wait3A_565 : memref<10000x128xf32, #tpu.memory_space<hbm>>) dst(%arg18 : memref<16x128xf32, #tpu.memory_space<vmem>>)
      %gt3A_566 = arith.constant 0 : i32
      %gt3A_567 = arith.cmpi sgt, %scan3A_429, %gt3A_566 : i32
      %convert_element_type3A_568 = arith.extui %gt3A_567 : i1 to i32
      %cond3A_569 = arith.constant 0 : i32
      %cond3A_570 = arith.cmpi ne, %convert_element_type3A_568, %cond3A_569 : i32
      scf.if %cond3A_570 {
        %dma_wait3A_931 = arith.constant 0 : i32
        %dma_wait3A_932 = arith.constant 0 : i32
        %dma_wait3A_933 = tpu.memref_slice %arg12[%dma_wait3A_931, %dma_wait3A_932] : memref<4x16xi32, #tpu.memory_space<vmem>> -> memref<1x16xi32, #tpu.memory_space<vmem>>
        %dma_wait3A_934 = tpu.memref_squeeze %dma_wait3A_933 : memref<1x16xi32, #tpu.memory_space<vmem>> -> memref<16xi32, #tpu.memory_space<vmem>>
        %dma_wait3A_935 = arith.constant 0 : i32
        %dma_wait3A_936 = arith.constant 0 : i32
        %dma_wait3A_937 = tpu.memref_slice %arg27[%dma_wait3A_935, %dma_wait3A_936] : memref<10000x144xf32, #tpu.memory_space<vmem_shared>> -> memref<10000x144xf32, #tpu.memory_space<vmem_shared>>
        tpu.wait_indirect_dma semaphore(%arg37 : memref<!tpu.dma_semaphore, #tpu.memory_space<semaphore_mem>>) src(%arg22 : memref<16x144xf32, #tpu.memory_space<vmem>>) dst(%dma_wait3A_937 : memref<10000x144xf32, #tpu.memory_space<vmem_shared>>)
      } else {
      }
      %get3A_571 = arith.constant 1 : i32
      %get3A_572 = arith.index_cast %get3A_571 : i32 to index
      %get3A_573 = arith.constant 0 : index
      %get3A_574 = tpu.vector_load %arg11[%get3A_572, %get3A_573] {strides = array<i32>} : memref<4x16xi32, #tpu.memory_space<vmem>>, vector<16xi32>,
      %swap3A_575 = arith.constant 1 : i32
      %swap3A_576 = arith.index_cast %swap3A_575 : i32 to index
      %swap3A_577 = arith.constant 0 : index
      %swap3A_578 = tpu.vector_load %arg12[%swap3A_576, %swap3A_577] {strides = array<i32>} : memref<4x16xi32, #tpu.memory_space<vmem>>, vector<16xi32>,
      tpu.vector_store %arg12[%swap3A_576, %swap3A_577], %get3A_574 {strides = array<i32>} : memref<4x16xi32, #tpu.memory_space<vmem>>, vector<16xi32>,
      %parallel_loop3A_579 = arith.constant 0 : i32
      %parallel_loop3A_580 = arith.constant 16 : i32
      %parallel_loop3A_581 = arith.constant 1 : i32
      scf.for %parallel_loop3A_931 = %parallel_loop3A_579 to %parallel_loop3A_580 step %parallel_loop3A_581  : i32 {
        %parallel_loop3A_932 = arith.index_cast %parallel_loop3A_931 : i32 to index
        %parallel_loop3A_933 = arith.constant 0 : index
        %parallel_loop3A_934 = tpu.vector_load %arg14[%parallel_loop3A_932, %parallel_loop3A_933] {strides = array<i32>} : memref<16x128xf32, #tpu.memory_space<vmem>>, vector<16xf32>,
        %parallel_loop3A_935 = arith.index_cast %parallel_loop3A_931 : i32 to index
        %parallel_loop3A_936 = arith.constant 16 : index
        %parallel_loop3A_937 = tpu.vector_load %arg14[%parallel_loop3A_935, %parallel_loop3A_936] {strides = array<i32>} : memref<16x128xf32, #tpu.memory_space<vmem>>, vector<16xf32>,
        %parallel_loop3A_938 = arith.index_cast %parallel_loop3A_931 : i32 to index
        %parallel_loop3A_939 = arith.constant 32 : index
        %parallel_loop3A_940 = tpu.vector_load %arg14[%parallel_loop3A_938, %parallel_loop3A_939] {strides = array<i32>} : memref<16x128xf32, #tpu.memory_space<vmem>>, vector<16xf32>,
        %parallel_loop3A_941 = arith.index_cast %parallel_loop3A_931 : i32 to index
        %parallel_loop3A_942 = arith.constant 48 : index
        %parallel_loop3A_943 = tpu.vector_load %arg14[%parallel_loop3A_941, %parallel_loop3A_942] {strides = array<i32>} : memref<16x128xf32, #tpu.memory_space<vmem>>, vector<16xf32>,
        %parallel_loop3A_944 = arith.index_cast %parallel_loop3A_931 : i32 to index
        %parallel_loop3A_945 = arith.constant 64 : index
        %parallel_loop3A_946 = tpu.vector_load %arg14[%parallel_loop3A_944, %parallel_loop3A_945] {strides = array<i32>} : memref<16x128xf32, #tpu.memory_space<vmem>>, vector<16xf32>,
        %parallel_loop3A_947 = arith.index_cast %parallel_loop3A_931 : i32 to index
        %parallel_loop3A_948 = arith.constant 80 : index
        %parallel_loop3A_949 = tpu.vector_load %arg14[%parallel_loop3A_947, %parallel_loop3A_948] {strides = array<i32>} : memref<16x128xf32, #tpu.memory_space<vmem>>, vector<16xf32>,
        %parallel_loop3A_950 = arith.index_cast %parallel_loop3A_931 : i32 to index
        %parallel_loop3A_951 = arith.constant 96 : index
        %parallel_loop3A_952 = tpu.vector_load %arg14[%parallel_loop3A_950, %parallel_loop3A_951] {strides = array<i32>} : memref<16x128xf32, #tpu.memory_space<vmem>>, vector<16xf32>,
        %parallel_loop3A_953 = arith.index_cast %parallel_loop3A_931 : i32 to index
        %parallel_loop3A_954 = arith.constant 112 : index
        %parallel_loop3A_955 = tpu.vector_load %arg14[%parallel_loop3A_953, %parallel_loop3A_954] {strides = array<i32>} : memref<16x128xf32, #tpu.memory_space<vmem>>, vector<16xf32>,
        %parallel_loop3A_956 = arith.index_cast %parallel_loop3A_931 : i32 to index
        %parallel_loop3A_957 = arith.constant 0 : index
        %parallel_loop3A_958 = tpu.vector_load %arg18[%parallel_loop3A_956, %parallel_loop3A_957] {strides = array<i32>} : memref<16x128xf32, #tpu.memory_space<vmem>>, vector<16xf32>,
        %parallel_loop3A_959 = arith.addf %parallel_loop3A_934, %parallel_loop3A_958 : vector<16xf32>
        %parallel_loop3A_960 = arith.constant 2.000000e-01 : f32
        %parallel_loop3A_961 = vector.broadcast %parallel_loop3A_960 : f32 to vector<16xf32>
        %parallel_loop3A_962 = arith.mulf %parallel_loop3A_961, %parallel_loop3A_959 : vector<16xf32>
        %parallel_loop3A_963 = arith.maximumf %parallel_loop3A_959, %parallel_loop3A_962 : vector<16xf32>
        %parallel_loop3A_964 = arith.mulf %parallel_loop3A_963, %get3A_107 : vector<16xf32>
        %parallel_loop3A_965 = arith.index_cast %parallel_loop3A_931 : i32 to index
        %parallel_loop3A_966 = arith.constant 16 : index
        %parallel_loop3A_967 = tpu.vector_load %arg18[%parallel_loop3A_965, %parallel_loop3A_966] {strides = array<i32>} : memref<16x128xf32, #tpu.memory_space<vmem>>, vector<16xf32>,
        %parallel_loop3A_968 = arith.addf %parallel_loop3A_937, %parallel_loop3A_967 : vector<16xf32>
        %parallel_loop3A_969 = arith.constant 2.000000e-01 : f32
        %parallel_loop3A_970 = vector.broadcast %parallel_loop3A_969 : f32 to vector<16xf32>
        %parallel_loop3A_971 = arith.mulf %parallel_loop3A_970, %parallel_loop3A_968 : vector<16xf32>
        %parallel_loop3A_972 = arith.maximumf %parallel_loop3A_968, %parallel_loop3A_971 : vector<16xf32>
        %parallel_loop3A_973 = arith.mulf %parallel_loop3A_972, %get3A_109 : vector<16xf32>
        %parallel_loop3A_974 = arith.index_cast %parallel_loop3A_931 : i32 to index
        %parallel_loop3A_975 = arith.constant 32 : index
        %parallel_loop3A_976 = tpu.vector_load %arg18[%parallel_loop3A_974, %parallel_loop3A_975] {strides = array<i32>} : memref<16x128xf32, #tpu.memory_space<vmem>>, vector<16xf32>,
        %parallel_loop3A_977 = arith.addf %parallel_loop3A_940, %parallel_loop3A_976 : vector<16xf32>
        %parallel_loop3A_978 = arith.constant 2.000000e-01 : f32
        %parallel_loop3A_979 = vector.broadcast %parallel_loop3A_978 : f32 to vector<16xf32>
        %parallel_loop3A_980 = arith.mulf %parallel_loop3A_979, %parallel_loop3A_977 : vector<16xf32>
        %parallel_loop3A_981 = arith.maximumf %parallel_loop3A_977, %parallel_loop3A_980 : vector<16xf32>
        %parallel_loop3A_982 = arith.mulf %parallel_loop3A_981, %get3A_111 : vector<16xf32>
        %parallel_loop3A_983 = arith.index_cast %parallel_loop3A_931 : i32 to index
        %parallel_loop3A_984 = arith.constant 48 : index
        %parallel_loop3A_985 = tpu.vector_load %arg18[%parallel_loop3A_983, %parallel_loop3A_984] {strides = array<i32>} : memref<16x128xf32, #tpu.memory_space<vmem>>, vector<16xf32>,
        %parallel_loop3A_986 = arith.addf %parallel_loop3A_943, %parallel_loop3A_985 : vector<16xf32>
        %parallel_loop3A_987 = arith.constant 2.000000e-01 : f32
        %parallel_loop3A_988 = vector.broadcast %parallel_loop3A_987 : f32 to vector<16xf32>
        %parallel_loop3A_989 = arith.mulf %parallel_loop3A_988, %parallel_loop3A_986 : vector<16xf32>
        %parallel_loop3A_990 = arith.maximumf %parallel_loop3A_986, %parallel_loop3A_989 : vector<16xf32>
        %parallel_loop3A_991 = arith.mulf %parallel_loop3A_990, %get3A_113 : vector<16xf32>
        %parallel_loop3A_992 = arith.index_cast %parallel_loop3A_931 : i32 to index
        %parallel_loop3A_993 = arith.constant 64 : index
        %parallel_loop3A_994 = tpu.vector_load %arg18[%parallel_loop3A_992, %parallel_loop3A_993] {strides = array<i32>} : memref<16x128xf32, #tpu.memory_space<vmem>>, vector<16xf32>,
        %parallel_loop3A_995 = arith.addf %parallel_loop3A_946, %parallel_loop3A_994 : vector<16xf32>
        %parallel_loop3A_996 = arith.constant 2.000000e-01 : f32
        %parallel_loop3A_997 = vector.broadcast %parallel_loop3A_996 : f32 to vector<16xf32>
        %parallel_loop3A_998 = arith.mulf %parallel_loop3A_997, %parallel_loop3A_995 : vector<16xf32>
        %parallel_loop3A_999 = arith.maximumf %parallel_loop3A_995, %parallel_loop3A_998 : vector<16xf32>
        %parallel_loop3A_1000 = arith.mulf %parallel_loop3A_999, %get3A_115 : vector<16xf32>
        %parallel_loop3A_1001 = arith.index_cast %parallel_loop3A_931 : i32 to index
        %parallel_loop3A_1002 = arith.constant 80 : index
        %parallel_loop3A_1003 = tpu.vector_load %arg18[%parallel_loop3A_1001, %parallel_loop3A_1002] {strides = array<i32>} : memref<16x128xf32, #tpu.memory_space<vmem>>, vector<16xf32>,
        %parallel_loop3A_1004 = arith.addf %parallel_loop3A_949, %parallel_loop3A_1003 : vector<16xf32>
        %parallel_loop3A_1005 = arith.constant 2.000000e-01 : f32
        %parallel_loop3A_1006 = vector.broadcast %parallel_loop3A_1005 : f32 to vector<16xf32>
        %parallel_loop3A_1007 = arith.mulf %parallel_loop3A_1006, %parallel_loop3A_1004 : vector<16xf32>
        %parallel_loop3A_1008 = arith.maximumf %parallel_loop3A_1004, %parallel_loop3A_1007 : vector<16xf32>
        %parallel_loop3A_1009 = arith.mulf %parallel_loop3A_1008, %get3A_117 : vector<16xf32>
        %parallel_loop3A_1010 = arith.index_cast %parallel_loop3A_931 : i32 to index
        %parallel_loop3A_1011 = arith.constant 96 : index
        %parallel_loop3A_1012 = tpu.vector_load %arg18[%parallel_loop3A_1010, %parallel_loop3A_1011] {strides = array<i32>} : memref<16x128xf32, #tpu.memory_space<vmem>>, vector<16xf32>,
        %parallel_loop3A_1013 = arith.addf %parallel_loop3A_952, %parallel_loop3A_1012 : vector<16xf32>
        %parallel_loop3A_1014 = arith.constant 2.000000e-01 : f32
        %parallel_loop3A_1015 = vector.broadcast %parallel_loop3A_1014 : f32 to vector<16xf32>
        %parallel_loop3A_1016 = arith.mulf %parallel_loop3A_1015, %parallel_loop3A_1013 : vector<16xf32>
        %parallel_loop3A_1017 = arith.maximumf %parallel_loop3A_1013, %parallel_loop3A_1016 : vector<16xf32>
        %parallel_loop3A_1018 = arith.mulf %parallel_loop3A_1017, %get3A_119 : vector<16xf32>
        %parallel_loop3A_1019 = arith.index_cast %parallel_loop3A_931 : i32 to index
        %parallel_loop3A_1020 = arith.constant 112 : index
        %parallel_loop3A_1021 = tpu.vector_load %arg18[%parallel_loop3A_1019, %parallel_loop3A_1020] {strides = array<i32>} : memref<16x128xf32, #tpu.memory_space<vmem>>, vector<16xf32>,
        %parallel_loop3A_1022 = arith.addf %parallel_loop3A_955, %parallel_loop3A_1021 : vector<16xf32>
        %parallel_loop3A_1023 = arith.constant 2.000000e-01 : f32
        %parallel_loop3A_1024 = vector.broadcast %parallel_loop3A_1023 : f32 to vector<16xf32>
        %parallel_loop3A_1025 = arith.mulf %parallel_loop3A_1024, %parallel_loop3A_1022 : vector<16xf32>
        %parallel_loop3A_1026 = arith.maximumf %parallel_loop3A_1022, %parallel_loop3A_1025 : vector<16xf32>
        %parallel_loop3A_1027 = arith.mulf %parallel_loop3A_1026, %get3A_121 : vector<16xf32>
        %parallel_loop3A_1028 = arith.addf %parallel_loop3A_964, %parallel_loop3A_973 : vector<16xf32>
        %parallel_loop3A_1029 = arith.constant true
        %parallel_loop3A_1030 = vector.broadcast %parallel_loop3A_1029 : i1 to vector<16xi1>
        %parallel_loop3A_1031 = tpu.scan <sum>, %parallel_loop3A_1028 masked %parallel_loop3A_1030 : vector<16xf32>, vector<16xi1> -> vector<16xf32>
        %parallel_loop3A_1032 = vector.extract %parallel_loop3A_1031[15] : f32 from vector<16xf32>
        %parallel_loop3A_1033 = vector.broadcast %parallel_loop3A_1032 : f32 to vector<16xf32>
        %parallel_loop3A_1034 = math.exp %parallel_loop3A_1033 : vector<16xf32>
        %parallel_loop3A_1035 = arith.addf %parallel_loop3A_982, %parallel_loop3A_991 : vector<16xf32>
        %parallel_loop3A_1036 = arith.constant true
        %parallel_loop3A_1037 = vector.broadcast %parallel_loop3A_1036 : i1 to vector<16xi1>
        %parallel_loop3A_1038 = tpu.scan <sum>, %parallel_loop3A_1035 masked %parallel_loop3A_1037 : vector<16xf32>, vector<16xi1> -> vector<16xf32>
        %parallel_loop3A_1039 = vector.extract %parallel_loop3A_1038[15] : f32 from vector<16xf32>
        %parallel_loop3A_1040 = vector.broadcast %parallel_loop3A_1039 : f32 to vector<16xf32>
        %parallel_loop3A_1041 = math.exp %parallel_loop3A_1040 : vector<16xf32>
        %parallel_loop3A_1042 = arith.addf %parallel_loop3A_1000, %parallel_loop3A_1009 : vector<16xf32>
        %parallel_loop3A_1043 = arith.constant true
        %parallel_loop3A_1044 = vector.broadcast %parallel_loop3A_1043 : i1 to vector<16xi1>
        %parallel_loop3A_1045 = tpu.scan <sum>, %parallel_loop3A_1042 masked %parallel_loop3A_1044 : vector<16xf32>, vector<16xi1> -> vector<16xf32>
        %parallel_loop3A_1046 = vector.extract %parallel_loop3A_1045[15] : f32 from vector<16xf32>
        %parallel_loop3A_1047 = vector.broadcast %parallel_loop3A_1046 : f32 to vector<16xf32>
        %parallel_loop3A_1048 = math.exp %parallel_loop3A_1047 : vector<16xf32>
        %parallel_loop3A_1049 = arith.addf %parallel_loop3A_1018, %parallel_loop3A_1027 : vector<16xf32>
        %parallel_loop3A_1050 = arith.constant true
        %parallel_loop3A_1051 = vector.broadcast %parallel_loop3A_1050 : i1 to vector<16xi1>
        %parallel_loop3A_1052 = tpu.scan <sum>, %parallel_loop3A_1049 masked %parallel_loop3A_1051 : vector<16xf32>, vector<16xi1> -> vector<16xf32>
        %parallel_loop3A_1053 = vector.extract %parallel_loop3A_1052[15] : f32 from vector<16xf32>
        %parallel_loop3A_1054 = vector.broadcast %parallel_loop3A_1053 : f32 to vector<16xf32>
        %parallel_loop3A_1055 = math.exp %parallel_loop3A_1054 : vector<16xf32>
        %parallel_loop3A_1056 = arith.select %eq3A_129, %parallel_loop3A_1048, %parallel_loop3A_1055 : vector<16xi1>, vector<16xf32>
        %parallel_loop3A_1057 = arith.select %eq3A_126, %parallel_loop3A_1041, %parallel_loop3A_1056 : vector<16xi1>, vector<16xf32>
        %parallel_loop3A_1058 = arith.select %eq3A_123, %parallel_loop3A_1034, %parallel_loop3A_1057 : vector<16xi1>, vector<16xf32>
        %parallel_loop3A_1059 = arith.index_cast %parallel_loop3A_931 : i32 to index
        %parallel_loop3A_1060 = arith.constant 128 : index
        %parallel_loop3A_1061 = tpu.vector_load %arg22[%parallel_loop3A_1059, %parallel_loop3A_1060] {strides = array<i32>} : memref<16x144xf32, #tpu.memory_space<vmem>>, vector<16xf32>,
        tpu.vector_store %arg22[%parallel_loop3A_1059, %parallel_loop3A_1060], %parallel_loop3A_1058 {strides = array<i32>} : memref<16x144xf32, #tpu.memory_space<vmem>>, vector<16xf32>,
        %parallel_loop3A_1062 = arith.mulf %parallel_loop3A_934, %parallel_loop3A_1034 : vector<16xf32>
        %parallel_loop3A_1063 = arith.index_cast %parallel_loop3A_931 : i32 to index
        %parallel_loop3A_1064 = arith.constant 0 : index
        %parallel_loop3A_1065 = tpu.vector_load %arg22[%parallel_loop3A_1063, %parallel_loop3A_1064] {strides = array<i32>} : memref<16x144xf32, #tpu.memory_space<vmem>>, vector<16xf32>,
        tpu.vector_store %arg22[%parallel_loop3A_1063, %parallel_loop3A_1064], %parallel_loop3A_1062 {strides = array<i32>} : memref<16x144xf32, #tpu.memory_space<vmem>>, vector<16xf32>,
        %parallel_loop3A_1066 = arith.mulf %parallel_loop3A_937, %parallel_loop3A_1034 : vector<16xf32>
        %parallel_loop3A_1067 = arith.index_cast %parallel_loop3A_931 : i32 to index
        %parallel_loop3A_1068 = arith.constant 16 : index
        %parallel_loop3A_1069 = tpu.vector_load %arg22[%parallel_loop3A_1067, %parallel_loop3A_1068] {strides = array<i32>} : memref<16x144xf32, #tpu.memory_space<vmem>>, vector<16xf32>,
        tpu.vector_store %arg22[%parallel_loop3A_1067, %parallel_loop3A_1068], %parallel_loop3A_1066 {strides = array<i32>} : memref<16x144xf32, #tpu.memory_space<vmem>>, vector<16xf32>,
        %parallel_loop3A_1070 = arith.mulf %parallel_loop3A_940, %parallel_loop3A_1041 : vector<16xf32>
        %parallel_loop3A_1071 = arith.index_cast %parallel_loop3A_931 : i32 to index
        %parallel_loop3A_1072 = arith.constant 32 : index
        %parallel_loop3A_1073 = tpu.vector_load %arg22[%parallel_loop3A_1071, %parallel_loop3A_1072] {strides = array<i32>} : memref<16x144xf32, #tpu.memory_space<vmem>>, vector<16xf32>,
        tpu.vector_store %arg22[%parallel_loop3A_1071, %parallel_loop3A_1072], %parallel_loop3A_1070 {strides = array<i32>} : memref<16x144xf32, #tpu.memory_space<vmem>>, vector<16xf32>,
        %parallel_loop3A_1074 = arith.mulf %parallel_loop3A_943, %parallel_loop3A_1041 : vector<16xf32>
        %parallel_loop3A_1075 = arith.index_cast %parallel_loop3A_931 : i32 to index
        %parallel_loop3A_1076 = arith.constant 48 : index
        %parallel_loop3A_1077 = tpu.vector_load %arg22[%parallel_loop3A_1075, %parallel_loop3A_1076] {strides = array<i32>} : memref<16x144xf32, #tpu.memory_space<vmem>>, vector<16xf32>,
        tpu.vector_store %arg22[%parallel_loop3A_1075, %parallel_loop3A_1076], %parallel_loop3A_1074 {strides = array<i32>} : memref<16x144xf32, #tpu.memory_space<vmem>>, vector<16xf32>,
        %parallel_loop3A_1078 = arith.mulf %parallel_loop3A_946, %parallel_loop3A_1048 : vector<16xf32>
        %parallel_loop3A_1079 = arith.index_cast %parallel_loop3A_931 : i32 to index
        %parallel_loop3A_1080 = arith.constant 64 : index
        %parallel_loop3A_1081 = tpu.vector_load %arg22[%parallel_loop3A_1079, %parallel_loop3A_1080] {strides = array<i32>} : memref<16x144xf32, #tpu.memory_space<vmem>>, vector<16xf32>,
        tpu.vector_store %arg22[%parallel_loop3A_1079, %parallel_loop3A_1080], %parallel_loop3A_1078 {strides = array<i32>} : memref<16x144xf32, #tpu.memory_space<vmem>>, vector<16xf32>,
        %parallel_loop3A_1082 = arith.mulf %parallel_loop3A_949, %parallel_loop3A_1048 : vector<16xf32>
        %parallel_loop3A_1083 = arith.index_cast %parallel_loop3A_931 : i32 to index
        %parallel_loop3A_1084 = arith.constant 80 : index
        %parallel_loop3A_1085 = tpu.vector_load %arg22[%parallel_loop3A_1083, %parallel_loop3A_1084] {strides = array<i32>} : memref<16x144xf32, #tpu.memory_space<vmem>>, vector<16xf32>,
        tpu.vector_store %arg22[%parallel_loop3A_1083, %parallel_loop3A_1084], %parallel_loop3A_1082 {strides = array<i32>} : memref<16x144xf32, #tpu.memory_space<vmem>>, vector<16xf32>,
        %parallel_loop3A_1086 = arith.mulf %parallel_loop3A_952, %parallel_loop3A_1055 : vector<16xf32>
        %parallel_loop3A_1087 = arith.index_cast %parallel_loop3A_931 : i32 to index
        %parallel_loop3A_1088 = arith.constant 96 : index
        %parallel_loop3A_1089 = tpu.vector_load %arg22[%parallel_loop3A_1087, %parallel_loop3A_1088] {strides = array<i32>} : memref<16x144xf32, #tpu.memory_space<vmem>>, vector<16xf32>,
        tpu.vector_store %arg22[%parallel_loop3A_1087, %parallel_loop3A_1088], %parallel_loop3A_1086 {strides = array<i32>} : memref<16x144xf32, #tpu.memory_space<vmem>>, vector<16xf32>,
        %parallel_loop3A_1090 = arith.mulf %parallel_loop3A_955, %parallel_loop3A_1055 : vector<16xf32>
        %parallel_loop3A_1091 = arith.index_cast %parallel_loop3A_931 : i32 to index
        %parallel_loop3A_1092 = arith.constant 112 : index
        %parallel_loop3A_1093 = tpu.vector_load %arg22[%parallel_loop3A_1091, %parallel_loop3A_1092] {strides = array<i32>} : memref<16x144xf32, #tpu.memory_space<vmem>>, vector<16xf32>,
        tpu.vector_store %arg22[%parallel_loop3A_1091, %parallel_loop3A_1092], %parallel_loop3A_1090 {strides = array<i32>} : memref<16x144xf32, #tpu.memory_space<vmem>>, vector<16xf32>,
      } {sc.loop_unroll_factor = 4 : i64, sc.parallel_access}
      %dma_start3A_582 = arith.constant 1 : i32
      %dma_start3A_583 = arith.constant 0 : i32
      %dma_start3A_584 = tpu.memref_slice %arg12[%dma_start3A_582, %dma_start3A_583] : memref<4x16xi32, #tpu.memory_space<vmem>> -> memref<1x16xi32, #tpu.memory_space<vmem>>
      %dma_start3A_585 = tpu.memref_squeeze %dma_start3A_584 : memref<1x16xi32, #tpu.memory_space<vmem>> -> memref<16xi32, #tpu.memory_space<vmem>>
      %dma_start3A_586 = arith.constant 0 : i32
      %dma_start3A_587 = arith.constant 0 : i32
      %dma_start3A_588 = tpu.memref_slice %arg27[%dma_start3A_586, %dma_start3A_587] : memref<10000x144xf32, #tpu.memory_space<vmem_shared>> -> memref<10000x144xf32, #tpu.memory_space<vmem_shared>>
      tpu.enqueue_indirect_dma source(%arg22 : memref<16x144xf32, #tpu.memory_space<vmem>>) target(%dma_start3A_588 : memref<10000x144xf32, #tpu.memory_space<vmem_shared>>) offsets(%dma_start3A_585 : memref<16xi32, #tpu.memory_space<vmem>>) semaphore(%arg37 : memref<!tpu.dma_semaphore, #tpu.memory_space<semaphore_mem>>) {add = true}
      %add3A_589 = arith.constant 4 : i32
      %add3A_590 = arith.addi %add3A_551, %add3A_589 : i32
      %rem3A_591 = arith.constant 625 : i32
      %rem3A_592 = arith.remsi %add3A_590, %rem3A_591 : i32
      %jit3A_593 = arith.constant 2 : i32
      %div3A_594 = arith.divsi %rem3A_592, %jit3A_593 : i32
      %sign3A_595 = arith.constant 0 : i32
      %sign3A_596 = arith.cmpi sgt, %rem3A_592, %sign3A_595 : i32
      %sign3A_597 = arith.extui %sign3A_596 : i1 to i32
      %sign3A_598 = arith.constant 0 : i32
      %sign3A_599 = arith.cmpi slt, %rem3A_592, %sign3A_598 : i32
      %sign3A_600 = arith.extui %sign3A_599 : i1 to i32
      %sign3A_601 = arith.subi %sign3A_597, %sign3A_600 : i32
      %sign3A_602 = arith.constant 0 : i32
      %sign3A_603 = arith.cmpi sgt, %jit3A_593, %sign3A_602 : i32
      %sign3A_604 = arith.extui %sign3A_603 : i1 to i32
      %sign3A_605 = arith.constant 0 : i32
      %sign3A_606 = arith.cmpi slt, %jit3A_593, %sign3A_605 : i32
      %sign3A_607 = arith.extui %sign3A_606 : i1 to i32
      %sign3A_608 = arith.subi %sign3A_604, %sign3A_607 : i32
      %ne3A_609 = arith.cmpi ne, %sign3A_601, %sign3A_608 : i32
      %rem3A_610 = arith.remsi %rem3A_592, %jit3A_593 : i32
      %ne3A_611 = arith.constant 0 : i32
      %ne3A_612 = arith.cmpi ne, %rem3A_610, %ne3A_611 : i32
      %and3A_613 = arith.andi %ne3A_609, %ne3A_612 : i1
      %sub3A_614 = arith.constant 1 : i32
      %sub3A_615 = arith.subi %div3A_594, %sub3A_614 : i32
      %select_n3A_616 = arith.select %and3A_613, %sub3A_615, %div3A_594 : i32
      %jit3A_617 = arith.constant 2 : i32
      %eq3A_618 = arith.constant 0 : i32
      %eq3A_619 = arith.cmpi eq, %jit3A_617, %eq3A_618 : i32
      %jit3A_620 = arith.constant 1 : i32
      %select_n3A_621 = arith.select %eq3A_619, %jit3A_620, %jit3A_617 : i32
      %rem3A_622 = arith.remsi %rem3A_592, %select_n3A_621 : i32
      %ne3A_623 = arith.constant 0 : i32
      %ne3A_624 = arith.cmpi ne, %rem3A_622, %ne3A_623 : i32
      %lt3A_625 = arith.constant 0 : i32
      %lt3A_626 = arith.cmpi slt, %rem3A_622, %lt3A_625 : i32
      %lt3A_627 = arith.constant 0 : i32
      %lt3A_628 = arith.cmpi slt, %select_n3A_621, %lt3A_627 : i32
      %ne3A_629 = arith.xori %lt3A_626, %lt3A_628 : i1
      %and3A_630 = arith.andi %ne3A_629, %ne3A_624 : i1
      %add3A_631 = arith.addi %rem3A_622, %select_n3A_621 : i32
      %select_n3A_632 = arith.select %and3A_630, %add3A_631, %rem3A_622 : i32
      %eq3A_633 = arith.constant 1 : i32
      %eq3A_634 = arith.cmpi eq, %select_n3A_632, %eq3A_633 : i32
      %get3A_635 = arith.index_cast %select_n3A_616 : i32 to index
      %get3A_636 = arith.constant 0 : index
      %get3A_637 = tpu.vector_load %arg8[%get3A_635, %get3A_636] {strides = array<i32>} : memref<313x16xi32, #tpu.memory_space<vmem>>, vector<16xi32>,
      %get3A_638 = arith.index_cast %select_n3A_616 : i32 to index
      %get3A_639 = arith.constant 0 : index
      %get3A_640 = tpu.vector_load %arg9[%get3A_638, %get3A_639] {strides = array<i32>} : memref<313x16xi32, #tpu.memory_space<vmem>>, vector<16xi32>,
      %and3A_641 = arith.constant 65535 : i32
      %and3A_642 = vector.broadcast %and3A_641 : i32 to vector<16xi32>
      %and3A_643 = arith.andi %get3A_637, %and3A_642 : vector<16xi32>
      %shift_right_logical3A_644 = arith.constant 16 : i32
      %shift_right_logical3A_645 = vector.broadcast %shift_right_logical3A_644 : i32 to vector<16xi32>
      %shift_right_logical3A_646 = arith.shrui %get3A_637, %shift_right_logical3A_645 : vector<16xi32>
      %and3A_647 = arith.constant 65535 : i32
      %and3A_648 = vector.broadcast %and3A_647 : i32 to vector<16xi32>
      %and3A_649 = arith.andi %get3A_640, %and3A_648 : vector<16xi32>
      %shift_right_logical3A_650 = arith.constant 16 : i32
      %shift_right_logical3A_651 = vector.broadcast %shift_right_logical3A_650 : i32 to vector<16xi32>
      %shift_right_logical3A_652 = arith.shrui %get3A_640, %shift_right_logical3A_651 : vector<16xi32>
      %select_n3A_653 = arith.select %eq3A_634, %shift_right_logical3A_646, %and3A_643 : vector<16xi32>
      %swap3A_654 = arith.constant 1 : i32
      %swap3A_655 = arith.index_cast %swap3A_654 : i32 to index
      %swap3A_656 = arith.constant 0 : index
      %swap3A_657 = tpu.vector_load %arg10[%swap3A_655, %swap3A_656] {strides = array<i32>} : memref<4x16xi32, #tpu.memory_space<vmem>>, vector<16xi32>,
      tpu.vector_store %arg10[%swap3A_655, %swap3A_656], %select_n3A_653 {strides = array<i32>} : memref<4x16xi32, #tpu.memory_space<vmem>>, vector<16xi32>,
      %select_n3A_658 = arith.select %eq3A_634, %shift_right_logical3A_652, %and3A_649 : vector<16xi32>
      %swap3A_659 = arith.constant 1 : i32
      %swap3A_660 = arith.index_cast %swap3A_659 : i32 to index
      %swap3A_661 = arith.constant 0 : index
      %swap3A_662 = tpu.vector_load %arg11[%swap3A_660, %swap3A_661] {strides = array<i32>} : memref<4x16xi32, #tpu.memory_space<vmem>>, vector<16xi32>,
      tpu.vector_store %arg11[%swap3A_660, %swap3A_661], %select_n3A_658 {strides = array<i32>} : memref<4x16xi32, #tpu.memory_space<vmem>>, vector<16xi32>,
      %dma_start3A_663 = arith.constant 1 : i32
      %dma_start3A_664 = arith.constant 0 : i32
      %dma_start3A_665 = tpu.memref_slice %arg10[%dma_start3A_663, %dma_start3A_664] : memref<4x16xi32, #tpu.memory_space<vmem>> -> memref<1x16xi32, #tpu.memory_space<vmem>>
      %dma_start3A_666 = tpu.memref_squeeze %dma_start3A_665 : memref<1x16xi32, #tpu.memory_space<vmem>> -> memref<16xi32, #tpu.memory_space<vmem>>
      %dma_start3A_667 = arith.constant 0 : i32
      %dma_start3A_668 = arith.constant 0 : i32
      %dma_start3A_669 = tpu.memref_slice %arg4[%dma_start3A_667, %dma_start3A_668] : memref<10000x128xf32, #tpu.memory_space<hbm>> -> memref<10000x128xf32, #tpu.memory_space<hbm>>
      tpu.enqueue_indirect_dma source(%dma_start3A_669 : memref<10000x128xf32, #tpu.memory_space<hbm>>) target(%arg14 : memref<16x128xf32, #tpu.memory_space<vmem>>) offsets(%dma_start3A_666 : memref<16xi32, #tpu.memory_space<vmem>>) semaphore(%arg29 : memref<!tpu.dma_semaphore, #tpu.memory_space<semaphore_mem>>)
      %dma_start3A_670 = arith.constant 1 : i32
      %dma_start3A_671 = arith.constant 0 : i32
      %dma_start3A_672 = tpu.memref_slice %arg11[%dma_start3A_670, %dma_start3A_671] : memref<4x16xi32, #tpu.memory_space<vmem>> -> memref<1x16xi32, #tpu.memory_space<vmem>>
      %dma_start3A_673 = tpu.memref_squeeze %dma_start3A_672 : memref<1x16xi32, #tpu.memory_space<vmem>> -> memref<16xi32, #tpu.memory_space<vmem>>
      %dma_start3A_674 = arith.constant 0 : i32
      %dma_start3A_675 = arith.constant 0 : i32
      %dma_start3A_676 = tpu.memref_slice %arg5[%dma_start3A_674, %dma_start3A_675] : memref<10000x128xf32, #tpu.memory_space<hbm>> -> memref<10000x128xf32, #tpu.memory_space<hbm>>
      tpu.enqueue_indirect_dma source(%dma_start3A_676 : memref<10000x128xf32, #tpu.memory_space<hbm>>) target(%arg18 : memref<16x128xf32, #tpu.memory_space<vmem>>) offsets(%dma_start3A_673 : memref<16xi32, #tpu.memory_space<vmem>>) semaphore(%arg33 : memref<!tpu.dma_semaphore, #tpu.memory_space<semaphore_mem>>)
      %add3A_677 = arith.constant 2 : i32
      %add3A_678 = arith.addi %mul3A_431, %add3A_677 : i32
      %dma_wait3A_679 = arith.constant 0 : i32
      %dma_wait3A_680 = arith.constant 0 : i32
      %dma_wait3A_681 = tpu.memref_slice %arg10[%dma_wait3A_679, %dma_wait3A_680] : memref<4x16xi32, #tpu.memory_space<vmem>> -> memref<1x16xi32, #tpu.memory_space<vmem>>
      %dma_wait3A_682 = tpu.memref_squeeze %dma_wait3A_681 : memref<1x16xi32, #tpu.memory_space<vmem>> -> memref<16xi32, #tpu.memory_space<vmem>>
      %dma_wait3A_683 = arith.constant 0 : i32
      %dma_wait3A_684 = arith.constant 0 : i32
      %dma_wait3A_685 = tpu.memref_slice %arg4[%dma_wait3A_683, %dma_wait3A_684] : memref<10000x128xf32, #tpu.memory_space<hbm>> -> memref<10000x128xf32, #tpu.memory_space<hbm>>
      tpu.wait_indirect_dma semaphore(%arg30 : memref<!tpu.dma_semaphore, #tpu.memory_space<semaphore_mem>>) src(%dma_wait3A_685 : memref<10000x128xf32, #tpu.memory_space<hbm>>) dst(%arg15 : memref<16x128xf32, #tpu.memory_space<vmem>>)
      %dma_wait3A_686 = arith.constant 0 : i32
      %dma_wait3A_687 = arith.constant 0 : i32
      %dma_wait3A_688 = tpu.memref_slice %arg11[%dma_wait3A_686, %dma_wait3A_687] : memref<4x16xi32, #tpu.memory_space<vmem>> -> memref<1x16xi32, #tpu.memory_space<vmem>>
      %dma_wait3A_689 = tpu.memref_squeeze %dma_wait3A_688 : memref<1x16xi32, #tpu.memory_space<vmem>> -> memref<16xi32, #tpu.memory_space<vmem>>
      %dma_wait3A_690 = arith.constant 0 : i32
      %dma_wait3A_691 = arith.constant 0 : i32
      %dma_wait3A_692 = tpu.memref_slice %arg5[%dma_wait3A_690, %dma_wait3A_691] : memref<10000x128xf32, #tpu.memory_space<hbm>> -> memref<10000x128xf32, #tpu.memory_space<hbm>>
      tpu.wait_indirect_dma semaphore(%arg34 : memref<!tpu.dma_semaphore, #tpu.memory_space<semaphore_mem>>) src(%dma_wait3A_692 : memref<10000x128xf32, #tpu.memory_space<hbm>>) dst(%arg19 : memref<16x128xf32, #tpu.memory_space<vmem>>)
      %gt3A_693 = arith.constant 0 : i32
      %gt3A_694 = arith.cmpi sgt, %scan3A_429, %gt3A_693 : i32
      %convert_element_type3A_695 = arith.extui %gt3A_694 : i1 to i32
      %cond3A_696 = arith.constant 0 : i32
      %cond3A_697 = arith.cmpi ne, %convert_element_type3A_695, %cond3A_696 : i32
      scf.if %cond3A_697 {
        %dma_wait3A_931 = arith.constant 0 : i32
        %dma_wait3A_932 = arith.constant 0 : i32
        %dma_wait3A_933 = tpu.memref_slice %arg12[%dma_wait3A_931, %dma_wait3A_932] : memref<4x16xi32, #tpu.memory_space<vmem>> -> memref<1x16xi32, #tpu.memory_space<vmem>>
        %dma_wait3A_934 = tpu.memref_squeeze %dma_wait3A_933 : memref<1x16xi32, #tpu.memory_space<vmem>> -> memref<16xi32, #tpu.memory_space<vmem>>
        %dma_wait3A_935 = arith.constant 0 : i32
        %dma_wait3A_936 = arith.constant 0 : i32
        %dma_wait3A_937 = tpu.memref_slice %arg27[%dma_wait3A_935, %dma_wait3A_936] : memref<10000x144xf32, #tpu.memory_space<vmem_shared>> -> memref<10000x144xf32, #tpu.memory_space<vmem_shared>>
        tpu.wait_indirect_dma semaphore(%arg38 : memref<!tpu.dma_semaphore, #tpu.memory_space<semaphore_mem>>) src(%arg23 : memref<16x144xf32, #tpu.memory_space<vmem>>) dst(%dma_wait3A_937 : memref<10000x144xf32, #tpu.memory_space<vmem_shared>>)
      } else {
      }
      %get3A_698 = arith.constant 2 : i32
      %get3A_699 = arith.index_cast %get3A_698 : i32 to index
      %get3A_700 = arith.constant 0 : index
      %get3A_701 = tpu.vector_load %arg11[%get3A_699, %get3A_700] {strides = array<i32>} : memref<4x16xi32, #tpu.memory_space<vmem>>, vector<16xi32>,
      %swap3A_702 = arith.constant 2 : i32
      %swap3A_703 = arith.index_cast %swap3A_702 : i32 to index
      %swap3A_704 = arith.constant 0 : index
      %swap3A_705 = tpu.vector_load %arg12[%swap3A_703, %swap3A_704] {strides = array<i32>} : memref<4x16xi32, #tpu.memory_space<vmem>>, vector<16xi32>,
      tpu.vector_store %arg12[%swap3A_703, %swap3A_704], %get3A_701 {strides = array<i32>} : memref<4x16xi32, #tpu.memory_space<vmem>>, vector<16xi32>,
      %parallel_loop3A_706 = arith.constant 0 : i32
      %parallel_loop3A_707 = arith.constant 16 : i32
      %parallel_loop3A_708 = arith.constant 1 : i32
      scf.for %parallel_loop3A_931 = %parallel_loop3A_706 to %parallel_loop3A_707 step %parallel_loop3A_708  : i32 {
        %parallel_loop3A_932 = arith.index_cast %parallel_loop3A_931 : i32 to index
        %parallel_loop3A_933 = arith.constant 0 : index
        %parallel_loop3A_934 = tpu.vector_load %arg15[%parallel_loop3A_932, %parallel_loop3A_933] {strides = array<i32>} : memref<16x128xf32, #tpu.memory_space<vmem>>, vector<16xf32>,
        %parallel_loop3A_935 = arith.index_cast %parallel_loop3A_931 : i32 to index
        %parallel_loop3A_936 = arith.constant 16 : index
        %parallel_loop3A_937 = tpu.vector_load %arg15[%parallel_loop3A_935, %parallel_loop3A_936] {strides = array<i32>} : memref<16x128xf32, #tpu.memory_space<vmem>>, vector<16xf32>,
        %parallel_loop3A_938 = arith.index_cast %parallel_loop3A_931 : i32 to index
        %parallel_loop3A_939 = arith.constant 32 : index
        %parallel_loop3A_940 = tpu.vector_load %arg15[%parallel_loop3A_938, %parallel_loop3A_939] {strides = array<i32>} : memref<16x128xf32, #tpu.memory_space<vmem>>, vector<16xf32>,
        %parallel_loop3A_941 = arith.index_cast %parallel_loop3A_931 : i32 to index
        %parallel_loop3A_942 = arith.constant 48 : index
        %parallel_loop3A_943 = tpu.vector_load %arg15[%parallel_loop3A_941, %parallel_loop3A_942] {strides = array<i32>} : memref<16x128xf32, #tpu.memory_space<vmem>>, vector<16xf32>,
        %parallel_loop3A_944 = arith.index_cast %parallel_loop3A_931 : i32 to index
        %parallel_loop3A_945 = arith.constant 64 : index
        %parallel_loop3A_946 = tpu.vector_load %arg15[%parallel_loop3A_944, %parallel_loop3A_945] {strides = array<i32>} : memref<16x128xf32, #tpu.memory_space<vmem>>, vector<16xf32>,
        %parallel_loop3A_947 = arith.index_cast %parallel_loop3A_931 : i32 to index
        %parallel_loop3A_948 = arith.constant 80 : index
        %parallel_loop3A_949 = tpu.vector_load %arg15[%parallel_loop3A_947, %parallel_loop3A_948] {strides = array<i32>} : memref<16x128xf32, #tpu.memory_space<vmem>>, vector<16xf32>,
        %parallel_loop3A_950 = arith.index_cast %parallel_loop3A_931 : i32 to index
        %parallel_loop3A_951 = arith.constant 96 : index
        %parallel_loop3A_952 = tpu.vector_load %arg15[%parallel_loop3A_950, %parallel_loop3A_951] {strides = array<i32>} : memref<16x128xf32, #tpu.memory_space<vmem>>, vector<16xf32>,
        %parallel_loop3A_953 = arith.index_cast %parallel_loop3A_931 : i32 to index
        %parallel_loop3A_954 = arith.constant 112 : index
        %parallel_loop3A_955 = tpu.vector_load %arg15[%parallel_loop3A_953, %parallel_loop3A_954] {strides = array<i32>} : memref<16x128xf32, #tpu.memory_space<vmem>>, vector<16xf32>,
        %parallel_loop3A_956 = arith.index_cast %parallel_loop3A_931 : i32 to index
        %parallel_loop3A_957 = arith.constant 0 : index
        %parallel_loop3A_958 = tpu.vector_load %arg19[%parallel_loop3A_956, %parallel_loop3A_957] {strides = array<i32>} : memref<16x128xf32, #tpu.memory_space<vmem>>, vector<16xf32>,
        %parallel_loop3A_959 = arith.addf %parallel_loop3A_934, %parallel_loop3A_958 : vector<16xf32>
        %parallel_loop3A_960 = arith.constant 2.000000e-01 : f32
        %parallel_loop3A_961 = vector.broadcast %parallel_loop3A_960 : f32 to vector<16xf32>
        %parallel_loop3A_962 = arith.mulf %parallel_loop3A_961, %parallel_loop3A_959 : vector<16xf32>
        %parallel_loop3A_963 = arith.maximumf %parallel_loop3A_959, %parallel_loop3A_962 : vector<16xf32>
        %parallel_loop3A_964 = arith.mulf %parallel_loop3A_963, %get3A_107 : vector<16xf32>
        %parallel_loop3A_965 = arith.index_cast %parallel_loop3A_931 : i32 to index
        %parallel_loop3A_966 = arith.constant 16 : index
        %parallel_loop3A_967 = tpu.vector_load %arg19[%parallel_loop3A_965, %parallel_loop3A_966] {strides = array<i32>} : memref<16x128xf32, #tpu.memory_space<vmem>>, vector<16xf32>,
        %parallel_loop3A_968 = arith.addf %parallel_loop3A_937, %parallel_loop3A_967 : vector<16xf32>
        %parallel_loop3A_969 = arith.constant 2.000000e-01 : f32
        %parallel_loop3A_970 = vector.broadcast %parallel_loop3A_969 : f32 to vector<16xf32>
        %parallel_loop3A_971 = arith.mulf %parallel_loop3A_970, %parallel_loop3A_968 : vector<16xf32>
        %parallel_loop3A_972 = arith.maximumf %parallel_loop3A_968, %parallel_loop3A_971 : vector<16xf32>
        %parallel_loop3A_973 = arith.mulf %parallel_loop3A_972, %get3A_109 : vector<16xf32>
        %parallel_loop3A_974 = arith.index_cast %parallel_loop3A_931 : i32 to index
        %parallel_loop3A_975 = arith.constant 32 : index
        %parallel_loop3A_976 = tpu.vector_load %arg19[%parallel_loop3A_974, %parallel_loop3A_975] {strides = array<i32>} : memref<16x128xf32, #tpu.memory_space<vmem>>, vector<16xf32>,
        %parallel_loop3A_977 = arith.addf %parallel_loop3A_940, %parallel_loop3A_976 : vector<16xf32>
        %parallel_loop3A_978 = arith.constant 2.000000e-01 : f32
        %parallel_loop3A_979 = vector.broadcast %parallel_loop3A_978 : f32 to vector<16xf32>
        %parallel_loop3A_980 = arith.mulf %parallel_loop3A_979, %parallel_loop3A_977 : vector<16xf32>
        %parallel_loop3A_981 = arith.maximumf %parallel_loop3A_977, %parallel_loop3A_980 : vector<16xf32>
        %parallel_loop3A_982 = arith.mulf %parallel_loop3A_981, %get3A_111 : vector<16xf32>
        %parallel_loop3A_983 = arith.index_cast %parallel_loop3A_931 : i32 to index
        %parallel_loop3A_984 = arith.constant 48 : index
        %parallel_loop3A_985 = tpu.vector_load %arg19[%parallel_loop3A_983, %parallel_loop3A_984] {strides = array<i32>} : memref<16x128xf32, #tpu.memory_space<vmem>>, vector<16xf32>,
        %parallel_loop3A_986 = arith.addf %parallel_loop3A_943, %parallel_loop3A_985 : vector<16xf32>
        %parallel_loop3A_987 = arith.constant 2.000000e-01 : f32
        %parallel_loop3A_988 = vector.broadcast %parallel_loop3A_987 : f32 to vector<16xf32>
        %parallel_loop3A_989 = arith.mulf %parallel_loop3A_988, %parallel_loop3A_986 : vector<16xf32>
        %parallel_loop3A_990 = arith.maximumf %parallel_loop3A_986, %parallel_loop3A_989 : vector<16xf32>
        %parallel_loop3A_991 = arith.mulf %parallel_loop3A_990, %get3A_113 : vector<16xf32>
        %parallel_loop3A_992 = arith.index_cast %parallel_loop3A_931 : i32 to index
        %parallel_loop3A_993 = arith.constant 64 : index
        %parallel_loop3A_994 = tpu.vector_load %arg19[%parallel_loop3A_992, %parallel_loop3A_993] {strides = array<i32>} : memref<16x128xf32, #tpu.memory_space<vmem>>, vector<16xf32>,
        %parallel_loop3A_995 = arith.addf %parallel_loop3A_946, %parallel_loop3A_994 : vector<16xf32>
        %parallel_loop3A_996 = arith.constant 2.000000e-01 : f32
        %parallel_loop3A_997 = vector.broadcast %parallel_loop3A_996 : f32 to vector<16xf32>
        %parallel_loop3A_998 = arith.mulf %parallel_loop3A_997, %parallel_loop3A_995 : vector<16xf32>
        %parallel_loop3A_999 = arith.maximumf %parallel_loop3A_995, %parallel_loop3A_998 : vector<16xf32>
        %parallel_loop3A_1000 = arith.mulf %parallel_loop3A_999, %get3A_115 : vector<16xf32>
        %parallel_loop3A_1001 = arith.index_cast %parallel_loop3A_931 : i32 to index
        %parallel_loop3A_1002 = arith.constant 80 : index
        %parallel_loop3A_1003 = tpu.vector_load %arg19[%parallel_loop3A_1001, %parallel_loop3A_1002] {strides = array<i32>} : memref<16x128xf32, #tpu.memory_space<vmem>>, vector<16xf32>,
        %parallel_loop3A_1004 = arith.addf %parallel_loop3A_949, %parallel_loop3A_1003 : vector<16xf32>
        %parallel_loop3A_1005 = arith.constant 2.000000e-01 : f32
        %parallel_loop3A_1006 = vector.broadcast %parallel_loop3A_1005 : f32 to vector<16xf32>
        %parallel_loop3A_1007 = arith.mulf %parallel_loop3A_1006, %parallel_loop3A_1004 : vector<16xf32>
        %parallel_loop3A_1008 = arith.maximumf %parallel_loop3A_1004, %parallel_loop3A_1007 : vector<16xf32>
        %parallel_loop3A_1009 = arith.mulf %parallel_loop3A_1008, %get3A_117 : vector<16xf32>
        %parallel_loop3A_1010 = arith.index_cast %parallel_loop3A_931 : i32 to index
        %parallel_loop3A_1011 = arith.constant 96 : index
        %parallel_loop3A_1012 = tpu.vector_load %arg19[%parallel_loop3A_1010, %parallel_loop3A_1011] {strides = array<i32>} : memref<16x128xf32, #tpu.memory_space<vmem>>, vector<16xf32>,
        %parallel_loop3A_1013 = arith.addf %parallel_loop3A_952, %parallel_loop3A_1012 : vector<16xf32>
        %parallel_loop3A_1014 = arith.constant 2.000000e-01 : f32
        %parallel_loop3A_1015 = vector.broadcast %parallel_loop3A_1014 : f32 to vector<16xf32>
        %parallel_loop3A_1016 = arith.mulf %parallel_loop3A_1015, %parallel_loop3A_1013 : vector<16xf32>
        %parallel_loop3A_1017 = arith.maximumf %parallel_loop3A_1013, %parallel_loop3A_1016 : vector<16xf32>
        %parallel_loop3A_1018 = arith.mulf %parallel_loop3A_1017, %get3A_119 : vector<16xf32>
        %parallel_loop3A_1019 = arith.index_cast %parallel_loop3A_931 : i32 to index
        %parallel_loop3A_1020 = arith.constant 112 : index
        %parallel_loop3A_1021 = tpu.vector_load %arg19[%parallel_loop3A_1019, %parallel_loop3A_1020] {strides = array<i32>} : memref<16x128xf32, #tpu.memory_space<vmem>>, vector<16xf32>,
        %parallel_loop3A_1022 = arith.addf %parallel_loop3A_955, %parallel_loop3A_1021 : vector<16xf32>
        %parallel_loop3A_1023 = arith.constant 2.000000e-01 : f32
        %parallel_loop3A_1024 = vector.broadcast %parallel_loop3A_1023 : f32 to vector<16xf32>
        %parallel_loop3A_1025 = arith.mulf %parallel_loop3A_1024, %parallel_loop3A_1022 : vector<16xf32>
        %parallel_loop3A_1026 = arith.maximumf %parallel_loop3A_1022, %parallel_loop3A_1025 : vector<16xf32>
        %parallel_loop3A_1027 = arith.mulf %parallel_loop3A_1026, %get3A_121 : vector<16xf32>
        %parallel_loop3A_1028 = arith.addf %parallel_loop3A_964, %parallel_loop3A_973 : vector<16xf32>
        %parallel_loop3A_1029 = arith.constant true
        %parallel_loop3A_1030 = vector.broadcast %parallel_loop3A_1029 : i1 to vector<16xi1>
        %parallel_loop3A_1031 = tpu.scan <sum>, %parallel_loop3A_1028 masked %parallel_loop3A_1030 : vector<16xf32>, vector<16xi1> -> vector<16xf32>
        %parallel_loop3A_1032 = vector.extract %parallel_loop3A_1031[15] : f32 from vector<16xf32>
        %parallel_loop3A_1033 = vector.broadcast %parallel_loop3A_1032 : f32 to vector<16xf32>
        %parallel_loop3A_1034 = math.exp %parallel_loop3A_1033 : vector<16xf32>
        %parallel_loop3A_1035 = arith.addf %parallel_loop3A_982, %parallel_loop3A_991 : vector<16xf32>
        %parallel_loop3A_1036 = arith.constant true
        %parallel_loop3A_1037 = vector.broadcast %parallel_loop3A_1036 : i1 to vector<16xi1>
        %parallel_loop3A_1038 = tpu.scan <sum>, %parallel_loop3A_1035 masked %parallel_loop3A_1037 : vector<16xf32>, vector<16xi1> -> vector<16xf32>
        %parallel_loop3A_1039 = vector.extract %parallel_loop3A_1038[15] : f32 from vector<16xf32>
        %parallel_loop3A_1040 = vector.broadcast %parallel_loop3A_1039 : f32 to vector<16xf32>
        %parallel_loop3A_1041 = math.exp %parallel_loop3A_1040 : vector<16xf32>
        %parallel_loop3A_1042 = arith.addf %parallel_loop3A_1000, %parallel_loop3A_1009 : vector<16xf32>
        %parallel_loop3A_1043 = arith.constant true
        %parallel_loop3A_1044 = vector.broadcast %parallel_loop3A_1043 : i1 to vector<16xi1>
        %parallel_loop3A_1045 = tpu.scan <sum>, %parallel_loop3A_1042 masked %parallel_loop3A_1044 : vector<16xf32>, vector<16xi1> -> vector<16xf32>
        %parallel_loop3A_1046 = vector.extract %parallel_loop3A_1045[15] : f32 from vector<16xf32>
        %parallel_loop3A_1047 = vector.broadcast %parallel_loop3A_1046 : f32 to vector<16xf32>
        %parallel_loop3A_1048 = math.exp %parallel_loop3A_1047 : vector<16xf32>
        %parallel_loop3A_1049 = arith.addf %parallel_loop3A_1018, %parallel_loop3A_1027 : vector<16xf32>
        %parallel_loop3A_1050 = arith.constant true
        %parallel_loop3A_1051 = vector.broadcast %parallel_loop3A_1050 : i1 to vector<16xi1>
        %parallel_loop3A_1052 = tpu.scan <sum>, %parallel_loop3A_1049 masked %parallel_loop3A_1051 : vector<16xf32>, vector<16xi1> -> vector<16xf32>
        %parallel_loop3A_1053 = vector.extract %parallel_loop3A_1052[15] : f32 from vector<16xf32>
        %parallel_loop3A_1054 = vector.broadcast %parallel_loop3A_1053 : f32 to vector<16xf32>
        %parallel_loop3A_1055 = math.exp %parallel_loop3A_1054 : vector<16xf32>
        %parallel_loop3A_1056 = arith.select %eq3A_129, %parallel_loop3A_1048, %parallel_loop3A_1055 : vector<16xi1>, vector<16xf32>
        %parallel_loop3A_1057 = arith.select %eq3A_126, %parallel_loop3A_1041, %parallel_loop3A_1056 : vector<16xi1>, vector<16xf32>
        %parallel_loop3A_1058 = arith.select %eq3A_123, %parallel_loop3A_1034, %parallel_loop3A_1057 : vector<16xi1>, vector<16xf32>
        %parallel_loop3A_1059 = arith.index_cast %parallel_loop3A_931 : i32 to index
        %parallel_loop3A_1060 = arith.constant 128 : index
        %parallel_loop3A_1061 = tpu.vector_load %arg23[%parallel_loop3A_1059, %parallel_loop3A_1060] {strides = array<i32>} : memref<16x144xf32, #tpu.memory_space<vmem>>, vector<16xf32>,
        tpu.vector_store %arg23[%parallel_loop3A_1059, %parallel_loop3A_1060], %parallel_loop3A_1058 {strides = array<i32>} : memref<16x144xf32, #tpu.memory_space<vmem>>, vector<16xf32>,
        %parallel_loop3A_1062 = arith.mulf %parallel_loop3A_934, %parallel_loop3A_1034 : vector<16xf32>
        %parallel_loop3A_1063 = arith.index_cast %parallel_loop3A_931 : i32 to index
        %parallel_loop3A_1064 = arith.constant 0 : index
        %parallel_loop3A_1065 = tpu.vector_load %arg23[%parallel_loop3A_1063, %parallel_loop3A_1064] {strides = array<i32>} : memref<16x144xf32, #tpu.memory_space<vmem>>, vector<16xf32>,
        tpu.vector_store %arg23[%parallel_loop3A_1063, %parallel_loop3A_1064], %parallel_loop3A_1062 {strides = array<i32>} : memref<16x144xf32, #tpu.memory_space<vmem>>, vector<16xf32>,
        %parallel_loop3A_1066 = arith.mulf %parallel_loop3A_937, %parallel_loop3A_1034 : vector<16xf32>
        %parallel_loop3A_1067 = arith.index_cast %parallel_loop3A_931 : i32 to index
        %parallel_loop3A_1068 = arith.constant 16 : index
        %parallel_loop3A_1069 = tpu.vector_load %arg23[%parallel_loop3A_1067, %parallel_loop3A_1068] {strides = array<i32>} : memref<16x144xf32, #tpu.memory_space<vmem>>, vector<16xf32>,
        tpu.vector_store %arg23[%parallel_loop3A_1067, %parallel_loop3A_1068], %parallel_loop3A_1066 {strides = array<i32>} : memref<16x144xf32, #tpu.memory_space<vmem>>, vector<16xf32>,
        %parallel_loop3A_1070 = arith.mulf %parallel_loop3A_940, %parallel_loop3A_1041 : vector<16xf32>
        %parallel_loop3A_1071 = arith.index_cast %parallel_loop3A_931 : i32 to index
        %parallel_loop3A_1072 = arith.constant 32 : index
        %parallel_loop3A_1073 = tpu.vector_load %arg23[%parallel_loop3A_1071, %parallel_loop3A_1072] {strides = array<i32>} : memref<16x144xf32, #tpu.memory_space<vmem>>, vector<16xf32>,
        tpu.vector_store %arg23[%parallel_loop3A_1071, %parallel_loop3A_1072], %parallel_loop3A_1070 {strides = array<i32>} : memref<16x144xf32, #tpu.memory_space<vmem>>, vector<16xf32>,
        %parallel_loop3A_1074 = arith.mulf %parallel_loop3A_943, %parallel_loop3A_1041 : vector<16xf32>
        %parallel_loop3A_1075 = arith.index_cast %parallel_loop3A_931 : i32 to index
        %parallel_loop3A_1076 = arith.constant 48 : index
        %parallel_loop3A_1077 = tpu.vector_load %arg23[%parallel_loop3A_1075, %parallel_loop3A_1076] {strides = array<i32>} : memref<16x144xf32, #tpu.memory_space<vmem>>, vector<16xf32>,
        tpu.vector_store %arg23[%parallel_loop3A_1075, %parallel_loop3A_1076], %parallel_loop3A_1074 {strides = array<i32>} : memref<16x144xf32, #tpu.memory_space<vmem>>, vector<16xf32>,
        %parallel_loop3A_1078 = arith.mulf %parallel_loop3A_946, %parallel_loop3A_1048 : vector<16xf32>
        %parallel_loop3A_1079 = arith.index_cast %parallel_loop3A_931 : i32 to index
        %parallel_loop3A_1080 = arith.constant 64 : index
        %parallel_loop3A_1081 = tpu.vector_load %arg23[%parallel_loop3A_1079, %parallel_loop3A_1080] {strides = array<i32>} : memref<16x144xf32, #tpu.memory_space<vmem>>, vector<16xf32>,
        tpu.vector_store %arg23[%parallel_loop3A_1079, %parallel_loop3A_1080], %parallel_loop3A_1078 {strides = array<i32>} : memref<16x144xf32, #tpu.memory_space<vmem>>, vector<16xf32>,
        %parallel_loop3A_1082 = arith.mulf %parallel_loop3A_949, %parallel_loop3A_1048 : vector<16xf32>
        %parallel_loop3A_1083 = arith.index_cast %parallel_loop3A_931 : i32 to index
        %parallel_loop3A_1084 = arith.constant 80 : index
        %parallel_loop3A_1085 = tpu.vector_load %arg23[%parallel_loop3A_1083, %parallel_loop3A_1084] {strides = array<i32>} : memref<16x144xf32, #tpu.memory_space<vmem>>, vector<16xf32>,
        tpu.vector_store %arg23[%parallel_loop3A_1083, %parallel_loop3A_1084], %parallel_loop3A_1082 {strides = array<i32>} : memref<16x144xf32, #tpu.memory_space<vmem>>, vector<16xf32>,
        %parallel_loop3A_1086 = arith.mulf %parallel_loop3A_952, %parallel_loop3A_1055 : vector<16xf32>
        %parallel_loop3A_1087 = arith.index_cast %parallel_loop3A_931 : i32 to index
        %parallel_loop3A_1088 = arith.constant 96 : index
        %parallel_loop3A_1089 = tpu.vector_load %arg23[%parallel_loop3A_1087, %parallel_loop3A_1088] {strides = array<i32>} : memref<16x144xf32, #tpu.memory_space<vmem>>, vector<16xf32>,
        tpu.vector_store %arg23[%parallel_loop3A_1087, %parallel_loop3A_1088], %parallel_loop3A_1086 {strides = array<i32>} : memref<16x144xf32, #tpu.memory_space<vmem>>, vector<16xf32>,
        %parallel_loop3A_1090 = arith.mulf %parallel_loop3A_955, %parallel_loop3A_1055 : vector<16xf32>
        %parallel_loop3A_1091 = arith.index_cast %parallel_loop3A_931 : i32 to index
        %parallel_loop3A_1092 = arith.constant 112 : index
        %parallel_loop3A_1093 = tpu.vector_load %arg23[%parallel_loop3A_1091, %parallel_loop3A_1092] {strides = array<i32>} : memref<16x144xf32, #tpu.memory_space<vmem>>, vector<16xf32>,
        tpu.vector_store %arg23[%parallel_loop3A_1091, %parallel_loop3A_1092], %parallel_loop3A_1090 {strides = array<i32>} : memref<16x144xf32, #tpu.memory_space<vmem>>, vector<16xf32>,
      } {sc.loop_unroll_factor = 4 : i64, sc.parallel_access}
      %dma_start3A_709 = arith.constant 2 : i32
      %dma_start3A_710 = arith.constant 0 : i32
      %dma_start3A_711 = tpu.memref_slice %arg12[%dma_start3A_709, %dma_start3A_710] : memref<4x16xi32, #tpu.memory_space<vmem>> -> memref<1x16xi32, #tpu.memory_space<vmem>>
      %dma_start3A_712 = tpu.memref_squeeze %dma_start3A_711 : memref<1x16xi32, #tpu.memory_space<vmem>> -> memref<16xi32, #tpu.memory_space<vmem>>
      %dma_start3A_713 = arith.constant 0 : i32
      %dma_start3A_714 = arith.constant 0 : i32
      %dma_start3A_715 = tpu.memref_slice %arg27[%dma_start3A_713, %dma_start3A_714] : memref<10000x144xf32, #tpu.memory_space<vmem_shared>> -> memref<10000x144xf32, #tpu.memory_space<vmem_shared>>
      tpu.enqueue_indirect_dma source(%arg23 : memref<16x144xf32, #tpu.memory_space<vmem>>) target(%dma_start3A_715 : memref<10000x144xf32, #tpu.memory_space<vmem_shared>>) offsets(%dma_start3A_712 : memref<16xi32, #tpu.memory_space<vmem>>) semaphore(%arg38 : memref<!tpu.dma_semaphore, #tpu.memory_space<semaphore_mem>>) {add = true}
      %add3A_716 = arith.constant 4 : i32
      %add3A_717 = arith.addi %add3A_678, %add3A_716 : i32
      %rem3A_718 = arith.constant 625 : i32
      %rem3A_719 = arith.remsi %add3A_717, %rem3A_718 : i32
      %jit3A_720 = arith.constant 2 : i32
      %div3A_721 = arith.divsi %rem3A_719, %jit3A_720 : i32
      %sign3A_722 = arith.constant 0 : i32
      %sign3A_723 = arith.cmpi sgt, %rem3A_719, %sign3A_722 : i32
      %sign3A_724 = arith.extui %sign3A_723 : i1 to i32
      %sign3A_725 = arith.constant 0 : i32
      %sign3A_726 = arith.cmpi slt, %rem3A_719, %sign3A_725 : i32
      %sign3A_727 = arith.extui %sign3A_726 : i1 to i32
      %sign3A_728 = arith.subi %sign3A_724, %sign3A_727 : i32
      %sign3A_729 = arith.constant 0 : i32
      %sign3A_730 = arith.cmpi sgt, %jit3A_720, %sign3A_729 : i32
      %sign3A_731 = arith.extui %sign3A_730 : i1 to i32
      %sign3A_732 = arith.constant 0 : i32
      %sign3A_733 = arith.cmpi slt, %jit3A_720, %sign3A_732 : i32
      %sign3A_734 = arith.extui %sign3A_733 : i1 to i32
      %sign3A_735 = arith.subi %sign3A_731, %sign3A_734 : i32
      %ne3A_736 = arith.cmpi ne, %sign3A_728, %sign3A_735 : i32
      %rem3A_737 = arith.remsi %rem3A_719, %jit3A_720 : i32
      %ne3A_738 = arith.constant 0 : i32
      %ne3A_739 = arith.cmpi ne, %rem3A_737, %ne3A_738 : i32
      %and3A_740 = arith.andi %ne3A_736, %ne3A_739 : i1
      %sub3A_741 = arith.constant 1 : i32
      %sub3A_742 = arith.subi %div3A_721, %sub3A_741 : i32
      %select_n3A_743 = arith.select %and3A_740, %sub3A_742, %div3A_721 : i32
      %jit3A_744 = arith.constant 2 : i32
      %eq3A_745 = arith.constant 0 : i32
      %eq3A_746 = arith.cmpi eq, %jit3A_744, %eq3A_745 : i32
      %jit3A_747 = arith.constant 1 : i32
      %select_n3A_748 = arith.select %eq3A_746, %jit3A_747, %jit3A_744 : i32
      %rem3A_749 = arith.remsi %rem3A_719, %select_n3A_748 : i32
      %ne3A_750 = arith.constant 0 : i32
      %ne3A_751 = arith.cmpi ne, %rem3A_749, %ne3A_750 : i32
      %lt3A_752 = arith.constant 0 : i32
      %lt3A_753 = arith.cmpi slt, %rem3A_749, %lt3A_752 : i32
      %lt3A_754 = arith.constant 0 : i32
      %lt3A_755 = arith.cmpi slt, %select_n3A_748, %lt3A_754 : i32
      %ne3A_756 = arith.xori %lt3A_753, %lt3A_755 : i1
      %and3A_757 = arith.andi %ne3A_756, %ne3A_751 : i1
      %add3A_758 = arith.addi %rem3A_749, %select_n3A_748 : i32
      %select_n3A_759 = arith.select %and3A_757, %add3A_758, %rem3A_749 : i32
      %eq3A_760 = arith.constant 1 : i32
      %eq3A_761 = arith.cmpi eq, %select_n3A_759, %eq3A_760 : i32
      %get3A_762 = arith.index_cast %select_n3A_743 : i32 to index
      %get3A_763 = arith.constant 0 : index
      %get3A_764 = tpu.vector_load %arg8[%get3A_762, %get3A_763] {strides = array<i32>} : memref<313x16xi32, #tpu.memory_space<vmem>>, vector<16xi32>,
      %get3A_765 = arith.index_cast %select_n3A_743 : i32 to index
      %get3A_766 = arith.constant 0 : index
      %get3A_767 = tpu.vector_load %arg9[%get3A_765, %get3A_766] {strides = array<i32>} : memref<313x16xi32, #tpu.memory_space<vmem>>, vector<16xi32>,
      %and3A_768 = arith.constant 65535 : i32
      %and3A_769 = vector.broadcast %and3A_768 : i32 to vector<16xi32>
      %and3A_770 = arith.andi %get3A_764, %and3A_769 : vector<16xi32>
      %shift_right_logical3A_771 = arith.constant 16 : i32
      %shift_right_logical3A_772 = vector.broadcast %shift_right_logical3A_771 : i32 to vector<16xi32>
      %shift_right_logical3A_773 = arith.shrui %get3A_764, %shift_right_logical3A_772 : vector<16xi32>
      %and3A_774 = arith.constant 65535 : i32
      %and3A_775 = vector.broadcast %and3A_774 : i32 to vector<16xi32>
      %and3A_776 = arith.andi %get3A_767, %and3A_775 : vector<16xi32>
      %shift_right_logical3A_777 = arith.constant 16 : i32
      %shift_right_logical3A_778 = vector.broadcast %shift_right_logical3A_777 : i32 to vector<16xi32>
      %shift_right_logical3A_779 = arith.shrui %get3A_767, %shift_right_logical3A_778 : vector<16xi32>
      %select_n3A_780 = arith.select %eq3A_761, %shift_right_logical3A_773, %and3A_770 : vector<16xi32>
      %swap3A_781 = arith.constant 2 : i32
      %swap3A_782 = arith.index_cast %swap3A_781 : i32 to index
      %swap3A_783 = arith.constant 0 : index
      %swap3A_784 = tpu.vector_load %arg10[%swap3A_782, %swap3A_783] {strides = array<i32>} : memref<4x16xi32, #tpu.memory_space<vmem>>, vector<16xi32>,
      tpu.vector_store %arg10[%swap3A_782, %swap3A_783], %select_n3A_780 {strides = array<i32>} : memref<4x16xi32, #tpu.memory_space<vmem>>, vector<16xi32>,
      %select_n3A_785 = arith.select %eq3A_761, %shift_right_logical3A_779, %and3A_776 : vector<16xi32>
      %swap3A_786 = arith.constant 2 : i32
      %swap3A_787 = arith.index_cast %swap3A_786 : i32 to index
      %swap3A_788 = arith.constant 0 : index
      %swap3A_789 = tpu.vector_load %arg11[%swap3A_787, %swap3A_788] {strides = array<i32>} : memref<4x16xi32, #tpu.memory_space<vmem>>, vector<16xi32>,
      tpu.vector_store %arg11[%swap3A_787, %swap3A_788], %select_n3A_785 {strides = array<i32>} : memref<4x16xi32, #tpu.memory_space<vmem>>, vector<16xi32>,
      %dma_start3A_790 = arith.constant 2 : i32
      %dma_start3A_791 = arith.constant 0 : i32
      %dma_start3A_792 = tpu.memref_slice %arg10[%dma_start3A_790, %dma_start3A_791] : memref<4x16xi32, #tpu.memory_space<vmem>> -> memref<1x16xi32, #tpu.memory_space<vmem>>
      %dma_start3A_793 = tpu.memref_squeeze %dma_start3A_792 : memref<1x16xi32, #tpu.memory_space<vmem>> -> memref<16xi32, #tpu.memory_space<vmem>>
      %dma_start3A_794 = arith.constant 0 : i32
      %dma_start3A_795 = arith.constant 0 : i32
      %dma_start3A_796 = tpu.memref_slice %arg4[%dma_start3A_794, %dma_start3A_795] : memref<10000x128xf32, #tpu.memory_space<hbm>> -> memref<10000x128xf32, #tpu.memory_space<hbm>>
      tpu.enqueue_indirect_dma source(%dma_start3A_796 : memref<10000x128xf32, #tpu.memory_space<hbm>>) target(%arg15 : memref<16x128xf32, #tpu.memory_space<vmem>>) offsets(%dma_start3A_793 : memref<16xi32, #tpu.memory_space<vmem>>) semaphore(%arg30 : memref<!tpu.dma_semaphore, #tpu.memory_space<semaphore_mem>>)
      %dma_start3A_797 = arith.constant 2 : i32
      %dma_start3A_798 = arith.constant 0 : i32
      %dma_start3A_799 = tpu.memref_slice %arg11[%dma_start3A_797, %dma_start3A_798] : memref<4x16xi32, #tpu.memory_space<vmem>> -> memref<1x16xi32, #tpu.memory_space<vmem>>
      %dma_start3A_800 = tpu.memref_squeeze %dma_start3A_799 : memref<1x16xi32, #tpu.memory_space<vmem>> -> memref<16xi32, #tpu.memory_space<vmem>>
      %dma_start3A_801 = arith.constant 0 : i32
      %dma_start3A_802 = arith.constant 0 : i32
      %dma_start3A_803 = tpu.memref_slice %arg5[%dma_start3A_801, %dma_start3A_802] : memref<10000x128xf32, #tpu.memory_space<hbm>> -> memref<10000x128xf32, #tpu.memory_space<hbm>>
      tpu.enqueue_indirect_dma source(%dma_start3A_803 : memref<10000x128xf32, #tpu.memory_space<hbm>>) target(%arg19 : memref<16x128xf32, #tpu.memory_space<vmem>>) offsets(%dma_start3A_800 : memref<16xi32, #tpu.memory_space<vmem>>) semaphore(%arg34 : memref<!tpu.dma_semaphore, #tpu.memory_space<semaphore_mem>>)
      %add3A_804 = arith.constant 3 : i32
      %add3A_805 = arith.addi %mul3A_431, %add3A_804 : i32
      %dma_wait3A_806 = arith.constant 0 : i32
      %dma_wait3A_807 = arith.constant 0 : i32
      %dma_wait3A_808 = tpu.memref_slice %arg10[%dma_wait3A_806, %dma_wait3A_807] : memref<4x16xi32, #tpu.memory_space<vmem>> -> memref<1x16xi32, #tpu.memory_space<vmem>>
      %dma_wait3A_809 = tpu.memref_squeeze %dma_wait3A_808 : memref<1x16xi32, #tpu.memory_space<vmem>> -> memref<16xi32, #tpu.memory_space<vmem>>
      %dma_wait3A_810 = arith.constant 0 : i32
      %dma_wait3A_811 = arith.constant 0 : i32
      %dma_wait3A_812 = tpu.memref_slice %arg4[%dma_wait3A_810, %dma_wait3A_811] : memref<10000x128xf32, #tpu.memory_space<hbm>> -> memref<10000x128xf32, #tpu.memory_space<hbm>>
      tpu.wait_indirect_dma semaphore(%arg31 : memref<!tpu.dma_semaphore, #tpu.memory_space<semaphore_mem>>) src(%dma_wait3A_812 : memref<10000x128xf32, #tpu.memory_space<hbm>>) dst(%arg16 : memref<16x128xf32, #tpu.memory_space<vmem>>)
      %dma_wait3A_813 = arith.constant 0 : i32
      %dma_wait3A_814 = arith.constant 0 : i32
      %dma_wait3A_815 = tpu.memref_slice %arg11[%dma_wait3A_813, %dma_wait3A_814] : memref<4x16xi32, #tpu.memory_space<vmem>> -> memref<1x16xi32, #tpu.memory_space<vmem>>
      %dma_wait3A_816 = tpu.memref_squeeze %dma_wait3A_815 : memref<1x16xi32, #tpu.memory_space<vmem>> -> memref<16xi32, #tpu.memory_space<vmem>>
      %dma_wait3A_817 = arith.constant 0 : i32
      %dma_wait3A_818 = arith.constant 0 : i32
      %dma_wait3A_819 = tpu.memref_slice %arg5[%dma_wait3A_817, %dma_wait3A_818] : memref<10000x128xf32, #tpu.memory_space<hbm>> -> memref<10000x128xf32, #tpu.memory_space<hbm>>
      tpu.wait_indirect_dma semaphore(%arg35 : memref<!tpu.dma_semaphore, #tpu.memory_space<semaphore_mem>>) src(%dma_wait3A_819 : memref<10000x128xf32, #tpu.memory_space<hbm>>) dst(%arg20 : memref<16x128xf32, #tpu.memory_space<vmem>>)
      %gt3A_820 = arith.constant 0 : i32
      %gt3A_821 = arith.cmpi sgt, %scan3A_429, %gt3A_820 : i32
      %convert_element_type3A_822 = arith.extui %gt3A_821 : i1 to i32
      %cond3A_823 = arith.constant 0 : i32
      %cond3A_824 = arith.cmpi ne, %convert_element_type3A_822, %cond3A_823 : i32
      scf.if %cond3A_824 {
        %dma_wait3A_931 = arith.constant 0 : i32
        %dma_wait3A_932 = arith.constant 0 : i32
        %dma_wait3A_933 = tpu.memref_slice %arg12[%dma_wait3A_931, %dma_wait3A_932] : memref<4x16xi32, #tpu.memory_space<vmem>> -> memref<1x16xi32, #tpu.memory_space<vmem>>
        %dma_wait3A_934 = tpu.memref_squeeze %dma_wait3A_933 : memref<1x16xi32, #tpu.memory_space<vmem>> -> memref<16xi32, #tpu.memory_space<vmem>>
        %dma_wait3A_935 = arith.constant 0 : i32
        %dma_wait3A_936 = arith.constant 0 : i32
        %dma_wait3A_937 = tpu.memref_slice %arg27[%dma_wait3A_935, %dma_wait3A_936] : memref<10000x144xf32, #tpu.memory_space<vmem_shared>> -> memref<10000x144xf32, #tpu.memory_space<vmem_shared>>
        tpu.wait_indirect_dma semaphore(%arg39 : memref<!tpu.dma_semaphore, #tpu.memory_space<semaphore_mem>>) src(%arg24 : memref<16x144xf32, #tpu.memory_space<vmem>>) dst(%dma_wait3A_937 : memref<10000x144xf32, #tpu.memory_space<vmem_shared>>)
      } else {
      }
      %get3A_825 = arith.constant 3 : i32
      %get3A_826 = arith.index_cast %get3A_825 : i32 to index
      %get3A_827 = arith.constant 0 : index
      %get3A_828 = tpu.vector_load %arg11[%get3A_826, %get3A_827] {strides = array<i32>} : memref<4x16xi32, #tpu.memory_space<vmem>>, vector<16xi32>,
      %swap3A_829 = arith.constant 3 : i32
      %swap3A_830 = arith.index_cast %swap3A_829 : i32 to index
      %swap3A_831 = arith.constant 0 : index
      %swap3A_832 = tpu.vector_load %arg12[%swap3A_830, %swap3A_831] {strides = array<i32>} : memref<4x16xi32, #tpu.memory_space<vmem>>, vector<16xi32>,
      tpu.vector_store %arg12[%swap3A_830, %swap3A_831], %get3A_828 {strides = array<i32>} : memref<4x16xi32, #tpu.memory_space<vmem>>, vector<16xi32>,
      %parallel_loop3A_833 = arith.constant 0 : i32
      %parallel_loop3A_834 = arith.constant 16 : i32
      %parallel_loop3A_835 = arith.constant 1 : i32
      scf.for %parallel_loop3A_931 = %parallel_loop3A_833 to %parallel_loop3A_834 step %parallel_loop3A_835  : i32 {
        %parallel_loop3A_932 = arith.index_cast %parallel_loop3A_931 : i32 to index
        %parallel_loop3A_933 = arith.constant 0 : index
        %parallel_loop3A_934 = tpu.vector_load %arg16[%parallel_loop3A_932, %parallel_loop3A_933] {strides = array<i32>} : memref<16x128xf32, #tpu.memory_space<vmem>>, vector<16xf32>,
        %parallel_loop3A_935 = arith.index_cast %parallel_loop3A_931 : i32 to index
        %parallel_loop3A_936 = arith.constant 16 : index
        %parallel_loop3A_937 = tpu.vector_load %arg16[%parallel_loop3A_935, %parallel_loop3A_936] {strides = array<i32>} : memref<16x128xf32, #tpu.memory_space<vmem>>, vector<16xf32>,
        %parallel_loop3A_938 = arith.index_cast %parallel_loop3A_931 : i32 to index
        %parallel_loop3A_939 = arith.constant 32 : index
        %parallel_loop3A_940 = tpu.vector_load %arg16[%parallel_loop3A_938, %parallel_loop3A_939] {strides = array<i32>} : memref<16x128xf32, #tpu.memory_space<vmem>>, vector<16xf32>,
        %parallel_loop3A_941 = arith.index_cast %parallel_loop3A_931 : i32 to index
        %parallel_loop3A_942 = arith.constant 48 : index
        %parallel_loop3A_943 = tpu.vector_load %arg16[%parallel_loop3A_941, %parallel_loop3A_942] {strides = array<i32>} : memref<16x128xf32, #tpu.memory_space<vmem>>, vector<16xf32>,
        %parallel_loop3A_944 = arith.index_cast %parallel_loop3A_931 : i32 to index
        %parallel_loop3A_945 = arith.constant 64 : index
        %parallel_loop3A_946 = tpu.vector_load %arg16[%parallel_loop3A_944, %parallel_loop3A_945] {strides = array<i32>} : memref<16x128xf32, #tpu.memory_space<vmem>>, vector<16xf32>,
        %parallel_loop3A_947 = arith.index_cast %parallel_loop3A_931 : i32 to index
        %parallel_loop3A_948 = arith.constant 80 : index
        %parallel_loop3A_949 = tpu.vector_load %arg16[%parallel_loop3A_947, %parallel_loop3A_948] {strides = array<i32>} : memref<16x128xf32, #tpu.memory_space<vmem>>, vector<16xf32>,
        %parallel_loop3A_950 = arith.index_cast %parallel_loop3A_931 : i32 to index
        %parallel_loop3A_951 = arith.constant 96 : index
        %parallel_loop3A_952 = tpu.vector_load %arg16[%parallel_loop3A_950, %parallel_loop3A_951] {strides = array<i32>} : memref<16x128xf32, #tpu.memory_space<vmem>>, vector<16xf32>,
        %parallel_loop3A_953 = arith.index_cast %parallel_loop3A_931 : i32 to index
        %parallel_loop3A_954 = arith.constant 112 : index
        %parallel_loop3A_955 = tpu.vector_load %arg16[%parallel_loop3A_953, %parallel_loop3A_954] {strides = array<i32>} : memref<16x128xf32, #tpu.memory_space<vmem>>, vector<16xf32>,
        %parallel_loop3A_956 = arith.index_cast %parallel_loop3A_931 : i32 to index
        %parallel_loop3A_957 = arith.constant 0 : index
        %parallel_loop3A_958 = tpu.vector_load %arg20[%parallel_loop3A_956, %parallel_loop3A_957] {strides = array<i32>} : memref<16x128xf32, #tpu.memory_space<vmem>>, vector<16xf32>,
        %parallel_loop3A_959 = arith.addf %parallel_loop3A_934, %parallel_loop3A_958 : vector<16xf32>
        %parallel_loop3A_960 = arith.constant 2.000000e-01 : f32
        %parallel_loop3A_961 = vector.broadcast %parallel_loop3A_960 : f32 to vector<16xf32>
        %parallel_loop3A_962 = arith.mulf %parallel_loop3A_961, %parallel_loop3A_959 : vector<16xf32>
        %parallel_loop3A_963 = arith.maximumf %parallel_loop3A_959, %parallel_loop3A_962 : vector<16xf32>
        %parallel_loop3A_964 = arith.mulf %parallel_loop3A_963, %get3A_107 : vector<16xf32>
        %parallel_loop3A_965 = arith.index_cast %parallel_loop3A_931 : i32 to index
        %parallel_loop3A_966 = arith.constant 16 : index
        %parallel_loop3A_967 = tpu.vector_load %arg20[%parallel_loop3A_965, %parallel_loop3A_966] {strides = array<i32>} : memref<16x128xf32, #tpu.memory_space<vmem>>, vector<16xf32>,
        %parallel_loop3A_968 = arith.addf %parallel_loop3A_937, %parallel_loop3A_967 : vector<16xf32>
        %parallel_loop3A_969 = arith.constant 2.000000e-01 : f32
        %parallel_loop3A_970 = vector.broadcast %parallel_loop3A_969 : f32 to vector<16xf32>
        %parallel_loop3A_971 = arith.mulf %parallel_loop3A_970, %parallel_loop3A_968 : vector<16xf32>
        %parallel_loop3A_972 = arith.maximumf %parallel_loop3A_968, %parallel_loop3A_971 : vector<16xf32>
        %parallel_loop3A_973 = arith.mulf %parallel_loop3A_972, %get3A_109 : vector<16xf32>
        %parallel_loop3A_974 = arith.index_cast %parallel_loop3A_931 : i32 to index
        %parallel_loop3A_975 = arith.constant 32 : index
        %parallel_loop3A_976 = tpu.vector_load %arg20[%parallel_loop3A_974, %parallel_loop3A_975] {strides = array<i32>} : memref<16x128xf32, #tpu.memory_space<vmem>>, vector<16xf32>,
        %parallel_loop3A_977 = arith.addf %parallel_loop3A_940, %parallel_loop3A_976 : vector<16xf32>
        %parallel_loop3A_978 = arith.constant 2.000000e-01 : f32
        %parallel_loop3A_979 = vector.broadcast %parallel_loop3A_978 : f32 to vector<16xf32>
        %parallel_loop3A_980 = arith.mulf %parallel_loop3A_979, %parallel_loop3A_977 : vector<16xf32>
        %parallel_loop3A_981 = arith.maximumf %parallel_loop3A_977, %parallel_loop3A_980 : vector<16xf32>
        %parallel_loop3A_982 = arith.mulf %parallel_loop3A_981, %get3A_111 : vector<16xf32>
        %parallel_loop3A_983 = arith.index_cast %parallel_loop3A_931 : i32 to index
        %parallel_loop3A_984 = arith.constant 48 : index
        %parallel_loop3A_985 = tpu.vector_load %arg20[%parallel_loop3A_983, %parallel_loop3A_984] {strides = array<i32>} : memref<16x128xf32, #tpu.memory_space<vmem>>, vector<16xf32>,
        %parallel_loop3A_986 = arith.addf %parallel_loop3A_943, %parallel_loop3A_985 : vector<16xf32>
        %parallel_loop3A_987 = arith.constant 2.000000e-01 : f32
        %parallel_loop3A_988 = vector.broadcast %parallel_loop3A_987 : f32 to vector<16xf32>
        %parallel_loop3A_989 = arith.mulf %parallel_loop3A_988, %parallel_loop3A_986 : vector<16xf32>
        %parallel_loop3A_990 = arith.maximumf %parallel_loop3A_986, %parallel_loop3A_989 : vector<16xf32>
        %parallel_loop3A_991 = arith.mulf %parallel_loop3A_990, %get3A_113 : vector<16xf32>
        %parallel_loop3A_992 = arith.index_cast %parallel_loop3A_931 : i32 to index
        %parallel_loop3A_993 = arith.constant 64 : index
        %parallel_loop3A_994 = tpu.vector_load %arg20[%parallel_loop3A_992, %parallel_loop3A_993] {strides = array<i32>} : memref<16x128xf32, #tpu.memory_space<vmem>>, vector<16xf32>,
        %parallel_loop3A_995 = arith.addf %parallel_loop3A_946, %parallel_loop3A_994 : vector<16xf32>
        %parallel_loop3A_996 = arith.constant 2.000000e-01 : f32
        %parallel_loop3A_997 = vector.broadcast %parallel_loop3A_996 : f32 to vector<16xf32>
        %parallel_loop3A_998 = arith.mulf %parallel_loop3A_997, %parallel_loop3A_995 : vector<16xf32>
        %parallel_loop3A_999 = arith.maximumf %parallel_loop3A_995, %parallel_loop3A_998 : vector<16xf32>
        %parallel_loop3A_1000 = arith.mulf %parallel_loop3A_999, %get3A_115 : vector<16xf32>
        %parallel_loop3A_1001 = arith.index_cast %parallel_loop3A_931 : i32 to index
        %parallel_loop3A_1002 = arith.constant 80 : index
        %parallel_loop3A_1003 = tpu.vector_load %arg20[%parallel_loop3A_1001, %parallel_loop3A_1002] {strides = array<i32>} : memref<16x128xf32, #tpu.memory_space<vmem>>, vector<16xf32>,
        %parallel_loop3A_1004 = arith.addf %parallel_loop3A_949, %parallel_loop3A_1003 : vector<16xf32>
        %parallel_loop3A_1005 = arith.constant 2.000000e-01 : f32
        %parallel_loop3A_1006 = vector.broadcast %parallel_loop3A_1005 : f32 to vector<16xf32>
        %parallel_loop3A_1007 = arith.mulf %parallel_loop3A_1006, %parallel_loop3A_1004 : vector<16xf32>
        %parallel_loop3A_1008 = arith.maximumf %parallel_loop3A_1004, %parallel_loop3A_1007 : vector<16xf32>
        %parallel_loop3A_1009 = arith.mulf %parallel_loop3A_1008, %get3A_117 : vector<16xf32>
        %parallel_loop3A_1010 = arith.index_cast %parallel_loop3A_931 : i32 to index
        %parallel_loop3A_1011 = arith.constant 96 : index
        %parallel_loop3A_1012 = tpu.vector_load %arg20[%parallel_loop3A_1010, %parallel_loop3A_1011] {strides = array<i32>} : memref<16x128xf32, #tpu.memory_space<vmem>>, vector<16xf32>,
        %parallel_loop3A_1013 = arith.addf %parallel_loop3A_952, %parallel_loop3A_1012 : vector<16xf32>
        %parallel_loop3A_1014 = arith.constant 2.000000e-01 : f32
        %parallel_loop3A_1015 = vector.broadcast %parallel_loop3A_1014 : f32 to vector<16xf32>
        %parallel_loop3A_1016 = arith.mulf %parallel_loop3A_1015, %parallel_loop3A_1013 : vector<16xf32>
        %parallel_loop3A_1017 = arith.maximumf %parallel_loop3A_1013, %parallel_loop3A_1016 : vector<16xf32>
        %parallel_loop3A_1018 = arith.mulf %parallel_loop3A_1017, %get3A_119 : vector<16xf32>
        %parallel_loop3A_1019 = arith.index_cast %parallel_loop3A_931 : i32 to index
        %parallel_loop3A_1020 = arith.constant 112 : index
        %parallel_loop3A_1021 = tpu.vector_load %arg20[%parallel_loop3A_1019, %parallel_loop3A_1020] {strides = array<i32>} : memref<16x128xf32, #tpu.memory_space<vmem>>, vector<16xf32>,
        %parallel_loop3A_1022 = arith.addf %parallel_loop3A_955, %parallel_loop3A_1021 : vector<16xf32>
        %parallel_loop3A_1023 = arith.constant 2.000000e-01 : f32
        %parallel_loop3A_1024 = vector.broadcast %parallel_loop3A_1023 : f32 to vector<16xf32>
        %parallel_loop3A_1025 = arith.mulf %parallel_loop3A_1024, %parallel_loop3A_1022 : vector<16xf32>
        %parallel_loop3A_1026 = arith.maximumf %parallel_loop3A_1022, %parallel_loop3A_1025 : vector<16xf32>
        %parallel_loop3A_1027 = arith.mulf %parallel_loop3A_1026, %get3A_121 : vector<16xf32>
        %parallel_loop3A_1028 = arith.addf %parallel_loop3A_964, %parallel_loop3A_973 : vector<16xf32>
        %parallel_loop3A_1029 = arith.constant true
        %parallel_loop3A_1030 = vector.broadcast %parallel_loop3A_1029 : i1 to vector<16xi1>
        %parallel_loop3A_1031 = tpu.scan <sum>, %parallel_loop3A_1028 masked %parallel_loop3A_1030 : vector<16xf32>, vector<16xi1> -> vector<16xf32>
        %parallel_loop3A_1032 = vector.extract %parallel_loop3A_1031[15] : f32 from vector<16xf32>
        %parallel_loop3A_1033 = vector.broadcast %parallel_loop3A_1032 : f32 to vector<16xf32>
        %parallel_loop3A_1034 = math.exp %parallel_loop3A_1033 : vector<16xf32>
        %parallel_loop3A_1035 = arith.addf %parallel_loop3A_982, %parallel_loop3A_991 : vector<16xf32>
        %parallel_loop3A_1036 = arith.constant true
        %parallel_loop3A_1037 = vector.broadcast %parallel_loop3A_1036 : i1 to vector<16xi1>
        %parallel_loop3A_1038 = tpu.scan <sum>, %parallel_loop3A_1035 masked %parallel_loop3A_1037 : vector<16xf32>, vector<16xi1> -> vector<16xf32>
        %parallel_loop3A_1039 = vector.extract %parallel_loop3A_1038[15] : f32 from vector<16xf32>
        %parallel_loop3A_1040 = vector.broadcast %parallel_loop3A_1039 : f32 to vector<16xf32>
        %parallel_loop3A_1041 = math.exp %parallel_loop3A_1040 : vector<16xf32>
        %parallel_loop3A_1042 = arith.addf %parallel_loop3A_1000, %parallel_loop3A_1009 : vector<16xf32>
        %parallel_loop3A_1043 = arith.constant true
        %parallel_loop3A_1044 = vector.broadcast %parallel_loop3A_1043 : i1 to vector<16xi1>
        %parallel_loop3A_1045 = tpu.scan <sum>, %parallel_loop3A_1042 masked %parallel_loop3A_1044 : vector<16xf32>, vector<16xi1> -> vector<16xf32>
        %parallel_loop3A_1046 = vector.extract %parallel_loop3A_1045[15] : f32 from vector<16xf32>
        %parallel_loop3A_1047 = vector.broadcast %parallel_loop3A_1046 : f32 to vector<16xf32>
        %parallel_loop3A_1048 = math.exp %parallel_loop3A_1047 : vector<16xf32>
        %parallel_loop3A_1049 = arith.addf %parallel_loop3A_1018, %parallel_loop3A_1027 : vector<16xf32>
        %parallel_loop3A_1050 = arith.constant true
        %parallel_loop3A_1051 = vector.broadcast %parallel_loop3A_1050 : i1 to vector<16xi1>
        %parallel_loop3A_1052 = tpu.scan <sum>, %parallel_loop3A_1049 masked %parallel_loop3A_1051 : vector<16xf32>, vector<16xi1> -> vector<16xf32>
        %parallel_loop3A_1053 = vector.extract %parallel_loop3A_1052[15] : f32 from vector<16xf32>
        %parallel_loop3A_1054 = vector.broadcast %parallel_loop3A_1053 : f32 to vector<16xf32>
        %parallel_loop3A_1055 = math.exp %parallel_loop3A_1054 : vector<16xf32>
        %parallel_loop3A_1056 = arith.select %eq3A_129, %parallel_loop3A_1048, %parallel_loop3A_1055 : vector<16xi1>, vector<16xf32>
        %parallel_loop3A_1057 = arith.select %eq3A_126, %parallel_loop3A_1041, %parallel_loop3A_1056 : vector<16xi1>, vector<16xf32>
        %parallel_loop3A_1058 = arith.select %eq3A_123, %parallel_loop3A_1034, %parallel_loop3A_1057 : vector<16xi1>, vector<16xf32>
        %parallel_loop3A_1059 = arith.index_cast %parallel_loop3A_931 : i32 to index
        %parallel_loop3A_1060 = arith.constant 128 : index
        %parallel_loop3A_1061 = tpu.vector_load %arg24[%parallel_loop3A_1059, %parallel_loop3A_1060] {strides = array<i32>} : memref<16x144xf32, #tpu.memory_space<vmem>>, vector<16xf32>,
        tpu.vector_store %arg24[%parallel_loop3A_1059, %parallel_loop3A_1060], %parallel_loop3A_1058 {strides = array<i32>} : memref<16x144xf32, #tpu.memory_space<vmem>>, vector<16xf32>,
        %parallel_loop3A_1062 = arith.mulf %parallel_loop3A_934, %parallel_loop3A_1034 : vector<16xf32>
        %parallel_loop3A_1063 = arith.index_cast %parallel_loop3A_931 : i32 to index
        %parallel_loop3A_1064 = arith.constant 0 : index
        %parallel_loop3A_1065 = tpu.vector_load %arg24[%parallel_loop3A_1063, %parallel_loop3A_1064] {strides = array<i32>} : memref<16x144xf32, #tpu.memory_space<vmem>>, vector<16xf32>,
        tpu.vector_store %arg24[%parallel_loop3A_1063, %parallel_loop3A_1064], %parallel_loop3A_1062 {strides = array<i32>} : memref<16x144xf32, #tpu.memory_space<vmem>>, vector<16xf32>,
        %parallel_loop3A_1066 = arith.mulf %parallel_loop3A_937, %parallel_loop3A_1034 : vector<16xf32>
        %parallel_loop3A_1067 = arith.index_cast %parallel_loop3A_931 : i32 to index
        %parallel_loop3A_1068 = arith.constant 16 : index
        %parallel_loop3A_1069 = tpu.vector_load %arg24[%parallel_loop3A_1067, %parallel_loop3A_1068] {strides = array<i32>} : memref<16x144xf32, #tpu.memory_space<vmem>>, vector<16xf32>,
        tpu.vector_store %arg24[%parallel_loop3A_1067, %parallel_loop3A_1068], %parallel_loop3A_1066 {strides = array<i32>} : memref<16x144xf32, #tpu.memory_space<vmem>>, vector<16xf32>,
        %parallel_loop3A_1070 = arith.mulf %parallel_loop3A_940, %parallel_loop3A_1041 : vector<16xf32>
        %parallel_loop3A_1071 = arith.index_cast %parallel_loop3A_931 : i32 to index
        %parallel_loop3A_1072 = arith.constant 32 : index
        %parallel_loop3A_1073 = tpu.vector_load %arg24[%parallel_loop3A_1071, %parallel_loop3A_1072] {strides = array<i32>} : memref<16x144xf32, #tpu.memory_space<vmem>>, vector<16xf32>,
        tpu.vector_store %arg24[%parallel_loop3A_1071, %parallel_loop3A_1072], %parallel_loop3A_1070 {strides = array<i32>} : memref<16x144xf32, #tpu.memory_space<vmem>>, vector<16xf32>,
        %parallel_loop3A_1074 = arith.mulf %parallel_loop3A_943, %parallel_loop3A_1041 : vector<16xf32>
        %parallel_loop3A_1075 = arith.index_cast %parallel_loop3A_931 : i32 to index
        %parallel_loop3A_1076 = arith.constant 48 : index
        %parallel_loop3A_1077 = tpu.vector_load %arg24[%parallel_loop3A_1075, %parallel_loop3A_1076] {strides = array<i32>} : memref<16x144xf32, #tpu.memory_space<vmem>>, vector<16xf32>,
        tpu.vector_store %arg24[%parallel_loop3A_1075, %parallel_loop3A_1076], %parallel_loop3A_1074 {strides = array<i32>} : memref<16x144xf32, #tpu.memory_space<vmem>>, vector<16xf32>,
        %parallel_loop3A_1078 = arith.mulf %parallel_loop3A_946, %parallel_loop3A_1048 : vector<16xf32>
        %parallel_loop3A_1079 = arith.index_cast %parallel_loop3A_931 : i32 to index
        %parallel_loop3A_1080 = arith.constant 64 : index
        %parallel_loop3A_1081 = tpu.vector_load %arg24[%parallel_loop3A_1079, %parallel_loop3A_1080] {strides = array<i32>} : memref<16x144xf32, #tpu.memory_space<vmem>>, vector<16xf32>,
        tpu.vector_store %arg24[%parallel_loop3A_1079, %parallel_loop3A_1080], %parallel_loop3A_1078 {strides = array<i32>} : memref<16x144xf32, #tpu.memory_space<vmem>>, vector<16xf32>,
        %parallel_loop3A_1082 = arith.mulf %parallel_loop3A_949, %parallel_loop3A_1048 : vector<16xf32>
        %parallel_loop3A_1083 = arith.index_cast %parallel_loop3A_931 : i32 to index
        %parallel_loop3A_1084 = arith.constant 80 : index
        %parallel_loop3A_1085 = tpu.vector_load %arg24[%parallel_loop3A_1083, %parallel_loop3A_1084] {strides = array<i32>} : memref<16x144xf32, #tpu.memory_space<vmem>>, vector<16xf32>,
        tpu.vector_store %arg24[%parallel_loop3A_1083, %parallel_loop3A_1084], %parallel_loop3A_1082 {strides = array<i32>} : memref<16x144xf32, #tpu.memory_space<vmem>>, vector<16xf32>,
        %parallel_loop3A_1086 = arith.mulf %parallel_loop3A_952, %parallel_loop3A_1055 : vector<16xf32>
        %parallel_loop3A_1087 = arith.index_cast %parallel_loop3A_931 : i32 to index
        %parallel_loop3A_1088 = arith.constant 96 : index
        %parallel_loop3A_1089 = tpu.vector_load %arg24[%parallel_loop3A_1087, %parallel_loop3A_1088] {strides = array<i32>} : memref<16x144xf32, #tpu.memory_space<vmem>>, vector<16xf32>,
        tpu.vector_store %arg24[%parallel_loop3A_1087, %parallel_loop3A_1088], %parallel_loop3A_1086 {strides = array<i32>} : memref<16x144xf32, #tpu.memory_space<vmem>>, vector<16xf32>,
        %parallel_loop3A_1090 = arith.mulf %parallel_loop3A_955, %parallel_loop3A_1055 : vector<16xf32>
        %parallel_loop3A_1091 = arith.index_cast %parallel_loop3A_931 : i32 to index
        %parallel_loop3A_1092 = arith.constant 112 : index
        %parallel_loop3A_1093 = tpu.vector_load %arg24[%parallel_loop3A_1091, %parallel_loop3A_1092] {strides = array<i32>} : memref<16x144xf32, #tpu.memory_space<vmem>>, vector<16xf32>,
        tpu.vector_store %arg24[%parallel_loop3A_1091, %parallel_loop3A_1092], %parallel_loop3A_1090 {strides = array<i32>} : memref<16x144xf32, #tpu.memory_space<vmem>>, vector<16xf32>,
      } {sc.loop_unroll_factor = 4 : i64, sc.parallel_access}
      %dma_start3A_836 = arith.constant 3 : i32
      %dma_start3A_837 = arith.constant 0 : i32
      %dma_start3A_838 = tpu.memref_slice %arg12[%dma_start3A_836, %dma_start3A_837] : memref<4x16xi32, #tpu.memory_space<vmem>> -> memref<1x16xi32, #tpu.memory_space<vmem>>
      %dma_start3A_839 = tpu.memref_squeeze %dma_start3A_838 : memref<1x16xi32, #tpu.memory_space<vmem>> -> memref<16xi32, #tpu.memory_space<vmem>>
      %dma_start3A_840 = arith.constant 0 : i32
      %dma_start3A_841 = arith.constant 0 : i32
      %dma_start3A_842 = tpu.memref_slice %arg27[%dma_start3A_840, %dma_start3A_841] : memref<10000x144xf32, #tpu.memory_space<vmem_shared>> -> memref<10000x144xf32, #tpu.memory_space<vmem_shared>>
      tpu.enqueue_indirect_dma source(%arg24 : memref<16x144xf32, #tpu.memory_space<vmem>>) target(%dma_start3A_842 : memref<10000x144xf32, #tpu.memory_space<vmem_shared>>) offsets(%dma_start3A_839 : memref<16xi32, #tpu.memory_space<vmem>>) semaphore(%arg39 : memref<!tpu.dma_semaphore, #tpu.memory_space<semaphore_mem>>) {add = true}
      %add3A_843 = arith.constant 4 : i32
      %add3A_844 = arith.addi %add3A_805, %add3A_843 : i32
      %rem3A_845 = arith.constant 625 : i32
      %rem3A_846 = arith.remsi %add3A_844, %rem3A_845 : i32
      %jit3A_847 = arith.constant 2 : i32
      %div3A_848 = arith.divsi %rem3A_846, %jit3A_847 : i32
      %sign3A_849 = arith.constant 0 : i32
      %sign3A_850 = arith.cmpi sgt, %rem3A_846, %sign3A_849 : i32
      %sign3A_851 = arith.extui %sign3A_850 : i1 to i32
      %sign3A_852 = arith.constant 0 : i32
      %sign3A_853 = arith.cmpi slt, %rem3A_846, %sign3A_852 : i32
      %sign3A_854 = arith.extui %sign3A_853 : i1 to i32
      %sign3A_855 = arith.subi %sign3A_851, %sign3A_854 : i32
      %sign3A_856 = arith.constant 0 : i32
      %sign3A_857 = arith.cmpi sgt, %jit3A_847, %sign3A_856 : i32
      %sign3A_858 = arith.extui %sign3A_857 : i1 to i32
      %sign3A_859 = arith.constant 0 : i32
      %sign3A_860 = arith.cmpi slt, %jit3A_847, %sign3A_859 : i32
      %sign3A_861 = arith.extui %sign3A_860 : i1 to i32
      %sign3A_862 = arith.subi %sign3A_858, %sign3A_861 : i32
      %ne3A_863 = arith.cmpi ne, %sign3A_855, %sign3A_862 : i32
      %rem3A_864 = arith.remsi %rem3A_846, %jit3A_847 : i32
      %ne3A_865 = arith.constant 0 : i32
      %ne3A_866 = arith.cmpi ne, %rem3A_864, %ne3A_865 : i32
      %and3A_867 = arith.andi %ne3A_863, %ne3A_866 : i1
      %sub3A_868 = arith.constant 1 : i32
      %sub3A_869 = arith.subi %div3A_848, %sub3A_868 : i32
      %select_n3A_870 = arith.select %and3A_867, %sub3A_869, %div3A_848 : i32
      %jit3A_871 = arith.constant 2 : i32
      %eq3A_872 = arith.constant 0 : i32
      %eq3A_873 = arith.cmpi eq, %jit3A_871, %eq3A_872 : i32
      %jit3A_874 = arith.constant 1 : i32
      %select_n3A_875 = arith.select %eq3A_873, %jit3A_874, %jit3A_871 : i32
      %rem3A_876 = arith.remsi %rem3A_846, %select_n3A_875 : i32
      %ne3A_877 = arith.constant 0 : i32
      %ne3A_878 = arith.cmpi ne, %rem3A_876, %ne3A_877 : i32
      %lt3A_879 = arith.constant 0 : i32
      %lt3A_880 = arith.cmpi slt, %rem3A_876, %lt3A_879 : i32
      %lt3A_881 = arith.constant 0 : i32
      %lt3A_882 = arith.cmpi slt, %select_n3A_875, %lt3A_881 : i32
      %ne3A_883 = arith.xori %lt3A_880, %lt3A_882 : i1
      %and3A_884 = arith.andi %ne3A_883, %ne3A_878 : i1
      %add3A_885 = arith.addi %rem3A_876, %select_n3A_875 : i32
      %select_n3A_886 = arith.select %and3A_884, %add3A_885, %rem3A_876 : i32
      %eq3A_887 = arith.constant 1 : i32
      %eq3A_888 = arith.cmpi eq, %select_n3A_886, %eq3A_887 : i32
      %get3A_889 = arith.index_cast %select_n3A_870 : i32 to index
      %get3A_890 = arith.constant 0 : index
      %get3A_891 = tpu.vector_load %arg8[%get3A_889, %get3A_890] {strides = array<i32>} : memref<313x16xi32, #tpu.memory_space<vmem>>, vector<16xi32>,
      %get3A_892 = arith.index_cast %select_n3A_870 : i32 to index
      %get3A_893 = arith.constant 0 : index
      %get3A_894 = tpu.vector_load %arg9[%get3A_892, %get3A_893] {strides = array<i32>} : memref<313x16xi32, #tpu.memory_space<vmem>>, vector<16xi32>,
      %and3A_895 = arith.constant 65535 : i32
      %and3A_896 = vector.broadcast %and3A_895 : i32 to vector<16xi32>
      %and3A_897 = arith.andi %get3A_891, %and3A_896 : vector<16xi32>
      %shift_right_logical3A_898 = arith.constant 16 : i32
      %shift_right_logical3A_899 = vector.broadcast %shift_right_logical3A_898 : i32 to vector<16xi32>
      %shift_right_logical3A_900 = arith.shrui %get3A_891, %shift_right_logical3A_899 : vector<16xi32>
      %and3A_901 = arith.constant 65535 : i32
      %and3A_902 = vector.broadcast %and3A_901 : i32 to vector<16xi32>
      %and3A_903 = arith.andi %get3A_894, %and3A_902 : vector<16xi32>
      %shift_right_logical3A_904 = arith.constant 16 : i32
      %shift_right_logical3A_905 = vector.broadcast %shift_right_logical3A_904 : i32 to vector<16xi32>
      %shift_right_logical3A_906 = arith.shrui %get3A_894, %shift_right_logical3A_905 : vector<16xi32>
      %select_n3A_907 = arith.select %eq3A_888, %shift_right_logical3A_900, %and3A_897 : vector<16xi32>
      %swap3A_908 = arith.constant 3 : i32
      %swap3A_909 = arith.index_cast %swap3A_908 : i32 to index
      %swap3A_910 = arith.constant 0 : index
      %swap3A_911 = tpu.vector_load %arg10[%swap3A_909, %swap3A_910] {strides = array<i32>} : memref<4x16xi32, #tpu.memory_space<vmem>>, vector<16xi32>,
      tpu.vector_store %arg10[%swap3A_909, %swap3A_910], %select_n3A_907 {strides = array<i32>} : memref<4x16xi32, #tpu.memory_space<vmem>>, vector<16xi32>,
      %select_n3A_912 = arith.select %eq3A_888, %shift_right_logical3A_906, %and3A_903 : vector<16xi32>
      %swap3A_913 = arith.constant 3 : i32
      %swap3A_914 = arith.index_cast %swap3A_913 : i32 to index
      %swap3A_915 = arith.constant 0 : index
      %swap3A_916 = tpu.vector_load %arg11[%swap3A_914, %swap3A_915] {strides = array<i32>} : memref<4x16xi32, #tpu.memory_space<vmem>>, vector<16xi32>,
      tpu.vector_store %arg11[%swap3A_914, %swap3A_915], %select_n3A_912 {strides = array<i32>} : memref<4x16xi32, #tpu.memory_space<vmem>>, vector<16xi32>,
      %dma_start3A_917 = arith.constant 3 : i32
      %dma_start3A_918 = arith.constant 0 : i32
      %dma_start3A_919 = tpu.memref_slice %arg10[%dma_start3A_917, %dma_start3A_918] : memref<4x16xi32, #tpu.memory_space<vmem>> -> memref<1x16xi32, #tpu.memory_space<vmem>>
      %dma_start3A_920 = tpu.memref_squeeze %dma_start3A_919 : memref<1x16xi32, #tpu.memory_space<vmem>> -> memref<16xi32, #tpu.memory_space<vmem>>
      %dma_start3A_921 = arith.constant 0 : i32
      %dma_start3A_922 = arith.constant 0 : i32
      %dma_start3A_923 = tpu.memref_slice %arg4[%dma_start3A_921, %dma_start3A_922] : memref<10000x128xf32, #tpu.memory_space<hbm>> -> memref<10000x128xf32, #tpu.memory_space<hbm>>
      tpu.enqueue_indirect_dma source(%dma_start3A_923 : memref<10000x128xf32, #tpu.memory_space<hbm>>) target(%arg16 : memref<16x128xf32, #tpu.memory_space<vmem>>) offsets(%dma_start3A_920 : memref<16xi32, #tpu.memory_space<vmem>>) semaphore(%arg31 : memref<!tpu.dma_semaphore, #tpu.memory_space<semaphore_mem>>)
      %dma_start3A_924 = arith.constant 3 : i32
      %dma_start3A_925 = arith.constant 0 : i32
      %dma_start3A_926 = tpu.memref_slice %arg11[%dma_start3A_924, %dma_start3A_925] : memref<4x16xi32, #tpu.memory_space<vmem>> -> memref<1x16xi32, #tpu.memory_space<vmem>>
      %dma_start3A_927 = tpu.memref_squeeze %dma_start3A_926 : memref<1x16xi32, #tpu.memory_space<vmem>> -> memref<16xi32, #tpu.memory_space<vmem>>
      %dma_start3A_928 = arith.constant 0 : i32
      %dma_start3A_929 = arith.constant 0 : i32
      %dma_start3A_930 = tpu.memref_slice %arg5[%dma_start3A_928, %dma_start3A_929] : memref<10000x128xf32, #tpu.memory_space<hbm>> -> memref<10000x128xf32, #tpu.memory_space<hbm>>
      tpu.enqueue_indirect_dma source(%dma_start3A_930 : memref<10000x128xf32, #tpu.memory_space<hbm>>) target(%arg20 : memref<16x128xf32, #tpu.memory_space<vmem>>) offsets(%dma_start3A_927 : memref<16xi32, #tpu.memory_space<vmem>>) semaphore(%arg35 : memref<!tpu.dma_semaphore, #tpu.memory_space<semaphore_mem>>)
    }
    %scan3A_313 = arith.constant 156 : i32
    %dma_wait3A = arith.constant 0 : i32
    %dma_wait3A_314 = arith.constant 0 : i32
    %dma_wait3A_315 = tpu.memref_slice %arg10[%dma_wait3A, %dma_wait3A_314] : memref<4x16xi32, #tpu.memory_space<vmem>> -> memref<1x16xi32, #tpu.memory_space<vmem>>
    %dma_wait3A_316 = tpu.memref_squeeze %dma_wait3A_315 : memref<1x16xi32, #tpu.memory_space<vmem>> -> memref<16xi32, #tpu.memory_space<vmem>>
    %dma_wait3A_317 = arith.constant 0 : i32
    %dma_wait3A_318 = arith.constant 0 : i32
    %dma_wait3A_319 = tpu.memref_slice %arg4[%dma_wait3A_317, %dma_wait3A_318] : memref<10000x128xf32, #tpu.memory_space<hbm>> -> memref<10000x128xf32, #tpu.memory_space<hbm>>
    tpu.wait_indirect_dma semaphore(%arg28 : memref<!tpu.dma_semaphore, #tpu.memory_space<semaphore_mem>>) src(%dma_wait3A_319 : memref<10000x128xf32, #tpu.memory_space<hbm>>) dst(%arg13 : memref<16x128xf32, #tpu.memory_space<vmem>>)
    %dma_wait3A_320 = arith.constant 0 : i32
    %dma_wait3A_321 = arith.constant 0 : i32
    %dma_wait3A_322 = tpu.memref_slice %arg11[%dma_wait3A_320, %dma_wait3A_321] : memref<4x16xi32, #tpu.memory_space<vmem>> -> memref<1x16xi32, #tpu.memory_space<vmem>>
    %dma_wait3A_323 = tpu.memref_squeeze %dma_wait3A_322 : memref<1x16xi32, #tpu.memory_space<vmem>> -> memref<16xi32, #tpu.memory_space<vmem>>
    %dma_wait3A_324 = arith.constant 0 : i32
    %dma_wait3A_325 = arith.constant 0 : i32
    %dma_wait3A_326 = tpu.memref_slice %arg5[%dma_wait3A_324, %dma_wait3A_325] : memref<10000x128xf32, #tpu.memory_space<hbm>> -> memref<10000x128xf32, #tpu.memory_space<hbm>>
    tpu.wait_indirect_dma semaphore(%arg32 : memref<!tpu.dma_semaphore, #tpu.memory_space<semaphore_mem>>) src(%dma_wait3A_326 : memref<10000x128xf32, #tpu.memory_space<hbm>>) dst(%arg17 : memref<16x128xf32, #tpu.memory_space<vmem>>)
    %dma_wait3A_327 = arith.constant 0 : i32
    %dma_wait3A_328 = arith.constant 0 : i32
    %dma_wait3A_329 = tpu.memref_slice %arg12[%dma_wait3A_327, %dma_wait3A_328] : memref<4x16xi32, #tpu.memory_space<vmem>> -> memref<1x16xi32, #tpu.memory_space<vmem>>
    %dma_wait3A_330 = tpu.memref_squeeze %dma_wait3A_329 : memref<1x16xi32, #tpu.memory_space<vmem>> -> memref<16xi32, #tpu.memory_space<vmem>>
    %dma_wait3A_331 = arith.constant 0 : i32
    %dma_wait3A_332 = arith.constant 0 : i32
    %dma_wait3A_333 = tpu.memref_slice %arg27[%dma_wait3A_331, %dma_wait3A_332] : memref<10000x144xf32, #tpu.memory_space<vmem_shared>> -> memref<10000x144xf32, #tpu.memory_space<vmem_shared>>
    tpu.wait_indirect_dma semaphore(%arg36 : memref<!tpu.dma_semaphore, #tpu.memory_space<semaphore_mem>>) src(%arg21 : memref<16x144xf32, #tpu.memory_space<vmem>>) dst(%dma_wait3A_333 : memref<10000x144xf32, #tpu.memory_space<vmem_shared>>)
    %get3A_334 = arith.constant 0 : i32
    %get3A_335 = arith.index_cast %get3A_334 : i32 to index
    %get3A_336 = arith.constant 0 : index
    %get3A_337 = tpu.vector_load %arg11[%get3A_335, %get3A_336] {strides = array<i32>} : memref<4x16xi32, #tpu.memory_space<vmem>>, vector<16xi32>,
    %swap3A_338 = arith.constant 0 : i32
    %swap3A_339 = arith.index_cast %swap3A_338 : i32 to index
    %swap3A_340 = arith.constant 0 : index
    %swap3A_341 = tpu.vector_load %arg12[%swap3A_339, %swap3A_340] {strides = array<i32>} : memref<4x16xi32, #tpu.memory_space<vmem>>, vector<16xi32>,
    tpu.vector_store %arg12[%swap3A_339, %swap3A_340], %get3A_337 {strides = array<i32>} : memref<4x16xi32, #tpu.memory_space<vmem>>, vector<16xi32>,
    %parallel_loop3A = arith.constant 0 : i32
    %parallel_loop3A_342 = arith.constant 16 : i32
    %parallel_loop3A_343 = arith.constant 1 : i32
    scf.for %parallel_loop3A_429 = %parallel_loop3A to %parallel_loop3A_342 step %parallel_loop3A_343  : i32 {
      %parallel_loop3A_430 = arith.index_cast %parallel_loop3A_429 : i32 to index
      %parallel_loop3A_431 = arith.constant 0 : index
      %parallel_loop3A_432 = tpu.vector_load %arg13[%parallel_loop3A_430, %parallel_loop3A_431] {strides = array<i32>} : memref<16x128xf32, #tpu.memory_space<vmem>>, vector<16xf32>,
      %parallel_loop3A_433 = arith.index_cast %parallel_loop3A_429 : i32 to index
      %parallel_loop3A_434 = arith.constant 16 : index
      %parallel_loop3A_435 = tpu.vector_load %arg13[%parallel_loop3A_433, %parallel_loop3A_434] {strides = array<i32>} : memref<16x128xf32, #tpu.memory_space<vmem>>, vector<16xf32>,
      %parallel_loop3A_436 = arith.index_cast %parallel_loop3A_429 : i32 to index
      %parallel_loop3A_437 = arith.constant 32 : index
      %parallel_loop3A_438 = tpu.vector_load %arg13[%parallel_loop3A_436, %parallel_loop3A_437] {strides = array<i32>} : memref<16x128xf32, #tpu.memory_space<vmem>>, vector<16xf32>,
      %parallel_loop3A_439 = arith.index_cast %parallel_loop3A_429 : i32 to index
      %parallel_loop3A_440 = arith.constant 48 : index
      %parallel_loop3A_441 = tpu.vector_load %arg13[%parallel_loop3A_439, %parallel_loop3A_440] {strides = array<i32>} : memref<16x128xf32, #tpu.memory_space<vmem>>, vector<16xf32>,
      %parallel_loop3A_442 = arith.index_cast %parallel_loop3A_429 : i32 to index
      %parallel_loop3A_443 = arith.constant 64 : index
      %parallel_loop3A_444 = tpu.vector_load %arg13[%parallel_loop3A_442, %parallel_loop3A_443] {strides = array<i32>} : memref<16x128xf32, #tpu.memory_space<vmem>>, vector<16xf32>,
      %parallel_loop3A_445 = arith.index_cast %parallel_loop3A_429 : i32 to index
      %parallel_loop3A_446 = arith.constant 80 : index
      %parallel_loop3A_447 = tpu.vector_load %arg13[%parallel_loop3A_445, %parallel_loop3A_446] {strides = array<i32>} : memref<16x128xf32, #tpu.memory_space<vmem>>, vector<16xf32>,
      %parallel_loop3A_448 = arith.index_cast %parallel_loop3A_429 : i32 to index
      %parallel_loop3A_449 = arith.constant 96 : index
      %parallel_loop3A_450 = tpu.vector_load %arg13[%parallel_loop3A_448, %parallel_loop3A_449] {strides = array<i32>} : memref<16x128xf32, #tpu.memory_space<vmem>>, vector<16xf32>,
      %parallel_loop3A_451 = arith.index_cast %parallel_loop3A_429 : i32 to index
      %parallel_loop3A_452 = arith.constant 112 : index
      %parallel_loop3A_453 = tpu.vector_load %arg13[%parallel_loop3A_451, %parallel_loop3A_452] {strides = array<i32>} : memref<16x128xf32, #tpu.memory_space<vmem>>, vector<16xf32>,
      %parallel_loop3A_454 = arith.index_cast %parallel_loop3A_429 : i32 to index
      %parallel_loop3A_455 = arith.constant 0 : index
      %parallel_loop3A_456 = tpu.vector_load %arg17[%parallel_loop3A_454, %parallel_loop3A_455] {strides = array<i32>} : memref<16x128xf32, #tpu.memory_space<vmem>>, vector<16xf32>,
      %parallel_loop3A_457 = arith.addf %parallel_loop3A_432, %parallel_loop3A_456 : vector<16xf32>
      %parallel_loop3A_458 = arith.constant 2.000000e-01 : f32
      %parallel_loop3A_459 = vector.broadcast %parallel_loop3A_458 : f32 to vector<16xf32>
      %parallel_loop3A_460 = arith.mulf %parallel_loop3A_459, %parallel_loop3A_457 : vector<16xf32>
      %parallel_loop3A_461 = arith.maximumf %parallel_loop3A_457, %parallel_loop3A_460 : vector<16xf32>
      %parallel_loop3A_462 = arith.mulf %parallel_loop3A_461, %get3A_107 : vector<16xf32>
      %parallel_loop3A_463 = arith.index_cast %parallel_loop3A_429 : i32 to index
      %parallel_loop3A_464 = arith.constant 16 : index
      %parallel_loop3A_465 = tpu.vector_load %arg17[%parallel_loop3A_463, %parallel_loop3A_464] {strides = array<i32>} : memref<16x128xf32, #tpu.memory_space<vmem>>, vector<16xf32>,
      %parallel_loop3A_466 = arith.addf %parallel_loop3A_435, %parallel_loop3A_465 : vector<16xf32>
      %parallel_loop3A_467 = arith.constant 2.000000e-01 : f32
      %parallel_loop3A_468 = vector.broadcast %parallel_loop3A_467 : f32 to vector<16xf32>
      %parallel_loop3A_469 = arith.mulf %parallel_loop3A_468, %parallel_loop3A_466 : vector<16xf32>
      %parallel_loop3A_470 = arith.maximumf %parallel_loop3A_466, %parallel_loop3A_469 : vector<16xf32>
      %parallel_loop3A_471 = arith.mulf %parallel_loop3A_470, %get3A_109 : vector<16xf32>
      %parallel_loop3A_472 = arith.index_cast %parallel_loop3A_429 : i32 to index
      %parallel_loop3A_473 = arith.constant 32 : index
      %parallel_loop3A_474 = tpu.vector_load %arg17[%parallel_loop3A_472, %parallel_loop3A_473] {strides = array<i32>} : memref<16x128xf32, #tpu.memory_space<vmem>>, vector<16xf32>,
      %parallel_loop3A_475 = arith.addf %parallel_loop3A_438, %parallel_loop3A_474 : vector<16xf32>
      %parallel_loop3A_476 = arith.constant 2.000000e-01 : f32
      %parallel_loop3A_477 = vector.broadcast %parallel_loop3A_476 : f32 to vector<16xf32>
      %parallel_loop3A_478 = arith.mulf %parallel_loop3A_477, %parallel_loop3A_475 : vector<16xf32>
      %parallel_loop3A_479 = arith.maximumf %parallel_loop3A_475, %parallel_loop3A_478 : vector<16xf32>
      %parallel_loop3A_480 = arith.mulf %parallel_loop3A_479, %get3A_111 : vector<16xf32>
      %parallel_loop3A_481 = arith.index_cast %parallel_loop3A_429 : i32 to index
      %parallel_loop3A_482 = arith.constant 48 : index
      %parallel_loop3A_483 = tpu.vector_load %arg17[%parallel_loop3A_481, %parallel_loop3A_482] {strides = array<i32>} : memref<16x128xf32, #tpu.memory_space<vmem>>, vector<16xf32>,
      %parallel_loop3A_484 = arith.addf %parallel_loop3A_441, %parallel_loop3A_483 : vector<16xf32>
      %parallel_loop3A_485 = arith.constant 2.000000e-01 : f32
      %parallel_loop3A_486 = vector.broadcast %parallel_loop3A_485 : f32 to vector<16xf32>
      %parallel_loop3A_487 = arith.mulf %parallel_loop3A_486, %parallel_loop3A_484 : vector<16xf32>
      %parallel_loop3A_488 = arith.maximumf %parallel_loop3A_484, %parallel_loop3A_487 : vector<16xf32>
      %parallel_loop3A_489 = arith.mulf %parallel_loop3A_488, %get3A_113 : vector<16xf32>
      %parallel_loop3A_490 = arith.index_cast %parallel_loop3A_429 : i32 to index
      %parallel_loop3A_491 = arith.constant 64 : index
      %parallel_loop3A_492 = tpu.vector_load %arg17[%parallel_loop3A_490, %parallel_loop3A_491] {strides = array<i32>} : memref<16x128xf32, #tpu.memory_space<vmem>>, vector<16xf32>,
      %parallel_loop3A_493 = arith.addf %parallel_loop3A_444, %parallel_loop3A_492 : vector<16xf32>
      %parallel_loop3A_494 = arith.constant 2.000000e-01 : f32
      %parallel_loop3A_495 = vector.broadcast %parallel_loop3A_494 : f32 to vector<16xf32>
      %parallel_loop3A_496 = arith.mulf %parallel_loop3A_495, %parallel_loop3A_493 : vector<16xf32>
      %parallel_loop3A_497 = arith.maximumf %parallel_loop3A_493, %parallel_loop3A_496 : vector<16xf32>
      %parallel_loop3A_498 = arith.mulf %parallel_loop3A_497, %get3A_115 : vector<16xf32>
      %parallel_loop3A_499 = arith.index_cast %parallel_loop3A_429 : i32 to index
      %parallel_loop3A_500 = arith.constant 80 : index
      %parallel_loop3A_501 = tpu.vector_load %arg17[%parallel_loop3A_499, %parallel_loop3A_500] {strides = array<i32>} : memref<16x128xf32, #tpu.memory_space<vmem>>, vector<16xf32>,
      %parallel_loop3A_502 = arith.addf %parallel_loop3A_447, %parallel_loop3A_501 : vector<16xf32>
      %parallel_loop3A_503 = arith.constant 2.000000e-01 : f32
      %parallel_loop3A_504 = vector.broadcast %parallel_loop3A_503 : f32 to vector<16xf32>
      %parallel_loop3A_505 = arith.mulf %parallel_loop3A_504, %parallel_loop3A_502 : vector<16xf32>
      %parallel_loop3A_506 = arith.maximumf %parallel_loop3A_502, %parallel_loop3A_505 : vector<16xf32>
      %parallel_loop3A_507 = arith.mulf %parallel_loop3A_506, %get3A_117 : vector<16xf32>
      %parallel_loop3A_508 = arith.index_cast %parallel_loop3A_429 : i32 to index
      %parallel_loop3A_509 = arith.constant 96 : index
      %parallel_loop3A_510 = tpu.vector_load %arg17[%parallel_loop3A_508, %parallel_loop3A_509] {strides = array<i32>} : memref<16x128xf32, #tpu.memory_space<vmem>>, vector<16xf32>,
      %parallel_loop3A_511 = arith.addf %parallel_loop3A_450, %parallel_loop3A_510 : vector<16xf32>
      %parallel_loop3A_512 = arith.constant 2.000000e-01 : f32
      %parallel_loop3A_513 = vector.broadcast %parallel_loop3A_512 : f32 to vector<16xf32>
      %parallel_loop3A_514 = arith.mulf %parallel_loop3A_513, %parallel_loop3A_511 : vector<16xf32>
      %parallel_loop3A_515 = arith.maximumf %parallel_loop3A_511, %parallel_loop3A_514 : vector<16xf32>
      %parallel_loop3A_516 = arith.mulf %parallel_loop3A_515, %get3A_119 : vector<16xf32>
      %parallel_loop3A_517 = arith.index_cast %parallel_loop3A_429 : i32 to index
      %parallel_loop3A_518 = arith.constant 112 : index
      %parallel_loop3A_519 = tpu.vector_load %arg17[%parallel_loop3A_517, %parallel_loop3A_518] {strides = array<i32>} : memref<16x128xf32, #tpu.memory_space<vmem>>, vector<16xf32>,
      %parallel_loop3A_520 = arith.addf %parallel_loop3A_453, %parallel_loop3A_519 : vector<16xf32>
      %parallel_loop3A_521 = arith.constant 2.000000e-01 : f32
      %parallel_loop3A_522 = vector.broadcast %parallel_loop3A_521 : f32 to vector<16xf32>
      %parallel_loop3A_523 = arith.mulf %parallel_loop3A_522, %parallel_loop3A_520 : vector<16xf32>
      %parallel_loop3A_524 = arith.maximumf %parallel_loop3A_520, %parallel_loop3A_523 : vector<16xf32>
      %parallel_loop3A_525 = arith.mulf %parallel_loop3A_524, %get3A_121 : vector<16xf32>
      %parallel_loop3A_526 = arith.addf %parallel_loop3A_462, %parallel_loop3A_471 : vector<16xf32>
      %parallel_loop3A_527 = arith.constant true
      %parallel_loop3A_528 = vector.broadcast %parallel_loop3A_527 : i1 to vector<16xi1>
      %parallel_loop3A_529 = tpu.scan <sum>, %parallel_loop3A_526 masked %parallel_loop3A_528 : vector<16xf32>, vector<16xi1> -> vector<16xf32>
      %parallel_loop3A_530 = vector.extract %parallel_loop3A_529[15] : f32 from vector<16xf32>
      %parallel_loop3A_531 = vector.broadcast %parallel_loop3A_530 : f32 to vector<16xf32>
      %parallel_loop3A_532 = math.exp %parallel_loop3A_531 : vector<16xf32>
      %parallel_loop3A_533 = arith.addf %parallel_loop3A_480, %parallel_loop3A_489 : vector<16xf32>
      %parallel_loop3A_534 = arith.constant true
      %parallel_loop3A_535 = vector.broadcast %parallel_loop3A_534 : i1 to vector<16xi1>
      %parallel_loop3A_536 = tpu.scan <sum>, %parallel_loop3A_533 masked %parallel_loop3A_535 : vector<16xf32>, vector<16xi1> -> vector<16xf32>
      %parallel_loop3A_537 = vector.extract %parallel_loop3A_536[15] : f32 from vector<16xf32>
      %parallel_loop3A_538 = vector.broadcast %parallel_loop3A_537 : f32 to vector<16xf32>
      %parallel_loop3A_539 = math.exp %parallel_loop3A_538 : vector<16xf32>
      %parallel_loop3A_540 = arith.addf %parallel_loop3A_498, %parallel_loop3A_507 : vector<16xf32>
      %parallel_loop3A_541 = arith.constant true
      %parallel_loop3A_542 = vector.broadcast %parallel_loop3A_541 : i1 to vector<16xi1>
      %parallel_loop3A_543 = tpu.scan <sum>, %parallel_loop3A_540 masked %parallel_loop3A_542 : vector<16xf32>, vector<16xi1> -> vector<16xf32>
      %parallel_loop3A_544 = vector.extract %parallel_loop3A_543[15] : f32 from vector<16xf32>
      %parallel_loop3A_545 = vector.broadcast %parallel_loop3A_544 : f32 to vector<16xf32>
      %parallel_loop3A_546 = math.exp %parallel_loop3A_545 : vector<16xf32>
      %parallel_loop3A_547 = arith.addf %parallel_loop3A_516, %parallel_loop3A_525 : vector<16xf32>
      %parallel_loop3A_548 = arith.constant true
      %parallel_loop3A_549 = vector.broadcast %parallel_loop3A_548 : i1 to vector<16xi1>
      %parallel_loop3A_550 = tpu.scan <sum>, %parallel_loop3A_547 masked %parallel_loop3A_549 : vector<16xf32>, vector<16xi1> -> vector<16xf32>
      %parallel_loop3A_551 = vector.extract %parallel_loop3A_550[15] : f32 from vector<16xf32>
      %parallel_loop3A_552 = vector.broadcast %parallel_loop3A_551 : f32 to vector<16xf32>
      %parallel_loop3A_553 = math.exp %parallel_loop3A_552 : vector<16xf32>
      %parallel_loop3A_554 = arith.select %eq3A_129, %parallel_loop3A_546, %parallel_loop3A_553 : vector<16xi1>, vector<16xf32>
      %parallel_loop3A_555 = arith.select %eq3A_126, %parallel_loop3A_539, %parallel_loop3A_554 : vector<16xi1>, vector<16xf32>
      %parallel_loop3A_556 = arith.select %eq3A_123, %parallel_loop3A_532, %parallel_loop3A_555 : vector<16xi1>, vector<16xf32>
      %parallel_loop3A_557 = arith.index_cast %parallel_loop3A_429 : i32 to index
      %parallel_loop3A_558 = arith.constant 128 : index
      %parallel_loop3A_559 = tpu.vector_load %arg21[%parallel_loop3A_557, %parallel_loop3A_558] {strides = array<i32>} : memref<16x144xf32, #tpu.memory_space<vmem>>, vector<16xf32>,
      tpu.vector_store %arg21[%parallel_loop3A_557, %parallel_loop3A_558], %parallel_loop3A_556 {strides = array<i32>} : memref<16x144xf32, #tpu.memory_space<vmem>>, vector<16xf32>,
      %parallel_loop3A_560 = arith.mulf %parallel_loop3A_432, %parallel_loop3A_532 : vector<16xf32>
      %parallel_loop3A_561 = arith.index_cast %parallel_loop3A_429 : i32 to index
      %parallel_loop3A_562 = arith.constant 0 : index
      %parallel_loop3A_563 = tpu.vector_load %arg21[%parallel_loop3A_561, %parallel_loop3A_562] {strides = array<i32>} : memref<16x144xf32, #tpu.memory_space<vmem>>, vector<16xf32>,
      tpu.vector_store %arg21[%parallel_loop3A_561, %parallel_loop3A_562], %parallel_loop3A_560 {strides = array<i32>} : memref<16x144xf32, #tpu.memory_space<vmem>>, vector<16xf32>,
      %parallel_loop3A_564 = arith.mulf %parallel_loop3A_435, %parallel_loop3A_532 : vector<16xf32>
      %parallel_loop3A_565 = arith.index_cast %parallel_loop3A_429 : i32 to index
      %parallel_loop3A_566 = arith.constant 16 : index
      %parallel_loop3A_567 = tpu.vector_load %arg21[%parallel_loop3A_565, %parallel_loop3A_566] {strides = array<i32>} : memref<16x144xf32, #tpu.memory_space<vmem>>, vector<16xf32>,
      tpu.vector_store %arg21[%parallel_loop3A_565, %parallel_loop3A_566], %parallel_loop3A_564 {strides = array<i32>} : memref<16x144xf32, #tpu.memory_space<vmem>>, vector<16xf32>,
      %parallel_loop3A_568 = arith.mulf %parallel_loop3A_438, %parallel_loop3A_539 : vector<16xf32>
      %parallel_loop3A_569 = arith.index_cast %parallel_loop3A_429 : i32 to index
      %parallel_loop3A_570 = arith.constant 32 : index
      %parallel_loop3A_571 = tpu.vector_load %arg21[%parallel_loop3A_569, %parallel_loop3A_570] {strides = array<i32>} : memref<16x144xf32, #tpu.memory_space<vmem>>, vector<16xf32>,
      tpu.vector_store %arg21[%parallel_loop3A_569, %parallel_loop3A_570], %parallel_loop3A_568 {strides = array<i32>} : memref<16x144xf32, #tpu.memory_space<vmem>>, vector<16xf32>,
      %parallel_loop3A_572 = arith.mulf %parallel_loop3A_441, %parallel_loop3A_539 : vector<16xf32>
      %parallel_loop3A_573 = arith.index_cast %parallel_loop3A_429 : i32 to index
      %parallel_loop3A_574 = arith.constant 48 : index
      %parallel_loop3A_575 = tpu.vector_load %arg21[%parallel_loop3A_573, %parallel_loop3A_574] {strides = array<i32>} : memref<16x144xf32, #tpu.memory_space<vmem>>, vector<16xf32>,
      tpu.vector_store %arg21[%parallel_loop3A_573, %parallel_loop3A_574], %parallel_loop3A_572 {strides = array<i32>} : memref<16x144xf32, #tpu.memory_space<vmem>>, vector<16xf32>,
      %parallel_loop3A_576 = arith.mulf %parallel_loop3A_444, %parallel_loop3A_546 : vector<16xf32>
      %parallel_loop3A_577 = arith.index_cast %parallel_loop3A_429 : i32 to index
      %parallel_loop3A_578 = arith.constant 64 : index
      %parallel_loop3A_579 = tpu.vector_load %arg21[%parallel_loop3A_577, %parallel_loop3A_578] {strides = array<i32>} : memref<16x144xf32, #tpu.memory_space<vmem>>, vector<16xf32>,
      tpu.vector_store %arg21[%parallel_loop3A_577, %parallel_loop3A_578], %parallel_loop3A_576 {strides = array<i32>} : memref<16x144xf32, #tpu.memory_space<vmem>>, vector<16xf32>,
      %parallel_loop3A_580 = arith.mulf %parallel_loop3A_447, %parallel_loop3A_546 : vector<16xf32>
      %parallel_loop3A_581 = arith.index_cast %parallel_loop3A_429 : i32 to index
      %parallel_loop3A_582 = arith.constant 80 : index
      %parallel_loop3A_583 = tpu.vector_load %arg21[%parallel_loop3A_581, %parallel_loop3A_582] {strides = array<i32>} : memref<16x144xf32, #tpu.memory_space<vmem>>, vector<16xf32>,
      tpu.vector_store %arg21[%parallel_loop3A_581, %parallel_loop3A_582], %parallel_loop3A_580 {strides = array<i32>} : memref<16x144xf32, #tpu.memory_space<vmem>>, vector<16xf32>,
      %parallel_loop3A_584 = arith.mulf %parallel_loop3A_450, %parallel_loop3A_553 : vector<16xf32>
      %parallel_loop3A_585 = arith.index_cast %parallel_loop3A_429 : i32 to index
      %parallel_loop3A_586 = arith.constant 96 : index
      %parallel_loop3A_587 = tpu.vector_load %arg21[%parallel_loop3A_585, %parallel_loop3A_586] {strides = array<i32>} : memref<16x144xf32, #tpu.memory_space<vmem>>, vector<16xf32>,
      tpu.vector_store %arg21[%parallel_loop3A_585, %parallel_loop3A_586], %parallel_loop3A_584 {strides = array<i32>} : memref<16x144xf32, #tpu.memory_space<vmem>>, vector<16xf32>,
      %parallel_loop3A_588 = arith.mulf %parallel_loop3A_453, %parallel_loop3A_553 : vector<16xf32>
      %parallel_loop3A_589 = arith.index_cast %parallel_loop3A_429 : i32 to index
      %parallel_loop3A_590 = arith.constant 112 : index
      %parallel_loop3A_591 = tpu.vector_load %arg21[%parallel_loop3A_589, %parallel_loop3A_590] {strides = array<i32>} : memref<16x144xf32, #tpu.memory_space<vmem>>, vector<16xf32>,
      tpu.vector_store %arg21[%parallel_loop3A_589, %parallel_loop3A_590], %parallel_loop3A_588 {strides = array<i32>} : memref<16x144xf32, #tpu.memory_space<vmem>>, vector<16xf32>,
    } {sc.loop_unroll_factor = 4 : i64, sc.parallel_access}
    %dma_start3A_344 = arith.constant 0 : i32
    %dma_start3A_345 = arith.constant 0 : i32
    %dma_start3A_346 = tpu.memref_slice %arg12[%dma_start3A_344, %dma_start3A_345] : memref<4x16xi32, #tpu.memory_space<vmem>> -> memref<1x16xi32, #tpu.memory_space<vmem>>
    %dma_start3A_347 = tpu.memref_squeeze %dma_start3A_346 : memref<1x16xi32, #tpu.memory_space<vmem>> -> memref<16xi32, #tpu.memory_space<vmem>>
    %dma_start3A_348 = arith.constant 0 : i32
    %dma_start3A_349 = arith.constant 0 : i32
    %dma_start3A_350 = tpu.memref_slice %arg27[%dma_start3A_348, %dma_start3A_349] : memref<10000x144xf32, #tpu.memory_space<vmem_shared>> -> memref<10000x144xf32, #tpu.memory_space<vmem_shared>>
    tpu.enqueue_indirect_dma source(%arg21 : memref<16x144xf32, #tpu.memory_space<vmem>>) target(%dma_start3A_350 : memref<10000x144xf32, #tpu.memory_space<vmem_shared>>) offsets(%dma_start3A_347 : memref<16xi32, #tpu.memory_space<vmem>>) semaphore(%arg36 : memref<!tpu.dma_semaphore, #tpu.memory_space<semaphore_mem>>) {add = true}
    %dma_wait3A_351 = arith.constant 0 : i32
    %dma_wait3A_352 = arith.constant 0 : i32
    %dma_wait3A_353 = tpu.memref_slice %arg10[%dma_wait3A_351, %dma_wait3A_352] : memref<4x16xi32, #tpu.memory_space<vmem>> -> memref<1x16xi32, #tpu.memory_space<vmem>>
    %dma_wait3A_354 = tpu.memref_squeeze %dma_wait3A_353 : memref<1x16xi32, #tpu.memory_space<vmem>> -> memref<16xi32, #tpu.memory_space<vmem>>
    %dma_wait3A_355 = arith.constant 0 : i32
    %dma_wait3A_356 = arith.constant 0 : i32
    %dma_wait3A_357 = tpu.memref_slice %arg4[%dma_wait3A_355, %dma_wait3A_356] : memref<10000x128xf32, #tpu.memory_space<hbm>> -> memref<10000x128xf32, #tpu.memory_space<hbm>>
    tpu.wait_indirect_dma semaphore(%arg29 : memref<!tpu.dma_semaphore, #tpu.memory_space<semaphore_mem>>) src(%dma_wait3A_357 : memref<10000x128xf32, #tpu.memory_space<hbm>>) dst(%arg14 : memref<16x128xf32, #tpu.memory_space<vmem>>)
    %dma_wait3A_358 = arith.constant 0 : i32
    %dma_wait3A_359 = arith.constant 0 : i32
    %dma_wait3A_360 = tpu.memref_slice %arg11[%dma_wait3A_358, %dma_wait3A_359] : memref<4x16xi32, #tpu.memory_space<vmem>> -> memref<1x16xi32, #tpu.memory_space<vmem>>
    %dma_wait3A_361 = tpu.memref_squeeze %dma_wait3A_360 : memref<1x16xi32, #tpu.memory_space<vmem>> -> memref<16xi32, #tpu.memory_space<vmem>>
    %dma_wait3A_362 = arith.constant 0 : i32
    %dma_wait3A_363 = arith.constant 0 : i32
    %dma_wait3A_364 = tpu.memref_slice %arg5[%dma_wait3A_362, %dma_wait3A_363] : memref<10000x128xf32, #tpu.memory_space<hbm>> -> memref<10000x128xf32, #tpu.memory_space<hbm>>
    tpu.wait_indirect_dma semaphore(%arg33 : memref<!tpu.dma_semaphore, #tpu.memory_space<semaphore_mem>>) src(%dma_wait3A_364 : memref<10000x128xf32, #tpu.memory_space<hbm>>) dst(%arg18 : memref<16x128xf32, #tpu.memory_space<vmem>>)
    %dma_wait3A_365 = arith.constant 0 : i32
    %dma_wait3A_366 = arith.constant 0 : i32
    %dma_wait3A_367 = tpu.memref_slice %arg12[%dma_wait3A_365, %dma_wait3A_366] : memref<4x16xi32, #tpu.memory_space<vmem>> -> memref<1x16xi32, #tpu.memory_space<vmem>>
    %dma_wait3A_368 = tpu.memref_squeeze %dma_wait3A_367 : memref<1x16xi32, #tpu.memory_space<vmem>> -> memref<16xi32, #tpu.memory_space<vmem>>
    %dma_wait3A_369 = arith.constant 0 : i32
    %dma_wait3A_370 = arith.constant 0 : i32
    %dma_wait3A_371 = tpu.memref_slice %arg27[%dma_wait3A_369, %dma_wait3A_370] : memref<10000x144xf32, #tpu.memory_space<vmem_shared>> -> memref<10000x144xf32, #tpu.memory_space<vmem_shared>>
    tpu.wait_indirect_dma semaphore(%arg37 : memref<!tpu.dma_semaphore, #tpu.memory_space<semaphore_mem>>) src(%arg22 : memref<16x144xf32, #tpu.memory_space<vmem>>) dst(%dma_wait3A_371 : memref<10000x144xf32, #tpu.memory_space<vmem_shared>>)
    %dma_wait3A_372 = arith.constant 0 : i32
    %dma_wait3A_373 = arith.constant 0 : i32
    %dma_wait3A_374 = tpu.memref_slice %arg10[%dma_wait3A_372, %dma_wait3A_373] : memref<4x16xi32, #tpu.memory_space<vmem>> -> memref<1x16xi32, #tpu.memory_space<vmem>>
    %dma_wait3A_375 = tpu.memref_squeeze %dma_wait3A_374 : memref<1x16xi32, #tpu.memory_space<vmem>> -> memref<16xi32, #tpu.memory_space<vmem>>
    %dma_wait3A_376 = arith.constant 0 : i32
    %dma_wait3A_377 = arith.constant 0 : i32
    %dma_wait3A_378 = tpu.memref_slice %arg4[%dma_wait3A_376, %dma_wait3A_377] : memref<10000x128xf32, #tpu.memory_space<hbm>> -> memref<10000x128xf32, #tpu.memory_space<hbm>>
    tpu.wait_indirect_dma semaphore(%arg30 : memref<!tpu.dma_semaphore, #tpu.memory_space<semaphore_mem>>) src(%dma_wait3A_378 : memref<10000x128xf32, #tpu.memory_space<hbm>>) dst(%arg15 : memref<16x128xf32, #tpu.memory_space<vmem>>)
    %dma_wait3A_379 = arith.constant 0 : i32
    %dma_wait3A_380 = arith.constant 0 : i32
    %dma_wait3A_381 = tpu.memref_slice %arg11[%dma_wait3A_379, %dma_wait3A_380] : memref<4x16xi32, #tpu.memory_space<vmem>> -> memref<1x16xi32, #tpu.memory_space<vmem>>
    %dma_wait3A_382 = tpu.memref_squeeze %dma_wait3A_381 : memref<1x16xi32, #tpu.memory_space<vmem>> -> memref<16xi32, #tpu.memory_space<vmem>>
    %dma_wait3A_383 = arith.constant 0 : i32
    %dma_wait3A_384 = arith.constant 0 : i32
    %dma_wait3A_385 = tpu.memref_slice %arg5[%dma_wait3A_383, %dma_wait3A_384] : memref<10000x128xf32, #tpu.memory_space<hbm>> -> memref<10000x128xf32, #tpu.memory_space<hbm>>
    tpu.wait_indirect_dma semaphore(%arg34 : memref<!tpu.dma_semaphore, #tpu.memory_space<semaphore_mem>>) src(%dma_wait3A_385 : memref<10000x128xf32, #tpu.memory_space<hbm>>) dst(%arg19 : memref<16x128xf32, #tpu.memory_space<vmem>>)
    %dma_wait3A_386 = arith.constant 0 : i32
    %dma_wait3A_387 = arith.constant 0 : i32
    %dma_wait3A_388 = tpu.memref_slice %arg12[%dma_wait3A_386, %dma_wait3A_387] : memref<4x16xi32, #tpu.memory_space<vmem>> -> memref<1x16xi32, #tpu.memory_space<vmem>>
    %dma_wait3A_389 = tpu.memref_squeeze %dma_wait3A_388 : memref<1x16xi32, #tpu.memory_space<vmem>> -> memref<16xi32, #tpu.memory_space<vmem>>
    %dma_wait3A_390 = arith.constant 0 : i32
    %dma_wait3A_391 = arith.constant 0 : i32
    %dma_wait3A_392 = tpu.memref_slice %arg27[%dma_wait3A_390, %dma_wait3A_391] : memref<10000x144xf32, #tpu.memory_space<vmem_shared>> -> memref<10000x144xf32, #tpu.memory_space<vmem_shared>>
    tpu.wait_indirect_dma semaphore(%arg38 : memref<!tpu.dma_semaphore, #tpu.memory_space<semaphore_mem>>) src(%arg23 : memref<16x144xf32, #tpu.memory_space<vmem>>) dst(%dma_wait3A_392 : memref<10000x144xf32, #tpu.memory_space<vmem_shared>>)
    %dma_wait3A_393 = arith.constant 0 : i32
    %dma_wait3A_394 = arith.constant 0 : i32
    %dma_wait3A_395 = tpu.memref_slice %arg10[%dma_wait3A_393, %dma_wait3A_394] : memref<4x16xi32, #tpu.memory_space<vmem>> -> memref<1x16xi32, #tpu.memory_space<vmem>>
    %dma_wait3A_396 = tpu.memref_squeeze %dma_wait3A_395 : memref<1x16xi32, #tpu.memory_space<vmem>> -> memref<16xi32, #tpu.memory_space<vmem>>
    %dma_wait3A_397 = arith.constant 0 : i32
    %dma_wait3A_398 = arith.constant 0 : i32
    %dma_wait3A_399 = tpu.memref_slice %arg4[%dma_wait3A_397, %dma_wait3A_398] : memref<10000x128xf32, #tpu.memory_space<hbm>> -> memref<10000x128xf32, #tpu.memory_space<hbm>>
    tpu.wait_indirect_dma semaphore(%arg31 : memref<!tpu.dma_semaphore, #tpu.memory_space<semaphore_mem>>) src(%dma_wait3A_399 : memref<10000x128xf32, #tpu.memory_space<hbm>>) dst(%arg16 : memref<16x128xf32, #tpu.memory_space<vmem>>)
    %dma_wait3A_400 = arith.constant 0 : i32
    %dma_wait3A_401 = arith.constant 0 : i32
    %dma_wait3A_402 = tpu.memref_slice %arg11[%dma_wait3A_400, %dma_wait3A_401] : memref<4x16xi32, #tpu.memory_space<vmem>> -> memref<1x16xi32, #tpu.memory_space<vmem>>
    %dma_wait3A_403 = tpu.memref_squeeze %dma_wait3A_402 : memref<1x16xi32, #tpu.memory_space<vmem>> -> memref<16xi32, #tpu.memory_space<vmem>>
    %dma_wait3A_404 = arith.constant 0 : i32
    %dma_wait3A_405 = arith.constant 0 : i32
    %dma_wait3A_406 = tpu.memref_slice %arg5[%dma_wait3A_404, %dma_wait3A_405] : memref<10000x128xf32, #tpu.memory_space<hbm>> -> memref<10000x128xf32, #tpu.memory_space<hbm>>
    tpu.wait_indirect_dma semaphore(%arg35 : memref<!tpu.dma_semaphore, #tpu.memory_space<semaphore_mem>>) src(%dma_wait3A_406 : memref<10000x128xf32, #tpu.memory_space<hbm>>) dst(%arg20 : memref<16x128xf32, #tpu.memory_space<vmem>>)
    %dma_wait3A_407 = arith.constant 0 : i32
    %dma_wait3A_408 = arith.constant 0 : i32
    %dma_wait3A_409 = tpu.memref_slice %arg12[%dma_wait3A_407, %dma_wait3A_408] : memref<4x16xi32, #tpu.memory_space<vmem>> -> memref<1x16xi32, #tpu.memory_space<vmem>>
    %dma_wait3A_410 = tpu.memref_squeeze %dma_wait3A_409 : memref<1x16xi32, #tpu.memory_space<vmem>> -> memref<16xi32, #tpu.memory_space<vmem>>
    %dma_wait3A_411 = arith.constant 0 : i32
    %dma_wait3A_412 = arith.constant 0 : i32
    %dma_wait3A_413 = tpu.memref_slice %arg27[%dma_wait3A_411, %dma_wait3A_412] : memref<10000x144xf32, #tpu.memory_space<vmem_shared>> -> memref<10000x144xf32, #tpu.memory_space<vmem_shared>>
    tpu.wait_indirect_dma semaphore(%arg39 : memref<!tpu.dma_semaphore, #tpu.memory_space<semaphore_mem>>) src(%arg24 : memref<16x144xf32, #tpu.memory_space<vmem>>) dst(%dma_wait3A_413 : memref<10000x144xf32, #tpu.memory_space<vmem_shared>>)
    %dma_wait3A_414 = arith.constant 0 : i32
    %dma_wait3A_415 = arith.constant 0 : i32
    %dma_wait3A_416 = tpu.memref_slice %arg12[%dma_wait3A_414, %dma_wait3A_415] : memref<4x16xi32, #tpu.memory_space<vmem>> -> memref<1x16xi32, #tpu.memory_space<vmem>>
    %dma_wait3A_417 = tpu.memref_squeeze %dma_wait3A_416 : memref<1x16xi32, #tpu.memory_space<vmem>> -> memref<16xi32, #tpu.memory_space<vmem>>
    %dma_wait3A_418 = arith.constant 0 : i32
    %dma_wait3A_419 = arith.constant 0 : i32
    %dma_wait3A_420 = tpu.memref_slice %arg27[%dma_wait3A_418, %dma_wait3A_419] : memref<10000x144xf32, #tpu.memory_space<vmem_shared>> -> memref<10000x144xf32, #tpu.memory_space<vmem_shared>>
    tpu.wait_indirect_dma semaphore(%arg36 : memref<!tpu.dma_semaphore, #tpu.memory_space<semaphore_mem>>) src(%arg21 : memref<16x144xf32, #tpu.memory_space<vmem>>) dst(%dma_wait3A_420 : memref<10000x144xf32, #tpu.memory_space<vmem_shared>>)
    %barrier3A_421 = arith.constant 0 : index
    tpu.barrier barrier_id(%barrier3A_421)
    %mul3A_422 = arith.constant 625 : i32
    %mul3A_423 = arith.muli %arg1, %mul3A_422 : i32
    %mul3A_424 = arith.constant 10000 : i32
    %mul3A_425 = arith.muli %arg0, %mul3A_424 : i32
    %mul3A_426 = arith.constant 625 : i32
    %mul3A_427 = arith.muli %arg1, %mul3A_426 : i32
    %add3A_428 = arith.addi %mul3A_425, %mul3A_427 : i32
    "tpu.region"() ({
      %run_scoped3A = tpu.sem_alloc : memref<!tpu.dma_semaphore, #tpu.memory_space<semaphore_mem>>
      %dma_start3A_429 = arith.constant 0 : i32
      %dma_start3A_430 = tpu.memref_slice %arg7[%add3A_428, %dma_start3A_429] : memref<20000x144xf32, #tpu.memory_space<hbm>> -> memref<625x144xf32, #tpu.memory_space<hbm>>
      %dma_start3A_431 = arith.constant 0 : i32
      %dma_start3A_432 = tpu.memref_slice %arg27[%mul3A_423, %dma_start3A_431] : memref<10000x144xf32, #tpu.memory_space<vmem_shared>> -> memref<625x144xf32, #tpu.memory_space<vmem_shared>>
      tpu.enqueue_dma source(%dma_start3A_432 : memref<625x144xf32, #tpu.memory_space<vmem_shared>>) target(%dma_start3A_430 : memref<625x144xf32, #tpu.memory_space<hbm>>) target_semaphore(%run_scoped3A : memref<!tpu.dma_semaphore, #tpu.memory_space<semaphore_mem>>)
      %dma_wait3A_433 = arith.constant 0 : i32
      %dma_wait3A_434 = tpu.memref_slice %arg7[%add3A_428, %dma_wait3A_433] : memref<20000x144xf32, #tpu.memory_space<hbm>> -> memref<625x144xf32, #tpu.memory_space<hbm>>
      %dma_wait3A_435 = arith.constant 0 : i32
      %dma_wait3A_436 = tpu.memref_slice %arg27[%mul3A_423, %dma_wait3A_435] : memref<10000x144xf32, #tpu.memory_space<vmem_shared>> -> memref<625x144xf32, #tpu.memory_space<vmem_shared>>
      tpu.wait_dma2 semaphore(%run_scoped3A : memref<!tpu.dma_semaphore, #tpu.memory_space<semaphore_mem>>) src(%dma_wait3A_436 : memref<625x144xf32, #tpu.memory_space<vmem_shared>>) dst(%dma_wait3A_434 : memref<625x144xf32, #tpu.memory_space<hbm>>)
      tpu.yield
    }) : () -> ()
    return
  }
}

module attributes {stable_mosaic.version = 14 : i64} {
  func.func @_proj_body(%arg0: i32, %arg1: memref<1000x128xf32, #tpu.memory_space<vmem>>, %arg2: memref<128x128xf32, #tpu.memory_space<vmem>>, %arg3: memref<128x128xf32, #tpu.memory_space<vmem>>, %arg4: memref<1000x128xf32, #tpu.memory_space<vmem>>, %arg5: memref<1000x128xf32, #tpu.memory_space<vmem>>) attributes {dimension_semantics = [#tpu.dimension_semantics<arbitrary>], iteration_bounds = array<i64: 10>, scalar_prefetch = 0 : i64, scratch_operands = 0 : i64, tpu.core_type = #tpu.core_type<tc>, window_params = [{transform_indices = @transform_0, window_bounds = array<i64: 1000, 128>}, {pipeline_mode = #tpu.pipeline_mode<synchronous>, transform_indices = @transform_1, window_bounds = array<i64: 128, 128>}, {pipeline_mode = #tpu.pipeline_mode<synchronous>, transform_indices = @transform_2, window_bounds = array<i64: 128, 128>}, {transform_indices = @transform_3, window_bounds = array<i64: 1000, 128>}, {transform_indices = @transform_4, window_bounds = array<i64: 1000, 128>}]} {
    %get3A = arith.constant 0 : index
    %get3A_0 = arith.constant 0 : index
    %get3A_1 = vector.load %arg1[%get3A, %get3A_0] : memref<1000x128xf32, #tpu.memory_space<vmem>>, vector<1000x128xf32>
    %get3A_2 = arith.constant 0 : index
    %get3A_3 = arith.constant 0 : index
    %get3A_4 = vector.load %arg2[%get3A_2, %get3A_3] : memref<128x128xf32, #tpu.memory_space<vmem>>, vector<128x128xf32>
    %dot_general3A = arith.constant dense<0.000000e+00> : vector<1000x128xf32>
    %dot_general3A_5 = tpu.matmul %get3A_1, %get3A_4, %dot_general3A {dimension_numbers = #tpu.dot_dimension_numbers<[1], [0], [0], [1], [0, 0, 1, 1], [], []>, transpose_lhs_hint = false} : vector<1000x128xf32>, vector<128x128xf32>, vector<1000x128xf32> -> vector<1000x128xf32>
    %swap3A = arith.constant 0 : index
    %swap3A_6 = arith.constant 0 : index
    %swap3A_7 = vector.load %arg4[%swap3A, %swap3A_6] : memref<1000x128xf32, #tpu.memory_space<vmem>>, vector<1000x128xf32>
    tpu.vector_store %arg4[%swap3A, %swap3A_6], %dot_general3A_5 {strides = array<i32>} : memref<1000x128xf32, #tpu.memory_space<vmem>>, vector<1000x128xf32>,
    %get3A_8 = arith.constant 0 : index
    %get3A_9 = arith.constant 0 : index
    %get3A_10 = vector.load %arg3[%get3A_8, %get3A_9] : memref<128x128xf32, #tpu.memory_space<vmem>>, vector<128x128xf32>
    %dot_general3A_11 = arith.constant dense<0.000000e+00> : vector<1000x128xf32>
    %dot_general3A_12 = tpu.matmul %get3A_1, %get3A_10, %dot_general3A_11 {dimension_numbers = #tpu.dot_dimension_numbers<[1], [0], [0], [1], [0, 0, 1, 1], [], []>, transpose_lhs_hint = false} : vector<1000x128xf32>, vector<128x128xf32>, vector<1000x128xf32> -> vector<1000x128xf32>
    %swap3A_13 = arith.constant 0 : index
    %swap3A_14 = arith.constant 0 : index
    %swap3A_15 = vector.load %arg5[%swap3A_13, %swap3A_14] : memref<1000x128xf32, #tpu.memory_space<vmem>>, vector<1000x128xf32>
    tpu.vector_store %arg5[%swap3A_13, %swap3A_14], %dot_general3A_12 {strides = array<i32>} : memref<1000x128xf32, #tpu.memory_space<vmem>>, vector<1000x128xf32>,
    return
  }
  func.func @transform_0(%arg0: i32) -> (i32, i32) {
    %c0_i32 = arith.constant 0 : i32
    %c0_i32_0 = arith.constant 0 : i32
    return %arg0, %c0_i32 : i32, i32
  }
  func.func @transform_1(%arg0: i32) -> (i32, i32) {
    %c0_i32 = arith.constant 0 : i32
    %c0_i32_0 = arith.constant 0 : i32
    %c0_i32_1 = arith.constant 0 : i32
    return %c0_i32, %c0_i32_0 : i32, i32
  }
  func.func @transform_2(%arg0: i32) -> (i32, i32) {
    %c0_i32 = arith.constant 0 : i32
    %c0_i32_0 = arith.constant 0 : i32
    %c0_i32_1 = arith.constant 0 : i32
    return %c0_i32, %c0_i32_0 : i32, i32
  }
  func.func @transform_3(%arg0: i32) -> (i32, i32) {
    %c0_i32 = arith.constant 0 : i32
    %c0_i32_0 = arith.constant 0 : i32
    return %arg0, %c0_i32 : i32, i32
  }
  func.func @transform_4(%arg0: i32) -> (i32, i32) {
    %c0_i32 = arith.constant 0 : i32
    %c0_i32_0 = arith.constant 0 : i32
    return %arg0, %c0_i32 : i32, i32
  }
}

module attributes {stable_mosaic.version = 14 : i64} {
  func.func @_final_body(%arg0: i32, %arg1: memref<1000x144xf32, #tpu.memory_space<vmem>>, %arg2: memref<1000x144xf32, #tpu.memory_space<vmem>>, %arg3: memref<1000x128xf32, #tpu.memory_space<vmem>>, %arg4: memref<1x128xf32, #tpu.memory_space<vmem>>, %arg5: memref<1x128xf32, #tpu.memory_space<vmem>>, %arg6: memref<1x128xf32, #tpu.memory_space<vmem>>, %arg7: memref<1000x128xf32, #tpu.memory_space<vmem>>) attributes {dimension_semantics = [#tpu.dimension_semantics<arbitrary>], iteration_bounds = array<i64: 10>, scalar_prefetch = 0 : i64, scratch_operands = 0 : i64, tpu.core_type = #tpu.core_type<tc>, window_params = [{transform_indices = @transform_0, window_bounds = array<i64: 1000, 144>}, {transform_indices = @transform_1, window_bounds = array<i64: 1000, 144>}, {transform_indices = @transform_2, window_bounds = array<i64: 1000, 128>}, {pipeline_mode = #tpu.pipeline_mode<synchronous>, transform_indices = @transform_3, window_bounds = array<i64: 1, 128>}, {pipeline_mode = #tpu.pipeline_mode<synchronous>, transform_indices = @transform_4, window_bounds = array<i64: 1, 128>}, {pipeline_mode = #tpu.pipeline_mode<synchronous>, transform_indices = @transform_5, window_bounds = array<i64: 1, 128>}, {transform_indices = @transform_6, window_bounds = array<i64: 1000, 128>}]} {
    %get3A = arith.constant 0 : index
    %get3A_0 = arith.constant 0 : index
    %get3A_1 = vector.load %arg1[%get3A, %get3A_0] : memref<1000x144xf32, #tpu.memory_space<vmem>>, vector<1000x144xf32>
    %get3A_2 = arith.constant 0 : index
    %get3A_3 = arith.constant 0 : index
    %get3A_4 = vector.load %arg2[%get3A_2, %get3A_3] : memref<1000x144xf32, #tpu.memory_space<vmem>>, vector<1000x144xf32>
    %add3A = arith.addf %get3A_1, %get3A_4 : vector<1000x144xf32>
    %slice3A = vector.extract_strided_slice %add3A {offsets = [0, 0], sizes = [1000, 128], strides = [1, 1]} : vector<1000x144xf32> to vector<1000x128xf32>
    %slice3A_5 = vector.extract_strided_slice %add3A {offsets = [0, 128], sizes = [1000, 4], strides = [1, 1]} : vector<1000x144xf32> to vector<1000x4xf32>
    %iota3A = tpu.iota {dimensions = array<i32: 1>} : vector<4x128xi32>
    %jit3A = arith.constant 32 : i32
    %div3A = vector.broadcast %jit3A : i32 to vector<4x128xi32>
    %div3A_6 = arith.divsi %iota3A, %div3A : vector<4x128xi32>
    %sign3A = arith.constant 0 : i32
    %sign3A_7 = vector.broadcast %sign3A : i32 to vector<4x128xi32>
    %sign3A_8 = arith.cmpi sgt, %iota3A, %sign3A_7 : vector<4x128xi32>
    %sign3A_9 = arith.extui %sign3A_8 : vector<4x128xi1> to vector<4x128xi32>
    %sign3A_10 = arith.constant 0 : i32
    %sign3A_11 = vector.broadcast %sign3A_10 : i32 to vector<4x128xi32>
    %sign3A_12 = arith.cmpi slt, %iota3A, %sign3A_11 : vector<4x128xi32>
    %sign3A_13 = arith.extui %sign3A_12 : vector<4x128xi1> to vector<4x128xi32>
    %sign3A_14 = arith.subi %sign3A_9, %sign3A_13 : vector<4x128xi32>
    %sign3A_15 = arith.constant 0 : i32
    %sign3A_16 = arith.cmpi sgt, %jit3A, %sign3A_15 : i32
    %sign3A_17 = arith.extui %sign3A_16 : i1 to i32
    %sign3A_18 = arith.constant 0 : i32
    %sign3A_19 = arith.cmpi slt, %jit3A, %sign3A_18 : i32
    %sign3A_20 = arith.extui %sign3A_19 : i1 to i32
    %sign3A_21 = arith.subi %sign3A_17, %sign3A_20 : i32
    %ne3A = vector.broadcast %sign3A_21 : i32 to vector<4x128xi32>
    %ne3A_22 = arith.cmpi ne, %sign3A_14, %ne3A : vector<4x128xi32>
    %rem3A = vector.broadcast %jit3A : i32 to vector<4x128xi32>
    %rem3A_23 = arith.remsi %iota3A, %rem3A : vector<4x128xi32>
    %ne3A_24 = arith.constant 0 : i32
    %ne3A_25 = vector.broadcast %ne3A_24 : i32 to vector<4x128xi32>
    %ne3A_26 = arith.cmpi ne, %rem3A_23, %ne3A_25 : vector<4x128xi32>
    %and3A = arith.andi %ne3A_22, %ne3A_26 : vector<4x128xi1>
    %sub3A = arith.constant 1 : i32
    %sub3A_27 = vector.broadcast %sub3A : i32 to vector<4x128xi32>
    %sub3A_28 = arith.subi %div3A_6, %sub3A_27 : vector<4x128xi32>
    %select_n3A = arith.select %and3A, %sub3A_28, %div3A_6 : vector<4x128xi1>, vector<4x128xi32>
    %iota3A_29 = tpu.iota {dimensions = array<i32: 0>} : vector<4x128xi32>
    %eq3A = arith.cmpi eq, %select_n3A, %iota3A_29 : vector<4x128xi32>
    %convert_element_type3A = arith.extui %eq3A : vector<4x128xi1> to vector<4x128xi32>
    %convert_element_type3A_30 = arith.sitofp %convert_element_type3A : vector<4x128xi32> to vector<4x128xf32>
    %dot_general3A = arith.constant dense<0.000000e+00> : vector<1000x128xf32>
    %dot_general3A_31 = tpu.matmul %slice3A_5, %convert_element_type3A_30, %dot_general3A {dimension_numbers = #tpu.dot_dimension_numbers<[1], [0], [0], [1], [0, 0, 1, 1], [], []>, transpose_lhs_hint = false} : vector<1000x4xf32>, vector<4x128xf32>, vector<1000x128xf32> -> vector<1000x128xf32>
    %add3A_32 = arith.constant 1.000000e-16 : f32
    %add3A_33 = vector.broadcast %add3A_32 : f32 to vector<1000x128xf32>
    %add3A_34 = arith.addf %dot_general3A_31, %add3A_33 : vector<1000x128xf32>
    %div3A_35 = arith.divf %slice3A, %add3A_34 : vector<1000x128xf32>
    %get3A_36 = arith.constant 0 : index
    %get3A_37 = arith.constant 0 : index
    %get3A_38 = vector.load %arg4[%get3A_36, %get3A_37] : memref<1x128xf32, #tpu.memory_space<vmem>>, vector<1x128xf32>
    %add3A_39 = vector.broadcast %get3A_38 : vector<1x128xf32> to vector<1000x128xf32>
    %add3A_40 = arith.addf %div3A_35, %add3A_39 : vector<1000x128xf32>
    %get3A_41 = arith.constant 0 : index
    %get3A_42 = arith.constant 0 : index
    %get3A_43 = vector.load %arg3[%get3A_41, %get3A_42] : memref<1000x128xf32, #tpu.memory_space<vmem>>, vector<1000x128xf32>
    %add3A_44 = arith.addf %add3A_40, %get3A_43 : vector<1000x128xf32>
    %reduce_sum3A = arith.constant dense<0.000000e+00> : vector<1000xf32>
    %reduce_sum3A_45 = vector.multi_reduction <add>, %add3A_44, %reduce_sum3A [1] : vector<1000x128xf32> to vector<1000xf32>
    %broadcast_in_dim3A = vector.shape_cast %reduce_sum3A_45 : vector<1000xf32> to vector<1000x1xf32>
    %div3A_46 = arith.constant 1.280000e+02 : f32
    %div3A_47 = vector.broadcast %div3A_46 : f32 to vector<1000x1xf32>
    %div3A_48 = arith.divf %broadcast_in_dim3A, %div3A_47 : vector<1000x1xf32>
    %sub3A_49 = vector.broadcast %div3A_48 : vector<1000x1xf32> to vector<1000x128xf32>
    %sub3A_50 = arith.subf %add3A_44, %sub3A_49 : vector<1000x128xf32>
    %mul3A = arith.mulf %sub3A_50, %sub3A_50 : vector<1000x128xf32>
    %reduce_sum3A_51 = arith.constant dense<0.000000e+00> : vector<1000xf32>
    %reduce_sum3A_52 = vector.multi_reduction <add>, %mul3A, %reduce_sum3A_51 [1] : vector<1000x128xf32> to vector<1000xf32>
    %broadcast_in_dim3A_53 = vector.shape_cast %reduce_sum3A_52 : vector<1000xf32> to vector<1000x1xf32>
    %div3A_54 = arith.constant 1.280000e+02 : f32
    %div3A_55 = vector.broadcast %div3A_54 : f32 to vector<1000x1xf32>
    %div3A_56 = arith.divf %broadcast_in_dim3A_53, %div3A_55 : vector<1000x1xf32>
    %add3A_57 = arith.constant 9.99999974E-6 : f32
    %add3A_58 = vector.broadcast %add3A_57 : f32 to vector<1000x1xf32>
    %add3A_59 = arith.addf %div3A_56, %add3A_58 : vector<1000x1xf32>
    %rsqrt3A = math.rsqrt %add3A_59 : vector<1000x1xf32>
    %mul3A_60 = vector.broadcast %rsqrt3A : vector<1000x1xf32> to vector<1000x128xf32>
    %mul3A_61 = arith.mulf %sub3A_50, %mul3A_60 : vector<1000x128xf32>
    %get3A_62 = arith.constant 0 : index
    %get3A_63 = arith.constant 0 : index
    %get3A_64 = vector.load %arg5[%get3A_62, %get3A_63] : memref<1x128xf32, #tpu.memory_space<vmem>>, vector<1x128xf32>
    %mul3A_65 = vector.broadcast %get3A_64 : vector<1x128xf32> to vector<1000x128xf32>
    %mul3A_66 = arith.mulf %mul3A_61, %mul3A_65 : vector<1000x128xf32>
    %get3A_67 = arith.constant 0 : index
    %get3A_68 = arith.constant 0 : index
    %get3A_69 = vector.load %arg6[%get3A_67, %get3A_68] : memref<1x128xf32, #tpu.memory_space<vmem>>, vector<1x128xf32>
    %add3A_70 = vector.broadcast %get3A_69 : vector<1x128xf32> to vector<1000x128xf32>
    %add3A_71 = arith.addf %mul3A_66, %add3A_70 : vector<1000x128xf32>
    %swap3A = arith.constant 0 : index
    %swap3A_72 = arith.constant 0 : index
    %swap3A_73 = vector.load %arg7[%swap3A, %swap3A_72] : memref<1000x128xf32, #tpu.memory_space<vmem>>, vector<1000x128xf32>
    tpu.vector_store %arg7[%swap3A, %swap3A_72], %add3A_71 {strides = array<i32>} : memref<1000x128xf32, #tpu.memory_space<vmem>>, vector<1000x128xf32>,
    return
  }
  func.func @transform_0(%arg0: i32) -> (i32, i32) {
    %c0_i32 = arith.constant 0 : i32
    %c0_i32_0 = arith.constant 0 : i32
    return %arg0, %c0_i32 : i32, i32
  }
  func.func @transform_1(%arg0: i32) -> (i32, i32) {
    %add3A = arith.constant 10 : i32
    %add3A_0 = arith.addi %add3A, %arg0 : i32
    %c0_i32 = arith.constant 0 : i32
    %c0_i32_1 = arith.constant 0 : i32
    return %add3A_0, %c0_i32 : i32, i32
  }
  func.func @transform_2(%arg0: i32) -> (i32, i32) {
    %c0_i32 = arith.constant 0 : i32
    %c0_i32_0 = arith.constant 0 : i32
    return %arg0, %c0_i32 : i32, i32
  }
  func.func @transform_3(%arg0: i32) -> (i32, i32) {
    %c0_i32 = arith.constant 0 : i32
    %c0_i32_0 = arith.constant 0 : i32
    %c0_i32_1 = arith.constant 0 : i32
    return %c0_i32, %c0_i32_0 : i32, i32
  }
  func.func @transform_4(%arg0: i32) -> (i32, i32) {
    %c0_i32 = arith.constant 0 : i32
    %c0_i32_0 = arith.constant 0 : i32
    %c0_i32_1 = arith.constant 0 : i32
    return %c0_i32, %c0_i32_0 : i32, i32
  }
  func.func @transform_5(%arg0: i32) -> (i32, i32) {
    %c0_i32 = arith.constant 0 : i32
    %c0_i32_0 = arith.constant 0 : i32
    %c0_i32_1 = arith.constant 0 : i32
    return %c0_i32, %c0_i32_0 : i32, i32
  }
  func.func @transform_6(%arg0: i32) -> (i32, i32) {
    %c0_i32 = arith.constant 0 : i32
    %c0_i32_0 = arith.constant 0 : i32
    return %arg0, %c0_i32 : i32, i32
  }
}

</mosaic_0001>

<sc_bundles>
// kernel: kernel.5.cloned.1.call-start
scs
__scs_entry_jumppad:
0x0: {  	(pc) =	sbr.rel $0x88, $3  }
0x1: {  	(tag) =	ssettag $0x0;
	lr =	simm.s32 $0x1  }
0x2: {  	[smem:$0x3F99] =	sst lr;
	_ =	strace $0xD0000000  }
0x3: {  	_ = 	snop  }
0x4: {  	_ = 	snop  }
0x5: {  	_ = 	snop  }
0x6: {  	_ = 	snop  }
0x7: {  	_ = 	snop  }
__scs_overlays_trampoline_lowered:
0x8: {  	[smem:$0x3FA8] =	sst s0  }
0x9: {  	[smem:$0x3FA9] =	sst s1  }
0xa: {  	[smem:$0x3FAA] =	sst s2  }
0xb: {  	[smem:$0x3FAB] =	sst s3  }
0xc: {  	[smem:$0x3FAC] =	sst s4  }
0xd: {  	[smem:$0x3FAD] =	sst s5  }
0xe: {  	[smem:$0x3FAE] =	sst s6  }
0xf: {  	[smem:$0x3FAF] =	sst s7  }
0x10: {  	[smem:$0x3FB0] =	sst s8  }
0x11: {  	[smem:$0x3FB1] =	sst s9;
	s0 =	simm.s32 @!p0 $0x0  }
0x12: {  	s1 =	sld [smem:$0x3F97];
	s0 =	simm.s32 @p0 $0x1  }
0x13: {  	[smem:$0x3FB2] =	sst s0;
	s0 =	simm.s32 @!p1 $0x0  }
0x14: {  	s2 =	sld [smem:$0x3F96];
	s0 =	simm.s32 @p1 $0x1  }
0x15: {  	[smem:$0x3FB3] =	sst s0;
	s0 =	simm.s32 @!p2 $0x0  }
0x16: {  	s3 =	sld [smem:$0x3FDB];
	s0 =	simm.s32 @p2 $0x1  }
0x17: {  	s4 =	simm.s32 $0x1BF5;
	[smem:$0x3FB5] =	sst s0  }
0x18: {  	s0 =	sld [smem:$0x3F98];
	_ =	swait.ge [sflag:s4], $0x0  }
0x19: {  	s7 =	sld [smem:$0x3F99]  }
0x1a: {  	s8 =	sadd.s32 $0xFFFFE003, lr  }
0x1b: {  	s9 =	sadd.s32 $0xFFFFFEF7, lr;
	s5 =	simm.s32 $0xFFFFFFFF;
	p2 =	slt.u32 s8, $0xFFFFF086  }
0x1c: {  	p1 =	slt.u32 s9, $0xF7A;
	s5 =	simm.s32 @!p2 $0x0  }
0x1d: {  	s5 =	simm.s32 @p1 $0x1;
	p0 =	seq.s32 s7, s2  }
0x1e: {  	s7 =	smul.u32 @!p0 $0xF7A, s2;
	p2 =	seq.s32 @!p0 s5, $0x0  }
0x1f: {  	s9 =	smul.u32 $0xF7A, s1;
	s8 =	simm.s32 @!p0 $0x1BF5;
	p2 =	por !p2, p0  }
0x20: {  	[sflag:s8] =	ssyncset.s32 @!p0 $0xFFFFF086;
	s6 =	sadd.s32 @!p0 s3, s7;
	s7 =	simm.s32 @!p0 $0x108  }
0x21: {  	s3 =	sadd.s32 s3, s9;
	s6 =	sadd.s32 @!p0 $0x88, s6;
	s7 =	simm.s32 @p2 $0x1082  }
0x22: {  	[simem:s7], [sflag:s8] =	dma.local @!p0 [hbm:s6], $0xF7A  }
0x23: {  	s9 =	sor.u32 $0xD0000000, s2;
	s6 =	simm.s32 $0x108;
	_ =	swait.ge @!p0 [sflag:s8], $0x0  }
0x24: {  	s3 =	sadd.s32 $0x88, s3;
	s6 =	simm.s32 @!p1 $0x1082;
	[sflag:s4] =	ssyncset.s32 $0xFFFFF086  }
0x25: {  	[simem:s6], [sflag:s4] =	dma.local [hbm:s3], $0xF7A  }
0x26: {  	[smem:$0x3F99] =	sst s1;
	(tag) =	ssettag s2;
	_ =	strace s9  }
0x27: {  	s1 =	sld [smem:$0x3FA9]  }
0x28: {  	s2 =	sld [smem:$0x3FAA]  }
0x29: {  	s4 =	sld [smem:$0x3FAC]  }
0x2a: {  	p0 =	seq.s32 s5, $0x0;
	s5 =	sld [smem:$0x3FAD]  }
0x2b: {  	s6 =	sld [smem:$0x3FAE]  }
0x2c: {  	s7 =	sld [smem:$0x3FAF]  }
0x2d: {  	s3 =	simm.s32 $0x108;
	s8 =	sld [smem:$0x3FB0]  }
0x2e: {  	s3 =	simm.s32 @!p0 $0x1082;
	s9 =	sld [smem:$0x3FB1]  }
0x2f: {  	lr =	sadd.s32 s0, s3;
	s0 =	sld [smem:$0x3FA8]  }
0x30: {  	s3 =	sld [smem:$0x3FAB]  }
0x31: {  	[smem:$0x3FB4] =	sst s10  }
0x32: {  	s10 =	sld [smem:$0x3FB2];
	_ =	sdelay $0x3  }
0x33: {  	p0 =	seq.s32 s10, $0x1;
	s10 =	sld [smem:$0x3FB4];
	_ =	sdelay $0x3  }
0x34: {  	[smem:$0x3FB4] =	sst s10  }
0x35: {  	s10 =	sld [smem:$0x3FB3];
	_ =	sdelay $0x3  }
0x36: {  	p1 =	seq.s32 s10, $0x1;
	s10 =	sld [smem:$0x3FB4];
	_ =	sdelay $0x3  }
0x37: {  	[smem:$0x3FB4] =	sst s10  }
0x38: {  	s10 =	sld [smem:$0x3FB5]  }
0x39: {  	_ = 	snop;
	(pc) =	sbr.ind lr, $3  }
0x3a: {  	_ = 	snop  }
0x3b: {  	_ = 	snop  }
0x3c: {  	p2 =	seq.s32 s10, $0x1;
	s10 =	sld [smem:$0x3FB4]  }
0x3d: {  	_ =	shalt  }
0x3e: {  	_ =	shalt  }
0x3f: {  	_ =	shalt  }
0x40: {  	_ =	shalt  }
0x41: {  	_ =	shalt  }
0x42: {  	_ =	shalt  }
0x43: {  	_ =	shalt  }
0x44: {  	_ =	shalt  }
0x45: {  	_ =	shalt  }
0x46: {  	_ =	shalt  }
0x47: {  	_ =	shalt  }
0x48: {  	_ =	shalt  }
0x49: {  	_ =	shalt  }
0x4a: {  	_ =	shalt  }
0x4b: {  	_ =	shalt  }
0x4c: {  	_ =	shalt  }
0x4d: {  	_ =	shalt  }
0x4e: {  	_ =	shalt  }
0x4f: {  	_ =	shalt  }
0x50: {  	_ =	shalt  }
0x51: {  	_ =	shalt  }
0x52: {  	_ =	shalt  }
0x53: {  	_ =	shalt  }
0x54: {  	_ =	shalt  }
0x55: {  	_ =	shalt  }
0x56: {  	_ =	shalt  }
0x57: {  	_ =	shalt  }
0x58: {  	_ =	shalt  }
0x59: {  	_ =	shalt  }
0x5a: {  	_ =	shalt  }
0x5b: {  	_ =	shalt  }
0x5c: {  	_ =	shalt  }
0x5d: {  	_ =	shalt  }
0x5e: {  	_ =	shalt  }
0x5f: {  	_ =	shalt  }
0x60: {  	_ =	shalt  }
0x61: {  	_ =	shalt  }
0x62: {  	_ =	shalt  }
0x63: {  	_ =	shalt  }
0x64: {  	_ =	shalt  }
0x65: {  	_ =	shalt  }
0x66: {  	_ =	shalt  }
0x67: {  	_ =	shalt  }
0x68: {  	_ =	shalt  }
0x69: {  	_ =	shalt  }
0x6a: {  	_ =	shalt  }
0x6b: {  	_ =	shalt  }
0x6c: {  	_ =	shalt  }
0x6d: {  	_ =	shalt  }
0x6e: {  	_ =	shalt  }
0x6f: {  	_ =	shalt  }
0x70: {  	_ =	shalt  }
0x71: {  	_ =	shalt  }
0x72: {  	_ =	shalt  }
0x73: {  	_ =	shalt  }
0x74: {  	_ =	shalt  }
0x75: {  	_ =	shalt  }
0x76: {  	_ =	shalt  }
0x77: {  	_ =	shalt  }
0x78: {  	_ =	shalt  }
0x79: {  	_ =	shalt  }
0x7a: {  	_ =	shalt  }
0x7b: {  	_ =	shalt  }
0x7c: {  	_ =	shalt  }
0x7d: {  	_ =	shalt  }
0x7e: {  	_ =	shalt  }
0x7f: {  	_ =	shalt  }
0x80: {  	_ =	shalt  }
0x81: {  	_ =	shalt  }
0x82: {  	_ =	shalt  }
0x83: {  	_ =	shalt  }
0x84: {  	_ =	shalt  }
0x85: {  	_ =	shalt  }
0x86: {  	_ =	shalt  }
0x87: {  	_ =	shalt  }
.Lfunc_end0:
.L_simem_size_0:
called_computation_lowered:
.L_overlay_start_0:
0x88: {  	s2 =	sld [smem:$0x3FD9]  }
0x89: {  	s3 =	sld [smem:$0x3FFE];
	_ =	sdelay $0x1  }
0x8a: {  	s1 =	srdreg.scid  }
0x8b: {  	s0 =	sand.u32 $0x1, s1  }
0x8c: {  	s17 =	sshll.u32 s0, $0xA;
	s2 =	sadd.s32 s3, s2  }
0x8d: {  	s2 =	sadd.s32 s2, s17  }
0x8e: {  	[smem:$0x3FC0] =	sst s2  }
0x8f: {  	_ = 	snop  }
0x90: {  	s2 =	sld [smem:$0x3FD0];
	(tm) =	ssettm $0x1  }
0x91: {  	s18 =	sld [smem:$0x3FFB];
	_ =	sdelay $0x3  }
0x92: {  	_ =	strace s18  }
0x93: {  	s3 =	sld [smem:$0x3FFC];
	_ =	sdelay $0x3  }
0x94: {  	_ =	strace s3  }
0x95: {  	s3 =	sld [smem:$0x3FFD];
	_ =	sdelay $0x3  }
0x96: {  	_ =	strace s3  }
0x97: {  	_ =	strace $0x8FFFFFFF  }
0x98: {  	s19 =	sld [smem:$0x3FDB];
	_ =	sdelay $0x1  }
0x99: {  	s4 =	simm.s32 $_scs_section_size  }
0x9a: {  	s5 =	simm.s32 $_size__tile_overlayer_lowered;
	s6 =	simm.s32 $_tile_overlayer_lowered  }
0x9b: {  	s22 =	simm.s32 $0x1BFF;
	s21 =	sshll.u32 s6, $0x1;
	s3 =	sadd.s32 s4, s19  }
0x9c: {  	s7 =	simm.s32 $0x0;
	s20 =	sshll.u32 s5, $0x1;
	s5 =	sadd.s32 s21, s3  }
0x9d: {  	[timem:s7], [sflag:s22] =	dma.local [hbm:s5], s20  }
0x9e: {  	_ =	swait.ge [sflag:s22], s20  }
0x9f: {  	s4 =	ssub.s32 $0x0, s20;
	[sflag:s22] =	ssyncset.done $0x0  }
0xa0: {  	[sflag:s22] =	ssyncadd.s32 s4;
	_ =	sdelay $0x1  }
0xa1: {  	s23 =	simm.s32 $0x1B8B  }
0xa2: {  	_ =	swait.ge [sflag:s23], $0x1  }
0xa3: {  	[sflag:s23] =	ssyncset.done $0x0  }
0xa4: {  	s25 =	simm.s32 $0x1B8E;
	s24 =	sld [smem:$0x3FFE];
	[sflag:s23] =	ssyncadd.s32 $0xFFFFFFFF  }
0xa5: {  	s26 =	simm.s32 $execute0_lowered;
	[smem:$0x3FD2] =	sst s25  }
0xa6: {  	s5 =	sshll.u32 s26, $0x1;
	_ =	strace $0x80000046;
	[dreg:$0x1] =	wrdreg $0xFFFFFFFF  }
0xa7: {  	s28 =	simm.s32 $_size_execute0_lowered;
	s3 =	sadd.s32 s3, s5;
	[dreg:$0x0] =	wrdreg $0x0  }
0xa8: {  	s5 =	sshll.u32 s28, $0x1;
	[dreg:$0x2] =	wrdreg s3  }
0xa9: {  	[dreg:$0x3] =	wrdreg s5  }
0xaa: {  	[dreg:$0x4] =	wrdreg $0xC0  }
0xab: {  	_ =	task [dreg:s7], $0x5FFFF  }
0xac: {  	[dreg:$0x1] =	wrdreg $0xFFFFFFFF  }
0xad: {  	[dreg:$0x0] =	wrdreg $0x60  }
0xae: {  	[dreg:$0x2] =	wrdreg s24  }
0xaf: {  	[dreg:$0x3] =	wrdreg s2  }
0xb0: {  	[dreg:$0x4] =	wrdreg $0x9A700  }
0xb1: {  	[dreg:$0x5] =	wrdreg $0x9  }
0xb2: {  	_ =	task.clear_ibuf [dreg:s7], $0x6FFFF;
	_ =	strace $0x90000046  }
0xb3: {  	s29 =	simm.s32 $0x9;
	_ =	strace $0x80000048  }
0xb4: {  	_ =	swait.ge [sflag:s29], $0x1  }
0xb5: {  	[sflag:s29] =	ssyncadd.s32 $0xFFFFFFFF  }
0xb6: {  	_ =	strace $0x90000048  }
0xb7: {  	_ =	sfence  }
0xb8: {  	s30 =	sld [smem:$0x0];
	_ =	sdelay $0x2  }
0xb9: {  	s31 =	sshll.u32 s1, $0xD;
	s1 =	sshrl.u32 s1, $0x2  }
0xba: {  	s3 =	sand.u32 $0x4000, s31;
	s1 =	sadd.s32 s1, s30  }
0xbb: {  	s0 =	sor.u32 s3, s0;
	s1 =	sshll.u32 s1, $0x11  }
0xbc: {  	s0 =	sor.u32 s1, s0  }
0xbd: {  	s0 =	sadd.s32 $0x8F2B, s0  }
0xbe: {  	[sflag:s0] =	ssyncadd.remote.s32 $0x1  }
0xbf: {  	_ =	sfence.sel $0xFFFF  }
0xc0: {  	[dreg:$0x0] =	wrdreg $0xFFFFFFFF;
	(pc) =	sbr.abs _section_cstart, $3  }
0xc1: {  	[dreg:$0x1] =	wrdreg $0xFFFFFFFF  }
0xc2: {  	_ =	task.clear_ibuf [dreg:s7], $0x2FFFF;
	_ =	strace $0x9FFFFFFF  }
0xc3: {  	(tm) =	ssettm $0x7FFFFFFF  }
tec
execute0_lowered:
.L_overlay_start_1:
0x0: {  	(tag) =	ssettag $0x1  }
0x1: {  	s0 =	srdreg.scid;
	s1 =	rddreg [dreg:$0x0]  }
0x2: {  	s2 =	rddreg [dreg:$0x1];
	s8 =	stileid.u32  }
0x3: {  	s3 =	rddreg [dreg:$0x2];
	s5 =	simm.s32 $0x0;
	s0 =	sand.u32 $0x1, s0  }
0x4: {  	[smem:$0x7FF] =	sst s5;
	s6 =	smul.u32 $0x2BF2, s8;
	s9 =	sadd.s32 $0x1800, s1  }
0x5: {  	s4 =	sshll.u32 s0, $0x4;
	s7 =	smul.u32 $0x2BF20, s0;
	s0 =	ssub.s32 $0x2, s0  }
0x6: {  	s4 =	sor.u32 s8, s4;
	s8 =	smul.u32 $0x57E40, s8;
	s20 =	sshrl.u32 s0, $0x1  }
0x7: {  	_ =	strace $0x80000047;
	s4 =	smul.u32 $0x272, s4;
	s0 =	ssub.s32 s0, s20  }
0x8: {  	[dreg:$0x4] =	wrdreg s9;
	s21 =	sshrl.u32 s8, $0x2;
	s0 =	smax.u32 s0, $0x1  }
0x9: {  	s4 =	sadd.s32 s4, s1;
	s15 =	sadd.s32 s21, s3;
	[dreg:$0x17] =	wrdreg s0  }
0xa: {  	s22 =	sadd.s32 $0x6A00, s4;
	[dreg:$0x6] =	wrdreg s15  }
0xb: {  	s4 =	sadd.s32 $0x1A00, s4;
	[dreg:$0x5] =	wrdreg s22  }
0xc: {  	s23 =	sadd.s32 $0xE10, s15;
	[dreg:$0x7] =	wrdreg s4  }
0xd: {  	s24 =	sadd.s32 $0x1C20, s15;
	[dreg:$0x8] =	wrdreg s23  }
0xe: {  	s5 =	sadd.s32 $0xBA00, s1;
	s25 =	sadd.s32 $0x2A30, s15;
	[dreg:$0x9] =	wrdreg s24  }
0xf: {  	s6 =	sadd.s32 s6, s7;
	s26 =	sadd.s32 $0x3840, s15;
	[dreg:$0xa] =	wrdreg s25  }
0x10: {  	s1 =	sadd.s32 s6, s1;
	s6 =	sadd.s32 $0x4650, s15;
	[dreg:$0xb] =	wrdreg s26  }
0x11: {  	s7 =	sadd.s32 $0x5460, s15;
	[dreg:$0xc] =	wrdreg s6  }
0x12: {  	s8 =	sadd.s32 $0x6270, s15;
	[dreg:$0xd] =	wrdreg s7  }
0x13: {  	s9 =	sadd.s32 $0x7080, s15;
	[dreg:$0xe] =	wrdreg s8  }
0x14: {  	s10 =	sadd.s32 $0x7E90, s15;
	[dreg:$0xf] =	wrdreg s9  }
0x15: {  	s11 =	sadd.s32 $0x8CA0, s15;
	[dreg:$0x10] =	wrdreg s10  }
0x16: {  	s12 =	sadd.s32 $0x9AB0, s15;
	[dreg:$0x11] =	wrdreg s11  }
0x17: {  	s13 =	sadd.s32 $0xA8C0, s15;
	[dreg:$0x12] =	wrdreg s12  }
0x18: {  	s14 =	sadd.s32 $0xB6D0, s15;
	[dreg:$0x13] =	wrdreg s13  }
0x19: {  	s16 =	sadd.s32 $0xC4E0, s15;
	[dreg:$0x14] =	wrdreg s14  }
0x1a: {  	s1 =	sadd.s32 $0x32C00, s1;
	[dreg:$0x15] =	wrdreg s16  }
0x1b: {  	s17 =	sadd.s32 $0xD2F0, s15;
	[dreg:$0x16] =	wrdreg s1  }
0x1c: {  	s28 =	simm.s32 $0x2790;
	s18 =	sadd.s32 $0xE100, s15;
	[dreg:$0x18] =	wrdreg s17  }
0x1d: {  	s29 =	simm.s32 $0x5FE0;
	s19 =	sadd.s32 $0xEF10, s15;
	[dreg:$0x19] =	wrdreg s18  }
0x1e: {  	s30 =	simm.s32 $0x1;
	s20 =	sadd.s32 $0xFD20, s15;
	[dreg:$0x1a] =	wrdreg s19  }
0x1f: {  	s31 =	simm.s32 $0x5;
	s21 =	sadd.s32 $0x10B30, s15;
	[dreg:$0x1b] =	wrdreg s20  }
0x20: {  	s0 =	simm.s32 $0x67E0;
	[dreg:$0x1c] =	wrdreg s21;
	s22 =	sadd.s32 $0x11940, s15  }
0x21: {  	s23 =	sadd.s32 $0x12750, s15;
	s24 =	sadd.s32 $0x13560, s15;
	s25 =	sadd.s32 $0x14370, s15  }
0x22: {  	s26 =	sadd.s32 $0x15180, s15;
	s10 =	simm.s32 $0xD;
	s12 =	simm.s32 $0x10  }
0x23: {  	s19 =	simm.s32 $0x2770;
	s20 =	simm.s32 $0x4FE0;
	s21 =	simm.s32 $0x2740  }
0x24: {  	s1 =	simm.s32 $0x27A0;
	s6 =	simm.s32 $0x2;
	[dreg:$0x1d] =	wrdreg s22  }
0x25: {  	s7 =	simm.s32 $0x6;
	s8 =	simm.s32 $0x3;
	[dreg:$0x1e] =	wrdreg s23  }
0x26: {  	s11 =	simm.s32 $0x7;
	s9 =	simm.s32 $0x4;
	[dreg:$0x1f] =	wrdreg s24  }
0x27: {  	s4 =	simm.s32 $0x8;
	s14 =	simm.s32 $0x0;
	[smem:$0x7FC] =	sst s25  }
0x28: {  	v0 =	vimm.f32 $0.0e+00;
	[smem:$0x7FD] =	sst s26;
	s22 =	simm.s32 $0x37E0;
	s23 =	simm.s32 $0x2780  }
0x29: {  	vm0 =	vcmask $0x3F0C;
	vm1 =	vcmask $0x3F08;
	vm2 =	vmmov $0x1;
	s24 =	simm.s32 $0x57E0;
	s25 =	simm.s32 $0x2750;
	s26 =	simm.s32 $0x3FE0  }
.LBB2_1:
0x2a: {  	[smem:$0x7FB] =	sst s14  }
0x2b: {  	s13 =	simm.s32 $0x0;
	s18 =	rddreg [dreg:$0x4];
	s16 =	simm.s32 $0x8BE0  }
0x2c: {  	[tilespmem:s16], [sflag:$0xD] =	stream.linear.gather [hbm4b:s18+s13], $0x80, $0x38;
	[tilespmem:$0x1FA00] =	vst v63  }
0x2d: {  	_ =	swait.ge [sflag:s10], $0x80  }
0x2e: {  	[sflag:s10] =	ssyncset.done $0x0  }
0x2f: {  	s16 =	rddreg [dreg:$0x5];
	[sflag:s10] =	ssyncadd.s32 $0xFFFFFF80  }
0x30: {  	[tilespmem:s13], [sflag:$0xD] =	stream.linear.gather [hbm4b:s16+s13], $0x1390, $0x38;
	[tilespmem:$0x1FA00] =	vst v63  }
0x31: {  	_ =	swait.ge [sflag:s10], $0x1390  }
0x32: {  	[sflag:s10] =	ssyncset.done $0x0  }
0x33: {  	s18 =	simm.s32 $0x1390;
	s17 =	rddreg [dreg:$0x7];
	[sflag:s10] =	ssyncadd.s32 $0xFFFFEC70  }
0x34: {  	[tilespmem:s18], [sflag:$0xD] =	stream.linear.gather [hbm4b:s17+s13], $0x1390, $0x38;
	[tilespmem:$0x1FA00] =	vst v63  }
0x35: {  	_ =	swait.ge [sflag:s10], $0x1390  }
0x36: {  	[sflag:s10] =	ssyncset.done $0x0  }
0x37: {  	s14 =	simm.s32 $0x240;
	s13 =	simm.s32 $0x0;
	[sflag:s10] =	ssyncadd.s32 $0xFFFFEC70  }
.LBB2_2:
0x38: {  	p0 =	sne.s32 s14, $0x3600;
	[tilespmem:s13+$0x8CE0] =	vst v0  }
0x39: {  	[tilespmem:s13+$0x8C60] =	vst v0  }
0x3a: {  	[tilespmem:s13+$0x8C70] =	vst v0  }
0x3b: {  	[tilespmem:s13+$0x8C80] =	vst v0  }
.Ltmp0:
0x3c: {  	[tilespmem:s13+$0x8C90] =	vst v0;
	(pc) =	sbr.rel @p0 .LBB2_2-.Ltmp0, $4  }
0x3d: {  	[tilespmem:s13+$0x8CA0] =	vst v0  }
0x3e: {  	[tilespmem:s13+$0x8CB0] =	vst v0  }
0x3f: {  	[tilespmem:s13+$0x8CC0] =	vst v0  }
0x40: {  	[tilespmem:s13+$0x8CD0] =	vst v0;
	s13 =	sshra.s32 s14, $0x2;
	s14 =	sadd.s32 $0x240, s14  }
0x41: {  	[tilespmem:s13+$0x8CE0] =	vst v0  }
0x42: {  	[tilespmem:s13+$0x8C60] =	vst v0  }
0x43: {  	[tilespmem:s13+$0x8C70] =	vst v0  }
0x44: {  	[tilespmem:s13+$0x8C80] =	vst v0  }
0x45: {  	[tilespmem:s13+$0x8C90] =	vst v0  }
0x46: {  	[tilespmem:s13+$0x8CA0] =	vst v0  }
0x47: {  	[tilespmem:s13+$0x8CB0] =	vst v0  }
0x48: {  	[tilespmem:s13+$0x8CC0] =	vst v0  }
0x49: {  	[tilespmem:s13+$0x8CD0] =	vst v0;
	s14 =	simm.s32 $0x8C60  }
0x4a: {  	[spmem:s15] =	stream.linear.scatter [tilespmem:s14], [sflag:$0xD], $0xE10, $0x38;
	[tilespmem:$0x1FA00] =	vst v63  }
0x4b: {  	_ =	swait.ge [sflag:s10], $0xE10  }
0x4c: {  	[sflag:s10] =	ssyncset.done $0x0  }
0x4d: {  	s17 =	rddreg [dreg:$0x8];
	[sflag:s10] =	ssyncadd.s32 $0xFFFFF1F0  }
0x4e: {  	[spmem:s17] =	stream.linear.scatter [tilespmem:s14], [sflag:$0xD], $0xE10, $0x38;
	[tilespmem:$0x1FA00] =	vst v63  }
0x4f: {  	_ =	swait.ge [sflag:s10], $0xE10  }
0x50: {  	[sflag:s10] =	ssyncset.done $0x0  }
0x51: {  	s18 =	rddreg [dreg:$0x9];
	[sflag:s10] =	ssyncadd.s32 $0xFFFFF1F0  }
0x52: {  	[spmem:s18] =	stream.linear.scatter [tilespmem:s14], [sflag:$0xD], $0xE10, $0x38;
	[tilespmem:$0x1FA00] =	vst v63  }
0x53: {  	_ =	swait.ge [sflag:s10], $0xE10  }
0x54: {  	[sflag:s10] =	ssyncset.done $0x0  }
0x55: {  	s15 =	rddreg [dreg:$0xa];
	[sflag:s10] =	ssyncadd.s32 $0xFFFFF1F0  }
0x56: {  	[spmem:s15] =	stream.linear.scatter [tilespmem:s14], [sflag:$0xD], $0xE10, $0x38;
	[tilespmem:$0x1FA00] =	vst v63  }
0x57: {  	_ =	swait.ge [sflag:s10], $0xE10  }
0x58: {  	[sflag:s10] =	ssyncset.done $0x0  }
0x59: {  	s16 =	rddreg [dreg:$0xb];
	[sflag:s10] =	ssyncadd.s32 $0xFFFFF1F0  }
0x5a: {  	[spmem:s16] =	stream.linear.scatter [tilespmem:s14], [sflag:$0xD], $0xE10, $0x38;
	[tilespmem:$0x1FA00] =	vst v63  }
0x5b: {  	_ =	swait.ge [sflag:s10], $0xE10  }
0x5c: {  	[sflag:s10] =	ssyncset.done $0x0  }
0x5d: {  	s17 =	rddreg [dreg:$0xc];
	[sflag:s10] =	ssyncadd.s32 $0xFFFFF1F0  }
0x5e: {  	[spmem:s17] =	stream.linear.scatter [tilespmem:s14], [sflag:$0xD], $0xE10, $0x38;
	[tilespmem:$0x1FA00] =	vst v63  }
0x5f: {  	_ =	swait.ge [sflag:s10], $0xE10  }
0x60: {  	[sflag:s10] =	ssyncset.done $0x0  }
0x61: {  	s18 =	rddreg [dreg:$0xd];
	[sflag:s10] =	ssyncadd.s32 $0xFFFFF1F0  }
0x62: {  	[spmem:s18] =	stream.linear.scatter [tilespmem:s14], [sflag:$0xD], $0xE10, $0x38;
	[tilespmem:$0x1FA00] =	vst v63  }
0x63: {  	_ =	swait.ge [sflag:s10], $0xE10  }
0x64: {  	[sflag:s10] =	ssyncset.done $0x0  }
0x65: {  	s15 =	rddreg [dreg:$0xe];
	[sflag:s10] =	ssyncadd.s32 $0xFFFFF1F0  }
0x66: {  	[spmem:s15] =	stream.linear.scatter [tilespmem:s14], [sflag:$0xD], $0xE10, $0x38;
	[tilespmem:$0x1FA00] =	vst v63  }
0x67: {  	_ =	swait.ge [sflag:s10], $0xE10  }
0x68: {  	[sflag:s10] =	ssyncset.done $0x0  }
0x69: {  	s16 =	rddreg [dreg:$0xf];
	[sflag:s10] =	ssyncadd.s32 $0xFFFFF1F0  }
0x6a: {  	[spmem:s16] =	stream.linear.scatter [tilespmem:s14], [sflag:$0xD], $0xE10, $0x38;
	[tilespmem:$0x1FA00] =	vst v63  }
0x6b: {  	_ =	swait.ge [sflag:s10], $0xE10  }
0x6c: {  	[sflag:s10] =	ssyncset.done $0x0  }
0x6d: {  	s17 =	rddreg [dreg:$0x10];
	[sflag:s10] =	ssyncadd.s32 $0xFFFFF1F0  }
0x6e: {  	[spmem:s17] =	stream.linear.scatter [tilespmem:s14], [sflag:$0xD], $0xE10, $0x38;
	[tilespmem:$0x1FA00] =	vst v63  }
0x6f: {  	_ =	swait.ge [sflag:s10], $0xE10  }
0x70: {  	[sflag:s10] =	ssyncset.done $0x0  }
0x71: {  	s18 =	rddreg [dreg:$0x11];
	[sflag:s10] =	ssyncadd.s32 $0xFFFFF1F0  }
0x72: {  	[spmem:s18] =	stream.linear.scatter [tilespmem:s14], [sflag:$0xD], $0xE10, $0x38;
	[tilespmem:$0x1FA00] =	vst v63  }
0x73: {  	_ =	swait.ge [sflag:s10], $0xE10  }
0x74: {  	[sflag:s10] =	ssyncset.done $0x0  }
0x75: {  	s15 =	rddreg [dreg:$0x12];
	[sflag:s10] =	ssyncadd.s32 $0xFFFFF1F0  }
0x76: {  	[spmem:s15] =	stream.linear.scatter [tilespmem:s14], [sflag:$0xD], $0xE10, $0x38;
	[tilespmem:$0x1FA00] =	vst v63  }
0x77: {  	_ =	swait.ge [sflag:s10], $0xE10  }
0x78: {  	[sflag:s10] =	ssyncset.done $0x0  }
0x79: {  	s16 =	rddreg [dreg:$0x13];
	[sflag:s10] =	ssyncadd.s32 $0xFFFFF1F0  }
0x7a: {  	[spmem:s16] =	stream.linear.scatter [tilespmem:s14], [sflag:$0xD], $0xE10, $0x38;
	[tilespmem:$0x1FA00] =	vst v63  }
0x7b: {  	_ =	swait.ge [sflag:s10], $0xE10  }
0x7c: {  	[sflag:s10] =	ssyncset.done $0x0  }
0x7d: {  	s17 =	rddreg [dreg:$0x14];
	[sflag:s10] =	ssyncadd.s32 $0xFFFFF1F0  }
0x7e: {  	[spmem:s17] =	stream.linear.scatter [tilespmem:s14], [sflag:$0xD], $0xE10, $0x38;
	[tilespmem:$0x1FA00] =	vst v63  }
0x7f: {  	_ =	swait.ge [sflag:s10], $0xE10  }
0x80: {  	[sflag:s10] =	ssyncset.done $0x0  }
0x81: {  	s18 =	rddreg [dreg:$0x15];
	[sflag:s10] =	ssyncadd.s32 $0xFFFFF1F0  }
0x82: {  	[spmem:s18] =	stream.linear.scatter [tilespmem:s14], [sflag:$0xD], $0xE10, $0x38;
	[tilespmem:$0x1FA00] =	vst v63  }
0x83: {  	_ =	swait.ge [sflag:s10], $0xE10  }
0x84: {  	[sflag:s10] =	ssyncset.done $0x0  }
0x85: {  	s15 =	rddreg [dreg:$0x18];
	[sflag:s10] =	ssyncadd.s32 $0xFFFFF1F0  }
0x86: {  	[spmem:s15] =	stream.linear.scatter [tilespmem:s14], [sflag:$0xD], $0xE10, $0x38;
	[tilespmem:$0x1FA00] =	vst v63  }
0x87: {  	_ =	swait.ge [sflag:s10], $0xE10  }
0x88: {  	[sflag:s10] =	ssyncset.done $0x0  }
0x89: {  	s16 =	rddreg [dreg:$0x19];
	[sflag:s10] =	ssyncadd.s32 $0xFFFFF1F0  }
0x8a: {  	[spmem:s16] =	stream.linear.scatter [tilespmem:s14], [sflag:$0xD], $0xE10, $0x38;
	[tilespmem:$0x1FA00] =	vst v63  }
0x8b: {  	_ =	swait.ge [sflag:s10], $0xE10  }
0x8c: {  	[sflag:s10] =	ssyncset.done $0x0  }
0x8d: {  	s17 =	rddreg [dreg:$0x1a];
	[sflag:s10] =	ssyncadd.s32 $0xFFFFF1F0  }
0x8e: {  	[spmem:s17] =	stream.linear.scatter [tilespmem:s14], [sflag:$0xD], $0xE10, $0x38;
	[tilespmem:$0x1FA00] =	vst v63  }
0x8f: {  	_ =	swait.ge [sflag:s10], $0xE10  }
0x90: {  	[sflag:s10] =	ssyncset.done $0x0  }
0x91: {  	s18 =	rddreg [dreg:$0x1b];
	[sflag:s10] =	ssyncadd.s32 $0xFFFFF1F0  }
0x92: {  	[spmem:s18] =	stream.linear.scatter [tilespmem:s14], [sflag:$0xD], $0xE10, $0x38;
	[tilespmem:$0x1FA00] =	vst v63  }
0x93: {  	_ =	swait.ge [sflag:s10], $0xE10  }
0x94: {  	[sflag:s10] =	ssyncset.done $0x0  }
0x95: {  	s15 =	rddreg [dreg:$0x1c];
	[sflag:s10] =	ssyncadd.s32 $0xFFFFF1F0  }
0x96: {  	[spmem:s15] =	stream.linear.scatter [tilespmem:s14], [sflag:$0xD], $0xE10, $0x38;
	[tilespmem:$0x1FA00] =	vst v63  }
0x97: {  	_ =	swait.ge [sflag:s10], $0xE10  }
0x98: {  	[sflag:s10] =	ssyncset.done $0x0  }
0x99: {  	s16 =	rddreg [dreg:$0x1d];
	[sflag:s10] =	ssyncadd.s32 $0xFFFFF1F0  }
0x9a: {  	[spmem:s16] =	stream.linear.scatter [tilespmem:s14], [sflag:$0xD], $0xE10, $0x38;
	[tilespmem:$0x1FA00] =	vst v63  }
0x9b: {  	_ =	swait.ge [sflag:s10], $0xE10  }
0x9c: {  	[sflag:s10] =	ssyncset.done $0x0  }
0x9d: {  	s17 =	rddreg [dreg:$0x1e];
	[sflag:s10] =	ssyncadd.s32 $0xFFFFF1F0  }
0x9e: {  	[spmem:s17] =	stream.linear.scatter [tilespmem:s14], [sflag:$0xD], $0xE10, $0x38;
	[tilespmem:$0x1FA00] =	vst v63  }
0x9f: {  	_ =	swait.ge [sflag:s10], $0xE10  }
0xa0: {  	[sflag:s10] =	ssyncset.done $0x0  }
0xa1: {  	s18 =	rddreg [dreg:$0x1f];
	[sflag:s10] =	ssyncadd.s32 $0xFFFFF1F0  }
0xa2: {  	[spmem:s18] =	stream.linear.scatter [tilespmem:s14], [sflag:$0xD], $0xE10, $0x38;
	[tilespmem:$0x1FA00] =	vst v63  }
0xa3: {  	_ =	swait.ge [sflag:s10], $0xE10  }
0xa4: {  	s15 =	sld [smem:$0x7FC]  }
0xa5: {  	[sflag:s10] =	ssyncset.done $0x0  }
0xa6: {  	[sflag:s10] =	ssyncadd.s32 $0xFFFFF1F0  }
0xa7: {  	[spmem:s15] =	stream.linear.scatter [tilespmem:s14], [sflag:$0xD], $0xE10, $0x38;
	[tilespmem:$0x1FA00] =	vst v63  }
0xa8: {  	_ =	swait.ge [sflag:s10], $0xE10  }
0xa9: {  	s16 =	sld [smem:$0x7FD]  }
0xaa: {  	[sflag:s10] =	ssyncset.done $0x0  }
0xab: {  	[sflag:s10] =	ssyncadd.s32 $0xFFFFF1F0  }
0xac: {  	[spmem:s16] =	stream.linear.scatter [tilespmem:s14], [sflag:$0xD], $0xE10, $0x38;
	[tilespmem:$0x1FA00] =	vst v63  }
0xad: {  	_ =	swait.ge [sflag:s10], $0xE10  }
0xae: {  	[sflag:s10] =	ssyncset.done $0x0  }
0xaf: {  	[sflag:s10] =	ssyncadd.s32 $0xFFFFF1F0  }
0xb0: {  	[bflag:$0x0] =	sbarrier.arrive $0xFFFF  }
0xb1: {  	v1 =	vld [tilespmem:$0x8BE0]  }
0xb2: {  	v7 =	vld [tilespmem:$0x0]  }
0xb3: {  	v8 =	vld [tilespmem:$0x1390]  }
0xb4: {  	v2 =	vld [tilespmem:$0x8BF0]  }
0xb5: {  	v3 =	vld [tilespmem:$0x8C00]  }
0xb6: {  	v4 =	vld [tilespmem:$0x8C10]  }
0xb7: {  	v5 =	vld [tilespmem:$0x8C20];
	v9 =	vand.u32 $0xFFFF, v7  }
0xb8: {  	v6 =	vld [tilespmem:$0x8C30];
	v10 =	vand.u32 $0xFFFF, v8;
	[tilespmem:$0x2720] =	vst v9  }
0xb9: {  	s17 =	simm.s32 $0x2720;
	s18 =	simm.s32 $0x27E0;
	v7 =	vld [tilespmem:$0x8C40];
	[tilespmem:$0x2760] =	vst v10  }
0xba: {  	v8 =	vld [tilespmem:$0x8C50];
	[tilespmem:s18], [sflag:$0x1] =	stream.indirect.gather [hbm4b:s2+s12], $0x80, s17, s12, $0xb8  }
0xbb: {  	s15 =	simm.s32 $0x2760;
	s16 =	simm.s32 $0x47E0  }
0xbc: {  	[tilespmem:s16], [sflag:$0x5] =	stream.indirect.gather [hbm4b:s5+s12], $0x80, s15, s12, $0xb8;
	[tilespmem:$0x1FA00] =	vst v63  }
0xbd: {  	v9 =	vld [tilespmem:$0x0]  }
0xbe: {  	v10 =	vld [tilespmem:$0x1390];
	_ =	sdelay $0x3  }
0xbf: {  	v9 =	vshrl.u32 v9, $0x10  }
0xc0: {  	v10 =	vshrl.u32 v10, $0x10;
	[tilespmem:$0x2730] =	vst v9  }
0xc1: {  	s17 =	simm.s32 $0x2730;
	s18 =	simm.s32 $0x2FE0;
	[tilespmem:$0x2770] =	vst v10  }
0xc2: {  	[tilespmem:s18], [sflag:$0x2] =	stream.indirect.gather [hbm4b:s2+s12], $0x80, s17, s12, $0xb8;
	[tilespmem:$0x1FA00] =	vst v63  }
0xc3: {  	_ = 	snop  }
0xc4: {  	[tilespmem:s20], [sflag:$0x6] =	stream.indirect.gather [hbm4b:s5+s12], $0x80, s19, s12, $0xb8;
	[tilespmem:$0x1FA00] =	vst v63  }
0xc5: {  	v9 =	vld [tilespmem:$0x10]  }
0xc6: {  	v10 =	vld [tilespmem:$0x13A0];
	_ =	sdelay $0x3  }
0xc7: {  	v9 =	vand.u32 $0xFFFF, v9  }
0xc8: {  	v10 =	vand.u32 $0xFFFF, v10;
	[tilespmem:$0x2740] =	vst v9  }
0xc9: {  	[tilespmem:$0x2780] =	vst v10  }
0xca: {  	[tilespmem:s22], [sflag:$0x3] =	stream.indirect.gather [hbm4b:s2+s12], $0x80, s21, s12, $0xb8;
	[tilespmem:$0x1FA00] =	vst v63  }
0xcb: {  	_ = 	snop  }
0xcc: {  	[tilespmem:s24], [sflag:$0x7] =	stream.indirect.gather [hbm4b:s5+s12], $0x80, s23, s12, $0xb8;
	[tilespmem:$0x1FA00] =	vst v63  }
0xcd: {  	v9 =	vld [tilespmem:$0x10]  }
0xce: {  	v10 =	vld [tilespmem:$0x13A0];
	_ =	sdelay $0x3  }
0xcf: {  	v9 =	vshrl.u32 v9, $0x10  }
0xd0: {  	v10 =	vshrl.u32 v10, $0x10;
	[tilespmem:$0x2750] =	vst v9  }
0xd1: {  	[tilespmem:$0x2790] =	vst v10  }
0xd2: {  	[tilespmem:s26], [sflag:$0x4] =	stream.indirect.gather [hbm4b:s2+s12], $0x80, s25, s12, $0xb8;
	[tilespmem:$0x1FA00] =	vst v63  }
0xd3: {  	s13 =	simm.s32 $0x0  }
0xd4: {  	[tilespmem:s29], [sflag:$0x8] =	stream.indirect.gather [hbm4b:s5+s12], $0x80, s28, s12, $0xb8;
	[tilespmem:$0x1FA00] =	vst v63  }
.LBB2_4:
0xd5: {  	_ =	swait.ge [sflag:s30], $0x800  }
0xd6: {  	[sflag:s30] =	ssyncset.done $0x0  }
0xd7: {  	[sflag:s30] =	ssyncadd.s32 $0xFFFFF800  }
0xd8: {  	_ =	swait.ge [sflag:s31], $0x800  }
0xd9: {  	p0 =	seq.s32 s13, $0x0;
	[sflag:s31] =	ssyncset.done $0x0  }
0xda: {  	s14 =	simm.s32 @!p0 $0x9;
	[sflag:s31] =	ssyncadd.s32 $0xFFFFF800  }
0xdb: {  	_ =	swait.ge @!p0 [sflag:s14], $0x900  }
0xdc: {  	[sflag:s14] =	ssyncset.done @!p0 $0x0  }
0xdd: {  	[sflag:s14] =	ssyncadd.s32 @!p0 $0xFFFFF700  }
0xde: {  	v9 =	vld [tilespmem:$0x2760];
	_ =	sdelay $0x4  }
0xdf: {  	s18 =	simm.s32 $0x28E0;
	[tilespmem:$0x27A0] =	vst v9  }
0xe0: {  	v38 =	vld [tilespmem:s18+$0x80]  }
0xe1: {  	v37 =	vld [tilespmem:s18+$0x90]  }
0xe2: {  	v36 =	vld [tilespmem:s18+$0xA0]  }
0xe3: {  	s15 =	simm.s32 $0x48E0;
	v35 =	vld [tilespmem:s18+$0xB0]  }
0xe4: {  	v11 =	vld [tilespmem:s15+$0x80]  }
0xe5: {  	v12 =	vld [tilespmem:s15+$0x90]  }
0xe6: {  	v14 =	vld [tilespmem:s15+$0xA0]  }
0xe7: {  	v16 =	vld [tilespmem:s15+$0xB0]  }
0xe8: {  	v33 =	vld [tilespmem:s18+$0xC0]  }
0xe9: {  	v13 =	vld [tilespmem:s18+$0xD0]  }
0xea: {  	v10 =	vld [tilespmem:s18+$0xE0]  }
0xeb: {  	v18 =	vld [tilespmem:s15+$0xC0]  }
0xec: {  	v19 =	vld [tilespmem:s15+$0xD0]  }
0xed: {  	v9 =	vld [tilespmem:s18+$0xF0]  }
0xee: {  	v21 =	vld [tilespmem:s15+$0xF0]  }
0xef: {  	v17 =	vld [tilespmem:s18+$0xFFFFFF40]  }
0xf0: {  	v27 =	vld [tilespmem:s15+$0xFFFFFF40]  }
0xf1: {  	v20 =	vld [tilespmem:s15+$0xE0];
	v11 =	vadd.f32 v11, v38;
	v12 =	vadd.f32 v12, v37  }
0xf2: {  	v15 =	vld [tilespmem:s18+$0xFFFFFF50];
	v22 =	vadd.f32 v14, v36;
	v25 =	vadd.f32 v16, v35  }
0xf3: {  	v28 =	vld [tilespmem:s15+$0xFFFFFF60];
	v18 =	vadd.f32 v18, v33;
	v19 =	vadd.f32 v19, v13  }
0xf4: {  	v31 =	vld [tilespmem:s15+$0xFFFFFF70];
	v32 =	vadd.f32 v21, v9;
	v23 =	vmul.f32 $2.000000030e-01, v11;
	v24 =	vmul.f32 $2.000000030e-01, v12  }
0xf5: {  	v41 =	vld [tilespmem:s15+$0x60];
	v27 =	vadd.f32 v27, v17;
	v26 =	vmul.f32 $2.000000030e-01, v22;
	v29 =	vmul.f32 $2.000000030e-01, v18  }
0xf6: {  	v14 =	vld [tilespmem:s18+$0xFFFFFF60];
	v20 =	vadd.f32 v20, v10;
	v30 =	vmul.f32 $2.000000030e-01, v19;
	v34 =	vmul.f32 $2.000000030e-01, v32  }
0xf7: {  	v16 =	vld [tilespmem:s18+$0xFFFFFF70];
	v57 =	vmul.f32 $2.000000030e-01, v27;
	v11 =	vmax.f32 v11, v23;
	v12 =	vmax.f32 v12, v24  }
0xf8: {  	v23 =	vmul.f32 $2.000000030e-01, v25;
	v24 =	vld [tilespmem:s15+$0xFFFFFF50];
	v22 =	vmax.f32 v22, v26;
	v26 =	vmul.f32 $2.000000030e-01, v20  }
0xf9: {  	v21 =	vld [tilespmem:s18+$0xFFFFFFC0];
	v11 =	vmul.f32 v11, v1;
	v12 =	vmul.f32 v12, v2  }
0xfa: {  	v18 =	vmax.f32 v18, v29;
	v29 =	vmax.f32 v19, v30;
	v19 =	vld [tilespmem:s18+$0xFFFFFFF0];
	v23 =	vmax.f32 v25, v23  }
0xfb: {  	v30 =	vld [tilespmem:s15+$0xFFFFFFD0];
	v11 =	vadd.f32 v12, v11;
	v12 =	vmul.f32 v22, v3;
	v25 =	vmul.f32 v23, v4  }
0xfc: {  	v18 =	vmul.f32 v18, v5;
	v20 =	vmax.f32 v20, v26;
	v26 =	vmax.f32 v32, v34;
	v22 =	vld [tilespmem:s18+$0xFFFFFFD0]  }
0xfd: {  	v23 =	vld [tilespmem:s18+$0xFFFFFFE0];
	v12 =	vadd.f32 v25, v12;
	v25 =	vmul.f32 v29, v6;
	(xrf2) =	vadd.scan.msk.f32 $0xffff, v11;
	v11 =	vadd.f32 v24, v15  }
0xfe: {  	v20 =	vmul.f32 v20, v7;
	v26 =	vmul.f32 v26, v8;
	v29 =	vld [tilespmem:s15+$0xFFFFFFC0]  }
0xff: {  	v28 =	vadd.f32 v28, v14;
	v18 =	vadd.f32 v25, v18;
	v25 =	vld [tilespmem:s15+$0xFFFFFFE0];
	v58 =	vmul.f32 $2.000000030e-01, v11  }
0x100: {  	v27 =	vmax.f32 v27, v57;
	v31 =	vadd.f32 v31, v16;
	(xrf2) =	vadd.scan.msk.f32 $0xffff, v12;
	v12 =	vadd.f32 v26, v20;
	v26 =	vld [tilespmem:s15+$0xFFFFFFF0]  }
0x101: {  	v43 =	vld [tilespmem:s15+$0x70];
	v27 =	vmul.f32 v27, v5;
	(xrf2) =	vadd.scan.msk.f32 $0xffff, v18;
	v18 =	vmul.f32 $2.000000030e-01, v28;
	v11 =	vmax.f32 v11, v58  }
0x102: {  	v59 =	vmul.f32 $2.000000030e-01, v31;
	(xrf2) =	vadd.scan.msk.f32 $0xffff, v12;
	v12 =	vld [tilespmem:s18+$0x60];
	v34 =	vmul.f32 v11, v6  }
0x103: {  	v11 =	vld [tilespmem:s18+$0x70];
	v18 =	vmax.f32 v28, v18;
	v28 =	vadd.f32 v29, v21;
	v29 =	vadd.f32 v30, v22  }
0x104: {  	v24 =	vld [tilespmem:s18+$0x40];
	v39 =	vmul.f32 v18, v7;
	v18 =	vmax.f32 v31, v59;
	v25 =	vadd.f32 v25, v23  }
0x105: {  	v30 =	vld [tilespmem:s15+$0x40];
	v26 =	vadd.f32 v26, v19;
	v60 =	vmul.f32 $2.000000030e-01, v28;
	v40 =	vmul.f32 $2.000000030e-01, v29  }
0x106: {  	v20 =	vld [tilespmem:s18+$0x50];
	v27 =	vadd.f32 v34, v27;
	v42 =	vmul.f32 v18, v8;
	v61 =	vmul.f32 $2.000000030e-01, v25  }
0x107: {  	v31 =	vld [tilespmem:s15+$0x50];
	v62 =	vmul.f32 $2.000000030e-01, v26;
	v28 =	vmax.f32 v28, v60;
	v29 =	vmax.f32 v29, v40  }
0x108: {  	v47 =	vld [tilespmem:s15+$0xFFFFFF10];
	v41 =	vadd.f32 v41, v12;
	v43 =	vadd.f32 v43, v11;
	v45 =	vmul.f32 v28, v5  }
0x109: {  	v18 =	vld [tilespmem:s18+$0xFFFFFF10];
	v44, _, _ =	vpop (xrf2);
	v46 =	vmul.f32 v29, v6;
	v25 =	vmax.f32 v25, v61;
	v26 =	vmax.f32 v26, v62  }
0x10a: {  	v30 =	vadd.f32 v30, v24;
	v44 =	vmul.f32 $1.442695020e+00, v44;
	v25 =	vmul.f32 v25, v7  }
0x10b: {  	v55 =	vld [tilespmem:s15+$0xFFFFFF20];
	v39 =	vadd.f32 v42, v39;
	v26 =	vmul.f32 v26, v8;
	v56 =	vmul.f32 $2.000000030e-01, v41  }
0x10c: {  	v49 =	vld [tilespmem:s15+$0xFFFFFF30];
	v63, _, _ =	vpop (xrf2);
	v48 =	vadd.f32 v31, v20;
	v57 =	vmul.f32 $2.000000030e-01, v43;
	v54 =	vmul.f32 $2.000000030e-01, v30  }
0x10d: {  	v28 =	vld [tilespmem:s18+$0xFFFFFF20];
	v45 =	vadd.f32 v46, v45;
	v31 =	vmul.f32 $1.442695020e+00, v63;
	v44 =	vbroadcast v44, $0xF  }
0x10e: {  	v29 =	vld [tilespmem:s18+$0xFFFFFF30];
	v47 =	vadd.f32 v47, v18;
	v51, _, _ =	vpop (xrf2);
	v25 =	vadd.f32 v26, v25;
	v26 =	vmul.f32 $2.000000030e-01, v48  }
0x10f: {  	v58 =	vld [tilespmem:s15+$0xFFFFFF80];
	(xrf2) =	vadd.scan.msk.f32 $0xffff, v27;
	v41 =	vmax.f32 v41, v56;
	v52 =	vmul.f32 $1.442695020e+00, v51;
	v50 =	vbroadcast v31, $0xF  }
0x110: {  	v61 =	vld [tilespmem:s15+$0xFFFFFF90];
	(xrf2) =	vadd.scan.msk.f32 $0xffff, v39;
	v40 =	vmax.f32 v43, v57;
	v53, _, _ =	vpop (xrf2);
	v59 =	vmul.f32 $2.000000030e-01, v47;
	v56 =	vmul.f32 v41, v7  }
0x111: {  	v63 =	vld [tilespmem:s15+$0xFFFFFFA0];
	v46 =	vmax.f32 v30, v54;
	v57 =	vmul.f32 v40, v8;
	v34 =	vmul.f32 $1.442695020e+00, v53  }
0x112: {  	v31 =	vld [tilespmem:s18+$0xFFFFFF80];
	v27 =	vadd.f32 v55, v28;
	v26 =	vmax.f32 v48, v26;
	v46 =	vmul.f32 v46, v5  }
0x113: {  	v30 =	vld [tilespmem:s18+$0xFFFFFF90];
	v60 =	vadd.f32 v49, v29;
	v32 =	vbroadcast v52, $0xF;
	v26 =	vmul.f32 v26, v6  }
0x114: {  	(xrf2) =	vadd.scan.msk.f32 $0xffff, v45;
	v40 =	vld [tilespmem:s18+$0x0];
	v34 =	vbroadcast v34, $0xF;
	v62 =	vmul.f32 $2.000000030e-01, v27  }
0x115: {  	(xrf2) =	vadd.scan.msk.f32 $0xffff, v25;
	v25 =	vmax.f32 v47, v59;
	v52 =	vld [tilespmem:s15+$0x0];
	v54 =	vmul.f32 $2.000000030e-01, v60;
	(erf) = vpow2.f32 v32  }
0x116: {  	v51 =	vmul.f32 v25, v2;
	v32 =	vld [tilespmem:s18+$0xFFFFFFA0];
	v46 =	vadd.f32 v26, v46;
	(erf) = vpow2.f32 v34  }
0x117: {  	v55 =	vld [tilespmem:s15+$0xFFFFFFB0];
	v27 =	vmax.f32 v27, v62;
	v25 =	vmax.f32 v60, v54;
	v58 =	vadd.f32 v58, v31  }
0x118: {  	v34 =	vld [tilespmem:s18+$0xFFFFFFB0];
	v60 =	vadd.f32 v61, v30;
	(erf) = vpow2.f32 v50;
	v59 =	vmul.f32 v27, v3  }
0x119: {  	v41 =	vld [tilespmem:s18+$0x10];
	v45 =	vadd.f32 v57, v56;
	v57, _, _ =	vpop (xrf2);
	v25 =	vmul.f32 v25, v4;
	(erf) = vpow2.f32 v44  }
0x11a: {  	(xrf2) =	vadd.scan.msk.f32 $0xffff, v46;
	v46 =	vld [tilespmem:s15+$0x10];
	v61 =	vmul.f32 $2.000000030e-01, v58;
	v62 =	vmul.f32 $2.000000030e-01, v60;
	v54, _, _ =	vpop (xrf2);
	v52 =	vadd.f32 v52, v40  }
0x11b: {  	v25 =	vadd.f32 v25, v59;
	v54 =	vmul.f32 $1.442695020e+00, v54;
	v43 =	vadd.f32 v63, v32  }
0x11c: {  	v42 =	vld [tilespmem:s15+$0xFFFFFF00];
	v39 =	vmax.f32 v58, v61;
	v58 =	vmax.f32 v60, v62;
	v61 =	vmul.f32 $1.442695020e+00, v57  }
0x11d: {  	v26 =	vld [tilespmem:s18+$0x30];
	v47 =	vadd.f32 v55, v34;
	v53 =	vmul.f32 v39, v1;
	v62 =	vmul.f32 v58, v2  }
0x11e: {  	(xrf2) =	vadd.scan.msk.f32 $0xffff, v45;
	v39 =	vld [tilespmem:s18+$0xFFFFFF00];
	v58 =	vmul.f32 $2.000000030e-01, v52;
	v63 =	vmul.f32 $2.000000030e-01, v43  }
0x11f: {  	v27 =	vld [tilespmem:s18+$0x20];
	v55, _, _ =	vpop (xrf2);
	(xrf2) =	vadd.scan.msk.f32 $0xffff, v25;
	v25 =	vadd.f32 v46, v41;
	v45 =	vbroadcast v61, $0xF;
	v59 =	vmul.f32 $2.000000030e-01, v47  }
0x120: {  	v60 =	vld [tilespmem:s15+$0x20];
	v57, _, _ =	vpop (xrf2);
	v49 =	vadd.f32 v62, v53;
	v53 =	vmul.f32 $1.442695020e+00, v55;
	v43 =	vmax.f32 v43, v63  }
0x121: {  	v48 =	vmul.f32 $1.442695020e+00, v57;
	v63 =	vld [tilespmem:s15+$0x30];
	v43 =	vmul.f32 v43, v3;
	v47 =	vmax.f32 v47, v59  }
0x122: {  	v59 =	vmul.f32 $2.000000030e-01, v25;
	v47 =	vmul.f32 v47, v4  }
0x123: {  	(erf) = vpow2.f32 v45;
	(xrf2) =	vadd.scan.msk.f32 $0xffff, v49;
	v53 =	vbroadcast v53, $0xF;
	v49 =	vadd.f32 v42, v39  }
0x124: {  	v48 =	vbroadcast v48, $0xF;
	v25 =	vmax.f32 v25, v59;
	v43 =	vadd.f32 v47, v43  }
0x125: {  	v47 =	vadd.f32 v60, v27;
	v60 =	vmax.f32 v52, v58;
	v56 =	vmul.f32 $2.000000030e-01, v49  }
0x126: {  	v25 =	vmul.f32 v25, v2;
	v44 =	vadd.f32 v63, v26;
	v52 =	vmul.f32 v60, v1;
	v63, _, _ =	vpop (xrf2)  }
0x127: {  	v61 =	vmul.f32 $2.000000030e-01, v47;
	(xrf2) =	vadd.scan.msk.f32 $0xffff, v43;
	v58 =	vmul.f32 $1.442695020e+00, v63  }
0x128: {  	v49 =	vmax.f32 v49, v56;
	v62 =	vmul.f32 $2.000000030e-01, v44;
	v60 =	vadd.f32 v25, v52  }
0x129: {  	v59, _, _ =	vpop (xrf2);
	v49 =	vmul.f32 v49, v1;
	v52 =	vbroadcast v54, $0xF  }
0x12a: {  	v42 =	vpop (erf);
	v46 =	vmax.f32 v47, v61;
	v47 =	vmul.f32 $1.442695020e+00, v59;
	v56 =	vbroadcast v58, $0xF;
	(xrf2) =	vadd.scan.msk.f32 $0xffff, v60  }
0x12b: {  	v25 =	vpop (erf);
	v46 =	vmul.f32 v46, v3;
	v57 =	vmax.f32 v44, v62;
	v49 =	vadd.f32 v51, v49  }
0x12c: {  	v55 =	vpop (erf);
	v59 =	vsel vm0, v25, v42;
	(erf) = vpow2.f32 v52;
	v50 =	vmul.f32 v57, v4  }
0x12d: {  	v61, _, _ =	vpop (xrf2);
	v47 =	vbroadcast v47, $0xF;
	v44 =	vsel vm1, v59, v55;
	(erf) = vpow2.f32 v53;
	(xrf2) =	vadd.scan.msk.f32 $0xffff, v49  }
0x12e: {  	v63 =	vpop (erf);
	v35 =	vmul.f32 v55, v35;
	v62 =	vmul.f32 $1.442695020e+00, v61;
	v46 =	vadd.f32 v50, v46  }
0x12f: {  	s16 =	simm.s32 $0x6900;
	v38 =	vmul.f32 v63, v38;
	v44 =	vsel vm2, v63, v44;
	v37 =	vmul.f32 v63, v37  }
0x130: {  	v60, _, _ =	vpop (xrf2);
	v63 =	vmul.f32 v55, v36;
	(erf) = vpow2.f32 v48;
	[tilespmem:s16+$0x110] =	vst v44;
	(xrf2) =	vadd.scan.msk.f32 $0xffff, v46  }
0x131: {  	v45 =	vmul.f32 $1.442695020e+00, v60;
	(erf) = vpow2.f32 v56;
	[tilespmem:s16+$0xC0] =	vst v35;
	v61, _, _ =	vpop (xrf2)  }
0x132: {  	v43 =	vbroadcast v62, $0xF;
	[tilespmem:s16+$0x90] =	vst v38;
	v62 =	vmul.f32 $1.442695020e+00, v61  }
0x133: {  	v33 =	vmul.f32 v42, v33;
	[tilespmem:s16+$0xA0] =	vst v37;
	(erf) = vpow2.f32 v47  }
0x134: {  	s17 =	simm.s32 $0x0;
	s14 =	sshll.u32 s13, $0x2;
	s18 =	simm.s32 $0x2AE0;
	[tilespmem:s16+$0xB0] =	vst v63;
	v44 =	vbroadcast v45, $0xF;
	v36 =	vbroadcast v62, $0xF;
	v37, _, _ =	vpop (xrf2)  }
.LBB2_5:
0x135: {  	v35 =	vld [tilespmem:s18+$0x80];
	v38 =	vmul.f32 $1.442695020e+00, v37;
	(erf) = vpow2.f32 v43  }
0x136: {  	v45 =	vmul.f32 v42, v13;
	v37 =	vld [tilespmem:s18+$0x90];
	[tilespmem:s16+$0xD0] =	vst v33;
	v42 =	vpop (erf);
	(erf) = vpow2.f32 v44  }
0x137: {  	v33 =	vld [tilespmem:s18+$0xA0];
	v38 =	vbroadcast v38, $0xF;
	v43, _, _ =	vpop (xrf2);
	(erf) = vpow2.f32 v36  }
0x138: {  	s15 =	sadd.s32 $0x200, s15;
	v47 =	vmul.f32 v42, v17;
	v36 =	vld [tilespmem:s18+$0xB0];
	v43 =	vmul.f32 $1.442695020e+00, v43;
	[tilespmem:s16+$0xE0] =	vst v45;
	v13 =	vpop (erf)  }
0x139: {  	v15 =	vmul.f32 v42, v15;
	v44 =	vld [tilespmem:s15+$0x80];
	v45 =	vsel vm0, v13, v42;
	v42 =	vpop (erf);
	(erf) = vpow2.f32 v38  }
0x13a: {  	v14 =	vmul.f32 v13, v14;
	v46 =	vld [tilespmem:s15+$0x90];
	v38 =	vbroadcast v43, $0xF;
	[tilespmem:s16+$0xFFFFFF20] =	vst v47;
	v17, _, _ =	vpop (xrf2)  }
0x13b: {  	v13 =	vmul.f32 v13, v16;
	v47 =	vld [tilespmem:s15+$0xA0];
	[tilespmem:s16+$0xFFFFFF30] =	vst v15;
	v15 =	vmul.f32 $1.442695020e+00, v17;
	v16 =	vpop (erf)  }
0x13c: {  	v17 =	vmul.f32 v42, v21;
	v48 =	vld [tilespmem:s15+$0xB0];
	[tilespmem:s16+$0xFFFFFF40] =	vst v14;
	v14 =	vsel vm0, v16, v42;
	(erf) = vpow2.f32 v38;
	v21 =	vpop (erf)  }
0x13d: {  	v49 =	vmul.f32 v42, v22;
	v38 =	vld [tilespmem:s18+$0xC0];
	[tilespmem:s16+$0xFFFFFF50] =	vst v13;
	v15 =	vbroadcast v15, $0xF;
	v43 =	vpop (erf)  }
0x13e: {  	v50 =	vmul.f32 v16, v23;
	v19 =	vmul.f32 v16, v19;
	v13 =	vld [tilespmem:s18+$0xD0];
	[tilespmem:s16+$0xFFFFFFB0] =	vst v17;
	v23 =	vsel vm0, v43, v21;
	v16 =	vpop (erf)  }
0x13f: {  	v42 =	vld [tilespmem:s18+$0xE0];
	v45 =	vsel vm1, v45, v16;
	v28 =	vmul.f32 v16, v28;
	[tilespmem:s16+$0xFFFFFFC0] =	vst v49;
	v22 =	vpop (erf);
	(erf) = vpow2.f32 v15  }
0x140: {  	v15 =	vmul.f32 v16, v29;
	v49 =	vld [tilespmem:s15+$0xC0];
	v16 =	vmul.f32 v22, v31;
	[tilespmem:s16+$0xFFFFFFD0] =	vst v50;
	v17 =	vpop (erf)  }
0x141: {  	v29 =	vld [tilespmem:s15+$0xD0];
	[tilespmem:s16+$0xFFFFFF00] =	vst v28;
	v14 =	vsel vm1, v14, v17;
	v28 =	vmul.f32 v22, v30;
	v32 =	vmul.f32 v17, v32  }
0x142: {  	v24 =	vmul.f32 v21, v24;
	v31 =	vld [tilespmem:s18+$0xF0];
	[tilespmem:s16+$0xFFFFFF10] =	vst v15;
	v14 =	vsel vm2, v22, v14;
	v22 =	vmul.f32 v17, v34;
	v30 =	vpop (erf)  }
0x143: {  	v34 =	vadd.f32 v44, v35;
	v44 =	vadd.f32 v46, v37;
	v46 =	vld [tilespmem:s15+$0xE0];
	[tilespmem:s16+$0xFFFFFFF0] =	vst v14;
	v40 =	vmul.f32 v30, v40  }
0x144: {  	v20 =	vmul.f32 v21, v20;
	v47 =	vadd.f32 v47, v33;
	v41 =	vmul.f32 v30, v41;
	v50 =	vld [tilespmem:s15+$0xF0];
	[tilespmem:s16+$0xFFFFFF70] =	vst v16  }
0x145: {  	v48 =	vadd.f32 v48, v36;
	v16 =	vmul.f32 $2.000000030e-01, v34;
	v21 =	vmul.f32 $2.000000030e-01, v44;
	v17 =	vld [tilespmem:s18+$0xFFFFFF40];
	[tilespmem:s16+$0xFFFFFF80] =	vst v28;
	v28 =	vpop (erf)  }
0x146: {  	v51 =	vmul.f32 $2.000000030e-01, v47;
	v49 =	vadd.f32 v49, v38;
	v15 =	vld [tilespmem:s18+$0xFFFFFF50];
	v29 =	vadd.f32 v29, v13;
	[tilespmem:s16+$0xFFFFFF90] =	vst v32  }
0x147: {  	s17 =	sadd.s32 $0x4, s17;
	v32 =	vmax.f32 v34, v16;
	v21 =	vmax.f32 v44, v21;
	v34 =	vmul.f32 $2.000000030e-01, v48;
	v14 =	vld [tilespmem:s18+$0xFFFFFF60];
	[tilespmem:s16+$0xFFFFFFA0] =	vst v22  }
0x148: {  	p1 =	slt.u32 s17, $0xC;
	v22 =	vmul.f32 v32, v1;
	v21 =	vmul.f32 v21, v2;
	v16 =	vld [tilespmem:s18+$0xFFFFFF70];
	v44 =	vadd.f32 v46, v42;
	[tilespmem:s16+$0xFFFFFFE0] =	vst v19;
	v46 =	vpop (erf)  }
0x149: {  	v52 =	vmul.f32 $2.000000030e-01, v49;
	v53 =	vmul.f32 $2.000000030e-01, v29;
	v19 =	vld [tilespmem:s15+$0xFFFFFF40];
	v50 =	vadd.f32 v50, v31;
	[tilespmem:s16+$0x0] =	vst v40  }
0x14a: {  	v32 =	vmax.f32 v47, v51;
	v34 =	vmax.f32 v48, v34;
	v21 =	vadd.f32 v21, v22;
	v40 =	vld [tilespmem:s15+$0xFFFFFF50];
	[tilespmem:s16+$0x10] =	vst v41  }
0x14b: {  	v22 =	vmul.f32 v32, v3;
	v34 =	vmul.f32 v34, v4;
	v32 =	vsel vm1, v23, v46;
	v41 =	vld [tilespmem:s15+$0xFFFFFF60];
	[tilespmem:s16+$0x40] =	vst v24  }
0x14c: {  	v23 =	vsel vm2, v28, v45;
	v47 =	vmul.f32 $2.000000030e-01, v44;
	v48 =	vmul.f32 $2.000000030e-01, v50;
	v24 =	vld [tilespmem:s15+$0xFFFFFF70];
	(xrf2) =	vadd.scan.msk.f32 $0xffff, v21  }
0x14d: {  	v45 =	vmax.f32 v49, v52;
	v29 =	vmax.f32 v29, v53;
	v34 =	vadd.f32 v34, v22;
	v21 =	vld [tilespmem:s18+$0xFFFFFFC0];
	[tilespmem:s16+$0xFFFFFF60] =	vst v23  }
0x14e: {  	v45 =	vmul.f32 v45, v5;
	v29 =	vmul.f32 v29, v6;
	v49 =	vadd.f32 v19, v17;
	v22 =	vld [tilespmem:s18+$0xFFFFFFD0];
	[tilespmem:s16+$0x50] =	vst v20  }
0x14f: {  	v18 =	vmul.f32 v28, v18;
	v20 =	vadd.f32 v40, v15;
	v23 =	vld [tilespmem:s18+$0xFFFFFFE0];
	(xrf2) =	vadd.scan.msk.f32 $0xffff, v34;
	v34 =	vmul.f32 v28, v39  }
0x150: {  	v29 =	vadd.f32 v29, v45;
	v28 =	vmax.f32 v44, v47;
	v39 =	vmax.f32 v50, v48;
	v19 =	vld [tilespmem:s18+$0xFFFFFFF0]  }
0x151: {  	v40 =	vadd.f32 v41, v14;
	v28 =	vmul.f32 v28, v7;
	v39 =	vmul.f32 v39, v8;
	v41 =	vld [tilespmem:s15+$0xFFFFFFC0];
	[tilespmem:s16+$0xFFFFFEE0] =	vst v34  }
0x152: {  	v34 =	vmul.f32 $2.000000030e-01, v49;
	v44 =	vmul.f32 $2.000000030e-01, v20;
	v45 =	vadd.f32 v24, v16;
	v47 =	vld [tilespmem:s15+$0xFFFFFFD0];
	(xrf2) =	vadd.scan.msk.f32 $0xffff, v29  }
0x153: {  	v24 =	vmul.f32 $2.000000030e-01, v40;
	v28 =	vadd.f32 v39, v28;
	v29 =	vld [tilespmem:s15+$0xFFFFFFE0];
	[tilespmem:s16+$0xFFFFFEF0] =	vst v18;
	v18 =	vmul.f32 v46, v27  }
0x154: {  	v27 =	vmax.f32 v49, v34;
	v20 =	vmax.f32 v20, v44;
	v34 =	vmul.f32 $2.000000030e-01, v45;
	v39 =	vld [tilespmem:s15+$0xFFFFFFF0]  }
0x155: {  	v27 =	vmul.f32 v27, v5;
	v44 =	vmul.f32 v20, v6;
	v20 =	vmax.f32 v40, v24;
	v24 =	vld [tilespmem:s18+$0x40];
	(xrf2) =	vadd.scan.msk.f32 $0xffff, v28  }
0x156: {  	v28 =	vmul.f32 v20, v7;
	v34 =	vmax.f32 v45, v34;
	v40 =	vadd.f32 v41, v21;
	v20 =	vld [tilespmem:s18+$0x50];
	v41, _, _ =	vpop (xrf2);
	[tilespmem:s16+$0x20] =	vst v18  }
0x157: {  	v18 =	vmul.f32 v34, v8;
	v48 =	vadd.f32 v44, v27;
	v34 =	vadd.f32 v47, v22;
	v44 =	vld [tilespmem:s18+$0x60]  }
0x158: {  	v26 =	vmul.f32 v46, v26;
	v45 =	vmul.f32 $2.000000030e-01, v40;
	v29 =	vadd.f32 v29, v23;
	v47 =	vld [tilespmem:s18+$0x70]  }
0x159: {  	v18 =	vadd.f32 v18, v28;
	v28 =	vmul.f32 $2.000000030e-01, v34;
	v39 =	vadd.f32 v39, v19;
	v46 =	vld [tilespmem:s15+$0x40];
	(xrf2) =	vadd.scan.msk.f32 $0xffff, v48;
	v27, _, _ =	vpop (xrf2)  }
0x15a: {  	v12 =	vmul.f32 v43, v12;
	v40 =	vmax.f32 v40, v45;
	v45 =	vmul.f32 $2.000000030e-01, v29;
	v48 =	vld [tilespmem:s15+$0x50];
	[tilespmem:s16+$0x30] =	vst v26  }
0x15b: {  	v26 =	vmul.f32 v40, v5;
	v28 =	vmax.f32 v34, v28;
	v34 =	vmul.f32 $2.000000030e-01, v39;
	v40 =	vld [tilespmem:s15+$0x60]  }
0x15c: {  	v11 =	vmul.f32 v43, v11;
	v49 =	vmul.f32 v28, v6;
	v28 =	vmax.f32 v29, v45;
	v45 =	vld [tilespmem:s15+$0x70];
	(xrf2) =	vadd.scan.msk.f32 $0xffff, v18;
	v50, _, _ =	vpop (xrf2)  }
0x15d: {  	v52 =	vmul.f32 v25, v10;
	v18 =	vld [tilespmem:s18+$0xFFFFFF10];
	v51 =	vmul.f32 v28, v7;
	v29 =	vmax.f32 v39, v34;
	[tilespmem:s16+$0x60] =	vst v12  }
0x15e: {  	v28 =	vld [tilespmem:s18+$0xFFFFFF20];
	v34 =	vmul.f32 v29, v8;
	v53 =	vadd.f32 v49, v26;
	v26 =	vadd.f32 v46, v24;
	[tilespmem:s16+$0x70] =	vst v11  }
0x15f: {  	v50 =	vmul.f32 $1.442695020e+00, v50;
	v49 =	vmul.f32 v25, v9;
	v29 =	vld [tilespmem:s18+$0xFFFFFF30];
	v39 =	vadd.f32 v48, v20;
	v46, _, _ =	vpop (xrf2);
	[tilespmem:s16+$0xF0] =	vst v52  }
0x160: {  	v10 =	vmovc v42;
	v43 =	vld [tilespmem:s15+$0xFFFFFF00];
	v25 =	vmul.f32 $2.000000030e-01, v26;
	v40 =	vadd.f32 v40, v44;
	v46 =	vmul.f32 $1.442695020e+00, v46;
	(xrf2) =	vadd.scan.msk.f32 $0xffff, v53  }
0x161: {  	v27 =	vmul.f32 $1.442695020e+00, v27;
	v12 =	vmovc v44;
	v9 =	vmovc v31;
	v48 =	vbroadcast v50, $0xF;
	v42 =	vld [tilespmem:s15+$0xFFFFFF10];
	v45 =	vadd.f32 v45, v47;
	[tilespmem:s16+$0x100] =	vst v49  }
0x162: {  	v11 =	vmovc v47;
	v44 =	vld [tilespmem:s15+$0xFFFFFF20];
	v25 =	vmax.f32 v26, v25;
	v26 =	vmul.f32 $1.442695020e+00, v41;
	v41 =	vbroadcast v46, $0xF  }
0x163: {  	v27 =	vbroadcast v27, $0xF;
	v34 =	vadd.f32 v34, v51;
	v46 =	vld [tilespmem:s15+$0xFFFFFF30];
	v47, _, _ =	vpop (xrf2);
	(erf) = vpow2.f32 v48  }
0x164: {  	v32 =	vsel vm2, v30, v32;
	v31 =	vld [tilespmem:s18+$0xFFFFFF80];
	v26 =	vbroadcast v26, $0xF;
	(erf) = vpow2.f32 v41  }
0x165: {  	v41 =	vmul.f32 $2.000000030e-01, v39;
	v30 =	vld [tilespmem:s18+$0xFFFFFF90];
	(erf) = vpow2.f32 v27;
	[tilespmem:s16+$0x80] =	vst v32  }
0x166: {  	v27 =	vadd.f32 v42, v18;
	v32 =	vld [tilespmem:s18+$0xFFFFFFA0];
	v42 =	vmul.f32 $2.000000030e-01, v40;
	v48, _, _ =	vpop (xrf2);
	(xrf2) =	vadd.scan.msk.f32 $0xffff, v34;
	(erf) = vpow2.f32 v26  }
0x167: {  	v39 =	vmax.f32 v39, v41;
	v41 =	vmul.f32 $2.000000030e-01, v45;
	v26 =	vadd.f32 v44, v28;
	v34 =	vld [tilespmem:s18+$0xFFFFFFB0]  }
0x168: {  	v44 =	vmul.f32 $2.000000030e-01, v27;
	v46 =	vadd.f32 v46, v29;
	v49 =	vld [tilespmem:s15+$0xFFFFFF80];
	v40 =	vmax.f32 v40, v42  }
0x169: {  	v25 =	vmul.f32 v25, v5;
	v41 =	vmax.f32 v45, v41;
	v57 =	vmul.f32 $2.000000030e-01, v26;
	v50 =	vld [tilespmem:s15+$0xFFFFFF90]  }
0x16a: {  	v39 =	vmul.f32 v39, v6;
	v27 =	vmax.f32 v27, v44;
	v44 =	vmul.f32 $2.000000030e-01, v46;
	v45 =	vld [tilespmem:s15+$0xFFFFFFA0];
	v51, _, _ =	vpop (xrf2)  }
0x16b: {  	v53 =	vmul.f32 v40, v7;
	v26 =	vmax.f32 v26, v57;
	v52 =	vld [tilespmem:s15+$0xFFFFFFB0];
	v57 =	vmul.f32 v41, v8  }
0x16c: {  	v55 =	vmul.f32 v27, v2;
	v56 =	vmul.f32 v26, v3;
	v26 =	vmax.f32 v46, v44;
	v40 =	vld [tilespmem:s18+$0x0];
	v42 =	vpop (erf)  }
0x16d: {  	v39 =	vadd.f32 v39, v25;
	v44 =	vmul.f32 v26, v4;
	v46 =	vadd.f32 v49, v31;
	v41 =	vld [tilespmem:s18+$0x10];
	v25 =	vpop (erf)  }
0x16e: {  	v49 =	vadd.f32 v50, v30;
	v27 =	vld [tilespmem:s18+$0x20];
	v50 =	vadd.f32 v57, v53;
	v53 =	vsel vm0, v25, v42;
	v54 =	vpop (erf)  }
0x16f: {  	v57 =	vmul.f32 $2.000000030e-01, v46;
	v45 =	vadd.f32 v45, v32;
	v26 =	vld [tilespmem:s18+$0x30];
	v53 =	vsel vm1, v53, v54;
	(xrf2) =	vadd.scan.msk.f32 $0xffff, v39;
	v58 =	vpop (erf)  }
0x170: {  	s16 =	sadd.s32 $0x240, s16;
	v39 =	vmul.f32 $2.000000030e-01, v49;
	v52 =	vadd.f32 v52, v34;
	v59 =	vld [tilespmem:s15+$0x0];
	v53 =	vsel vm2, v58, v53;
	v60, _, _ =	vpop (xrf2)  }
0x171: {  	v44 =	vadd.f32 v44, v56;
	v46 =	vmax.f32 v46, v57;
	v56 =	vmul.f32 $2.000000030e-01, v45;
	v57 =	vld [tilespmem:s15+$0x10];
	[tilespmem:s16+$0x110] =	vst v53  }
0x172: {  	v46 =	vmul.f32 v46, v1;
	v39 =	vmax.f32 v49, v39;
	v49 =	vmul.f32 $2.000000030e-01, v52;
	v53 =	vld [tilespmem:s15+$0x20];
	(xrf2) =	vadd.scan.msk.f32 $0xffff, v50  }
0x173: {  	v47 =	vmul.f32 $1.442695020e+00, v47;
	v50 =	vmul.f32 v39, v2;
	v45 =	vmax.f32 v45, v56;
	v56 =	vld [tilespmem:s15+$0x30]  }
0x174: {  	v48 =	vmul.f32 $1.442695020e+00, v48;
	v39 =	vld [tilespmem:s18+$0xFFFFFF00];
	v45 =	vmul.f32 v45, v3;
	v49 =	vmax.f32 v52, v49  }
0x175: {  	v49 =	vmul.f32 v49, v4;
	v46 =	vadd.f32 v50, v46;
	v50 =	vadd.f32 v59, v40;
	(xrf2) =	vadd.scan.msk.f32 $0xffff, v44  }
0x176: {  	v44 =	vmul.f32 $1.442695020e+00, v51;
	v51 =	vmul.f32 $1.442695020e+00, v60;
	v52 =	vadd.f32 v57, v41  }
0x177: {  	v45 =	vadd.f32 v49, v45;
	v49 =	vmul.f32 $2.000000030e-01, v50;
	v53 =	vadd.f32 v53, v27  }
0x178: {  	v47 =	vbroadcast v47, $0xF;
	v57 =	vmul.f32 $2.000000030e-01, v52;
	v56 =	vadd.f32 v56, v26;
	(xrf2) =	vadd.scan.msk.f32 $0xffff, v46  }
0x179: {  	v43 =	vadd.f32 v43, v39;
	v46 =	vmax.f32 v50, v49;
	v49 =	vmul.f32 $2.000000030e-01, v53;
	v50, _, _ =	vpop (xrf2)  }
0x17a: {  	v46 =	vmul.f32 v46, v1;
	v52 =	vmax.f32 v52, v57;
	v57 =	vmul.f32 $2.000000030e-01, v56  }
0x17b: {  	v59 =	vmul.f32 $2.000000030e-01, v43;
	v52 =	vmul.f32 v52, v2;
	v49 =	vmax.f32 v53, v49;
	(xrf2) =	vadd.scan.msk.f32 $0xffff, v45  }
0x17c: {  	v50 =	vmul.f32 $1.442695020e+00, v50;
	v45 =	vmul.f32 v49, v3;
	v49 =	vmax.f32 v56, v57;
	v53, _, _ =	vpop (xrf2)  }
0x17d: {  	v43 =	vmax.f32 v43, v59;
	v49 =	vmul.f32 v49, v4;
	v46 =	vadd.f32 v52, v46  }
0x17e: {  	v52 =	vmul.f32 $1.442695020e+00, v53;
	v43 =	vmul.f32 v43, v1  }
0x17f: {  	v48 =	vbroadcast v48, $0xF;
	v53 =	vbroadcast v44, $0xF;
	v45 =	vadd.f32 v49, v45;
	v44, _, _ =	vpop (xrf2);
	(xrf2) =	vadd.scan.msk.f32 $0xffff, v46  }
0x180: {  	v49 =	vbroadcast v51, $0xF;
	v46 =	vadd.f32 v55, v43;
	v43 =	vmul.f32 $1.442695020e+00, v44  }
0x181: {  	v50 =	vbroadcast v50, $0xF;
	v51 =	vbroadcast v52, $0xF  }
0x182: {  	v43 =	vbroadcast v43, $0xF;
	(xrf2) =	vadd.scan.msk.f32 $0xffff, v46;
	(erf) = vpow2.f32 v47;
	v44, _, _ =	vpop (xrf2)  }
0x183: {  	v46 =	vmul.f32 v58, v35;
	v44 =	vmul.f32 $1.442695020e+00, v44  }
0x184: {  	v37 =	vmul.f32 v58, v37;
	(erf) = vpow2.f32 v48  }
.Ltmp1:
0x185: {  	v44 =	vbroadcast v44, $0xF;
	[tilespmem:s16+$0x90] =	vst v46;
	v35, _, _ =	vpop (xrf2);
	(erf) = vpow2.f32 v53;
	(xrf2) =	vadd.scan.msk.f32 $0xffff, v45;
	(pc) =	sbr.rel @p1 .LBB2_5-.Ltmp1, $4  }
0x186: {  	v33 =	vmul.f32 v54, v33;
	v35 =	vmul.f32 $1.442695020e+00, v35;
	[tilespmem:s16+$0xA0] =	vst v37  }
0x187: {  	v45 =	vmul.f32 v54, v36;
	(erf) = vpow2.f32 v49  }
0x188: {  	v36 =	vbroadcast v35, $0xF;
	[tilespmem:s16+$0xB0] =	vst v33;
	(erf) = vpow2.f32 v50  }
0x189: {  	s18 =	sadd.s32 $0x200, s18;
	v33 =	vmul.f32 v42, v38;
	[tilespmem:s16+$0xC0] =	vst v45;
	v37, _, _ =	vpop (xrf2);
	(erf) = vpow2.f32 v51  }
0x18a: {  	v13 =	vmul.f32 v42, v13  }
0x18b: {  	(erf) = vpow2.f32 v43;
	v10 =	vmul.f32 v25, v10;
	v35 =	vpop (erf);
	[tilespmem:s16+$0xD0] =	vst v33  }
0x18c: {  	v9 =	vmul.f32 v25, v9;
	v17 =	vmul.f32 v35, v17;
	[tilespmem:s16+$0xE0] =	vst v13  }
0x18d: {  	v38, _, _ =	vpop (xrf2);
	[tilespmem:s16+$0xF0] =	vst v10  }
0x18e: {  	v46 =	vmul.f32 $1.442695020e+00, v37;
	v13 =	vmul.f32 v35, v15;
	[tilespmem:s16+$0x100] =	vst v9;
	v45 =	vpop (erf)  }
0x18f: {  	(erf) = vpow2.f32 v44;
	v15 =	vpop (erf);
	[tilespmem:s16+$0xFFFFFF20] =	vst v17;
	v14 =	vmul.f32 v45, v14  }
0x190: {  	(erf) = vpow2.f32 v36;
	[tilespmem:s16+$0xFFFFFF30] =	vst v13;
	v13 =	vmul.f32 v45, v16;
	v17, _, _ =	vpop (xrf2)  }
0x191: {  	v36 =	vbroadcast v46, $0xF;
	v16 =	vpop (erf);
	[tilespmem:s16+$0xFFFFFF40] =	vst v14;
	v14 =	vmul.f32 v15, v21  }
0x192: {  	v47 =	vmul.f32 $1.442695020e+00, v38;
	[tilespmem:s16+$0xFFFFFF50] =	vst v13;
	v13 =	vmul.f32 v15, v22;
	v21 =	vpop (erf)  }
0x193: {  	(erf) = vpow2.f32 v36;
	v22 =	vpop (erf);
	[tilespmem:s16+$0xFFFFFFB0] =	vst v14;
	v14 =	vmul.f32 v16, v23  }
0x194: {  	v17 =	vmul.f32 $1.442695020e+00, v17;
	[tilespmem:s16+$0xFFFFFFC0] =	vst v13;
	v12 =	vmul.f32 v22, v12  }
0x195: {  	v48 =	vbroadcast v47, $0xF;
	v23 =	vpop (erf);
	v11 =	vmul.f32 v22, v11;
	[tilespmem:s16+$0xFFFFFFD0] =	vst v14  }
0x196: {  	v17 =	vbroadcast v17, $0xF;
	v28 =	vmul.f32 v23, v28;
	[tilespmem:s16+$0x60] =	vst v12  }
0x197: {  	(erf) = vpow2.f32 v48;
	v29 =	vmul.f32 v23, v29;
	[tilespmem:s16+$0x70] =	vst v11  }
0x198: {  	v13 =	vpop (erf);
	(erf) = vpow2.f32 v17;
	v17 =	vmul.f32 v21, v24;
	[tilespmem:s16+$0xFFFFFF00] =	vst v28  }
0x199: {  	v15 =	vsel vm0, v16, v15;
	v14 =	vpop (erf);
	v28 =	vmul.f32 v13, v31;
	[tilespmem:s16+$0xFFFFFF10] =	vst v29  }
0x19a: {  	v15 =	vsel vm1, v15, v14;
	[tilespmem:s16+$0x40] =	vst v17  }
0x19b: {  	v15 =	vsel vm2, v13, v15;
	v13 =	vmul.f32 v13, v30;
	[tilespmem:s16+$0xFFFFFF70] =	vst v28  }
0x19c: {  	[tilespmem:s16+$0xFFFFFFF0] =	vst v15;
	v15 =	vmul.f32 v14, v32  }
0x19d: {  	v14 =	vmul.f32 v14, v34;
	[tilespmem:s16+$0xFFFFFF80] =	vst v13;
	v13 =	vmul.f32 v16, v19;
	v16 =	vpop (erf)  }
0x19e: {  	[tilespmem:s16+$0xFFFFFF90] =	vst v15;
	v15 =	vmul.f32 v16, v40  }
0x19f: {  	[tilespmem:s16+$0xFFFFFFA0] =	vst v14;
	v14 =	vmul.f32 v16, v41  }
0x1a0: {  	[tilespmem:s16+$0xFFFFFFE0] =	vst v13  }
0x1a1: {  	v13 =	vsel vm0, v45, v35;
	[tilespmem:s16+$0x10] =	vst v14;
	v14 =	vmul.f32 v21, v20  }
0x1a2: {  	[tilespmem:s16+$0x0] =	vst v15;
	v13 =	vsel vm1, v13, v23;
	v15 =	vpop (erf)  }
0x1a3: {  	[tilespmem:s16+$0x50] =	vst v14;
	v13 =	vsel vm2, v15, v13;
	v14 =	vmul.f32 v15, v18  }
0x1a4: {  	v12 =	vsel vm0, v22, v21;
	v17 =	vpop (erf);
	[tilespmem:s16+$0xFFFFFF60] =	vst v13;
	v13 =	vmul.f32 v15, v39  }
0x1a5: {  	v11 =	vsel vm1, v12, v17;
	[tilespmem:s16+$0xFFFFFEF0] =	vst v14  }
0x1a6: {  	v14 =	vmul.f32 v17, v26;
	v9 =	vsel vm2, v16, v11;
	[tilespmem:s16+$0xFFFFFEE0] =	vst v13  }
0x1a7: {  	v13 =	vmul.f32 v17, v27;
	[tilespmem:s16+$0x80] =	vst v9  }
0x1a8: {  	[tilespmem:s16+$0x30] =	vst v14  }
0x1a9: {  	s15 =	sshll.u32 s13, $0x5;
	[tilespmem:s16+$0x20] =	vst v13  }
0x1aa: {  	[spmem:s3] =	stream.indirect.scatter.add.f32 [tilespmem:s0], [sflag:$0x9], $0x90, s1, s12, $0xb8;
	[tilespmem:$0x1FA00] =	vst v63  }
0x1ab: {  	v9 =	vld [tilespmem:s15+$0x20]  }
0x1ac: {  	v10 =	vld [tilespmem:s15+$0x13B0];
	_ =	sdelay $0x3  }
0x1ad: {  	v9 =	vand.u32 $0xFFFF, v9  }
0x1ae: {  	v10 =	vand.u32 $0xFFFF, v10;
	[tilespmem:$0x2720] =	vst v9  }
0x1af: {  	s17 =	simm.s32 $0x2720;
	s18 =	simm.s32 $0x27E0;
	[tilespmem:$0x2760] =	vst v10  }
0x1b0: {  	[tilespmem:s18], [sflag:$0x1] =	stream.indirect.gather [hbm4b:s2+s12], $0x80, s17, s12, $0xb8;
	[tilespmem:$0x1FA00] =	vst v63  }
0x1b1: {  	s16 =	simm.s32 $0x2760;
	s17 =	simm.s32 $0x47E0  }
0x1b2: {  	[tilespmem:s17], [sflag:$0x5] =	stream.indirect.gather [hbm4b:s5+s12], $0x80, s16, s12, $0xb8;
	[tilespmem:$0x1FA00] =	vst v63  }
0x1b3: {  	_ =	swait.ge [sflag:s6], $0x800  }
0x1b4: {  	[sflag:s6] =	ssyncset.done $0x0  }
0x1b5: {  	[sflag:s6] =	ssyncadd.s32 $0xFFFFF800  }
0x1b6: {  	_ =	swait.ge [sflag:s7], $0x800  }
0x1b7: {  	[sflag:s7] =	ssyncset.done $0x0  }
0x1b8: {  	s15 =	simm.s32 @!p0 $0xA;
	[sflag:s7] =	ssyncadd.s32 $0xFFFFF800  }
0x1b9: {  	_ =	swait.ge @!p0 [sflag:s15], $0x900  }
0x1ba: {  	[sflag:s15] =	ssyncset.done @!p0 $0x0  }
0x1bb: {  	[sflag:s15] =	ssyncadd.s32 @!p0 $0xFFFFF700  }
0x1bc: {  	v9 =	vld [tilespmem:$0x2770];
	_ =	sdelay $0x4  }
0x1bd: {  	s18 =	simm.s32 $0x30E0;
	[tilespmem:$0x27B0] =	vst v9  }
0x1be: {  	v38 =	vld [tilespmem:s18+$0x80]  }
0x1bf: {  	v37 =	vld [tilespmem:s18+$0x90]  }
0x1c0: {  	v36 =	vld [tilespmem:s18+$0xA0]  }
0x1c1: {  	s15 =	simm.s32 $0x50E0;
	v35 =	vld [tilespmem:s18+$0xB0]  }
0x1c2: {  	v11 =	vld [tilespmem:s15+$0x80]  }
0x1c3: {  	v12 =	vld [tilespmem:s15+$0x90]  }
0x1c4: {  	v14 =	vld [tilespmem:s15+$0xA0]  }
0x1c5: {  	v16 =	vld [tilespmem:s15+$0xB0]  }
0x1c6: {  	v33 =	vld [tilespmem:s18+$0xC0]  }
0x1c7: {  	v13 =	vld [tilespmem:s18+$0xD0]  }
0x1c8: {  	v10 =	vld [tilespmem:s18+$0xE0]  }
0x1c9: {  	v18 =	vld [tilespmem:s15+$0xC0]  }
0x1ca: {  	v19 =	vld [tilespmem:s15+$0xD0]  }
0x1cb: {  	v9 =	vld [tilespmem:s18+$0xF0]  }
0x1cc: {  	v21 =	vld [tilespmem:s15+$0xF0]  }
0x1cd: {  	v17 =	vld [tilespmem:s18+$0xFFFFFF40]  }
0x1ce: {  	v27 =	vld [tilespmem:s15+$0xFFFFFF40]  }
0x1cf: {  	v20 =	vld [tilespmem:s15+$0xE0];
	v11 =	vadd.f32 v11, v38;
	v12 =	vadd.f32 v12, v37  }
0x1d0: {  	v15 =	vld [tilespmem:s18+$0xFFFFFF50];
	v22 =	vadd.f32 v14, v36;
	v25 =	vadd.f32 v16, v35  }
0x1d1: {  	v28 =	vld [tilespmem:s15+$0xFFFFFF60];
	v18 =	vadd.f32 v18, v33;
	v19 =	vadd.f32 v19, v13  }
0x1d2: {  	v31 =	vld [tilespmem:s15+$0xFFFFFF70];
	v49 =	vadd.f32 v21, v9;
	v23 =	vmul.f32 $2.000000030e-01, v11;
	v24 =	vmul.f32 $2.000000030e-01, v12  }
0x1d3: {  	v57 =	vld [tilespmem:s15+$0x60];
	v27 =	vadd.f32 v27, v17;
	v26 =	vmul.f32 $2.000000030e-01, v22;
	v29 =	vmul.f32 $2.000000030e-01, v18  }
0x1d4: {  	v14 =	vld [tilespmem:s18+$0xFFFFFF60];
	v20 =	vadd.f32 v20, v10;
	v30 =	vmul.f32 $2.000000030e-01, v19;
	v50 =	vmul.f32 $2.000000030e-01, v49  }
0x1d5: {  	v16 =	vld [tilespmem:s18+$0xFFFFFF70];
	v51 =	vmul.f32 $2.000000030e-01, v27;
	v11 =	vmax.f32 v11, v23;
	v12 =	vmax.f32 v12, v24  }
0x1d6: {  	v23 =	vmul.f32 $2.000000030e-01, v25;
	v24 =	vld [tilespmem:s15+$0xFFFFFF50];
	v22 =	vmax.f32 v22, v26;
	v26 =	vmul.f32 $2.000000030e-01, v20  }
0x1d7: {  	v21 =	vld [tilespmem:s18+$0xFFFFFFC0];
	v11 =	vmul.f32 v11, v1;
	v12 =	vmul.f32 v12, v2  }
0x1d8: {  	v18 =	vmax.f32 v18, v29;
	v29 =	vmax.f32 v19, v30;
	v19 =	vld [tilespmem:s18+$0xFFFFFFF0];
	v23 =	vmax.f32 v25, v23  }
0x1d9: {  	v30 =	vld [tilespmem:s15+$0xFFFFFFD0];
	v11 =	vadd.f32 v12, v11;
	v12 =	vmul.f32 v22, v3;
	v25 =	vmul.f32 v23, v4  }
0x1da: {  	v18 =	vmul.f32 v18, v5;
	v20 =	vmax.f32 v20, v26;
	v26 =	vmax.f32 v49, v50;
	v22 =	vld [tilespmem:s18+$0xFFFFFFD0]  }
0x1db: {  	v23 =	vld [tilespmem:s18+$0xFFFFFFE0];
	v12 =	vadd.f32 v25, v12;
	v25 =	vmul.f32 v29, v6;
	(xrf2) =	vadd.scan.msk.f32 $0xffff, v11;
	v11 =	vadd.f32 v24, v15  }
0x1dc: {  	v20 =	vmul.f32 v20, v7;
	v26 =	vmul.f32 v26, v8;
	v29 =	vld [tilespmem:s15+$0xFFFFFFC0]  }
0x1dd: {  	v28 =	vadd.f32 v28, v14;
	v18 =	vadd.f32 v25, v18;
	v25 =	vld [tilespmem:s15+$0xFFFFFFE0];
	v52 =	vmul.f32 $2.000000030e-01, v11  }
0x1de: {  	v27 =	vmax.f32 v27, v51;
	v31 =	vadd.f32 v31, v16;
	(xrf2) =	vadd.scan.msk.f32 $0xffff, v12;
	v12 =	vadd.f32 v26, v20;
	v26 =	vld [tilespmem:s15+$0xFFFFFFF0]  }
0x1df: {  	v60 =	vld [tilespmem:s15+$0x70];
	v27 =	vmul.f32 v27, v5;
	(xrf2) =	vadd.scan.msk.f32 $0xffff, v18;
	v18 =	vmul.f32 $2.000000030e-01, v28;
	v11 =	vmax.f32 v11, v52  }
0x1e0: {  	v53 =	vmul.f32 $2.000000030e-01, v31;
	(xrf2) =	vadd.scan.msk.f32 $0xffff, v12;
	v12 =	vld [tilespmem:s18+$0x60];
	v34 =	vmul.f32 v11, v6  }
0x1e1: {  	v11 =	vld [tilespmem:s18+$0x70];
	v18 =	vmax.f32 v28, v18;
	v28 =	vadd.f32 v29, v21;
	v29 =	vadd.f32 v30, v22  }
0x1e2: {  	v24 =	vld [tilespmem:s18+$0x40];
	v54 =	vmul.f32 v18, v7;
	v18 =	vmax.f32 v31, v53;
	v25 =	vadd.f32 v25, v23  }
0x1e3: {  	v30 =	vld [tilespmem:s15+$0x40];
	v26 =	vadd.f32 v26, v19;
	v55 =	vmul.f32 $2.000000030e-01, v28;
	v56 =	vmul.f32 $2.000000030e-01, v29  }
0x1e4: {  	v20 =	vld [tilespmem:s18+$0x50];
	v27 =	vadd.f32 v34, v27;
	v58 =	vmul.f32 v18, v8;
	v59 =	vmul.f32 $2.000000030e-01, v25  }
0x1e5: {  	v31 =	vld [tilespmem:s15+$0x50];
	v62 =	vmul.f32 $2.000000030e-01, v26;
	v28 =	vmax.f32 v28, v55;
	v29 =	vmax.f32 v29, v56  }
0x1e6: {  	v47 =	vld [tilespmem:s15+$0xFFFFFF10];
	v41 =	vadd.f32 v57, v12;
	v43 =	vadd.f32 v60, v11;
	v45 =	vmul.f32 v28, v5  }
0x1e7: {  	v18 =	vld [tilespmem:s18+$0xFFFFFF10];
	v61, _, _ =	vpop (xrf2);
	v46 =	vmul.f32 v29, v6;
	v25 =	vmax.f32 v25, v59;
	v26 =	vmax.f32 v26, v62  }
0x1e8: {  	v30 =	vadd.f32 v30, v24;
	v44 =	vmul.f32 $1.442695020e+00, v61;
	v25 =	vmul.f32 v25, v7  }
0x1e9: {  	v49 =	vld [tilespmem:s15+$0xFFFFFF30];
	v39 =	vadd.f32 v58, v54;
	v26 =	vmul.f32 v26, v8;
	v56 =	vmul.f32 $2.000000030e-01, v41  }
0x1ea: {  	v55 =	vld [tilespmem:s15+$0xFFFFFF20];
	v63, _, _ =	vpop (xrf2);
	v48 =	vadd.f32 v31, v20;
	v57 =	vmul.f32 $2.000000030e-01, v43;
	v54 =	vmul.f32 $2.000000030e-01, v30  }
0x1eb: {  	v28 =	vld [tilespmem:s18+$0xFFFFFF20];
	v45 =	vadd.f32 v46, v45;
	v31 =	vmul.f32 $1.442695020e+00, v63;
	v44 =	vbroadcast v44, $0xF  }
0x1ec: {  	v29 =	vld [tilespmem:s18+$0xFFFFFF30];
	v47 =	vadd.f32 v47, v18;
	v51, _, _ =	vpop (xrf2);
	v25 =	vadd.f32 v26, v25;
	v26 =	vmul.f32 $2.000000030e-01, v48  }
0x1ed: {  	(xrf2) =	vadd.scan.msk.f32 $0xffff, v27;
	v58 =	vld [tilespmem:s15+$0xFFFFFF80];
	v41 =	vmax.f32 v41, v56;
	v52 =	vmul.f32 $1.442695020e+00, v51;
	v50 =	vbroadcast v31, $0xF  }
0x1ee: {  	v61 =	vld [tilespmem:s15+$0xFFFFFF90];
	(xrf2) =	vadd.scan.msk.f32 $0xffff, v39;
	v40 =	vmax.f32 v43, v57;
	v53, _, _ =	vpop (xrf2);
	v59 =	vmul.f32 $2.000000030e-01, v47;
	v56 =	vmul.f32 v41, v7  }
0x1ef: {  	v63 =	vld [tilespmem:s15+$0xFFFFFFA0];
	v46 =	vmax.f32 v30, v54;
	v57 =	vmul.f32 v40, v8;
	v34 =	vmul.f32 $1.442695020e+00, v53  }
0x1f0: {  	v31 =	vld [tilespmem:s18+$0xFFFFFF80];
	v27 =	vadd.f32 v55, v28;
	v26 =	vmax.f32 v48, v26;
	v46 =	vmul.f32 v46, v5  }
0x1f1: {  	v30 =	vld [tilespmem:s18+$0xFFFFFF90];
	v60 =	vadd.f32 v49, v29;
	v32 =	vbroadcast v52, $0xF;
	v26 =	vmul.f32 v26, v6  }
0x1f2: {  	(xrf2) =	vadd.scan.msk.f32 $0xffff, v45;
	v40 =	vld [tilespmem:s18+$0x0];
	v34 =	vbroadcast v34, $0xF;
	v62 =	vmul.f32 $2.000000030e-01, v27  }
0x1f3: {  	(xrf2) =	vadd.scan.msk.f32 $0xffff, v25;
	v25 =	vmax.f32 v47, v59;
	v52 =	vld [tilespmem:s15+$0x0];
	v54 =	vmul.f32 $2.000000030e-01, v60;
	(erf) = vpow2.f32 v32  }
0x1f4: {  	v51 =	vmul.f32 v25, v2;
	v32 =	vld [tilespmem:s18+$0xFFFFFFA0];
	v46 =	vadd.f32 v26, v46;
	(erf) = vpow2.f32 v34  }
0x1f5: {  	v55 =	vld [tilespmem:s15+$0xFFFFFFB0];
	v27 =	vmax.f32 v27, v62;
	v25 =	vmax.f32 v60, v54;
	v58 =	vadd.f32 v58, v31  }
0x1f6: {  	v34 =	vld [tilespmem:s18+$0xFFFFFFB0];
	v60 =	vadd.f32 v61, v30;
	(erf) = vpow2.f32 v50;
	v59 =	vmul.f32 v27, v3  }
0x1f7: {  	v41 =	vld [tilespmem:s18+$0x10];
	v45 =	vadd.f32 v57, v56;
	v57, _, _ =	vpop (xrf2);
	v25 =	vmul.f32 v25, v4;
	(erf) = vpow2.f32 v44  }
0x1f8: {  	(xrf2) =	vadd.scan.msk.f32 $0xffff, v46;
	v46 =	vld [tilespmem:s15+$0x10];
	v61 =	vmul.f32 $2.000000030e-01, v58;
	v62 =	vmul.f32 $2.000000030e-01, v60;
	v54, _, _ =	vpop (xrf2);
	v52 =	vadd.f32 v52, v40  }
0x1f9: {  	v25 =	vadd.f32 v25, v59;
	v54 =	vmul.f32 $1.442695020e+00, v54;
	v43 =	vadd.f32 v63, v32  }
0x1fa: {  	v42 =	vld [tilespmem:s15+$0xFFFFFF00];
	v39 =	vmax.f32 v58, v61;
	v58 =	vmax.f32 v60, v62;
	v61 =	vmul.f32 $1.442695020e+00, v57  }
0x1fb: {  	v26 =	vld [tilespmem:s18+$0x30];
	v47 =	vadd.f32 v55, v34;
	v53 =	vmul.f32 v39, v1;
	v62 =	vmul.f32 v58, v2  }
0x1fc: {  	(xrf2) =	vadd.scan.msk.f32 $0xffff, v45;
	v39 =	vld [tilespmem:s18+$0xFFFFFF00];
	v58 =	vmul.f32 $2.000000030e-01, v52;
	v63 =	vmul.f32 $2.000000030e-01, v43  }
0x1fd: {  	v27 =	vld [tilespmem:s18+$0x20];
	v55, _, _ =	vpop (xrf2);
	(xrf2) =	vadd.scan.msk.f32 $0xffff, v25;
	v25 =	vadd.f32 v46, v41;
	v45 =	vbroadcast v61, $0xF;
	v59 =	vmul.f32 $2.000000030e-01, v47  }
0x1fe: {  	v60 =	vld [tilespmem:s15+$0x20];
	v57, _, _ =	vpop (xrf2);
	v49 =	vadd.f32 v62, v53;
	v53 =	vmul.f32 $1.442695020e+00, v55;
	v43 =	vmax.f32 v43, v63  }
0x1ff: {  	v48 =	vmul.f32 $1.442695020e+00, v57;
	v63 =	vld [tilespmem:s15+$0x30];
	v43 =	vmul.f32 v43, v3;
	v47 =	vmax.f32 v47, v59  }
0x200: {  	v59 =	vmul.f32 $2.000000030e-01, v25;
	v47 =	vmul.f32 v47, v4  }
0x201: {  	(xrf2) =	vadd.scan.msk.f32 $0xffff, v49;
	v53 =	vbroadcast v53, $0xF;
	v48 =	vbroadcast v48, $0xF;
	v49 =	vadd.f32 v42, v39;
	v42 =	vpop (erf)  }
0x202: {  	v25 =	vmax.f32 v25, v59;
	v33 =	vmul.f32 v42, v33;
	v43 =	vadd.f32 v47, v43  }
0x203: {  	v47 =	vadd.f32 v60, v27;
	v60 =	vmax.f32 v52, v58;
	v56 =	vmul.f32 $2.000000030e-01, v49  }
0x204: {  	v25 =	vmul.f32 v25, v2;
	v44 =	vadd.f32 v63, v26;
	v52 =	vmul.f32 v60, v1;
	v63, _, _ =	vpop (xrf2)  }
0x205: {  	v61 =	vmul.f32 $2.000000030e-01, v47;
	(xrf2) =	vadd.scan.msk.f32 $0xffff, v43;
	v58 =	vmul.f32 $1.442695020e+00, v63  }
0x206: {  	v49 =	vmax.f32 v49, v56;
	v62 =	vmul.f32 $2.000000030e-01, v44;
	v60 =	vadd.f32 v25, v52  }
0x207: {  	v59, _, _ =	vpop (xrf2);
	v49 =	vmul.f32 v49, v1;
	v52 =	vbroadcast v54, $0xF  }
0x208: {  	v46 =	vmax.f32 v47, v61;
	v25 =	vpop (erf);
	v47 =	vmul.f32 $1.442695020e+00, v59;
	v56 =	vbroadcast v58, $0xF;
	(xrf2) =	vadd.scan.msk.f32 $0xffff, v60  }
0x209: {  	v46 =	vmul.f32 v46, v3;
	v57 =	vmax.f32 v44, v62;
	v55 =	vpop (erf);
	v49 =	vadd.f32 v51, v49  }
0x20a: {  	v59 =	vsel vm0, v25, v42;
	v50 =	vmul.f32 v57, v4;
	v61, _, _ =	vpop (xrf2);
	v47 =	vbroadcast v47, $0xF  }
0x20b: {  	v63 =	vpop (erf);
	(erf) = vpow2.f32 v45;
	v44 =	vsel vm1, v59, v55;
	v35 =	vmul.f32 v55, v35;
	(xrf2) =	vadd.scan.msk.f32 $0xffff, v49  }
0x20c: {  	v62 =	vmul.f32 $1.442695020e+00, v61;
	v38 =	vmul.f32 v63, v38;
	v46 =	vadd.f32 v50, v46  }
0x20d: {  	s16 =	simm.s32 $0x7200;
	v44 =	vsel vm2, v63, v44;
	v37 =	vmul.f32 v63, v37;
	(erf) = vpow2.f32 v52  }
0x20e: {  	v60, _, _ =	vpop (xrf2);
	v63 =	vmul.f32 v55, v36;
	[tilespmem:s16+$0x110] =	vst v44;
	(erf) = vpow2.f32 v53;
	(xrf2) =	vadd.scan.msk.f32 $0xffff, v46  }
0x20f: {  	v45 =	vmul.f32 $1.442695020e+00, v60;
	[tilespmem:s16+$0xC0] =	vst v35;
	v43 =	vbroadcast v62, $0xF;
	v61, _, _ =	vpop (xrf2)  }
0x210: {  	[tilespmem:s16+$0x90] =	vst v38;
	(erf) = vpow2.f32 v48;
	v62 =	vmul.f32 $1.442695020e+00, v61  }
0x211: {  	[tilespmem:s16+$0xA0] =	vst v37;
	v44 =	vbroadcast v45, $0xF;
	(erf) = vpow2.f32 v56  }
0x212: {  	s17 =	simm.s32 $0x0;
	s18 =	simm.s32 $0x32E0;
	[tilespmem:s16+$0xB0] =	vst v63;
	(erf) = vpow2.f32 v47;
	v36 =	vbroadcast v62, $0xF;
	v37, _, _ =	vpop (xrf2)  }
.LBB2_7:
0x213: {  	v35 =	vld [tilespmem:s18+$0x80];
	v38 =	vmul.f32 $1.442695020e+00, v37;
	(erf) = vpow2.f32 v43  }
0x214: {  	v45 =	vmul.f32 v42, v13;
	v37 =	vld [tilespmem:s18+$0x90];
	[tilespmem:s16+$0xD0] =	vst v33;
	v42 =	vpop (erf);
	(erf) = vpow2.f32 v44  }
0x215: {  	v33 =	vld [tilespmem:s18+$0xA0];
	v38 =	vbroadcast v38, $0xF;
	v43, _, _ =	vpop (xrf2);
	(erf) = vpow2.f32 v36  }
0x216: {  	s15 =	sadd.s32 $0x200, s15;
	v47 =	vmul.f32 v42, v17;
	v36 =	vld [tilespmem:s18+$0xB0];
	v43 =	vmul.f32 $1.442695020e+00, v43;
	[tilespmem:s16+$0xE0] =	vst v45;
	v13 =	vpop (erf)  }
0x217: {  	v15 =	vmul.f32 v42, v15;
	v44 =	vld [tilespmem:s15+$0x80];
	v45 =	vsel vm0, v13, v42;
	v42 =	vpop (erf);
	(erf) = vpow2.f32 v38  }
0x218: {  	v14 =	vmul.f32 v13, v14;
	v46 =	vld [tilespmem:s15+$0x90];
	v38 =	vbroadcast v43, $0xF;
	[tilespmem:s16+$0xFFFFFF20] =	vst v47;
	v17, _, _ =	vpop (xrf2)  }
0x219: {  	v13 =	vmul.f32 v13, v16;
	v47 =	vld [tilespmem:s15+$0xA0];
	[tilespmem:s16+$0xFFFFFF30] =	vst v15;
	v15 =	vmul.f32 $1.442695020e+00, v17;
	v16 =	vpop (erf)  }
0x21a: {  	v17 =	vmul.f32 v42, v21;
	v48 =	vld [tilespmem:s15+$0xB0];
	[tilespmem:s16+$0xFFFFFF40] =	vst v14;
	v14 =	vsel vm0, v16, v42;
	(erf) = vpow2.f32 v38;
	v21 =	vpop (erf)  }
0x21b: {  	v49 =	vmul.f32 v42, v22;
	v38 =	vld [tilespmem:s18+$0xC0];
	[tilespmem:s16+$0xFFFFFF50] =	vst v13;
	v15 =	vbroadcast v15, $0xF;
	v43 =	vpop (erf)  }
0x21c: {  	v50 =	vmul.f32 v16, v23;
	v19 =	vmul.f32 v16, v19;
	v13 =	vld [tilespmem:s18+$0xD0];
	[tilespmem:s16+$0xFFFFFFB0] =	vst v17;
	v23 =	vsel vm0, v43, v21;
	v16 =	vpop (erf)  }
0x21d: {  	v42 =	vld [tilespmem:s18+$0xE0];
	v45 =	vsel vm1, v45, v16;
	v28 =	vmul.f32 v16, v28;
	[tilespmem:s16+$0xFFFFFFC0] =	vst v49;
	v22 =	vpop (erf);
	(erf) = vpow2.f32 v15  }
0x21e: {  	v15 =	vmul.f32 v16, v29;
	v49 =	vld [tilespmem:s15+$0xC0];
	v16 =	vmul.f32 v22, v31;
	[tilespmem:s16+$0xFFFFFFD0] =	vst v50;
	v17 =	vpop (erf)  }
0x21f: {  	v29 =	vld [tilespmem:s15+$0xD0];
	[tilespmem:s16+$0xFFFFFF00] =	vst v28;
	v14 =	vsel vm1, v14, v17;
	v28 =	vmul.f32 v22, v30;
	v32 =	vmul.f32 v17, v32  }
0x220: {  	v24 =	vmul.f32 v21, v24;
	v31 =	vld [tilespmem:s18+$0xF0];
	[tilespmem:s16+$0xFFFFFF10] =	vst v15;
	v14 =	vsel vm2, v22, v14;
	v22 =	vmul.f32 v17, v34;
	v30 =	vpop (erf)  }
0x221: {  	v34 =	vadd.f32 v44, v35;
	v44 =	vadd.f32 v46, v37;
	v46 =	vld [tilespmem:s15+$0xE0];
	[tilespmem:s16+$0xFFFFFFF0] =	vst v14;
	v40 =	vmul.f32 v30, v40  }
0x222: {  	v20 =	vmul.f32 v21, v20;
	v47 =	vadd.f32 v47, v33;
	v41 =	vmul.f32 v30, v41;
	v50 =	vld [tilespmem:s15+$0xF0];
	[tilespmem:s16+$0xFFFFFF70] =	vst v16  }
0x223: {  	v48 =	vadd.f32 v48, v36;
	v16 =	vmul.f32 $2.000000030e-01, v34;
	v21 =	vmul.f32 $2.000000030e-01, v44;
	v17 =	vld [tilespmem:s18+$0xFFFFFF40];
	[tilespmem:s16+$0xFFFFFF80] =	vst v28;
	v28 =	vpop (erf)  }
0x224: {  	v51 =	vmul.f32 $2.000000030e-01, v47;
	v49 =	vadd.f32 v49, v38;
	v15 =	vld [tilespmem:s18+$0xFFFFFF50];
	v29 =	vadd.f32 v29, v13;
	[tilespmem:s16+$0xFFFFFF90] =	vst v32  }
0x225: {  	s17 =	sadd.s32 $0x4, s17;
	v32 =	vmax.f32 v34, v16;
	v21 =	vmax.f32 v44, v21;
	v34 =	vmul.f32 $2.000000030e-01, v48;
	v14 =	vld [tilespmem:s18+$0xFFFFFF60];
	[tilespmem:s16+$0xFFFFFFA0] =	vst v22  }
0x226: {  	p1 =	slt.u32 s17, $0xC;
	v22 =	vmul.f32 v32, v1;
	v21 =	vmul.f32 v21, v2;
	v16 =	vld [tilespmem:s18+$0xFFFFFF70];
	v44 =	vadd.f32 v46, v42;
	[tilespmem:s16+$0xFFFFFFE0] =	vst v19;
	v46 =	vpop (erf)  }
0x227: {  	v52 =	vmul.f32 $2.000000030e-01, v49;
	v53 =	vmul.f32 $2.000000030e-01, v29;
	v19 =	vld [tilespmem:s15+$0xFFFFFF40];
	v50 =	vadd.f32 v50, v31;
	[tilespmem:s16+$0x0] =	vst v40  }
0x228: {  	v32 =	vmax.f32 v47, v51;
	v34 =	vmax.f32 v48, v34;
	v21 =	vadd.f32 v21, v22;
	v40 =	vld [tilespmem:s15+$0xFFFFFF50];
	[tilespmem:s16+$0x10] =	vst v41  }
0x229: {  	v22 =	vmul.f32 v32, v3;
	v34 =	vmul.f32 v34, v4;
	v32 =	vsel vm1, v23, v46;
	v41 =	vld [tilespmem:s15+$0xFFFFFF60];
	[tilespmem:s16+$0x40] =	vst v24  }
0x22a: {  	v23 =	vsel vm2, v28, v45;
	v47 =	vmul.f32 $2.000000030e-01, v44;
	v48 =	vmul.f32 $2.000000030e-01, v50;
	v24 =	vld [tilespmem:s15+$0xFFFFFF70];
	(xrf2) =	vadd.scan.msk.f32 $0xffff, v21  }
0x22b: {  	v45 =	vmax.f32 v49, v52;
	v29 =	vmax.f32 v29, v53;
	v34 =	vadd.f32 v34, v22;
	v21 =	vld [tilespmem:s18+$0xFFFFFFC0];
	[tilespmem:s16+$0xFFFFFF60] =	vst v23  }
0x22c: {  	v45 =	vmul.f32 v45, v5;
	v29 =	vmul.f32 v29, v6;
	v49 =	vadd.f32 v19, v17;
	v22 =	vld [tilespmem:s18+$0xFFFFFFD0];
	[tilespmem:s16+$0x50] =	vst v20  }
0x22d: {  	v18 =	vmul.f32 v28, v18;
	v20 =	vadd.f32 v40, v15;
	v23 =	vld [tilespmem:s18+$0xFFFFFFE0];
	(xrf2) =	vadd.scan.msk.f32 $0xffff, v34;
	v34 =	vmul.f32 v28, v39  }
0x22e: {  	v29 =	vadd.f32 v29, v45;
	v28 =	vmax.f32 v44, v47;
	v39 =	vmax.f32 v50, v48;
	v19 =	vld [tilespmem:s18+$0xFFFFFFF0]  }
0x22f: {  	v40 =	vadd.f32 v41, v14;
	v28 =	vmul.f32 v28, v7;
	v39 =	vmul.f32 v39, v8;
	v41 =	vld [tilespmem:s15+$0xFFFFFFC0];
	[tilespmem:s16+$0xFFFFFEE0] =	vst v34  }
0x230: {  	v34 =	vmul.f32 $2.000000030e-01, v49;
	v44 =	vmul.f32 $2.000000030e-01, v20;
	v45 =	vadd.f32 v24, v16;
	v47 =	vld [tilespmem:s15+$0xFFFFFFD0];
	(xrf2) =	vadd.scan.msk.f32 $0xffff, v29  }
0x231: {  	v24 =	vmul.f32 $2.000000030e-01, v40;
	v28 =	vadd.f32 v39, v28;
	v29 =	vld [tilespmem:s15+$0xFFFFFFE0];
	[tilespmem:s16+$0xFFFFFEF0] =	vst v18;
	v18 =	vmul.f32 v46, v27  }
0x232: {  	v27 =	vmax.f32 v49, v34;
	v20 =	vmax.f32 v20, v44;
	v34 =	vmul.f32 $2.000000030e-01, v45;
	v39 =	vld [tilespmem:s15+$0xFFFFFFF0]  }
0x233: {  	v27 =	vmul.f32 v27, v5;
	v44 =	vmul.f32 v20, v6;
	v20 =	vmax.f32 v40, v24;
	v24 =	vld [tilespmem:s18+$0x40];
	(xrf2) =	vadd.scan.msk.f32 $0xffff, v28  }
0x234: {  	v28 =	vmul.f32 v20, v7;
	v34 =	vmax.f32 v45, v34;
	v40 =	vadd.f32 v41, v21;
	v20 =	vld [tilespmem:s18+$0x50];
	v41, _, _ =	vpop (xrf2);
	[tilespmem:s16+$0x20] =	vst v18  }
0x235: {  	v18 =	vmul.f32 v34, v8;
	v48 =	vadd.f32 v44, v27;
	v34 =	vadd.f32 v47, v22;
	v44 =	vld [tilespmem:s18+$0x60]  }
0x236: {  	v26 =	vmul.f32 v46, v26;
	v45 =	vmul.f32 $2.000000030e-01, v40;
	v29 =	vadd.f32 v29, v23;
	v47 =	vld [tilespmem:s18+$0x70]  }
0x237: {  	v18 =	vadd.f32 v18, v28;
	v28 =	vmul.f32 $2.000000030e-01, v34;
	v39 =	vadd.f32 v39, v19;
	v46 =	vld [tilespmem:s15+$0x40];
	(xrf2) =	vadd.scan.msk.f32 $0xffff, v48;
	v27, _, _ =	vpop (xrf2)  }
0x238: {  	v12 =	vmul.f32 v43, v12;
	v40 =	vmax.f32 v40, v45;
	v45 =	vmul.f32 $2.000000030e-01, v29;
	v48 =	vld [tilespmem:s15+$0x50];
	[tilespmem:s16+$0x30] =	vst v26  }
0x239: {  	v26 =	vmul.f32 v40, v5;
	v28 =	vmax.f32 v34, v28;
	v34 =	vmul.f32 $2.000000030e-01, v39;
	v40 =	vld [tilespmem:s15+$0x60]  }
0x23a: {  	v11 =	vmul.f32 v43, v11;
	v49 =	vmul.f32 v28, v6;
	v28 =	vmax.f32 v29, v45;
	v45 =	vld [tilespmem:s15+$0x70];
	(xrf2) =	vadd.scan.msk.f32 $0xffff, v18;
	v50, _, _ =	vpop (xrf2)  }
0x23b: {  	v52 =	vmul.f32 v25, v10;
	v18 =	vld [tilespmem:s18+$0xFFFFFF10];
	v51 =	vmul.f32 v28, v7;
	v29 =	vmax.f32 v39, v34;
	[tilespmem:s16+$0x60] =	vst v12  }
0x23c: {  	v28 =	vld [tilespmem:s18+$0xFFFFFF20];
	v34 =	vmul.f32 v29, v8;
	v53 =	vadd.f32 v49, v26;
	v26 =	vadd.f32 v46, v24;
	[tilespmem:s16+$0x70] =	vst v11  }
0x23d: {  	v50 =	vmul.f32 $1.442695020e+00, v50;
	v49 =	vmul.f32 v25, v9;
	v29 =	vld [tilespmem:s18+$0xFFFFFF30];
	v39 =	vadd.f32 v48, v20;
	v46, _, _ =	vpop (xrf2);
	[tilespmem:s16+$0xF0] =	vst v52  }
0x23e: {  	v10 =	vmovc v42;
	v43 =	vld [tilespmem:s15+$0xFFFFFF00];
	v25 =	vmul.f32 $2.000000030e-01, v26;
	v40 =	vadd.f32 v40, v44;
	v46 =	vmul.f32 $1.442695020e+00, v46;
	(xrf2) =	vadd.scan.msk.f32 $0xffff, v53  }
0x23f: {  	v27 =	vmul.f32 $1.442695020e+00, v27;
	v12 =	vmovc v44;
	v9 =	vmovc v31;
	v48 =	vbroadcast v50, $0xF;
	v42 =	vld [tilespmem:s15+$0xFFFFFF10];
	v45 =	vadd.f32 v45, v47;
	[tilespmem:s16+$0x100] =	vst v49  }
0x240: {  	v11 =	vmovc v47;
	v44 =	vld [tilespmem:s15+$0xFFFFFF20];
	v25 =	vmax.f32 v26, v25;
	v26 =	vmul.f32 $1.442695020e+00, v41;
	v41 =	vbroadcast v46, $0xF  }
0x241: {  	v27 =	vbroadcast v27, $0xF;
	v34 =	vadd.f32 v34, v51;
	v46 =	vld [tilespmem:s15+$0xFFFFFF30];
	v47, _, _ =	vpop (xrf2);
	(erf) = vpow2.f32 v48  }
0x242: {  	v32 =	vsel vm2, v30, v32;
	v31 =	vld [tilespmem:s18+$0xFFFFFF80];
	v26 =	vbroadcast v26, $0xF;
	(erf) = vpow2.f32 v41  }
0x243: {  	v41 =	vmul.f32 $2.000000030e-01, v39;
	v30 =	vld [tilespmem:s18+$0xFFFFFF90];
	(erf) = vpow2.f32 v27;
	[tilespmem:s16+$0x80] =	vst v32  }
0x244: {  	v27 =	vadd.f32 v42, v18;
	v32 =	vld [tilespmem:s18+$0xFFFFFFA0];
	v42 =	vmul.f32 $2.000000030e-01, v40;
	v48, _, _ =	vpop (xrf2);
	(xrf2) =	vadd.scan.msk.f32 $0xffff, v34;
	(erf) = vpow2.f32 v26  }
0x245: {  	v39 =	vmax.f32 v39, v41;
	v41 =	vmul.f32 $2.000000030e-01, v45;
	v26 =	vadd.f32 v44, v28;
	v34 =	vld [tilespmem:s18+$0xFFFFFFB0]  }
0x246: {  	v44 =	vmul.f32 $2.000000030e-01, v27;
	v46 =	vadd.f32 v46, v29;
	v49 =	vld [tilespmem:s15+$0xFFFFFF80];
	v40 =	vmax.f32 v40, v42  }
0x247: {  	v25 =	vmul.f32 v25, v5;
	v41 =	vmax.f32 v45, v41;
	v57 =	vmul.f32 $2.000000030e-01, v26;
	v50 =	vld [tilespmem:s15+$0xFFFFFF90]  }
0x248: {  	v39 =	vmul.f32 v39, v6;
	v27 =	vmax.f32 v27, v44;
	v44 =	vmul.f32 $2.000000030e-01, v46;
	v45 =	vld [tilespmem:s15+$0xFFFFFFA0];
	v51, _, _ =	vpop (xrf2)  }
0x249: {  	v53 =	vmul.f32 v40, v7;
	v26 =	vmax.f32 v26, v57;
	v52 =	vld [tilespmem:s15+$0xFFFFFFB0];
	v57 =	vmul.f32 v41, v8  }
0x24a: {  	v55 =	vmul.f32 v27, v2;
	v56 =	vmul.f32 v26, v3;
	v26 =	vmax.f32 v46, v44;
	v40 =	vld [tilespmem:s18+$0x0];
	v42 =	vpop (erf)  }
0x24b: {  	v39 =	vadd.f32 v39, v25;
	v44 =	vmul.f32 v26, v4;
	v46 =	vadd.f32 v49, v31;
	v41 =	vld [tilespmem:s18+$0x10];
	v25 =	vpop (erf)  }
0x24c: {  	v49 =	vadd.f32 v50, v30;
	v27 =	vld [tilespmem:s18+$0x20];
	v50 =	vadd.f32 v57, v53;
	v53 =	vsel vm0, v25, v42;
	v54 =	vpop (erf)  }
0x24d: {  	v57 =	vmul.f32 $2.000000030e-01, v46;
	v45 =	vadd.f32 v45, v32;
	v26 =	vld [tilespmem:s18+$0x30];
	v53 =	vsel vm1, v53, v54;
	(xrf2) =	vadd.scan.msk.f32 $0xffff, v39;
	v58 =	vpop (erf)  }
0x24e: {  	s16 =	sadd.s32 $0x240, s16;
	v39 =	vmul.f32 $2.000000030e-01, v49;
	v52 =	vadd.f32 v52, v34;
	v59 =	vld [tilespmem:s15+$0x0];
	v53 =	vsel vm2, v58, v53;
	v60, _, _ =	vpop (xrf2)  }
0x24f: {  	v44 =	vadd.f32 v44, v56;
	v46 =	vmax.f32 v46, v57;
	v56 =	vmul.f32 $2.000000030e-01, v45;
	v57 =	vld [tilespmem:s15+$0x10];
	[tilespmem:s16+$0x110] =	vst v53  }
0x250: {  	v46 =	vmul.f32 v46, v1;
	v39 =	vmax.f32 v49, v39;
	v49 =	vmul.f32 $2.000000030e-01, v52;
	v53 =	vld [tilespmem:s15+$0x20];
	(xrf2) =	vadd.scan.msk.f32 $0xffff, v50  }
0x251: {  	v47 =	vmul.f32 $1.442695020e+00, v47;
	v50 =	vmul.f32 v39, v2;
	v45 =	vmax.f32 v45, v56;
	v56 =	vld [tilespmem:s15+$0x30]  }
0x252: {  	v48 =	vmul.f32 $1.442695020e+00, v48;
	v39 =	vld [tilespmem:s18+$0xFFFFFF00];
	v45 =	vmul.f32 v45, v3;
	v49 =	vmax.f32 v52, v49  }
0x253: {  	v49 =	vmul.f32 v49, v4;
	v46 =	vadd.f32 v50, v46;
	v50 =	vadd.f32 v59, v40;
	(xrf2) =	vadd.scan.msk.f32 $0xffff, v44  }
0x254: {  	v44 =	vmul.f32 $1.442695020e+00, v51;
	v51 =	vmul.f32 $1.442695020e+00, v60;
	v52 =	vadd.f32 v57, v41  }
0x255: {  	v45 =	vadd.f32 v49, v45;
	v49 =	vmul.f32 $2.000000030e-01, v50;
	v53 =	vadd.f32 v53, v27  }
0x256: {  	v47 =	vbroadcast v47, $0xF;
	v57 =	vmul.f32 $2.000000030e-01, v52;
	v56 =	vadd.f32 v56, v26;
	(xrf2) =	vadd.scan.msk.f32 $0xffff, v46  }
0x257: {  	v43 =	vadd.f32 v43, v39;
	v46 =	vmax.f32 v50, v49;
	v49 =	vmul.f32 $2.000000030e-01, v53;
	v50, _, _ =	vpop (xrf2)  }
0x258: {  	v46 =	vmul.f32 v46, v1;
	v52 =	vmax.f32 v52, v57;
	v57 =	vmul.f32 $2.000000030e-01, v56  }
0x259: {  	v59 =	vmul.f32 $2.000000030e-01, v43;
	v52 =	vmul.f32 v52, v2;
	v49 =	vmax.f32 v53, v49;
	(xrf2) =	vadd.scan.msk.f32 $0xffff, v45  }
0x25a: {  	v50 =	vmul.f32 $1.442695020e+00, v50;
	v45 =	vmul.f32 v49, v3;
	v49 =	vmax.f32 v56, v57;
	v53, _, _ =	vpop (xrf2)  }
0x25b: {  	v43 =	vmax.f32 v43, v59;
	v49 =	vmul.f32 v49, v4;
	v46 =	vadd.f32 v52, v46  }
0x25c: {  	v52 =	vmul.f32 $1.442695020e+00, v53;
	v43 =	vmul.f32 v43, v1  }
0x25d: {  	v48 =	vbroadcast v48, $0xF;
	v53 =	vbroadcast v44, $0xF;
	v45 =	vadd.f32 v49, v45;
	v44, _, _ =	vpop (xrf2);
	(xrf2) =	vadd.scan.msk.f32 $0xffff, v46  }
0x25e: {  	v49 =	vbroadcast v51, $0xF;
	v46 =	vadd.f32 v55, v43;
	v43 =	vmul.f32 $1.442695020e+00, v44  }
0x25f: {  	v50 =	vbroadcast v50, $0xF;
	v51 =	vbroadcast v52, $0xF  }
0x260: {  	v43 =	vbroadcast v43, $0xF;
	(xrf2) =	vadd.scan.msk.f32 $0xffff, v46;
	(erf) = vpow2.f32 v47;
	v44, _, _ =	vpop (xrf2)  }
0x261: {  	v46 =	vmul.f32 v58, v35;
	v44 =	vmul.f32 $1.442695020e+00, v44  }
0x262: {  	v37 =	vmul.f32 v58, v37;
	(erf) = vpow2.f32 v48  }
.Ltmp2:
0x263: {  	v44 =	vbroadcast v44, $0xF;
	[tilespmem:s16+$0x90] =	vst v46;
	v35, _, _ =	vpop (xrf2);
	(erf) = vpow2.f32 v53;
	(xrf2) =	vadd.scan.msk.f32 $0xffff, v45;
	(pc) =	sbr.rel @p1 .LBB2_7-.Ltmp2, $4  }
0x264: {  	v33 =	vmul.f32 v54, v33;
	v35 =	vmul.f32 $1.442695020e+00, v35;
	[tilespmem:s16+$0xA0] =	vst v37  }
0x265: {  	v45 =	vmul.f32 v54, v36;
	(erf) = vpow2.f32 v49  }
0x266: {  	v36 =	vbroadcast v35, $0xF;
	[tilespmem:s16+$0xB0] =	vst v33;
	(erf) = vpow2.f32 v50  }
0x267: {  	s18 =	sadd.s32 $0x200, s18;
	v33 =	vmul.f32 v42, v38;
	[tilespmem:s16+$0xC0] =	vst v45;
	v37, _, _ =	vpop (xrf2);
	(erf) = vpow2.f32 v51  }
0x268: {  	v13 =	vmul.f32 v42, v13  }
0x269: {  	(erf) = vpow2.f32 v43;
	v10 =	vmul.f32 v25, v10;
	v35 =	vpop (erf);
	[tilespmem:s16+$0xD0] =	vst v33  }
0x26a: {  	v9 =	vmul.f32 v25, v9;
	v17 =	vmul.f32 v35, v17;
	[tilespmem:s16+$0xE0] =	vst v13  }
0x26b: {  	v38, _, _ =	vpop (xrf2);
	[tilespmem:s16+$0xF0] =	vst v10  }
0x26c: {  	v46 =	vmul.f32 $1.442695020e+00, v37;
	v13 =	vmul.f32 v35, v15;
	[tilespmem:s16+$0x100] =	vst v9;
	v45 =	vpop (erf)  }
0x26d: {  	(erf) = vpow2.f32 v44;
	v15 =	vpop (erf);
	[tilespmem:s16+$0xFFFFFF20] =	vst v17;
	v14 =	vmul.f32 v45, v14  }
0x26e: {  	(erf) = vpow2.f32 v36;
	[tilespmem:s16+$0xFFFFFF30] =	vst v13;
	v13 =	vmul.f32 v45, v16;
	v17, _, _ =	vpop (xrf2)  }
0x26f: {  	v36 =	vbroadcast v46, $0xF;
	v16 =	vpop (erf);
	[tilespmem:s16+$0xFFFFFF40] =	vst v14;
	v14 =	vmul.f32 v15, v21  }
0x270: {  	v47 =	vmul.f32 $1.442695020e+00, v38;
	[tilespmem:s16+$0xFFFFFF50] =	vst v13;
	v13 =	vmul.f32 v15, v22;
	v21 =	vpop (erf)  }
0x271: {  	(erf) = vpow2.f32 v36;
	v22 =	vpop (erf);
	[tilespmem:s16+$0xFFFFFFB0] =	vst v14;
	v14 =	vmul.f32 v16, v23  }
0x272: {  	v17 =	vmul.f32 $1.442695020e+00, v17;
	[tilespmem:s16+$0xFFFFFFC0] =	vst v13;
	v12 =	vmul.f32 v22, v12  }
0x273: {  	v48 =	vbroadcast v47, $0xF;
	v23 =	vpop (erf);
	v11 =	vmul.f32 v22, v11;
	[tilespmem:s16+$0xFFFFFFD0] =	vst v14  }
0x274: {  	v17 =	vbroadcast v17, $0xF;
	v28 =	vmul.f32 v23, v28;
	[tilespmem:s16+$0x60] =	vst v12  }
0x275: {  	(erf) = vpow2.f32 v48;
	v29 =	vmul.f32 v23, v29;
	[tilespmem:s16+$0x70] =	vst v11  }
0x276: {  	v13 =	vpop (erf);
	(erf) = vpow2.f32 v17;
	v17 =	vmul.f32 v21, v24;
	[tilespmem:s16+$0xFFFFFF00] =	vst v28  }
0x277: {  	v15 =	vsel vm0, v16, v15;
	v14 =	vpop (erf);
	v28 =	vmul.f32 v13, v31;
	[tilespmem:s16+$0xFFFFFF10] =	vst v29  }
0x278: {  	v15 =	vsel vm1, v15, v14;
	[tilespmem:s16+$0x40] =	vst v17  }
0x279: {  	v15 =	vsel vm2, v13, v15;
	v13 =	vmul.f32 v13, v30;
	[tilespmem:s16+$0xFFFFFF70] =	vst v28  }
0x27a: {  	[tilespmem:s16+$0xFFFFFFF0] =	vst v15;
	v15 =	vmul.f32 v14, v32  }
0x27b: {  	v14 =	vmul.f32 v14, v34;
	[tilespmem:s16+$0xFFFFFF80] =	vst v13;
	v13 =	vmul.f32 v16, v19;
	v16 =	vpop (erf)  }
0x27c: {  	[tilespmem:s16+$0xFFFFFF90] =	vst v15;
	v15 =	vmul.f32 v16, v40  }
0x27d: {  	[tilespmem:s16+$0xFFFFFFA0] =	vst v14;
	v14 =	vmul.f32 v16, v41  }
0x27e: {  	[tilespmem:s16+$0xFFFFFFE0] =	vst v13  }
0x27f: {  	v13 =	vsel vm0, v45, v35;
	[tilespmem:s16+$0x10] =	vst v14;
	v14 =	vmul.f32 v21, v20  }
0x280: {  	[tilespmem:s16+$0x0] =	vst v15;
	v13 =	vsel vm1, v13, v23;
	v15 =	vpop (erf)  }
0x281: {  	[tilespmem:s16+$0x50] =	vst v14;
	v13 =	vsel vm2, v15, v13;
	v14 =	vmul.f32 v15, v18  }
0x282: {  	v12 =	vsel vm0, v22, v21;
	v17 =	vpop (erf);
	[tilespmem:s16+$0xFFFFFF60] =	vst v13;
	v13 =	vmul.f32 v15, v39  }
0x283: {  	v11 =	vsel vm1, v12, v17;
	[tilespmem:s16+$0xFFFFFEF0] =	vst v14  }
0x284: {  	v14 =	vmul.f32 v17, v26;
	v9 =	vsel vm2, v16, v11;
	[tilespmem:s16+$0xFFFFFEE0] =	vst v13  }
0x285: {  	v13 =	vmul.f32 v17, v27;
	[tilespmem:s16+$0x80] =	vst v9  }
0x286: {  	[tilespmem:s16+$0x30] =	vst v14  }
0x287: {  	s15 =	simm.s32 $0x27B0;
	s17 =	simm.s32 $0x70E0;
	[tilespmem:s16+$0x20] =	vst v13  }
0x288: {  	[spmem:s3] =	stream.indirect.scatter.add.f32 [tilespmem:s17], [sflag:$0xA], $0x90, s15, s12, $0xb8;
	[tilespmem:$0x1FA00] =	vst v63  }
0x289: {  	s15 =	sadd.s32 $0x5, s14  }
0x28a: {  	p1 =	seq.s32 s15, $0x271  }
0x28b: {  	s15 =	simm.s32 @p1 $0x0  }
0x28c: {  	s18 =	sshll.u32 s15, $0x3  }
0x28d: {  	s16 =	sand.u32 $0x1FE0, s18  }
0x28e: {  	v9 =	vld [tilespmem:s16+$0x0]  }
0x28f: {  	v10 =	vld [tilespmem:s16+$0x1390];
	_ =	sdelay $0x2  }
0x290: {  	s15 =	sand.u32 $0x1, s15  }
0x291: {  	p6 =	seq.s32 s15, $0x1;
	v11 =	vand.u32 $0xFFFF, v9;
	v9 =	vshrl.u32 v9, $0x10  }
0x292: {  	v12 =	vand.u32 $0xFFFF, v10;
	v10 =	vshrl.u32 v10, $0x10;
	v9 =	vpsel p6, v9, v11  }
0x293: {  	[tilespmem:$0x2730] =	vst v9;
	v9 =	vpsel p6, v10, v12  }
0x294: {  	s17 =	simm.s32 $0x2FE0;
	s16 =	simm.s32 $0x2730;
	[tilespmem:$0x2770] =	vst v9  }
0x295: {  	[tilespmem:s17], [sflag:$0x2] =	stream.indirect.gather [hbm4b:s2+s12], $0x80, s16, s12, $0xb8;
	[tilespmem:$0x1FA00] =	vst v63  }
0x296: {  	_ = 	snop  }
0x297: {  	[tilespmem:s20], [sflag:$0x6] =	stream.indirect.gather [hbm4b:s5+s12], $0x80, s19, s12, $0xb8;
	[tilespmem:$0x1FA00] =	vst v63  }
0x298: {  	_ =	swait.ge [sflag:s8], $0x800  }
0x299: {  	[sflag:s8] =	ssyncset.done $0x0  }
0x29a: {  	[sflag:s8] =	ssyncadd.s32 $0xFFFFF800  }
0x29b: {  	_ =	swait.ge [sflag:s11], $0x800  }
0x29c: {  	[sflag:s11] =	ssyncset.done $0x0  }
0x29d: {  	s15 =	simm.s32 @!p0 $0xB;
	[sflag:s11] =	ssyncadd.s32 $0xFFFFF800  }
0x29e: {  	_ =	swait.ge @!p0 [sflag:s15], $0x900  }
0x29f: {  	[sflag:s15] =	ssyncset.done @!p0 $0x0  }
0x2a0: {  	[sflag:s15] =	ssyncadd.s32 @!p0 $0xFFFFF700  }
0x2a1: {  	v9 =	vld [tilespmem:$0x2780];
	_ =	sdelay $0x4  }
0x2a2: {  	s18 =	simm.s32 $0x38E0;
	[tilespmem:$0x27C0] =	vst v9  }
0x2a3: {  	v38 =	vld [tilespmem:s18+$0x80]  }
0x2a4: {  	v37 =	vld [tilespmem:s18+$0x90]  }
0x2a5: {  	v36 =	vld [tilespmem:s18+$0xA0]  }
0x2a6: {  	s15 =	simm.s32 $0x58E0;
	v35 =	vld [tilespmem:s18+$0xB0]  }
0x2a7: {  	v11 =	vld [tilespmem:s15+$0x80]  }
0x2a8: {  	v12 =	vld [tilespmem:s15+$0x90]  }
0x2a9: {  	v14 =	vld [tilespmem:s15+$0xA0]  }
0x2aa: {  	v16 =	vld [tilespmem:s15+$0xB0]  }
0x2ab: {  	v33 =	vld [tilespmem:s18+$0xC0]  }
0x2ac: {  	v13 =	vld [tilespmem:s18+$0xD0]  }
0x2ad: {  	v10 =	vld [tilespmem:s18+$0xE0]  }
0x2ae: {  	v18 =	vld [tilespmem:s15+$0xC0]  }
0x2af: {  	v19 =	vld [tilespmem:s15+$0xD0]  }
0x2b0: {  	v9 =	vld [tilespmem:s18+$0xF0]  }
0x2b1: {  	v21 =	vld [tilespmem:s15+$0xF0]  }
0x2b2: {  	v17 =	vld [tilespmem:s18+$0xFFFFFF40]  }
0x2b3: {  	v27 =	vld [tilespmem:s15+$0xFFFFFF40]  }
0x2b4: {  	v20 =	vld [tilespmem:s15+$0xE0];
	v11 =	vadd.f32 v11, v38;
	v12 =	vadd.f32 v12, v37  }
0x2b5: {  	v15 =	vld [tilespmem:s18+$0xFFFFFF50];
	v22 =	vadd.f32 v14, v36;
	v25 =	vadd.f32 v16, v35  }
0x2b6: {  	v28 =	vld [tilespmem:s15+$0xFFFFFF60];
	v18 =	vadd.f32 v18, v33;
	v19 =	vadd.f32 v19, v13  }
0x2b7: {  	v31 =	vld [tilespmem:s15+$0xFFFFFF70];
	v49 =	vadd.f32 v21, v9;
	v23 =	vmul.f32 $2.000000030e-01, v11;
	v24 =	vmul.f32 $2.000000030e-01, v12  }
0x2b8: {  	v57 =	vld [tilespmem:s15+$0x60];
	v27 =	vadd.f32 v27, v17;
	v26 =	vmul.f32 $2.000000030e-01, v22;
	v29 =	vmul.f32 $2.000000030e-01, v18  }
0x2b9: {  	v14 =	vld [tilespmem:s18+$0xFFFFFF60];
	v20 =	vadd.f32 v20, v10;
	v30 =	vmul.f32 $2.000000030e-01, v19;
	v50 =	vmul.f32 $2.000000030e-01, v49  }
0x2ba: {  	v16 =	vld [tilespmem:s18+$0xFFFFFF70];
	v51 =	vmul.f32 $2.000000030e-01, v27;
	v11 =	vmax.f32 v11, v23;
	v12 =	vmax.f32 v12, v24  }
0x2bb: {  	v23 =	vmul.f32 $2.000000030e-01, v25;
	v24 =	vld [tilespmem:s15+$0xFFFFFF50];
	v22 =	vmax.f32 v22, v26;
	v26 =	vmul.f32 $2.000000030e-01, v20  }
0x2bc: {  	v21 =	vld [tilespmem:s18+$0xFFFFFFC0];
	v11 =	vmul.f32 v11, v1;
	v12 =	vmul.f32 v12, v2  }
0x2bd: {  	v18 =	vmax.f32 v18, v29;
	v29 =	vmax.f32 v19, v30;
	v19 =	vld [tilespmem:s18+$0xFFFFFFF0];
	v23 =	vmax.f32 v25, v23  }
0x2be: {  	v30 =	vld [tilespmem:s15+$0xFFFFFFD0];
	v11 =	vadd.f32 v12, v11;
	v12 =	vmul.f32 v22, v3;
	v25 =	vmul.f32 v23, v4  }
0x2bf: {  	v18 =	vmul.f32 v18, v5;
	v20 =	vmax.f32 v20, v26;
	v26 =	vmax.f32 v49, v50;
	v22 =	vld [tilespmem:s18+$0xFFFFFFD0]  }
0x2c0: {  	v23 =	vld [tilespmem:s18+$0xFFFFFFE0];
	v12 =	vadd.f32 v25, v12;
	v25 =	vmul.f32 v29, v6;
	(xrf2) =	vadd.scan.msk.f32 $0xffff, v11;
	v11 =	vadd.f32 v24, v15  }
0x2c1: {  	v20 =	vmul.f32 v20, v7;
	v26 =	vmul.f32 v26, v8;
	v29 =	vld [tilespmem:s15+$0xFFFFFFC0]  }
0x2c2: {  	v28 =	vadd.f32 v28, v14;
	v18 =	vadd.f32 v25, v18;
	v25 =	vld [tilespmem:s15+$0xFFFFFFE0];
	v52 =	vmul.f32 $2.000000030e-01, v11  }
0x2c3: {  	v27 =	vmax.f32 v27, v51;
	v31 =	vadd.f32 v31, v16;
	(xrf2) =	vadd.scan.msk.f32 $0xffff, v12;
	v12 =	vadd.f32 v26, v20;
	v26 =	vld [tilespmem:s15+$0xFFFFFFF0]  }
0x2c4: {  	v60 =	vld [tilespmem:s15+$0x70];
	v27 =	vmul.f32 v27, v5;
	(xrf2) =	vadd.scan.msk.f32 $0xffff, v18;
	v18 =	vmul.f32 $2.000000030e-01, v28;
	v11 =	vmax.f32 v11, v52  }
0x2c5: {  	v53 =	vmul.f32 $2.000000030e-01, v31;
	(xrf2) =	vadd.scan.msk.f32 $0xffff, v12;
	v12 =	vld [tilespmem:s18+$0x60];
	v34 =	vmul.f32 v11, v6  }
0x2c6: {  	v11 =	vld [tilespmem:s18+$0x70];
	v18 =	vmax.f32 v28, v18;
	v28 =	vadd.f32 v29, v21;
	v29 =	vadd.f32 v30, v22  }
0x2c7: {  	v24 =	vld [tilespmem:s18+$0x40];
	v54 =	vmul.f32 v18, v7;
	v18 =	vmax.f32 v31, v53;
	v25 =	vadd.f32 v25, v23  }
0x2c8: {  	v30 =	vld [tilespmem:s15+$0x40];
	v26 =	vadd.f32 v26, v19;
	v55 =	vmul.f32 $2.000000030e-01, v28;
	v56 =	vmul.f32 $2.000000030e-01, v29  }
0x2c9: {  	v20 =	vld [tilespmem:s18+$0x50];
	v27 =	vadd.f32 v34, v27;
	v58 =	vmul.f32 v18, v8;
	v59 =	vmul.f32 $2.000000030e-01, v25  }
0x2ca: {  	v31 =	vld [tilespmem:s15+$0x50];
	v62 =	vmul.f32 $2.000000030e-01, v26;
	v28 =	vmax.f32 v28, v55;
	v29 =	vmax.f32 v29, v56  }
0x2cb: {  	v47 =	vld [tilespmem:s15+$0xFFFFFF10];
	v41 =	vadd.f32 v57, v12;
	v43 =	vadd.f32 v60, v11;
	v45 =	vmul.f32 v28, v5  }
0x2cc: {  	v18 =	vld [tilespmem:s18+$0xFFFFFF10];
	v61, _, _ =	vpop (xrf2);
	v46 =	vmul.f32 v29, v6;
	v25 =	vmax.f32 v25, v59;
	v26 =	vmax.f32 v26, v62  }
0x2cd: {  	v30 =	vadd.f32 v30, v24;
	v44 =	vmul.f32 $1.442695020e+00, v61;
	v25 =	vmul.f32 v25, v7  }
0x2ce: {  	v49 =	vld [tilespmem:s15+$0xFFFFFF30];
	v39 =	vadd.f32 v58, v54;
	v26 =	vmul.f32 v26, v8;
	v56 =	vmul.f32 $2.000000030e-01, v41  }
0x2cf: {  	v55 =	vld [tilespmem:s15+$0xFFFFFF20];
	v63, _, _ =	vpop (xrf2);
	v48 =	vadd.f32 v31, v20;
	v57 =	vmul.f32 $2.000000030e-01, v43;
	v54 =	vmul.f32 $2.000000030e-01, v30  }
0x2d0: {  	v28 =	vld [tilespmem:s18+$0xFFFFFF20];
	v45 =	vadd.f32 v46, v45;
	v31 =	vmul.f32 $1.442695020e+00, v63;
	v44 =	vbroadcast v44, $0xF  }
0x2d1: {  	v29 =	vld [tilespmem:s18+$0xFFFFFF30];
	v47 =	vadd.f32 v47, v18;
	v51, _, _ =	vpop (xrf2);
	v25 =	vadd.f32 v26, v25;
	v26 =	vmul.f32 $2.000000030e-01, v48  }
0x2d2: {  	(xrf2) =	vadd.scan.msk.f32 $0xffff, v27;
	v58 =	vld [tilespmem:s15+$0xFFFFFF80];
	v41 =	vmax.f32 v41, v56;
	v52 =	vmul.f32 $1.442695020e+00, v51;
	v50 =	vbroadcast v31, $0xF  }
0x2d3: {  	v61 =	vld [tilespmem:s15+$0xFFFFFF90];
	(xrf2) =	vadd.scan.msk.f32 $0xffff, v39;
	v40 =	vmax.f32 v43, v57;
	v53, _, _ =	vpop (xrf2);
	v59 =	vmul.f32 $2.000000030e-01, v47;
	v56 =	vmul.f32 v41, v7  }
0x2d4: {  	v63 =	vld [tilespmem:s15+$0xFFFFFFA0];
	v46 =	vmax.f32 v30, v54;
	v57 =	vmul.f32 v40, v8;
	v34 =	vmul.f32 $1.442695020e+00, v53  }
0x2d5: {  	v31 =	vld [tilespmem:s18+$0xFFFFFF80];
	v27 =	vadd.f32 v55, v28;
	v26 =	vmax.f32 v48, v26;
	v46 =	vmul.f32 v46, v5  }
0x2d6: {  	v30 =	vld [tilespmem:s18+$0xFFFFFF90];
	v60 =	vadd.f32 v49, v29;
	v32 =	vbroadcast v52, $0xF;
	v26 =	vmul.f32 v26, v6  }
0x2d7: {  	(xrf2) =	vadd.scan.msk.f32 $0xffff, v45;
	v40 =	vld [tilespmem:s18+$0x0];
	v34 =	vbroadcast v34, $0xF;
	v62 =	vmul.f32 $2.000000030e-01, v27  }
0x2d8: {  	(xrf2) =	vadd.scan.msk.f32 $0xffff, v25;
	v25 =	vmax.f32 v47, v59;
	v52 =	vld [tilespmem:s15+$0x0];
	v54 =	vmul.f32 $2.000000030e-01, v60;
	(erf) = vpow2.f32 v32  }
0x2d9: {  	v51 =	vmul.f32 v25, v2;
	v32 =	vld [tilespmem:s18+$0xFFFFFFA0];
	v46 =	vadd.f32 v26, v46;
	(erf) = vpow2.f32 v34  }
0x2da: {  	v55 =	vld [tilespmem:s15+$0xFFFFFFB0];
	v27 =	vmax.f32 v27, v62;
	v25 =	vmax.f32 v60, v54;
	v58 =	vadd.f32 v58, v31  }
0x2db: {  	v34 =	vld [tilespmem:s18+$0xFFFFFFB0];
	v60 =	vadd.f32 v61, v30;
	(erf) = vpow2.f32 v50;
	v59 =	vmul.f32 v27, v3  }
0x2dc: {  	v41 =	vld [tilespmem:s18+$0x10];
	v45 =	vadd.f32 v57, v56;
	v57, _, _ =	vpop (xrf2);
	v25 =	vmul.f32 v25, v4;
	(erf) = vpow2.f32 v44  }
0x2dd: {  	(xrf2) =	vadd.scan.msk.f32 $0xffff, v46;
	v46 =	vld [tilespmem:s15+$0x10];
	v61 =	vmul.f32 $2.000000030e-01, v58;
	v62 =	vmul.f32 $2.000000030e-01, v60;
	v54, _, _ =	vpop (xrf2);
	v52 =	vadd.f32 v52, v40  }
0x2de: {  	v25 =	vadd.f32 v25, v59;
	v54 =	vmul.f32 $1.442695020e+00, v54;
	v43 =	vadd.f32 v63, v32  }
0x2df: {  	v42 =	vld [tilespmem:s15+$0xFFFFFF00];
	v39 =	vmax.f32 v58, v61;
	v58 =	vmax.f32 v60, v62;
	v61 =	vmul.f32 $1.442695020e+00, v57  }
0x2e0: {  	v26 =	vld [tilespmem:s18+$0x30];
	v47 =	vadd.f32 v55, v34;
	v53 =	vmul.f32 v39, v1;
	v62 =	vmul.f32 v58, v2  }
0x2e1: {  	(xrf2) =	vadd.scan.msk.f32 $0xffff, v45;
	v39 =	vld [tilespmem:s18+$0xFFFFFF00];
	v58 =	vmul.f32 $2.000000030e-01, v52;
	v63 =	vmul.f32 $2.000000030e-01, v43  }
0x2e2: {  	v27 =	vld [tilespmem:s18+$0x20];
	v55, _, _ =	vpop (xrf2);
	(xrf2) =	vadd.scan.msk.f32 $0xffff, v25;
	v25 =	vadd.f32 v46, v41;
	v45 =	vbroadcast v61, $0xF;
	v59 =	vmul.f32 $2.000000030e-01, v47  }
0x2e3: {  	v60 =	vld [tilespmem:s15+$0x20];
	v57, _, _ =	vpop (xrf2);
	v49 =	vadd.f32 v62, v53;
	v53 =	vmul.f32 $1.442695020e+00, v55;
	v43 =	vmax.f32 v43, v63  }
0x2e4: {  	v48 =	vmul.f32 $1.442695020e+00, v57;
	v63 =	vld [tilespmem:s15+$0x30];
	v43 =	vmul.f32 v43, v3;
	v47 =	vmax.f32 v47, v59  }
0x2e5: {  	v59 =	vmul.f32 $2.000000030e-01, v25;
	v47 =	vmul.f32 v47, v4  }
0x2e6: {  	(xrf2) =	vadd.scan.msk.f32 $0xffff, v49;
	v53 =	vbroadcast v53, $0xF;
	v48 =	vbroadcast v48, $0xF;
	v49 =	vadd.f32 v42, v39;
	v42 =	vpop (erf)  }
0x2e7: {  	v25 =	vmax.f32 v25, v59;
	v33 =	vmul.f32 v42, v33;
	v43 =	vadd.f32 v47, v43  }
0x2e8: {  	v47 =	vadd.f32 v60, v27;
	v60 =	vmax.f32 v52, v58;
	v56 =	vmul.f32 $2.000000030e-01, v49  }
0x2e9: {  	v25 =	vmul.f32 v25, v2;
	v44 =	vadd.f32 v63, v26;
	v52 =	vmul.f32 v60, v1;
	v63, _, _ =	vpop (xrf2)  }
0x2ea: {  	v61 =	vmul.f32 $2.000000030e-01, v47;
	(xrf2) =	vadd.scan.msk.f32 $0xffff, v43;
	v58 =	vmul.f32 $1.442695020e+00, v63  }
0x2eb: {  	v49 =	vmax.f32 v49, v56;
	v62 =	vmul.f32 $2.000000030e-01, v44;
	v60 =	vadd.f32 v25, v52  }
0x2ec: {  	v59, _, _ =	vpop (xrf2);
	v49 =	vmul.f32 v49, v1;
	v52 =	vbroadcast v54, $0xF  }
0x2ed: {  	v46 =	vmax.f32 v47, v61;
	v25 =	vpop (erf);
	v47 =	vmul.f32 $1.442695020e+00, v59;
	v56 =	vbroadcast v58, $0xF;
	(xrf2) =	vadd.scan.msk.f32 $0xffff, v60  }
0x2ee: {  	v46 =	vmul.f32 v46, v3;
	v57 =	vmax.f32 v44, v62;
	v55 =	vpop (erf);
	v49 =	vadd.f32 v51, v49  }
0x2ef: {  	v59 =	vsel vm0, v25, v42;
	v50 =	vmul.f32 v57, v4;
	v61, _, _ =	vpop (xrf2);
	v47 =	vbroadcast v47, $0xF  }
0x2f0: {  	v63 =	vpop (erf);
	(erf) = vpow2.f32 v45;
	v44 =	vsel vm1, v59, v55;
	v35 =	vmul.f32 v55, v35;
	(xrf2) =	vadd.scan.msk.f32 $0xffff, v49  }
0x2f1: {  	v62 =	vmul.f32 $1.442695020e+00, v61;
	v38 =	vmul.f32 v63, v38;
	v46 =	vadd.f32 v50, v46  }
0x2f2: {  	s16 =	simm.s32 $0x7B00;
	v44 =	vsel vm2, v63, v44;
	v37 =	vmul.f32 v63, v37;
	(erf) = vpow2.f32 v52  }
0x2f3: {  	v60, _, _ =	vpop (xrf2);
	v63 =	vmul.f32 v55, v36;
	[tilespmem:s16+$0x110] =	vst v44;
	(erf) = vpow2.f32 v53;
	(xrf2) =	vadd.scan.msk.f32 $0xffff, v46  }
0x2f4: {  	v45 =	vmul.f32 $1.442695020e+00, v60;
	[tilespmem:s16+$0xC0] =	vst v35;
	v43 =	vbroadcast v62, $0xF;
	v61, _, _ =	vpop (xrf2)  }
0x2f5: {  	[tilespmem:s16+$0x90] =	vst v38;
	(erf) = vpow2.f32 v48;
	v62 =	vmul.f32 $1.442695020e+00, v61  }
0x2f6: {  	[tilespmem:s16+$0xA0] =	vst v37;
	v44 =	vbroadcast v45, $0xF;
	(erf) = vpow2.f32 v56  }
0x2f7: {  	s17 =	simm.s32 $0x0;
	s18 =	simm.s32 $0x3AE0;
	[tilespmem:s16+$0xB0] =	vst v63;
	(erf) = vpow2.f32 v47;
	v36 =	vbroadcast v62, $0xF;
	v37, _, _ =	vpop (xrf2)  }
.LBB2_9:
0x2f8: {  	v35 =	vld [tilespmem:s18+$0x80];
	v38 =	vmul.f32 $1.442695020e+00, v37;
	(erf) = vpow2.f32 v43  }
0x2f9: {  	v45 =	vmul.f32 v42, v13;
	v37 =	vld [tilespmem:s18+$0x90];
	[tilespmem:s16+$0xD0] =	vst v33;
	v42 =	vpop (erf);
	(erf) = vpow2.f32 v44  }
0x2fa: {  	v33 =	vld [tilespmem:s18+$0xA0];
	v38 =	vbroadcast v38, $0xF;
	v43, _, _ =	vpop (xrf2);
	(erf) = vpow2.f32 v36  }
0x2fb: {  	s15 =	sadd.s32 $0x200, s15;
	v47 =	vmul.f32 v42, v17;
	v36 =	vld [tilespmem:s18+$0xB0];
	v43 =	vmul.f32 $1.442695020e+00, v43;
	[tilespmem:s16+$0xE0] =	vst v45;
	v13 =	vpop (erf)  }
0x2fc: {  	v15 =	vmul.f32 v42, v15;
	v44 =	vld [tilespmem:s15+$0x80];
	v45 =	vsel vm0, v13, v42;
	v42 =	vpop (erf);
	(erf) = vpow2.f32 v38  }
0x2fd: {  	v14 =	vmul.f32 v13, v14;
	v46 =	vld [tilespmem:s15+$0x90];
	v38 =	vbroadcast v43, $0xF;
	[tilespmem:s16+$0xFFFFFF20] =	vst v47;
	v17, _, _ =	vpop (xrf2)  }
0x2fe: {  	v13 =	vmul.f32 v13, v16;
	v47 =	vld [tilespmem:s15+$0xA0];
	[tilespmem:s16+$0xFFFFFF30] =	vst v15;
	v15 =	vmul.f32 $1.442695020e+00, v17;
	v16 =	vpop (erf)  }
0x2ff: {  	v17 =	vmul.f32 v42, v21;
	v48 =	vld [tilespmem:s15+$0xB0];
	[tilespmem:s16+$0xFFFFFF40] =	vst v14;
	v14 =	vsel vm0, v16, v42;
	(erf) = vpow2.f32 v38;
	v21 =	vpop (erf)  }
0x300: {  	v49 =	vmul.f32 v42, v22;
	v38 =	vld [tilespmem:s18+$0xC0];
	[tilespmem:s16+$0xFFFFFF50] =	vst v13;
	v15 =	vbroadcast v15, $0xF;
	v43 =	vpop (erf)  }
0x301: {  	v50 =	vmul.f32 v16, v23;
	v19 =	vmul.f32 v16, v19;
	v13 =	vld [tilespmem:s18+$0xD0];
	[tilespmem:s16+$0xFFFFFFB0] =	vst v17;
	v23 =	vsel vm0, v43, v21;
	v16 =	vpop (erf)  }
0x302: {  	v42 =	vld [tilespmem:s18+$0xE0];
	v45 =	vsel vm1, v45, v16;
	v28 =	vmul.f32 v16, v28;
	[tilespmem:s16+$0xFFFFFFC0] =	vst v49;
	v22 =	vpop (erf);
	(erf) = vpow2.f32 v15  }
0x303: {  	v15 =	vmul.f32 v16, v29;
	v49 =	vld [tilespmem:s15+$0xC0];
	v16 =	vmul.f32 v22, v31;
	[tilespmem:s16+$0xFFFFFFD0] =	vst v50;
	v17 =	vpop (erf)  }
0x304: {  	v29 =	vld [tilespmem:s15+$0xD0];
	[tilespmem:s16+$0xFFFFFF00] =	vst v28;
	v14 =	vsel vm1, v14, v17;
	v28 =	vmul.f32 v22, v30;
	v32 =	vmul.f32 v17, v32  }
0x305: {  	v24 =	vmul.f32 v21, v24;
	v31 =	vld [tilespmem:s18+$0xF0];
	[tilespmem:s16+$0xFFFFFF10] =	vst v15;
	v14 =	vsel vm2, v22, v14;
	v22 =	vmul.f32 v17, v34;
	v30 =	vpop (erf)  }
0x306: {  	v34 =	vadd.f32 v44, v35;
	v44 =	vadd.f32 v46, v37;
	v46 =	vld [tilespmem:s15+$0xE0];
	[tilespmem:s16+$0xFFFFFFF0] =	vst v14;
	v40 =	vmul.f32 v30, v40  }
0x307: {  	v20 =	vmul.f32 v21, v20;
	v47 =	vadd.f32 v47, v33;
	v41 =	vmul.f32 v30, v41;
	v50 =	vld [tilespmem:s15+$0xF0];
	[tilespmem:s16+$0xFFFFFF70] =	vst v16  }
0x308: {  	v48 =	vadd.f32 v48, v36;
	v16 =	vmul.f32 $2.000000030e-01, v34;
	v21 =	vmul.f32 $2.000000030e-01, v44;
	v17 =	vld [tilespmem:s18+$0xFFFFFF40];
	[tilespmem:s16+$0xFFFFFF80] =	vst v28;
	v28 =	vpop (erf)  }
0x309: {  	v51 =	vmul.f32 $2.000000030e-01, v47;
	v49 =	vadd.f32 v49, v38;
	v15 =	vld [tilespmem:s18+$0xFFFFFF50];
	v29 =	vadd.f32 v29, v13;
	[tilespmem:s16+$0xFFFFFF90] =	vst v32  }
0x30a: {  	s17 =	sadd.s32 $0x4, s17;
	v32 =	vmax.f32 v34, v16;
	v21 =	vmax.f32 v44, v21;
	v34 =	vmul.f32 $2.000000030e-01, v48;
	v14 =	vld [tilespmem:s18+$0xFFFFFF60];
	[tilespmem:s16+$0xFFFFFFA0] =	vst v22  }
0x30b: {  	p1 =	slt.u32 s17, $0xC;
	v22 =	vmul.f32 v32, v1;
	v21 =	vmul.f32 v21, v2;
	v16 =	vld [tilespmem:s18+$0xFFFFFF70];
	v44 =	vadd.f32 v46, v42;
	[tilespmem:s16+$0xFFFFFFE0] =	vst v19;
	v46 =	vpop (erf)  }
0x30c: {  	v52 =	vmul.f32 $2.000000030e-01, v49;
	v53 =	vmul.f32 $2.000000030e-01, v29;
	v19 =	vld [tilespmem:s15+$0xFFFFFF40];
	v50 =	vadd.f32 v50, v31;
	[tilespmem:s16+$0x0] =	vst v40  }
0x30d: {  	v32 =	vmax.f32 v47, v51;
	v34 =	vmax.f32 v48, v34;
	v21 =	vadd.f32 v21, v22;
	v40 =	vld [tilespmem:s15+$0xFFFFFF50];
	[tilespmem:s16+$0x10] =	vst v41  }
0x30e: {  	v22 =	vmul.f32 v32, v3;
	v34 =	vmul.f32 v34, v4;
	v32 =	vsel vm1, v23, v46;
	v41 =	vld [tilespmem:s15+$0xFFFFFF60];
	[tilespmem:s16+$0x40] =	vst v24  }
0x30f: {  	v23 =	vsel vm2, v28, v45;
	v47 =	vmul.f32 $2.000000030e-01, v44;
	v48 =	vmul.f32 $2.000000030e-01, v50;
	v24 =	vld [tilespmem:s15+$0xFFFFFF70];
	(xrf2) =	vadd.scan.msk.f32 $0xffff, v21  }
0x310: {  	v45 =	vmax.f32 v49, v52;
	v29 =	vmax.f32 v29, v53;
	v34 =	vadd.f32 v34, v22;
	v21 =	vld [tilespmem:s18+$0xFFFFFFC0];
	[tilespmem:s16+$0xFFFFFF60] =	vst v23  }
0x311: {  	v45 =	vmul.f32 v45, v5;
	v29 =	vmul.f32 v29, v6;
	v49 =	vadd.f32 v19, v17;
	v22 =	vld [tilespmem:s18+$0xFFFFFFD0];
	[tilespmem:s16+$0x50] =	vst v20  }
0x312: {  	v18 =	vmul.f32 v28, v18;
	v20 =	vadd.f32 v40, v15;
	v23 =	vld [tilespmem:s18+$0xFFFFFFE0];
	(xrf2) =	vadd.scan.msk.f32 $0xffff, v34;
	v34 =	vmul.f32 v28, v39  }
0x313: {  	v29 =	vadd.f32 v29, v45;
	v28 =	vmax.f32 v44, v47;
	v39 =	vmax.f32 v50, v48;
	v19 =	vld [tilespmem:s18+$0xFFFFFFF0]  }
0x314: {  	v40 =	vadd.f32 v41, v14;
	v28 =	vmul.f32 v28, v7;
	v39 =	vmul.f32 v39, v8;
	v41 =	vld [tilespmem:s15+$0xFFFFFFC0];
	[tilespmem:s16+$0xFFFFFEE0] =	vst v34  }
0x315: {  	v34 =	vmul.f32 $2.000000030e-01, v49;
	v44 =	vmul.f32 $2.000000030e-01, v20;
	v45 =	vadd.f32 v24, v16;
	v47 =	vld [tilespmem:s15+$0xFFFFFFD0];
	(xrf2) =	vadd.scan.msk.f32 $0xffff, v29  }
0x316: {  	v24 =	vmul.f32 $2.000000030e-01, v40;
	v28 =	vadd.f32 v39, v28;
	v29 =	vld [tilespmem:s15+$0xFFFFFFE0];
	[tilespmem:s16+$0xFFFFFEF0] =	vst v18;
	v18 =	vmul.f32 v46, v27  }
0x317: {  	v27 =	vmax.f32 v49, v34;
	v20 =	vmax.f32 v20, v44;
	v34 =	vmul.f32 $2.000000030e-01, v45;
	v39 =	vld [tilespmem:s15+$0xFFFFFFF0]  }
0x318: {  	v27 =	vmul.f32 v27, v5;
	v44 =	vmul.f32 v20, v6;
	v20 =	vmax.f32 v40, v24;
	v24 =	vld [tilespmem:s18+$0x40];
	(xrf2) =	vadd.scan.msk.f32 $0xffff, v28  }
0x319: {  	v28 =	vmul.f32 v20, v7;
	v34 =	vmax.f32 v45, v34;
	v40 =	vadd.f32 v41, v21;
	v20 =	vld [tilespmem:s18+$0x50];
	v41, _, _ =	vpop (xrf2);
	[tilespmem:s16+$0x20] =	vst v18  }
0x31a: {  	v18 =	vmul.f32 v34, v8;
	v48 =	vadd.f32 v44, v27;
	v34 =	vadd.f32 v47, v22;
	v44 =	vld [tilespmem:s18+$0x60]  }
0x31b: {  	v26 =	vmul.f32 v46, v26;
	v45 =	vmul.f32 $2.000000030e-01, v40;
	v29 =	vadd.f32 v29, v23;
	v47 =	vld [tilespmem:s18+$0x70]  }
0x31c: {  	v18 =	vadd.f32 v18, v28;
	v28 =	vmul.f32 $2.000000030e-01, v34;
	v39 =	vadd.f32 v39, v19;
	v46 =	vld [tilespmem:s15+$0x40];
	(xrf2) =	vadd.scan.msk.f32 $0xffff, v48;
	v27, _, _ =	vpop (xrf2)  }
0x31d: {  	v12 =	vmul.f32 v43, v12;
	v40 =	vmax.f32 v40, v45;
	v45 =	vmul.f32 $2.000000030e-01, v29;
	v48 =	vld [tilespmem:s15+$0x50];
	[tilespmem:s16+$0x30] =	vst v26  }
0x31e: {  	v26 =	vmul.f32 v40, v5;
	v28 =	vmax.f32 v34, v28;
	v34 =	vmul.f32 $2.000000030e-01, v39;
	v40 =	vld [tilespmem:s15+$0x60]  }
0x31f: {  	v11 =	vmul.f32 v43, v11;
	v49 =	vmul.f32 v28, v6;
	v28 =	vmax.f32 v29, v45;
	v45 =	vld [tilespmem:s15+$0x70];
	(xrf2) =	vadd.scan.msk.f32 $0xffff, v18;
	v50, _, _ =	vpop (xrf2)  }
0x320: {  	v52 =	vmul.f32 v25, v10;
	v18 =	vld [tilespmem:s18+$0xFFFFFF10];
	v51 =	vmul.f32 v28, v7;
	v29 =	vmax.f32 v39, v34;
	[tilespmem:s16+$0x60] =	vst v12  }
0x321: {  	v28 =	vld [tilespmem:s18+$0xFFFFFF20];
	v34 =	vmul.f32 v29, v8;
	v53 =	vadd.f32 v49, v26;
	v26 =	vadd.f32 v46, v24;
	[tilespmem:s16+$0x70] =	vst v11  }
0x322: {  	v50 =	vmul.f32 $1.442695020e+00, v50;
	v49 =	vmul.f32 v25, v9;
	v29 =	vld [tilespmem:s18+$0xFFFFFF30];
	v39 =	vadd.f32 v48, v20;
	v46, _, _ =	vpop (xrf2);
	[tilespmem:s16+$0xF0] =	vst v52  }
0x323: {  	v10 =	vmovc v42;
	v43 =	vld [tilespmem:s15+$0xFFFFFF00];
	v25 =	vmul.f32 $2.000000030e-01, v26;
	v40 =	vadd.f32 v40, v44;
	v46 =	vmul.f32 $1.442695020e+00, v46;
	(xrf2) =	vadd.scan.msk.f32 $0xffff, v53  }
0x324: {  	v27 =	vmul.f32 $1.442695020e+00, v27;
	v12 =	vmovc v44;
	v9 =	vmovc v31;
	v48 =	vbroadcast v50, $0xF;
	v42 =	vld [tilespmem:s15+$0xFFFFFF10];
	v45 =	vadd.f32 v45, v47;
	[tilespmem:s16+$0x100] =	vst v49  }
0x325: {  	v11 =	vmovc v47;
	v44 =	vld [tilespmem:s15+$0xFFFFFF20];
	v25 =	vmax.f32 v26, v25;
	v26 =	vmul.f32 $1.442695020e+00, v41;
	v41 =	vbroadcast v46, $0xF  }
0x326: {  	v27 =	vbroadcast v27, $0xF;
	v34 =	vadd.f32 v34, v51;
	v46 =	vld [tilespmem:s15+$0xFFFFFF30];
	v47, _, _ =	vpop (xrf2);
	(erf) = vpow2.f32 v48  }
0x327: {  	v32 =	vsel vm2, v30, v32;
	v31 =	vld [tilespmem:s18+$0xFFFFFF80];
	v26 =	vbroadcast v26, $0xF;
	(erf) = vpow2.f32 v41  }
0x328: {  	v41 =	vmul.f32 $2.000000030e-01, v39;
	v30 =	vld [tilespmem:s18+$0xFFFFFF90];
	(erf) = vpow2.f32 v27;
	[tilespmem:s16+$0x80] =	vst v32  }
0x329: {  	v27 =	vadd.f32 v42, v18;
	v32 =	vld [tilespmem:s18+$0xFFFFFFA0];
	v42 =	vmul.f32 $2.000000030e-01, v40;
	v48, _, _ =	vpop (xrf2);
	(xrf2) =	vadd.scan.msk.f32 $0xffff, v34;
	(erf) = vpow2.f32 v26  }
0x32a: {  	v39 =	vmax.f32 v39, v41;
	v41 =	vmul.f32 $2.000000030e-01, v45;
	v26 =	vadd.f32 v44, v28;
	v34 =	vld [tilespmem:s18+$0xFFFFFFB0]  }
0x32b: {  	v44 =	vmul.f32 $2.000000030e-01, v27;
	v46 =	vadd.f32 v46, v29;
	v49 =	vld [tilespmem:s15+$0xFFFFFF80];
	v40 =	vmax.f32 v40, v42  }
0x32c: {  	v25 =	vmul.f32 v25, v5;
	v41 =	vmax.f32 v45, v41;
	v57 =	vmul.f32 $2.000000030e-01, v26;
	v50 =	vld [tilespmem:s15+$0xFFFFFF90]  }
0x32d: {  	v39 =	vmul.f32 v39, v6;
	v27 =	vmax.f32 v27, v44;
	v44 =	vmul.f32 $2.000000030e-01, v46;
	v45 =	vld [tilespmem:s15+$0xFFFFFFA0];
	v51, _, _ =	vpop (xrf2)  }
0x32e: {  	v53 =	vmul.f32 v40, v7;
	v26 =	vmax.f32 v26, v57;
	v52 =	vld [tilespmem:s15+$0xFFFFFFB0];
	v57 =	vmul.f32 v41, v8  }
0x32f: {  	v55 =	vmul.f32 v27, v2;
	v56 =	vmul.f32 v26, v3;
	v26 =	vmax.f32 v46, v44;
	v40 =	vld [tilespmem:s18+$0x0];
	v42 =	vpop (erf)  }
0x330: {  	v39 =	vadd.f32 v39, v25;
	v44 =	vmul.f32 v26, v4;
	v46 =	vadd.f32 v49, v31;
	v41 =	vld [tilespmem:s18+$0x10];
	v25 =	vpop (erf)  }
0x331: {  	v49 =	vadd.f32 v50, v30;
	v27 =	vld [tilespmem:s18+$0x20];
	v50 =	vadd.f32 v57, v53;
	v53 =	vsel vm0, v25, v42;
	v54 =	vpop (erf)  }
0x332: {  	v57 =	vmul.f32 $2.000000030e-01, v46;
	v45 =	vadd.f32 v45, v32;
	v26 =	vld [tilespmem:s18+$0x30];
	v53 =	vsel vm1, v53, v54;
	(xrf2) =	vadd.scan.msk.f32 $0xffff, v39;
	v58 =	vpop (erf)  }
0x333: {  	s16 =	sadd.s32 $0x240, s16;
	v39 =	vmul.f32 $2.000000030e-01, v49;
	v52 =	vadd.f32 v52, v34;
	v59 =	vld [tilespmem:s15+$0x0];
	v53 =	vsel vm2, v58, v53;
	v60, _, _ =	vpop (xrf2)  }
0x334: {  	v44 =	vadd.f32 v44, v56;
	v46 =	vmax.f32 v46, v57;
	v56 =	vmul.f32 $2.000000030e-01, v45;
	v57 =	vld [tilespmem:s15+$0x10];
	[tilespmem:s16+$0x110] =	vst v53  }
0x335: {  	v46 =	vmul.f32 v46, v1;
	v39 =	vmax.f32 v49, v39;
	v49 =	vmul.f32 $2.000000030e-01, v52;
	v53 =	vld [tilespmem:s15+$0x20];
	(xrf2) =	vadd.scan.msk.f32 $0xffff, v50  }
0x336: {  	v47 =	vmul.f32 $1.442695020e+00, v47;
	v50 =	vmul.f32 v39, v2;
	v45 =	vmax.f32 v45, v56;
	v56 =	vld [tilespmem:s15+$0x30]  }
0x337: {  	v48 =	vmul.f32 $1.442695020e+00, v48;
	v39 =	vld [tilespmem:s18+$0xFFFFFF00];
	v45 =	vmul.f32 v45, v3;
	v49 =	vmax.f32 v52, v49  }
0x338: {  	v49 =	vmul.f32 v49, v4;
	v46 =	vadd.f32 v50, v46;
	v50 =	vadd.f32 v59, v40;
	(xrf2) =	vadd.scan.msk.f32 $0xffff, v44  }
0x339: {  	v44 =	vmul.f32 $1.442695020e+00, v51;
	v51 =	vmul.f32 $1.442695020e+00, v60;
	v52 =	vadd.f32 v57, v41  }
0x33a: {  	v45 =	vadd.f32 v49, v45;
	v49 =	vmul.f32 $2.000000030e-01, v50;
	v53 =	vadd.f32 v53, v27  }
0x33b: {  	v47 =	vbroadcast v47, $0xF;
	v57 =	vmul.f32 $2.000000030e-01, v52;
	v56 =	vadd.f32 v56, v26;
	(xrf2) =	vadd.scan.msk.f32 $0xffff, v46  }
0x33c: {  	v43 =	vadd.f32 v43, v39;
	v46 =	vmax.f32 v50, v49;
	v49 =	vmul.f32 $2.000000030e-01, v53;
	v50, _, _ =	vpop (xrf2)  }
0x33d: {  	v46 =	vmul.f32 v46, v1;
	v52 =	vmax.f32 v52, v57;
	v57 =	vmul.f32 $2.000000030e-01, v56  }
0x33e: {  	v59 =	vmul.f32 $2.000000030e-01, v43;
	v52 =	vmul.f32 v52, v2;
	v49 =	vmax.f32 v53, v49;
	(xrf2) =	vadd.scan.msk.f32 $0xffff, v45  }
0x33f: {  	v50 =	vmul.f32 $1.442695020e+00, v50;
	v45 =	vmul.f32 v49, v3;
	v49 =	vmax.f32 v56, v57;
	v53, _, _ =	vpop (xrf2)  }
0x340: {  	v43 =	vmax.f32 v43, v59;
	v49 =	vmul.f32 v49, v4;
	v46 =	vadd.f32 v52, v46  }
0x341: {  	v52 =	vmul.f32 $1.442695020e+00, v53;
	v43 =	vmul.f32 v43, v1  }
0x342: {  	v48 =	vbroadcast v48, $0xF;
	v53 =	vbroadcast v44, $0xF;
	v45 =	vadd.f32 v49, v45;
	v44, _, _ =	vpop (xrf2);
	(xrf2) =	vadd.scan.msk.f32 $0xffff, v46  }
0x343: {  	v49 =	vbroadcast v51, $0xF;
	v46 =	vadd.f32 v55, v43;
	v43 =	vmul.f32 $1.442695020e+00, v44  }
0x344: {  	v50 =	vbroadcast v50, $0xF;
	v51 =	vbroadcast v52, $0xF  }
0x345: {  	v43 =	vbroadcast v43, $0xF;
	(xrf2) =	vadd.scan.msk.f32 $0xffff, v46;
	(erf) = vpow2.f32 v47;
	v44, _, _ =	vpop (xrf2)  }
0x346: {  	v46 =	vmul.f32 v58, v35;
	v44 =	vmul.f32 $1.442695020e+00, v44  }
0x347: {  	v37 =	vmul.f32 v58, v37;
	(erf) = vpow2.f32 v48  }
.Ltmp3:
0x348: {  	v44 =	vbroadcast v44, $0xF;
	[tilespmem:s16+$0x90] =	vst v46;
	v35, _, _ =	vpop (xrf2);
	(erf) = vpow2.f32 v53;
	(xrf2) =	vadd.scan.msk.f32 $0xffff, v45;
	(pc) =	sbr.rel @p1 .LBB2_9-.Ltmp3, $4  }
0x349: {  	v33 =	vmul.f32 v54, v33;
	v35 =	vmul.f32 $1.442695020e+00, v35;
	[tilespmem:s16+$0xA0] =	vst v37  }
0x34a: {  	v45 =	vmul.f32 v54, v36;
	(erf) = vpow2.f32 v49  }
0x34b: {  	v36 =	vbroadcast v35, $0xF;
	[tilespmem:s16+$0xB0] =	vst v33;
	(erf) = vpow2.f32 v50  }
0x34c: {  	s18 =	sadd.s32 $0x200, s18;
	v33 =	vmul.f32 v42, v38;
	[tilespmem:s16+$0xC0] =	vst v45;
	v37, _, _ =	vpop (xrf2);
	(erf) = vpow2.f32 v51  }
0x34d: {  	v13 =	vmul.f32 v42, v13  }
0x34e: {  	(erf) = vpow2.f32 v43;
	v10 =	vmul.f32 v25, v10;
	v35 =	vpop (erf);
	[tilespmem:s16+$0xD0] =	vst v33  }
0x34f: {  	v9 =	vmul.f32 v25, v9;
	v17 =	vmul.f32 v35, v17;
	[tilespmem:s16+$0xE0] =	vst v13  }
0x350: {  	v38, _, _ =	vpop (xrf2);
	[tilespmem:s16+$0xF0] =	vst v10  }
0x351: {  	v46 =	vmul.f32 $1.442695020e+00, v37;
	v13 =	vmul.f32 v35, v15;
	[tilespmem:s16+$0x100] =	vst v9;
	v45 =	vpop (erf)  }
0x352: {  	(erf) = vpow2.f32 v44;
	v15 =	vpop (erf);
	[tilespmem:s16+$0xFFFFFF20] =	vst v17;
	v14 =	vmul.f32 v45, v14  }
0x353: {  	(erf) = vpow2.f32 v36;
	[tilespmem:s16+$0xFFFFFF30] =	vst v13;
	v13 =	vmul.f32 v45, v16;
	v17, _, _ =	vpop (xrf2)  }
0x354: {  	v36 =	vbroadcast v46, $0xF;
	v16 =	vpop (erf);
	[tilespmem:s16+$0xFFFFFF40] =	vst v14;
	v14 =	vmul.f32 v15, v21  }
0x355: {  	v47 =	vmul.f32 $1.442695020e+00, v38;
	[tilespmem:s16+$0xFFFFFF50] =	vst v13;
	v13 =	vmul.f32 v15, v22;
	v21 =	vpop (erf)  }
0x356: {  	(erf) = vpow2.f32 v36;
	v22 =	vpop (erf);
	[tilespmem:s16+$0xFFFFFFB0] =	vst v14;
	v14 =	vmul.f32 v16, v23  }
0x357: {  	v17 =	vmul.f32 $1.442695020e+00, v17;
	[tilespmem:s16+$0xFFFFFFC0] =	vst v13;
	v12 =	vmul.f32 v22, v12  }
0x358: {  	v48 =	vbroadcast v47, $0xF;
	v23 =	vpop (erf);
	v11 =	vmul.f32 v22, v11;
	[tilespmem:s16+$0xFFFFFFD0] =	vst v14  }
0x359: {  	v17 =	vbroadcast v17, $0xF;
	v28 =	vmul.f32 v23, v28;
	[tilespmem:s16+$0x60] =	vst v12  }
0x35a: {  	(erf) = vpow2.f32 v48;
	v29 =	vmul.f32 v23, v29;
	[tilespmem:s16+$0x70] =	vst v11  }
0x35b: {  	v13 =	vpop (erf);
	(erf) = vpow2.f32 v17;
	v17 =	vmul.f32 v21, v24;
	[tilespmem:s16+$0xFFFFFF00] =	vst v28  }
0x35c: {  	v15 =	vsel vm0, v16, v15;
	v14 =	vpop (erf);
	v28 =	vmul.f32 v13, v31;
	[tilespmem:s16+$0xFFFFFF10] =	vst v29  }
0x35d: {  	v15 =	vsel vm1, v15, v14;
	[tilespmem:s16+$0x40] =	vst v17  }
0x35e: {  	v15 =	vsel vm2, v13, v15;
	v13 =	vmul.f32 v13, v30;
	[tilespmem:s16+$0xFFFFFF70] =	vst v28  }
0x35f: {  	[tilespmem:s16+$0xFFFFFFF0] =	vst v15;
	v15 =	vmul.f32 v14, v32  }
0x360: {  	v14 =	vmul.f32 v14, v34;
	[tilespmem:s16+$0xFFFFFF80] =	vst v13;
	v13 =	vmul.f32 v16, v19;
	v16 =	vpop (erf)  }
0x361: {  	[tilespmem:s16+$0xFFFFFF90] =	vst v15;
	v15 =	vmul.f32 v16, v40  }
0x362: {  	[tilespmem:s16+$0xFFFFFFA0] =	vst v14;
	v14 =	vmul.f32 v16, v41  }
0x363: {  	[tilespmem:s16+$0xFFFFFFE0] =	vst v13  }
0x364: {  	v13 =	vsel vm0, v45, v35;
	[tilespmem:s16+$0x10] =	vst v14;
	v14 =	vmul.f32 v21, v20  }
0x365: {  	[tilespmem:s16+$0x0] =	vst v15;
	v13 =	vsel vm1, v13, v23;
	v15 =	vpop (erf)  }
0x366: {  	[tilespmem:s16+$0x50] =	vst v14;
	v13 =	vsel vm2, v15, v13;
	v14 =	vmul.f32 v15, v18  }
0x367: {  	v12 =	vsel vm0, v22, v21;
	v17 =	vpop (erf);
	[tilespmem:s16+$0xFFFFFF60] =	vst v13;
	v13 =	vmul.f32 v15, v39  }
0x368: {  	s15 =	sadd.s32 $0x6, s14;
	v11 =	vsel vm1, v12, v17;
	[tilespmem:s16+$0xFFFFFEF0] =	vst v14  }
0x369: {  	s17 =	smulhi.u32 $0x68DB8BAD, s15;
	v14 =	vmul.f32 v17, v26;
	v9 =	vsel vm2, v16, v11;
	[tilespmem:s16+$0xFFFFFEE0] =	vst v13  }
0x36a: {  	v13 =	vmul.f32 v17, v27;
	[tilespmem:s16+$0x80] =	vst v9  }
0x36b: {  	s17 =	sshrl.u32 s17, $0x8;
	[tilespmem:s16+$0x30] =	vst v14  }
0x36c: {  	s18 =	simm.s32 $0x79E0;
	[tilespmem:s16+$0x20] =	vst v13;
	s16 =	smul.u32 $0x271, s17;
	s17 =	simm.s32 $0x27C0  }
0x36d: {  	[spmem:s3] =	stream.indirect.scatter.add.f32 [tilespmem:s18], [sflag:$0xB], $0x90, s17, s12, $0xb8;
	[tilespmem:$0x1FA00] =	vst v63  }
0x36e: {  	s15 =	ssub.s32 s15, s16  }
0x36f: {  	s16 =	sshll.u32 s15, $0x3  }
0x370: {  	s16 =	sand.u32 $0x1FF0, s16  }
0x371: {  	v9 =	vld [tilespmem:s16+$0x0]  }
0x372: {  	v10 =	vld [tilespmem:s16+$0x1390];
	_ =	sdelay $0x2  }
0x373: {  	s15 =	sand.u32 $0x1, s15  }
0x374: {  	p1 =	seq.s32 s15, $0x1;
	v11 =	vand.u32 $0xFFFF, v9;
	v9 =	vshrl.u32 v9, $0x10  }
0x375: {  	v12 =	vand.u32 $0xFFFF, v10;
	v10 =	vshrl.u32 v10, $0x10;
	v9 =	vpsel p1, v9, v11  }
0x376: {  	[tilespmem:$0x2740] =	vst v9;
	v9 =	vpsel p1, v10, v12  }
0x377: {  	[tilespmem:$0x2780] =	vst v9  }
0x378: {  	[tilespmem:s22], [sflag:$0x3] =	stream.indirect.gather [hbm4b:s2+s12], $0x80, s21, s12, $0xb8;
	[tilespmem:$0x1FA00] =	vst v63  }
0x379: {  	_ = 	snop  }
0x37a: {  	[tilespmem:s24], [sflag:$0x7] =	stream.indirect.gather [hbm4b:s5+s12], $0x80, s23, s12, $0xb8;
	[tilespmem:$0x1FA00] =	vst v63  }
0x37b: {  	_ =	swait.ge [sflag:s9], $0x800  }
0x37c: {  	[sflag:s9] =	ssyncset.done $0x0  }
0x37d: {  	[sflag:s9] =	ssyncadd.s32 $0xFFFFF800  }
0x37e: {  	_ =	swait.ge [sflag:s4], $0x800  }
0x37f: {  	[sflag:s4] =	ssyncset.done $0x0  }
0x380: {  	s15 =	simm.s32 @!p0 $0xC;
	[sflag:s4] =	ssyncadd.s32 $0xFFFFF800  }
0x381: {  	_ =	swait.ge @!p0 [sflag:s15], $0x900  }
0x382: {  	[sflag:s15] =	ssyncset.done @!p0 $0x0  }
0x383: {  	[sflag:s15] =	ssyncadd.s32 @!p0 $0xFFFFF700  }
0x384: {  	v9 =	vld [tilespmem:$0x2790];
	_ =	sdelay $0x4  }
0x385: {  	s18 =	simm.s32 $0x40E0;
	[tilespmem:$0x27D0] =	vst v9  }
0x386: {  	v38 =	vld [tilespmem:s18+$0x80]  }
0x387: {  	v37 =	vld [tilespmem:s18+$0x90]  }
0x388: {  	v36 =	vld [tilespmem:s18+$0xA0]  }
0x389: {  	s15 =	simm.s32 $0x60E0;
	v35 =	vld [tilespmem:s18+$0xB0]  }
0x38a: {  	v11 =	vld [tilespmem:s15+$0x80]  }
0x38b: {  	v12 =	vld [tilespmem:s15+$0x90]  }
0x38c: {  	v14 =	vld [tilespmem:s15+$0xA0]  }
0x38d: {  	v16 =	vld [tilespmem:s15+$0xB0]  }
0x38e: {  	v33 =	vld [tilespmem:s18+$0xC0]  }
0x38f: {  	v13 =	vld [tilespmem:s18+$0xD0]  }
0x390: {  	v10 =	vld [tilespmem:s18+$0xE0]  }
0x391: {  	v18 =	vld [tilespmem:s15+$0xC0]  }
0x392: {  	v19 =	vld [tilespmem:s15+$0xD0]  }
0x393: {  	v9 =	vld [tilespmem:s18+$0xF0]  }
0x394: {  	v21 =	vld [tilespmem:s15+$0xF0]  }
0x395: {  	v17 =	vld [tilespmem:s18+$0xFFFFFF40]  }
0x396: {  	v27 =	vld [tilespmem:s15+$0xFFFFFF40]  }
0x397: {  	v20 =	vld [tilespmem:s15+$0xE0];
	v11 =	vadd.f32 v11, v38;
	v12 =	vadd.f32 v12, v37  }
0x398: {  	v15 =	vld [tilespmem:s18+$0xFFFFFF50];
	v22 =	vadd.f32 v14, v36;
	v25 =	vadd.f32 v16, v35  }
0x399: {  	v28 =	vld [tilespmem:s15+$0xFFFFFF60];
	v18 =	vadd.f32 v18, v33;
	v19 =	vadd.f32 v19, v13  }
0x39a: {  	v31 =	vld [tilespmem:s15+$0xFFFFFF70];
	v49 =	vadd.f32 v21, v9;
	v23 =	vmul.f32 $2.000000030e-01, v11;
	v24 =	vmul.f32 $2.000000030e-01, v12  }
0x39b: {  	v57 =	vld [tilespmem:s15+$0x60];
	v27 =	vadd.f32 v27, v17;
	v26 =	vmul.f32 $2.000000030e-01, v22;
	v29 =	vmul.f32 $2.000000030e-01, v18  }
0x39c: {  	v14 =	vld [tilespmem:s18+$0xFFFFFF60];
	v20 =	vadd.f32 v20, v10;
	v30 =	vmul.f32 $2.000000030e-01, v19;
	v50 =	vmul.f32 $2.000000030e-01, v49  }
0x39d: {  	v16 =	vld [tilespmem:s18+$0xFFFFFF70];
	v51 =	vmul.f32 $2.000000030e-01, v27;
	v11 =	vmax.f32 v11, v23;
	v12 =	vmax.f32 v12, v24  }
0x39e: {  	v23 =	vmul.f32 $2.000000030e-01, v25;
	v24 =	vld [tilespmem:s15+$0xFFFFFF50];
	v22 =	vmax.f32 v22, v26;
	v26 =	vmul.f32 $2.000000030e-01, v20  }
0x39f: {  	v21 =	vld [tilespmem:s18+$0xFFFFFFC0];
	v11 =	vmul.f32 v11, v1;
	v12 =	vmul.f32 v12, v2  }
0x3a0: {  	v18 =	vmax.f32 v18, v29;
	v29 =	vmax.f32 v19, v30;
	v19 =	vld [tilespmem:s18+$0xFFFFFFF0];
	v23 =	vmax.f32 v25, v23  }
0x3a1: {  	v30 =	vld [tilespmem:s15+$0xFFFFFFD0];
	v11 =	vadd.f32 v12, v11;
	v12 =	vmul.f32 v22, v3;
	v25 =	vmul.f32 v23, v4  }
0x3a2: {  	v18 =	vmul.f32 v18, v5;
	v20 =	vmax.f32 v20, v26;
	v26 =	vmax.f32 v49, v50;
	v22 =	vld [tilespmem:s18+$0xFFFFFFD0]  }
0x3a3: {  	v23 =	vld [tilespmem:s18+$0xFFFFFFE0];
	v12 =	vadd.f32 v25, v12;
	v25 =	vmul.f32 v29, v6;
	(xrf2) =	vadd.scan.msk.f32 $0xffff, v11;
	v11 =	vadd.f32 v24, v15  }
0x3a4: {  	v20 =	vmul.f32 v20, v7;
	v26 =	vmul.f32 v26, v8;
	v29 =	vld [tilespmem:s15+$0xFFFFFFC0]  }
0x3a5: {  	v28 =	vadd.f32 v28, v14;
	v18 =	vadd.f32 v25, v18;
	v25 =	vld [tilespmem:s15+$0xFFFFFFE0];
	v52 =	vmul.f32 $2.000000030e-01, v11  }
0x3a6: {  	v27 =	vmax.f32 v27, v51;
	v31 =	vadd.f32 v31, v16;
	(xrf2) =	vadd.scan.msk.f32 $0xffff, v12;
	v12 =	vadd.f32 v26, v20;
	v26 =	vld [tilespmem:s15+$0xFFFFFFF0]  }
0x3a7: {  	v60 =	vld [tilespmem:s15+$0x70];
	v27 =	vmul.f32 v27, v5;
	(xrf2) =	vadd.scan.msk.f32 $0xffff, v18;
	v18 =	vmul.f32 $2.000000030e-01, v28;
	v11 =	vmax.f32 v11, v52  }
0x3a8: {  	v53 =	vmul.f32 $2.000000030e-01, v31;
	(xrf2) =	vadd.scan.msk.f32 $0xffff, v12;
	v12 =	vld [tilespmem:s18+$0x60];
	v34 =	vmul.f32 v11, v6  }
0x3a9: {  	v11 =	vld [tilespmem:s18+$0x70];
	v18 =	vmax.f32 v28, v18;
	v28 =	vadd.f32 v29, v21;
	v29 =	vadd.f32 v30, v22  }
0x3aa: {  	v24 =	vld [tilespmem:s18+$0x40];
	v54 =	vmul.f32 v18, v7;
	v18 =	vmax.f32 v31, v53;
	v25 =	vadd.f32 v25, v23  }
0x3ab: {  	v30 =	vld [tilespmem:s15+$0x40];
	v26 =	vadd.f32 v26, v19;
	v55 =	vmul.f32 $2.000000030e-01, v28;
	v56 =	vmul.f32 $2.000000030e-01, v29  }
0x3ac: {  	v20 =	vld [tilespmem:s18+$0x50];
	v27 =	vadd.f32 v34, v27;
	v58 =	vmul.f32 v18, v8;
	v59 =	vmul.f32 $2.000000030e-01, v25  }
0x3ad: {  	v31 =	vld [tilespmem:s15+$0x50];
	v62 =	vmul.f32 $2.000000030e-01, v26;
	v28 =	vmax.f32 v28, v55;
	v29 =	vmax.f32 v29, v56  }
0x3ae: {  	v47 =	vld [tilespmem:s15+$0xFFFFFF10];
	v41 =	vadd.f32 v57, v12;
	v43 =	vadd.f32 v60, v11;
	v45 =	vmul.f32 v28, v5  }
0x3af: {  	v18 =	vld [tilespmem:s18+$0xFFFFFF10];
	v61, _, _ =	vpop (xrf2);
	v46 =	vmul.f32 v29, v6;
	v25 =	vmax.f32 v25, v59;
	v26 =	vmax.f32 v26, v62  }
0x3b0: {  	v30 =	vadd.f32 v30, v24;
	v44 =	vmul.f32 $1.442695020e+00, v61;
	v25 =	vmul.f32 v25, v7  }
0x3b1: {  	v49 =	vld [tilespmem:s15+$0xFFFFFF30];
	v39 =	vadd.f32 v58, v54;
	v26 =	vmul.f32 v26, v8;
	v56 =	vmul.f32 $2.000000030e-01, v41  }
0x3b2: {  	v55 =	vld [tilespmem:s15+$0xFFFFFF20];
	v63, _, _ =	vpop (xrf2);
	v48 =	vadd.f32 v31, v20;
	v57 =	vmul.f32 $2.000000030e-01, v43;
	v54 =	vmul.f32 $2.000000030e-01, v30  }
0x3b3: {  	v28 =	vld [tilespmem:s18+$0xFFFFFF20];
	v45 =	vadd.f32 v46, v45;
	v31 =	vmul.f32 $1.442695020e+00, v63;
	v44 =	vbroadcast v44, $0xF  }
0x3b4: {  	v29 =	vld [tilespmem:s18+$0xFFFFFF30];
	v47 =	vadd.f32 v47, v18;
	v51, _, _ =	vpop (xrf2);
	v25 =	vadd.f32 v26, v25;
	v26 =	vmul.f32 $2.000000030e-01, v48  }
0x3b5: {  	(xrf2) =	vadd.scan.msk.f32 $0xffff, v27;
	v58 =	vld [tilespmem:s15+$0xFFFFFF80];
	v41 =	vmax.f32 v41, v56;
	v52 =	vmul.f32 $1.442695020e+00, v51;
	v50 =	vbroadcast v31, $0xF  }
0x3b6: {  	v61 =	vld [tilespmem:s15+$0xFFFFFF90];
	(xrf2) =	vadd.scan.msk.f32 $0xffff, v39;
	v40 =	vmax.f32 v43, v57;
	v53, _, _ =	vpop (xrf2);
	v59 =	vmul.f32 $2.000000030e-01, v47;
	v56 =	vmul.f32 v41, v7  }
0x3b7: {  	v63 =	vld [tilespmem:s15+$0xFFFFFFA0];
	v46 =	vmax.f32 v30, v54;
	v57 =	vmul.f32 v40, v8;
	v34 =	vmul.f32 $1.442695020e+00, v53  }
0x3b8: {  	v31 =	vld [tilespmem:s18+$0xFFFFFF80];
	v27 =	vadd.f32 v55, v28;
	v26 =	vmax.f32 v48, v26;
	v46 =	vmul.f32 v46, v5  }
0x3b9: {  	v30 =	vld [tilespmem:s18+$0xFFFFFF90];
	v60 =	vadd.f32 v49, v29;
	v32 =	vbroadcast v52, $0xF;
	v26 =	vmul.f32 v26, v6  }
0x3ba: {  	(xrf2) =	vadd.scan.msk.f32 $0xffff, v45;
	v40 =	vld [tilespmem:s18+$0x0];
	v34 =	vbroadcast v34, $0xF;
	v62 =	vmul.f32 $2.000000030e-01, v27  }
0x3bb: {  	(xrf2) =	vadd.scan.msk.f32 $0xffff, v25;
	v25 =	vmax.f32 v47, v59;
	v52 =	vld [tilespmem:s15+$0x0];
	v54 =	vmul.f32 $2.000000030e-01, v60;
	(erf) = vpow2.f32 v32  }
0x3bc: {  	v51 =	vmul.f32 v25, v2;
	v32 =	vld [tilespmem:s18+$0xFFFFFFA0];
	v46 =	vadd.f32 v26, v46;
	(erf) = vpow2.f32 v34  }
0x3bd: {  	v55 =	vld [tilespmem:s15+$0xFFFFFFB0];
	v27 =	vmax.f32 v27, v62;
	v25 =	vmax.f32 v60, v54;
	v58 =	vadd.f32 v58, v31  }
0x3be: {  	v34 =	vld [tilespmem:s18+$0xFFFFFFB0];
	v60 =	vadd.f32 v61, v30;
	(erf) = vpow2.f32 v50;
	v59 =	vmul.f32 v27, v3  }
0x3bf: {  	v41 =	vld [tilespmem:s18+$0x10];
	v45 =	vadd.f32 v57, v56;
	v57, _, _ =	vpop (xrf2);
	v25 =	vmul.f32 v25, v4;
	(erf) = vpow2.f32 v44  }
0x3c0: {  	(xrf2) =	vadd.scan.msk.f32 $0xffff, v46;
	v46 =	vld [tilespmem:s15+$0x10];
	v61 =	vmul.f32 $2.000000030e-01, v58;
	v62 =	vmul.f32 $2.000000030e-01, v60;
	v54, _, _ =	vpop (xrf2);
	v52 =	vadd.f32 v52, v40  }
0x3c1: {  	v25 =	vadd.f32 v25, v59;
	v54 =	vmul.f32 $1.442695020e+00, v54;
	v43 =	vadd.f32 v63, v32  }
0x3c2: {  	v42 =	vld [tilespmem:s15+$0xFFFFFF00];
	v39 =	vmax.f32 v58, v61;
	v58 =	vmax.f32 v60, v62;
	v61 =	vmul.f32 $1.442695020e+00, v57  }
0x3c3: {  	v26 =	vld [tilespmem:s18+$0x30];
	v47 =	vadd.f32 v55, v34;
	v53 =	vmul.f32 v39, v1;
	v62 =	vmul.f32 v58, v2  }
0x3c4: {  	(xrf2) =	vadd.scan.msk.f32 $0xffff, v45;
	v39 =	vld [tilespmem:s18+$0xFFFFFF00];
	v58 =	vmul.f32 $2.000000030e-01, v52;
	v63 =	vmul.f32 $2.000000030e-01, v43  }
0x3c5: {  	v27 =	vld [tilespmem:s18+$0x20];
	v55, _, _ =	vpop (xrf2);
	(xrf2) =	vadd.scan.msk.f32 $0xffff, v25;
	v25 =	vadd.f32 v46, v41;
	v45 =	vbroadcast v61, $0xF;
	v59 =	vmul.f32 $2.000000030e-01, v47  }
0x3c6: {  	v60 =	vld [tilespmem:s15+$0x20];
	v57, _, _ =	vpop (xrf2);
	v49 =	vadd.f32 v62, v53;
	v53 =	vmul.f32 $1.442695020e+00, v55;
	v43 =	vmax.f32 v43, v63  }
0x3c7: {  	v48 =	vmul.f32 $1.442695020e+00, v57;
	v63 =	vld [tilespmem:s15+$0x30];
	v43 =	vmul.f32 v43, v3;
	v47 =	vmax.f32 v47, v59  }
0x3c8: {  	v59 =	vmul.f32 $2.000000030e-01, v25;
	v47 =	vmul.f32 v47, v4  }
0x3c9: {  	(xrf2) =	vadd.scan.msk.f32 $0xffff, v49;
	v53 =	vbroadcast v53, $0xF;
	v48 =	vbroadcast v48, $0xF;
	v49 =	vadd.f32 v42, v39;
	v42 =	vpop (erf)  }
0x3ca: {  	v25 =	vmax.f32 v25, v59;
	v33 =	vmul.f32 v42, v33;
	v43 =	vadd.f32 v47, v43  }
0x3cb: {  	v47 =	vadd.f32 v60, v27;
	v60 =	vmax.f32 v52, v58;
	v56 =	vmul.f32 $2.000000030e-01, v49  }
0x3cc: {  	v25 =	vmul.f32 v25, v2;
	v44 =	vadd.f32 v63, v26;
	v52 =	vmul.f32 v60, v1;
	v63, _, _ =	vpop (xrf2)  }
0x3cd: {  	v61 =	vmul.f32 $2.000000030e-01, v47;
	(xrf2) =	vadd.scan.msk.f32 $0xffff, v43;
	v58 =	vmul.f32 $1.442695020e+00, v63  }
0x3ce: {  	v49 =	vmax.f32 v49, v56;
	v62 =	vmul.f32 $2.000000030e-01, v44;
	v60 =	vadd.f32 v25, v52  }
0x3cf: {  	v59, _, _ =	vpop (xrf2);
	v49 =	vmul.f32 v49, v1;
	v52 =	vbroadcast v54, $0xF  }
0x3d0: {  	v46 =	vmax.f32 v47, v61;
	v25 =	vpop (erf);
	v47 =	vmul.f32 $1.442695020e+00, v59;
	v56 =	vbroadcast v58, $0xF;
	(xrf2) =	vadd.scan.msk.f32 $0xffff, v60  }
0x3d1: {  	v46 =	vmul.f32 v46, v3;
	v57 =	vmax.f32 v44, v62;
	v55 =	vpop (erf);
	v49 =	vadd.f32 v51, v49  }
0x3d2: {  	v59 =	vsel vm0, v25, v42;
	v50 =	vmul.f32 v57, v4;
	v61, _, _ =	vpop (xrf2);
	v47 =	vbroadcast v47, $0xF  }
0x3d3: {  	v63 =	vpop (erf);
	(erf) = vpow2.f32 v45;
	v44 =	vsel vm1, v59, v55;
	v35 =	vmul.f32 v55, v35;
	(xrf2) =	vadd.scan.msk.f32 $0xffff, v49  }
0x3d4: {  	v62 =	vmul.f32 $1.442695020e+00, v61;
	v38 =	vmul.f32 v63, v38;
	v46 =	vadd.f32 v50, v46  }
0x3d5: {  	s16 =	simm.s32 $0x8400;
	v44 =	vsel vm2, v63, v44;
	v37 =	vmul.f32 v63, v37;
	(erf) = vpow2.f32 v52  }
0x3d6: {  	v60, _, _ =	vpop (xrf2);
	v63 =	vmul.f32 v55, v36;
	[tilespmem:s16+$0x110] =	vst v44;
	(erf) = vpow2.f32 v53;
	(xrf2) =	vadd.scan.msk.f32 $0xffff, v46  }
0x3d7: {  	v45 =	vmul.f32 $1.442695020e+00, v60;
	[tilespmem:s16+$0xC0] =	vst v35;
	v43 =	vbroadcast v62, $0xF;
	v61, _, _ =	vpop (xrf2)  }
0x3d8: {  	[tilespmem:s16+$0x90] =	vst v38;
	(erf) = vpow2.f32 v48;
	v62 =	vmul.f32 $1.442695020e+00, v61  }
0x3d9: {  	[tilespmem:s16+$0xA0] =	vst v37;
	v44 =	vbroadcast v45, $0xF;
	(erf) = vpow2.f32 v56  }
0x3da: {  	s17 =	simm.s32 $0x0;
	s18 =	simm.s32 $0x42E0;
	[tilespmem:s16+$0xB0] =	vst v63;
	(erf) = vpow2.f32 v47;
	v36 =	vbroadcast v62, $0xF;
	v37, _, _ =	vpop (xrf2)  }
.LBB2_11:
0x3db: {  	v35 =	vld [tilespmem:s18+$0x80];
	v38 =	vmul.f32 $1.442695020e+00, v37;
	(erf) = vpow2.f32 v43  }
0x3dc: {  	v45 =	vmul.f32 v42, v13;
	v37 =	vld [tilespmem:s18+$0x90];
	[tilespmem:s16+$0xD0] =	vst v33;
	v42 =	vpop (erf);
	(erf) = vpow2.f32 v44  }
0x3dd: {  	v33 =	vld [tilespmem:s18+$0xA0];
	v38 =	vbroadcast v38, $0xF;
	v43, _, _ =	vpop (xrf2);
	(erf) = vpow2.f32 v36  }
0x3de: {  	s15 =	sadd.s32 $0x200, s15;
	v47 =	vmul.f32 v42, v17;
	v36 =	vld [tilespmem:s18+$0xB0];
	v43 =	vmul.f32 $1.442695020e+00, v43;
	[tilespmem:s16+$0xE0] =	vst v45;
	v13 =	vpop (erf)  }
0x3df: {  	v15 =	vmul.f32 v42, v15;
	v44 =	vld [tilespmem:s15+$0x80];
	v45 =	vsel vm0, v13, v42;
	v42 =	vpop (erf);
	(erf) = vpow2.f32 v38  }
0x3e0: {  	v14 =	vmul.f32 v13, v14;
	v46 =	vld [tilespmem:s15+$0x90];
	v38 =	vbroadcast v43, $0xF;
	[tilespmem:s16+$0xFFFFFF20] =	vst v47;
	v17, _, _ =	vpop (xrf2)  }
0x3e1: {  	v13 =	vmul.f32 v13, v16;
	v47 =	vld [tilespmem:s15+$0xA0];
	[tilespmem:s16+$0xFFFFFF30] =	vst v15;
	v15 =	vmul.f32 $1.442695020e+00, v17;
	v16 =	vpop (erf)  }
0x3e2: {  	v17 =	vmul.f32 v42, v21;
	v48 =	vld [tilespmem:s15+$0xB0];
	[tilespmem:s16+$0xFFFFFF40] =	vst v14;
	v14 =	vsel vm0, v16, v42;
	(erf) = vpow2.f32 v38;
	v21 =	vpop (erf)  }
0x3e3: {  	v49 =	vmul.f32 v42, v22;
	v38 =	vld [tilespmem:s18+$0xC0];
	[tilespmem:s16+$0xFFFFFF50] =	vst v13;
	v15 =	vbroadcast v15, $0xF;
	v43 =	vpop (erf)  }
0x3e4: {  	v50 =	vmul.f32 v16, v23;
	v19 =	vmul.f32 v16, v19;
	v13 =	vld [tilespmem:s18+$0xD0];
	[tilespmem:s16+$0xFFFFFFB0] =	vst v17;
	v23 =	vsel vm0, v43, v21;
	v16 =	vpop (erf)  }
0x3e5: {  	v42 =	vld [tilespmem:s18+$0xE0];
	v45 =	vsel vm1, v45, v16;
	v28 =	vmul.f32 v16, v28;
	[tilespmem:s16+$0xFFFFFFC0] =	vst v49;
	v22 =	vpop (erf);
	(erf) = vpow2.f32 v15  }
0x3e6: {  	v15 =	vmul.f32 v16, v29;
	v49 =	vld [tilespmem:s15+$0xC0];
	v16 =	vmul.f32 v22, v31;
	[tilespmem:s16+$0xFFFFFFD0] =	vst v50;
	v17 =	vpop (erf)  }
0x3e7: {  	v29 =	vld [tilespmem:s15+$0xD0];
	[tilespmem:s16+$0xFFFFFF00] =	vst v28;
	v14 =	vsel vm1, v14, v17;
	v28 =	vmul.f32 v22, v30;
	v32 =	vmul.f32 v17, v32  }
0x3e8: {  	v24 =	vmul.f32 v21, v24;
	v31 =	vld [tilespmem:s18+$0xF0];
	[tilespmem:s16+$0xFFFFFF10] =	vst v15;
	v14 =	vsel vm2, v22, v14;
	v22 =	vmul.f32 v17, v34;
	v30 =	vpop (erf)  }
0x3e9: {  	v34 =	vadd.f32 v44, v35;
	v44 =	vadd.f32 v46, v37;
	v46 =	vld [tilespmem:s15+$0xE0];
	[tilespmem:s16+$0xFFFFFFF0] =	vst v14;
	v40 =	vmul.f32 v30, v40  }
0x3ea: {  	v20 =	vmul.f32 v21, v20;
	v47 =	vadd.f32 v47, v33;
	v41 =	vmul.f32 v30, v41;
	v50 =	vld [tilespmem:s15+$0xF0];
	[tilespmem:s16+$0xFFFFFF70] =	vst v16  }
0x3eb: {  	v48 =	vadd.f32 v48, v36;
	v16 =	vmul.f32 $2.000000030e-01, v34;
	v21 =	vmul.f32 $2.000000030e-01, v44;
	v17 =	vld [tilespmem:s18+$0xFFFFFF40];
	[tilespmem:s16+$0xFFFFFF80] =	vst v28;
	v28 =	vpop (erf)  }
0x3ec: {  	v51 =	vmul.f32 $2.000000030e-01, v47;
	v49 =	vadd.f32 v49, v38;
	v15 =	vld [tilespmem:s18+$0xFFFFFF50];
	v29 =	vadd.f32 v29, v13;
	[tilespmem:s16+$0xFFFFFF90] =	vst v32  }
0x3ed: {  	s17 =	sadd.s32 $0x4, s17;
	v32 =	vmax.f32 v34, v16;
	v21 =	vmax.f32 v44, v21;
	v34 =	vmul.f32 $2.000000030e-01, v48;
	v14 =	vld [tilespmem:s18+$0xFFFFFF60];
	[tilespmem:s16+$0xFFFFFFA0] =	vst v22  }
0x3ee: {  	p0 =	slt.u32 s17, $0xC;
	v22 =	vmul.f32 v32, v1;
	v21 =	vmul.f32 v21, v2;
	v16 =	vld [tilespmem:s18+$0xFFFFFF70];
	v44 =	vadd.f32 v46, v42;
	[tilespmem:s16+$0xFFFFFFE0] =	vst v19;
	v46 =	vpop (erf)  }
0x3ef: {  	v52 =	vmul.f32 $2.000000030e-01, v49;
	v53 =	vmul.f32 $2.000000030e-01, v29;
	v19 =	vld [tilespmem:s15+$0xFFFFFF40];
	v50 =	vadd.f32 v50, v31;
	[tilespmem:s16+$0x0] =	vst v40  }
0x3f0: {  	v32 =	vmax.f32 v47, v51;
	v34 =	vmax.f32 v48, v34;
	v21 =	vadd.f32 v21, v22;
	v40 =	vld [tilespmem:s15+$0xFFFFFF50];
	[tilespmem:s16+$0x10] =	vst v41  }
0x3f1: {  	v22 =	vmul.f32 v32, v3;
	v34 =	vmul.f32 v34, v4;
	v32 =	vsel vm1, v23, v46;
	v41 =	vld [tilespmem:s15+$0xFFFFFF60];
	[tilespmem:s16+$0x40] =	vst v24  }
0x3f2: {  	v23 =	vsel vm2, v28, v45;
	v47 =	vmul.f32 $2.000000030e-01, v44;
	v48 =	vmul.f32 $2.000000030e-01, v50;
	v24 =	vld [tilespmem:s15+$0xFFFFFF70];
	(xrf2) =	vadd.scan.msk.f32 $0xffff, v21  }
0x3f3: {  	v45 =	vmax.f32 v49, v52;
	v29 =	vmax.f32 v29, v53;
	v34 =	vadd.f32 v34, v22;
	v21 =	vld [tilespmem:s18+$0xFFFFFFC0];
	[tilespmem:s16+$0xFFFFFF60] =	vst v23  }
0x3f4: {  	v45 =	vmul.f32 v45, v5;
	v29 =	vmul.f32 v29, v6;
	v49 =	vadd.f32 v19, v17;
	v22 =	vld [tilespmem:s18+$0xFFFFFFD0];
	[tilespmem:s16+$0x50] =	vst v20  }
0x3f5: {  	v18 =	vmul.f32 v28, v18;
	v20 =	vadd.f32 v40, v15;
	v23 =	vld [tilespmem:s18+$0xFFFFFFE0];
	(xrf2) =	vadd.scan.msk.f32 $0xffff, v34;
	v34 =	vmul.f32 v28, v39  }
0x3f6: {  	v29 =	vadd.f32 v29, v45;
	v28 =	vmax.f32 v44, v47;
	v39 =	vmax.f32 v50, v48;
	v19 =	vld [tilespmem:s18+$0xFFFFFFF0]  }
0x3f7: {  	v40 =	vadd.f32 v41, v14;
	v28 =	vmul.f32 v28, v7;
	v39 =	vmul.f32 v39, v8;
	v41 =	vld [tilespmem:s15+$0xFFFFFFC0];
	[tilespmem:s16+$0xFFFFFEE0] =	vst v34  }
0x3f8: {  	v34 =	vmul.f32 $2.000000030e-01, v49;
	v44 =	vmul.f32 $2.000000030e-01, v20;
	v45 =	vadd.f32 v24, v16;
	v47 =	vld [tilespmem:s15+$0xFFFFFFD0];
	(xrf2) =	vadd.scan.msk.f32 $0xffff, v29  }
0x3f9: {  	v24 =	vmul.f32 $2.000000030e-01, v40;
	v28 =	vadd.f32 v39, v28;
	v29 =	vld [tilespmem:s15+$0xFFFFFFE0];
	[tilespmem:s16+$0xFFFFFEF0] =	vst v18;
	v18 =	vmul.f32 v46, v27  }
0x3fa: {  	v27 =	vmax.f32 v49, v34;
	v20 =	vmax.f32 v20, v44;
	v34 =	vmul.f32 $2.000000030e-01, v45;
	v39 =	vld [tilespmem:s15+$0xFFFFFFF0]  }
0x3fb: {  	v27 =	vmul.f32 v27, v5;
	v44 =	vmul.f32 v20, v6;
	v20 =	vmax.f32 v40, v24;
	v24 =	vld [tilespmem:s18+$0x40];
	(xrf2) =	vadd.scan.msk.f32 $0xffff, v28  }
0x3fc: {  	v28 =	vmul.f32 v20, v7;
	v34 =	vmax.f32 v45, v34;
	v40 =	vadd.f32 v41, v21;
	v20 =	vld [tilespmem:s18+$0x50];
	v41, _, _ =	vpop (xrf2);
	[tilespmem:s16+$0x20] =	vst v18  }
0x3fd: {  	v18 =	vmul.f32 v34, v8;
	v48 =	vadd.f32 v44, v27;
	v34 =	vadd.f32 v47, v22;
	v44 =	vld [tilespmem:s18+$0x60]  }
0x3fe: {  	v26 =	vmul.f32 v46, v26;
	v45 =	vmul.f32 $2.000000030e-01, v40;
	v29 =	vadd.f32 v29, v23;
	v47 =	vld [tilespmem:s18+$0x70]  }
0x3ff: {  	v18 =	vadd.f32 v18, v28;
	v28 =	vmul.f32 $2.000000030e-01, v34;
	v39 =	vadd.f32 v39, v19;
	v46 =	vld [tilespmem:s15+$0x40];
	(xrf2) =	vadd.scan.msk.f32 $0xffff, v48;
	v27, _, _ =	vpop (xrf2)  }
0x400: {  	v12 =	vmul.f32 v43, v12;
	v40 =	vmax.f32 v40, v45;
	v45 =	vmul.f32 $2.000000030e-01, v29;
	v48 =	vld [tilespmem:s15+$0x50];
	[tilespmem:s16+$0x30] =	vst v26  }
0x401: {  	v26 =	vmul.f32 v40, v5;
	v28 =	vmax.f32 v34, v28;
	v34 =	vmul.f32 $2.000000030e-01, v39;
	v40 =	vld [tilespmem:s15+$0x60]  }
0x402: {  	v11 =	vmul.f32 v43, v11;
	v49 =	vmul.f32 v28, v6;
	v28 =	vmax.f32 v29, v45;
	v45 =	vld [tilespmem:s15+$0x70];
	(xrf2) =	vadd.scan.msk.f32 $0xffff, v18;
	v50, _, _ =	vpop (xrf2)  }
0x403: {  	v52 =	vmul.f32 v25, v10;
	v18 =	vld [tilespmem:s18+$0xFFFFFF10];
	v51 =	vmul.f32 v28, v7;
	v29 =	vmax.f32 v39, v34;
	[tilespmem:s16+$0x60] =	vst v12  }
0x404: {  	v28 =	vld [tilespmem:s18+$0xFFFFFF20];
	v34 =	vmul.f32 v29, v8;
	v53 =	vadd.f32 v49, v26;
	v26 =	vadd.f32 v46, v24;
	[tilespmem:s16+$0x70] =	vst v11  }
0x405: {  	v50 =	vmul.f32 $1.442695020e+00, v50;
	v49 =	vmul.f32 v25, v9;
	v29 =	vld [tilespmem:s18+$0xFFFFFF30];
	v39 =	vadd.f32 v48, v20;
	v46, _, _ =	vpop (xrf2);
	[tilespmem:s16+$0xF0] =	vst v52  }
0x406: {  	v10 =	vmovc v42;
	v43 =	vld [tilespmem:s15+$0xFFFFFF00];
	v25 =	vmul.f32 $2.000000030e-01, v26;
	v40 =	vadd.f32 v40, v44;
	v46 =	vmul.f32 $1.442695020e+00, v46;
	(xrf2) =	vadd.scan.msk.f32 $0xffff, v53  }
0x407: {  	v27 =	vmul.f32 $1.442695020e+00, v27;
	v12 =	vmovc v44;
	v9 =	vmovc v31;
	v48 =	vbroadcast v50, $0xF;
	v42 =	vld [tilespmem:s15+$0xFFFFFF10];
	v45 =	vadd.f32 v45, v47;
	[tilespmem:s16+$0x100] =	vst v49  }
0x408: {  	v11 =	vmovc v47;
	v44 =	vld [tilespmem:s15+$0xFFFFFF20];
	v25 =	vmax.f32 v26, v25;
	v26 =	vmul.f32 $1.442695020e+00, v41;
	v41 =	vbroadcast v46, $0xF  }
0x409: {  	v27 =	vbroadcast v27, $0xF;
	v34 =	vadd.f32 v34, v51;
	v46 =	vld [tilespmem:s15+$0xFFFFFF30];
	v47, _, _ =	vpop (xrf2);
	(erf) = vpow2.f32 v48  }
0x40a: {  	v32 =	vsel vm2, v30, v32;
	v31 =	vld [tilespmem:s18+$0xFFFFFF80];
	v26 =	vbroadcast v26, $0xF;
	(erf) = vpow2.f32 v41  }
0x40b: {  	v41 =	vmul.f32 $2.000000030e-01, v39;
	v30 =	vld [tilespmem:s18+$0xFFFFFF90];
	(erf) = vpow2.f32 v27;
	[tilespmem:s16+$0x80] =	vst v32  }
0x40c: {  	v27 =	vadd.f32 v42, v18;
	v32 =	vld [tilespmem:s18+$0xFFFFFFA0];
	v42 =	vmul.f32 $2.000000030e-01, v40;
	v48, _, _ =	vpop (xrf2);
	(xrf2) =	vadd.scan.msk.f32 $0xffff, v34;
	(erf) = vpow2.f32 v26  }
0x40d: {  	v39 =	vmax.f32 v39, v41;
	v41 =	vmul.f32 $2.000000030e-01, v45;
	v26 =	vadd.f32 v44, v28;
	v34 =	vld [tilespmem:s18+$0xFFFFFFB0]  }
0x40e: {  	v44 =	vmul.f32 $2.000000030e-01, v27;
	v46 =	vadd.f32 v46, v29;
	v49 =	vld [tilespmem:s15+$0xFFFFFF80];
	v40 =	vmax.f32 v40, v42  }
0x40f: {  	v25 =	vmul.f32 v25, v5;
	v41 =	vmax.f32 v45, v41;
	v57 =	vmul.f32 $2.000000030e-01, v26;
	v50 =	vld [tilespmem:s15+$0xFFFFFF90]  }
0x410: {  	v39 =	vmul.f32 v39, v6;
	v27 =	vmax.f32 v27, v44;
	v44 =	vmul.f32 $2.000000030e-01, v46;
	v45 =	vld [tilespmem:s15+$0xFFFFFFA0];
	v51, _, _ =	vpop (xrf2)  }
0x411: {  	v53 =	vmul.f32 v40, v7;
	v26 =	vmax.f32 v26, v57;
	v52 =	vld [tilespmem:s15+$0xFFFFFFB0];
	v57 =	vmul.f32 v41, v8  }
0x412: {  	v55 =	vmul.f32 v27, v2;
	v56 =	vmul.f32 v26, v3;
	v26 =	vmax.f32 v46, v44;
	v40 =	vld [tilespmem:s18+$0x0];
	v42 =	vpop (erf)  }
0x413: {  	v39 =	vadd.f32 v39, v25;
	v44 =	vmul.f32 v26, v4;
	v46 =	vadd.f32 v49, v31;
	v41 =	vld [tilespmem:s18+$0x10];
	v25 =	vpop (erf)  }
0x414: {  	v49 =	vadd.f32 v50, v30;
	v27 =	vld [tilespmem:s18+$0x20];
	v50 =	vadd.f32 v57, v53;
	v53 =	vsel vm0, v25, v42;
	v54 =	vpop (erf)  }
0x415: {  	v57 =	vmul.f32 $2.000000030e-01, v46;
	v45 =	vadd.f32 v45, v32;
	v26 =	vld [tilespmem:s18+$0x30];
	v53 =	vsel vm1, v53, v54;
	(xrf2) =	vadd.scan.msk.f32 $0xffff, v39;
	v58 =	vpop (erf)  }
0x416: {  	s16 =	sadd.s32 $0x240, s16;
	v39 =	vmul.f32 $2.000000030e-01, v49;
	v52 =	vadd.f32 v52, v34;
	v59 =	vld [tilespmem:s15+$0x0];
	v53 =	vsel vm2, v58, v53;
	v60, _, _ =	vpop (xrf2)  }
0x417: {  	v44 =	vadd.f32 v44, v56;
	v46 =	vmax.f32 v46, v57;
	v56 =	vmul.f32 $2.000000030e-01, v45;
	v57 =	vld [tilespmem:s15+$0x10];
	[tilespmem:s16+$0x110] =	vst v53  }
0x418: {  	v46 =	vmul.f32 v46, v1;
	v39 =	vmax.f32 v49, v39;
	v49 =	vmul.f32 $2.000000030e-01, v52;
	v53 =	vld [tilespmem:s15+$0x20];
	(xrf2) =	vadd.scan.msk.f32 $0xffff, v50  }
0x419: {  	v47 =	vmul.f32 $1.442695020e+00, v47;
	v50 =	vmul.f32 v39, v2;
	v45 =	vmax.f32 v45, v56;
	v56 =	vld [tilespmem:s15+$0x30]  }
0x41a: {  	v48 =	vmul.f32 $1.442695020e+00, v48;
	v39 =	vld [tilespmem:s18+$0xFFFFFF00];
	v45 =	vmul.f32 v45, v3;
	v49 =	vmax.f32 v52, v49  }
0x41b: {  	v49 =	vmul.f32 v49, v4;
	v46 =	vadd.f32 v50, v46;
	v50 =	vadd.f32 v59, v40;
	(xrf2) =	vadd.scan.msk.f32 $0xffff, v44  }
0x41c: {  	v44 =	vmul.f32 $1.442695020e+00, v51;
	v51 =	vmul.f32 $1.442695020e+00, v60;
	v52 =	vadd.f32 v57, v41  }
0x41d: {  	v45 =	vadd.f32 v49, v45;
	v49 =	vmul.f32 $2.000000030e-01, v50;
	v53 =	vadd.f32 v53, v27  }
0x41e: {  	v47 =	vbroadcast v47, $0xF;
	v57 =	vmul.f32 $2.000000030e-01, v52;
	v56 =	vadd.f32 v56, v26;
	(xrf2) =	vadd.scan.msk.f32 $0xffff, v46  }
0x41f: {  	v43 =	vadd.f32 v43, v39;
	v46 =	vmax.f32 v50, v49;
	v49 =	vmul.f32 $2.000000030e-01, v53;
	v50, _, _ =	vpop (xrf2)  }
0x420: {  	v46 =	vmul.f32 v46, v1;
	v52 =	vmax.f32 v52, v57;
	v57 =	vmul.f32 $2.000000030e-01, v56  }
0x421: {  	v59 =	vmul.f32 $2.000000030e-01, v43;
	v52 =	vmul.f32 v52, v2;
	v49 =	vmax.f32 v53, v49;
	(xrf2) =	vadd.scan.msk.f32 $0xffff, v45  }
0x422: {  	v50 =	vmul.f32 $1.442695020e+00, v50;
	v45 =	vmul.f32 v49, v3;
	v49 =	vmax.f32 v56, v57;
	v53, _, _ =	vpop (xrf2)  }
0x423: {  	v43 =	vmax.f32 v43, v59;
	v49 =	vmul.f32 v49, v4;
	v46 =	vadd.f32 v52, v46  }
0x424: {  	v52 =	vmul.f32 $1.442695020e+00, v53;
	v43 =	vmul.f32 v43, v1  }
0x425: {  	v48 =	vbroadcast v48, $0xF;
	v53 =	vbroadcast v44, $0xF;
	v45 =	vadd.f32 v49, v45;
	v44, _, _ =	vpop (xrf2);
	(xrf2) =	vadd.scan.msk.f32 $0xffff, v46  }
0x426: {  	v49 =	vbroadcast v51, $0xF;
	v46 =	vadd.f32 v55, v43;
	v43 =	vmul.f32 $1.442695020e+00, v44  }
0x427: {  	v50 =	vbroadcast v50, $0xF;
	v51 =	vbroadcast v52, $0xF  }
0x428: {  	v43 =	vbroadcast v43, $0xF;
	(xrf2) =	vadd.scan.msk.f32 $0xffff, v46;
	(erf) = vpow2.f32 v47;
	v44, _, _ =	vpop (xrf2)  }
0x429: {  	v46 =	vmul.f32 v58, v35;
	v44 =	vmul.f32 $1.442695020e+00, v44  }
0x42a: {  	v37 =	vmul.f32 v58, v37;
	(erf) = vpow2.f32 v48  }
.Ltmp4:
0x42b: {  	v44 =	vbroadcast v44, $0xF;
	[tilespmem:s16+$0x90] =	vst v46;
	v35, _, _ =	vpop (xrf2);
	(erf) = vpow2.f32 v53;
	(xrf2) =	vadd.scan.msk.f32 $0xffff, v45;
	(pc) =	sbr.rel @p0 .LBB2_11-.Ltmp4, $4  }
0x42c: {  	v33 =	vmul.f32 v54, v33;
	v35 =	vmul.f32 $1.442695020e+00, v35;
	[tilespmem:s16+$0xA0] =	vst v37  }
0x42d: {  	v45 =	vmul.f32 v54, v36;
	(erf) = vpow2.f32 v49  }
0x42e: {  	v36 =	vbroadcast v35, $0xF;
	[tilespmem:s16+$0xB0] =	vst v33;
	(erf) = vpow2.f32 v50  }
0x42f: {  	s18 =	sadd.s32 $0x200, s18;
	v33 =	vmul.f32 v42, v38;
	[tilespmem:s16+$0xC0] =	vst v45;
	v37, _, _ =	vpop (xrf2);
	(erf) = vpow2.f32 v51  }
0x430: {  	v13 =	vmul.f32 v42, v13  }
0x431: {  	v10 =	vmul.f32 v25, v10;
	[tilespmem:s16+$0xD0] =	vst v33  }
0x432: {  	v9 =	vmul.f32 v25, v9;
	v35 =	vpop (erf);
	[tilespmem:s16+$0xE0] =	vst v13  }
0x433: {  	v17 =	vmul.f32 v35, v17;
	[tilespmem:s16+$0xF0] =	vst v10  }
0x434: {  	v55 =	vmul.f32 v35, v15;
	[tilespmem:s16+$0x100] =	vst v9;
	v53 =	vpop (erf)  }
0x435: {  	(erf) = vpow2.f32 v43;
	[tilespmem:s16+$0xFFFFFF20] =	vst v17;
	v14 =	vmul.f32 v53, v14  }
0x436: {  	v54 =	vmul.f32 $1.442695020e+00, v37;
	v56 =	vpop (erf);
	[tilespmem:s16+$0xFFFFFF30] =	vst v55;
	v58 =	vmul.f32 v53, v16  }
0x437: {  	(erf) = vpow2.f32 v44;
	v38, _, _ =	vpop (xrf2);
	v61 =	vmul.f32 v56, v21;
	[tilespmem:s16+$0xFFFFFF40] =	vst v14  }
0x438: {  	(erf) = vpow2.f32 v36;
	v62 =	vmul.f32 v56, v22;
	v59 =	vpop (erf);
	[tilespmem:s16+$0xFFFFFF50] =	vst v58  }
0x439: {  	v60 =	vmul.f32 $1.442695020e+00, v38;
	[tilespmem:s16+$0xFFFFFFB0] =	vst v61;
	v42 =	vmul.f32 v59, v23  }
0x43a: {  	v36 =	vbroadcast v54, $0xF;
	v21 =	vpop (erf);
	[tilespmem:s16+$0xFFFFFFC0] =	vst v62;
	v49 =	vmul.f32 v59, v19  }
0x43b: {  	v57, _, _ =	vpop (xrf2);
	v44 =	vbroadcast v60, $0xF;
	v54 =	vmul.f32 v21, v24;
	[tilespmem:s16+$0xFFFFFFD0] =	vst v42  }
0x43c: {  	(erf) = vpow2.f32 v36;
	v15 =	vsel vm0, v59, v56;
	v63 =	vpop (erf);
	v56 =	vmul.f32 v21, v20;
	[tilespmem:s16+$0xFFFFFFE0] =	vst v49  }
0x43d: {  	v17 =	vmul.f32 $1.442695020e+00, v57;
	v12 =	vmul.f32 v63, v12;
	[tilespmem:s16+$0x40] =	vst v54  }
0x43e: {  	(erf) = vpow2.f32 v44;
	v43 =	vpop (erf);
	v11 =	vmul.f32 v63, v11;
	[tilespmem:s16+$0x50] =	vst v56  }
0x43f: {  	v17 =	vbroadcast v17, $0xF;
	v28 =	vmul.f32 v43, v28;
	[tilespmem:s16+$0x60] =	vst v12  }
0x440: {  	v45 =	vpop (erf);
	v29 =	vmul.f32 v43, v29;
	[tilespmem:s16+$0x70] =	vst v11  }
0x441: {  	(erf) = vpow2.f32 v17;
	v47 =	vmul.f32 v45, v31;
	[tilespmem:s16+$0xFFFFFF00] =	vst v28  }
0x442: {  	v46 =	vpop (erf);
	v13 =	vmul.f32 v45, v30;
	[tilespmem:s16+$0xFFFFFF10] =	vst v29  }
0x443: {  	v15 =	vsel vm1, v15, v46;
	[tilespmem:s16+$0xFFFFFF70] =	vst v47  }
0x444: {  	v48 =	vmul.f32 v46, v32;
	v15 =	vsel vm2, v45, v15;
	[tilespmem:s16+$0xFFFFFF80] =	vst v13  }
0x445: {  	v14 =	vmul.f32 v46, v34;
	[tilespmem:s16+$0xFFFFFFF0] =	vst v15;
	v50 =	vpop (erf)  }
0x446: {  	[tilespmem:s16+$0xFFFFFF90] =	vst v48;
	v51 =	vmul.f32 v50, v40  }
0x447: {  	s14 =	sadd.s32 $0x7, s14;
	v53 =	vsel vm0, v53, v35;
	[tilespmem:s16+$0xFFFFFFA0] =	vst v14;
	v52 =	vmul.f32 v50, v41  }
0x448: {  	s15 =	smulhi.u32 $0x68DB8BAD, s14;
	v13 =	vsel vm1, v53, v43;
	v55 =	vpop (erf);
	[tilespmem:s16+$0x0] =	vst v51  }
0x449: {  	v13 =	vsel vm2, v55, v13;
	v57 =	vmul.f32 v55, v39;
	[tilespmem:s16+$0x10] =	vst v52  }
0x44a: {  	s15 =	sshrl.u32 s15, $0x8;
	v59 =	vmul.f32 v55, v18;
	[tilespmem:s16+$0xFFFFFF60] =	vst v13;
	v58 =	vpop (erf)  }
0x44b: {  	s15 =	smul.u32 $0x271, s15;
	[tilespmem:s16+$0xFFFFFEE0] =	vst v57;
	v60 =	vmul.f32 v58, v27  }
0x44c: {  	v62 =	vsel vm0, v63, v21;
	[tilespmem:s16+$0xFFFFFEF0] =	vst v59;
	v61 =	vmul.f32 v58, v26  }
0x44d: {  	s14 =	ssub.s32 s14, s15;
	v11 =	vsel vm1, v62, v58;
	[tilespmem:s16+$0x20] =	vst v60  }
0x44e: {  	s15 =	sshll.u32 s14, $0x3;
	v9 =	vsel vm2, v50, v11;
	[tilespmem:s16+$0x30] =	vst v61  }
0x44f: {  	s18 =	simm.s32 $0x27D0;
	s17 =	simm.s32 $0x82E0;
	s15 =	sand.u32 $0x1FF0, s15;
	[tilespmem:s16+$0x80] =	vst v9  }
0x450: {  	[spmem:s3] =	stream.indirect.scatter.add.f32 [tilespmem:s17], [sflag:$0xC], $0x90, s18, s12, $0xb8;
	[tilespmem:$0x1FA00] =	vst v63  }
0x451: {  	v9 =	vld [tilespmem:s15+$0x0]  }
0x452: {  	v10 =	vld [tilespmem:s15+$0x1390];
	_ =	sdelay $0x2  }
0x453: {  	s14 =	sand.u32 $0x1, s14  }
0x454: {  	p0 =	seq.s32 s14, $0x1;
	v11 =	vand.u32 $0xFFFF, v9;
	v9 =	vshrl.u32 v9, $0x10  }
0x455: {  	s13 =	sadd.s32 $0x1, s13;
	v63 =	vand.u32 $0xFFFF, v10;
	v10 =	vshrl.u32 v10, $0x10;
	v9 =	vpsel p0, v9, v11  }
0x456: {  	[tilespmem:$0x2750] =	vst v9;
	v9 =	vpsel p0, v10, v63;
	p0 =	sne.s32 s13, $0x9C  }
.Ltmp5:
0x457: {  	_ = 	snop;
	(pc) =	sbr.rel @p0 .LBB2_4-.Ltmp5, $4  }
0x458: {  	[tilespmem:$0x2790] =	vst v9  }
0x459: {  	[tilespmem:s26], [sflag:$0x4] =	stream.indirect.gather [hbm4b:s2+s12], $0x80, s25, s12, $0xb8;
	[tilespmem:$0x1FA00] =	vst v63  }
0x45a: {  	_ = 	snop  }
0x45b: {  	[tilespmem:s29], [sflag:$0x8] =	stream.indirect.gather [hbm4b:s5+s12], $0x80, s28, s12, $0xb8;
	[tilespmem:$0x1FA00] =	vst v63  }
0x45c: {  	_ =	swait.ge [sflag:s30], $0x800  }
0x45d: {  	[sflag:s30] =	ssyncset.done $0x0  }
0x45e: {  	[sflag:s30] =	ssyncadd.s32 $0xFFFFF800  }
0x45f: {  	_ =	swait.ge [sflag:s31], $0x800  }
0x460: {  	[sflag:s31] =	ssyncset.done $0x0  }
0x461: {  	s17 =	simm.s32 $0x9;
	[sflag:s31] =	ssyncadd.s32 $0xFFFFF800  }
0x462: {  	_ =	swait.ge [sflag:s17], $0x900  }
0x463: {  	[sflag:s17] =	ssyncset.done $0x0  }
0x464: {  	[sflag:s17] =	ssyncadd.s32 $0xFFFFF700  }
0x465: {  	v9 =	vld [tilespmem:$0x2760];
	_ =	sdelay $0x4  }
0x466: {  	s14 =	simm.s32 $0x28E0;
	[tilespmem:$0x27A0] =	vst v9  }
0x467: {  	v38 =	vld [tilespmem:s14+$0x80]  }
0x468: {  	v37 =	vld [tilespmem:s14+$0x90]  }
0x469: {  	v36 =	vld [tilespmem:s14+$0xA0]  }
0x46a: {  	s13 =	simm.s32 $0x48E0;
	v35 =	vld [tilespmem:s14+$0xB0]  }
0x46b: {  	v11 =	vld [tilespmem:s13+$0x80]  }
0x46c: {  	v12 =	vld [tilespmem:s13+$0x90]  }
0x46d: {  	v14 =	vld [tilespmem:s13+$0xA0]  }
0x46e: {  	v16 =	vld [tilespmem:s13+$0xB0]  }
0x46f: {  	v33 =	vld [tilespmem:s14+$0xC0]  }
0x470: {  	v13 =	vld [tilespmem:s14+$0xD0]  }
0x471: {  	v10 =	vld [tilespmem:s14+$0xE0]  }
0x472: {  	v18 =	vld [tilespmem:s13+$0xC0]  }
0x473: {  	v19 =	vld [tilespmem:s13+$0xD0]  }
0x474: {  	v9 =	vld [tilespmem:s14+$0xF0]  }
0x475: {  	v21 =	vld [tilespmem:s13+$0xF0]  }
0x476: {  	v17 =	vld [tilespmem:s14+$0xFFFFFF40]  }
0x477: {  	v27 =	vld [tilespmem:s13+$0xFFFFFF40]  }
0x478: {  	v20 =	vld [tilespmem:s13+$0xE0];
	v11 =	vadd.f32 v11, v38;
	v12 =	vadd.f32 v12, v37  }
0x479: {  	v15 =	vld [tilespmem:s14+$0xFFFFFF50];
	v22 =	vadd.f32 v14, v36;
	v25 =	vadd.f32 v16, v35  }
0x47a: {  	v28 =	vld [tilespmem:s13+$0xFFFFFF60];
	v18 =	vadd.f32 v18, v33;
	v19 =	vadd.f32 v19, v13  }
0x47b: {  	v31 =	vld [tilespmem:s13+$0xFFFFFF70];
	v32 =	vadd.f32 v21, v9;
	v23 =	vmul.f32 $2.000000030e-01, v11;
	v24 =	vmul.f32 $2.000000030e-01, v12  }
0x47c: {  	v41 =	vld [tilespmem:s13+$0x60];
	v27 =	vadd.f32 v27, v17;
	v26 =	vmul.f32 $2.000000030e-01, v22;
	v29 =	vmul.f32 $2.000000030e-01, v18  }
0x47d: {  	v14 =	vld [tilespmem:s14+$0xFFFFFF60];
	v20 =	vadd.f32 v20, v10;
	v30 =	vmul.f32 $2.000000030e-01, v19;
	v34 =	vmul.f32 $2.000000030e-01, v32  }
0x47e: {  	v16 =	vld [tilespmem:s14+$0xFFFFFF70];
	v57 =	vmul.f32 $2.000000030e-01, v27;
	v11 =	vmax.f32 v11, v23;
	v12 =	vmax.f32 v12, v24  }
0x47f: {  	v23 =	vmul.f32 $2.000000030e-01, v25;
	v24 =	vld [tilespmem:s13+$0xFFFFFF50];
	v22 =	vmax.f32 v22, v26;
	v26 =	vmul.f32 $2.000000030e-01, v20  }
0x480: {  	v21 =	vld [tilespmem:s14+$0xFFFFFFC0];
	v11 =	vmul.f32 v11, v1;
	v12 =	vmul.f32 v12, v2  }
0x481: {  	v18 =	vmax.f32 v18, v29;
	v29 =	vmax.f32 v19, v30;
	v19 =	vld [tilespmem:s14+$0xFFFFFFF0];
	v23 =	vmax.f32 v25, v23  }
0x482: {  	v30 =	vld [tilespmem:s13+$0xFFFFFFD0];
	v11 =	vadd.f32 v12, v11;
	v12 =	vmul.f32 v22, v3;
	v25 =	vmul.f32 v23, v4  }
0x483: {  	v18 =	vmul.f32 v18, v5;
	v20 =	vmax.f32 v20, v26;
	v26 =	vmax.f32 v32, v34;
	v22 =	vld [tilespmem:s14+$0xFFFFFFD0]  }
0x484: {  	v23 =	vld [tilespmem:s14+$0xFFFFFFE0];
	v12 =	vadd.f32 v25, v12;
	v25 =	vmul.f32 v29, v6;
	(xrf2) =	vadd.scan.msk.f32 $0xffff, v11;
	v11 =	vadd.f32 v24, v15  }
0x485: {  	v20 =	vmul.f32 v20, v7;
	v26 =	vmul.f32 v26, v8;
	v29 =	vld [tilespmem:s13+$0xFFFFFFC0]  }
0x486: {  	v28 =	vadd.f32 v28, v14;
	v18 =	vadd.f32 v25, v18;
	v25 =	vld [tilespmem:s13+$0xFFFFFFE0];
	v58 =	vmul.f32 $2.000000030e-01, v11  }
0x487: {  	v27 =	vmax.f32 v27, v57;
	v31 =	vadd.f32 v31, v16;
	(xrf2) =	vadd.scan.msk.f32 $0xffff, v12;
	v12 =	vadd.f32 v26, v20;
	v26 =	vld [tilespmem:s13+$0xFFFFFFF0]  }
0x488: {  	v43 =	vld [tilespmem:s13+$0x70];
	v27 =	vmul.f32 v27, v5;
	(xrf2) =	vadd.scan.msk.f32 $0xffff, v18;
	v18 =	vmul.f32 $2.000000030e-01, v28;
	v11 =	vmax.f32 v11, v58  }
0x489: {  	v59 =	vmul.f32 $2.000000030e-01, v31;
	(xrf2) =	vadd.scan.msk.f32 $0xffff, v12;
	v12 =	vld [tilespmem:s14+$0x60];
	v34 =	vmul.f32 v11, v6  }
0x48a: {  	v11 =	vld [tilespmem:s14+$0x70];
	v18 =	vmax.f32 v28, v18;
	v28 =	vadd.f32 v29, v21;
	v29 =	vadd.f32 v30, v22  }
0x48b: {  	v24 =	vld [tilespmem:s14+$0x40];
	v39 =	vmul.f32 v18, v7;
	v18 =	vmax.f32 v31, v59;
	v25 =	vadd.f32 v25, v23  }
0x48c: {  	v30 =	vld [tilespmem:s13+$0x40];
	v26 =	vadd.f32 v26, v19;
	v60 =	vmul.f32 $2.000000030e-01, v28;
	v40 =	vmul.f32 $2.000000030e-01, v29  }
0x48d: {  	v20 =	vld [tilespmem:s14+$0x50];
	v27 =	vadd.f32 v34, v27;
	v42 =	vmul.f32 v18, v8;
	v61 =	vmul.f32 $2.000000030e-01, v25  }
0x48e: {  	v31 =	vld [tilespmem:s13+$0x50];
	v62 =	vmul.f32 $2.000000030e-01, v26;
	v28 =	vmax.f32 v28, v60;
	v29 =	vmax.f32 v29, v40  }
0x48f: {  	v47 =	vld [tilespmem:s13+$0xFFFFFF10];
	v41 =	vadd.f32 v41, v12;
	v43 =	vadd.f32 v43, v11;
	v45 =	vmul.f32 v28, v5  }
0x490: {  	v18 =	vld [tilespmem:s14+$0xFFFFFF10];
	v44, _, _ =	vpop (xrf2);
	v46 =	vmul.f32 v29, v6;
	v25 =	vmax.f32 v25, v61;
	v26 =	vmax.f32 v26, v62  }
0x491: {  	v30 =	vadd.f32 v30, v24;
	v44 =	vmul.f32 $1.442695020e+00, v44;
	v25 =	vmul.f32 v25, v7  }
0x492: {  	v55 =	vld [tilespmem:s13+$0xFFFFFF20];
	v39 =	vadd.f32 v42, v39;
	v26 =	vmul.f32 v26, v8;
	v56 =	vmul.f32 $2.000000030e-01, v41  }
0x493: {  	v49 =	vld [tilespmem:s13+$0xFFFFFF30];
	v63, _, _ =	vpop (xrf2);
	v48 =	vadd.f32 v31, v20;
	v57 =	vmul.f32 $2.000000030e-01, v43;
	v54 =	vmul.f32 $2.000000030e-01, v30  }
0x494: {  	v28 =	vld [tilespmem:s14+$0xFFFFFF20];
	v45 =	vadd.f32 v46, v45;
	v31 =	vmul.f32 $1.442695020e+00, v63;
	v44 =	vbroadcast v44, $0xF  }
0x495: {  	v29 =	vld [tilespmem:s14+$0xFFFFFF30];
	v47 =	vadd.f32 v47, v18;
	v51, _, _ =	vpop (xrf2);
	v25 =	vadd.f32 v26, v25;
	v26 =	vmul.f32 $2.000000030e-01, v48  }
0x496: {  	v58 =	vld [tilespmem:s13+$0xFFFFFF80];
	(xrf2) =	vadd.scan.msk.f32 $0xffff, v27;
	v41 =	vmax.f32 v41, v56;
	v52 =	vmul.f32 $1.442695020e+00, v51;
	v50 =	vbroadcast v31, $0xF  }
0x497: {  	v61 =	vld [tilespmem:s13+$0xFFFFFF90];
	(xrf2) =	vadd.scan.msk.f32 $0xffff, v39;
	v40 =	vmax.f32 v43, v57;
	v53, _, _ =	vpop (xrf2);
	v59 =	vmul.f32 $2.000000030e-01, v47;
	v56 =	vmul.f32 v41, v7  }
0x498: {  	v63 =	vld [tilespmem:s13+$0xFFFFFFA0];
	v46 =	vmax.f32 v30, v54;
	v57 =	vmul.f32 v40, v8;
	v34 =	vmul.f32 $1.442695020e+00, v53  }
0x499: {  	v31 =	vld [tilespmem:s14+$0xFFFFFF80];
	v27 =	vadd.f32 v55, v28;
	v26 =	vmax.f32 v48, v26;
	v46 =	vmul.f32 v46, v5  }
0x49a: {  	v30 =	vld [tilespmem:s14+$0xFFFFFF90];
	v60 =	vadd.f32 v49, v29;
	v32 =	vbroadcast v52, $0xF;
	v26 =	vmul.f32 v26, v6  }
0x49b: {  	(xrf2) =	vadd.scan.msk.f32 $0xffff, v45;
	v40 =	vld [tilespmem:s14+$0x0];
	v34 =	vbroadcast v34, $0xF;
	v62 =	vmul.f32 $2.000000030e-01, v27  }
0x49c: {  	(xrf2) =	vadd.scan.msk.f32 $0xffff, v25;
	v25 =	vmax.f32 v47, v59;
	v52 =	vld [tilespmem:s13+$0x0];
	v54 =	vmul.f32 $2.000000030e-01, v60;
	(erf) = vpow2.f32 v32  }
0x49d: {  	v51 =	vmul.f32 v25, v2;
	v32 =	vld [tilespmem:s14+$0xFFFFFFA0];
	v46 =	vadd.f32 v26, v46;
	(erf) = vpow2.f32 v34  }
0x49e: {  	v55 =	vld [tilespmem:s13+$0xFFFFFFB0];
	v27 =	vmax.f32 v27, v62;
	v25 =	vmax.f32 v60, v54;
	v58 =	vadd.f32 v58, v31  }
0x49f: {  	v34 =	vld [tilespmem:s14+$0xFFFFFFB0];
	v60 =	vadd.f32 v61, v30;
	(erf) = vpow2.f32 v50;
	v59 =	vmul.f32 v27, v3  }
0x4a0: {  	v41 =	vld [tilespmem:s14+$0x10];
	v45 =	vadd.f32 v57, v56;
	v57, _, _ =	vpop (xrf2);
	v25 =	vmul.f32 v25, v4;
	(erf) = vpow2.f32 v44  }
0x4a1: {  	(xrf2) =	vadd.scan.msk.f32 $0xffff, v46;
	v46 =	vld [tilespmem:s13+$0x10];
	v61 =	vmul.f32 $2.000000030e-01, v58;
	v62 =	vmul.f32 $2.000000030e-01, v60;
	v54, _, _ =	vpop (xrf2);
	v52 =	vadd.f32 v52, v40  }
0x4a2: {  	v25 =	vadd.f32 v25, v59;
	v54 =	vmul.f32 $1.442695020e+00, v54;
	v43 =	vadd.f32 v63, v32  }
0x4a3: {  	v42 =	vld [tilespmem:s13+$0xFFFFFF00];
	v39 =	vmax.f32 v58, v61;
	v58 =	vmax.f32 v60, v62;
	v61 =	vmul.f32 $1.442695020e+00, v57  }
0x4a4: {  	v26 =	vld [tilespmem:s14+$0x30];
	v47 =	vadd.f32 v55, v34;
	v53 =	vmul.f32 v39, v1;
	v62 =	vmul.f32 v58, v2  }
0x4a5: {  	(xrf2) =	vadd.scan.msk.f32 $0xffff, v45;
	v39 =	vld [tilespmem:s14+$0xFFFFFF00];
	v58 =	vmul.f32 $2.000000030e-01, v52;
	v63 =	vmul.f32 $2.000000030e-01, v43  }
0x4a6: {  	v27 =	vld [tilespmem:s14+$0x20];
	v55, _, _ =	vpop (xrf2);
	(xrf2) =	vadd.scan.msk.f32 $0xffff, v25;
	v25 =	vadd.f32 v46, v41;
	v45 =	vbroadcast v61, $0xF;
	v59 =	vmul.f32 $2.000000030e-01, v47  }
0x4a7: {  	v60 =	vld [tilespmem:s13+$0x20];
	v57, _, _ =	vpop (xrf2);
	v49 =	vadd.f32 v62, v53;
	v53 =	vmul.f32 $1.442695020e+00, v55;
	v43 =	vmax.f32 v43, v63  }
0x4a8: {  	v48 =	vmul.f32 $1.442695020e+00, v57;
	v63 =	vld [tilespmem:s13+$0x30];
	v43 =	vmul.f32 v43, v3;
	v47 =	vmax.f32 v47, v59  }
0x4a9: {  	v59 =	vmul.f32 $2.000000030e-01, v25;
	v47 =	vmul.f32 v47, v4  }
0x4aa: {  	(erf) = vpow2.f32 v45;
	(xrf2) =	vadd.scan.msk.f32 $0xffff, v49;
	v53 =	vbroadcast v53, $0xF;
	v49 =	vadd.f32 v42, v39  }
0x4ab: {  	v48 =	vbroadcast v48, $0xF;
	v25 =	vmax.f32 v25, v59;
	v43 =	vadd.f32 v47, v43  }
0x4ac: {  	v47 =	vadd.f32 v60, v27;
	v60 =	vmax.f32 v52, v58;
	v56 =	vmul.f32 $2.000000030e-01, v49  }
0x4ad: {  	v25 =	vmul.f32 v25, v2;
	v44 =	vadd.f32 v63, v26;
	v52 =	vmul.f32 v60, v1;
	v63, _, _ =	vpop (xrf2)  }
0x4ae: {  	v61 =	vmul.f32 $2.000000030e-01, v47;
	(xrf2) =	vadd.scan.msk.f32 $0xffff, v43;
	v58 =	vmul.f32 $1.442695020e+00, v63  }
0x4af: {  	v49 =	vmax.f32 v49, v56;
	v62 =	vmul.f32 $2.000000030e-01, v44;
	v60 =	vadd.f32 v25, v52  }
0x4b0: {  	v59, _, _ =	vpop (xrf2);
	v49 =	vmul.f32 v49, v1;
	v52 =	vbroadcast v54, $0xF  }
0x4b1: {  	v42 =	vpop (erf);
	v46 =	vmax.f32 v47, v61;
	v47 =	vmul.f32 $1.442695020e+00, v59;
	v56 =	vbroadcast v58, $0xF;
	(xrf2) =	vadd.scan.msk.f32 $0xffff, v60  }
0x4b2: {  	v25 =	vpop (erf);
	v46 =	vmul.f32 v46, v3;
	v57 =	vmax.f32 v44, v62;
	v49 =	vadd.f32 v51, v49  }
0x4b3: {  	v55 =	vpop (erf);
	v59 =	vsel vm0, v25, v42;
	(erf) = vpow2.f32 v52;
	v50 =	vmul.f32 v57, v4  }
0x4b4: {  	v61, _, _ =	vpop (xrf2);
	v47 =	vbroadcast v47, $0xF;
	v44 =	vsel vm1, v59, v55;
	(erf) = vpow2.f32 v53;
	(xrf2) =	vadd.scan.msk.f32 $0xffff, v49  }
0x4b5: {  	v63 =	vpop (erf);
	v35 =	vmul.f32 v55, v35;
	v62 =	vmul.f32 $1.442695020e+00, v61;
	v46 =	vadd.f32 v50, v46  }
0x4b6: {  	s14 =	simm.s32 $0x6900;
	v38 =	vmul.f32 v63, v38;
	v44 =	vsel vm2, v63, v44;
	v37 =	vmul.f32 v63, v37  }
0x4b7: {  	v60, _, _ =	vpop (xrf2);
	v63 =	vmul.f32 v55, v36;
	(erf) = vpow2.f32 v48;
	[tilespmem:s14+$0x110] =	vst v44;
	(xrf2) =	vadd.scan.msk.f32 $0xffff, v46  }
0x4b8: {  	v45 =	vmul.f32 $1.442695020e+00, v60;
	(erf) = vpow2.f32 v56;
	[tilespmem:s14+$0xC0] =	vst v35;
	v61, _, _ =	vpop (xrf2)  }
0x4b9: {  	v43 =	vbroadcast v62, $0xF;
	[tilespmem:s14+$0x90] =	vst v38;
	v62 =	vmul.f32 $1.442695020e+00, v61  }
0x4ba: {  	v33 =	vmul.f32 v42, v33;
	[tilespmem:s14+$0xA0] =	vst v37;
	(erf) = vpow2.f32 v47  }
0x4bb: {  	s15 =	simm.s32 $0x0;
	s16 =	simm.s32 $0x2AE0;
	[tilespmem:s14+$0xB0] =	vst v63;
	v44 =	vbroadcast v45, $0xF;
	v36 =	vbroadcast v62, $0xF;
	v37, _, _ =	vpop (xrf2)  }
.LBB2_14:
0x4bc: {  	v35 =	vld [tilespmem:s16+$0x80];
	v38 =	vmul.f32 $1.442695020e+00, v37;
	(erf) = vpow2.f32 v43  }
0x4bd: {  	v45 =	vmul.f32 v42, v13;
	v37 =	vld [tilespmem:s16+$0x90];
	[tilespmem:s14+$0xD0] =	vst v33;
	v42 =	vpop (erf);
	(erf) = vpow2.f32 v44  }
0x4be: {  	v33 =	vld [tilespmem:s16+$0xA0];
	v38 =	vbroadcast v38, $0xF;
	v43, _, _ =	vpop (xrf2);
	(erf) = vpow2.f32 v36  }
0x4bf: {  	s13 =	sadd.s32 $0x200, s13;
	v47 =	vmul.f32 v42, v17;
	v36 =	vld [tilespmem:s16+$0xB0];
	v43 =	vmul.f32 $1.442695020e+00, v43;
	[tilespmem:s14+$0xE0] =	vst v45;
	v13 =	vpop (erf)  }
0x4c0: {  	v15 =	vmul.f32 v42, v15;
	v44 =	vld [tilespmem:s13+$0x80];
	v45 =	vsel vm0, v13, v42;
	v42 =	vpop (erf);
	(erf) = vpow2.f32 v38  }
0x4c1: {  	v14 =	vmul.f32 v13, v14;
	v46 =	vld [tilespmem:s13+$0x90];
	v38 =	vbroadcast v43, $0xF;
	[tilespmem:s14+$0xFFFFFF20] =	vst v47;
	v17, _, _ =	vpop (xrf2)  }
0x4c2: {  	v13 =	vmul.f32 v13, v16;
	v47 =	vld [tilespmem:s13+$0xA0];
	[tilespmem:s14+$0xFFFFFF30] =	vst v15;
	v15 =	vmul.f32 $1.442695020e+00, v17;
	v16 =	vpop (erf)  }
0x4c3: {  	v17 =	vmul.f32 v42, v21;
	v48 =	vld [tilespmem:s13+$0xB0];
	[tilespmem:s14+$0xFFFFFF40] =	vst v14;
	v14 =	vsel vm0, v16, v42;
	(erf) = vpow2.f32 v38;
	v21 =	vpop (erf)  }
0x4c4: {  	v49 =	vmul.f32 v42, v22;
	v38 =	vld [tilespmem:s16+$0xC0];
	[tilespmem:s14+$0xFFFFFF50] =	vst v13;
	v15 =	vbroadcast v15, $0xF;
	v43 =	vpop (erf)  }
0x4c5: {  	v50 =	vmul.f32 v16, v23;
	v19 =	vmul.f32 v16, v19;
	v13 =	vld [tilespmem:s16+$0xD0];
	[tilespmem:s14+$0xFFFFFFB0] =	vst v17;
	v23 =	vsel vm0, v43, v21;
	v16 =	vpop (erf)  }
0x4c6: {  	v42 =	vld [tilespmem:s16+$0xE0];
	v45 =	vsel vm1, v45, v16;
	v28 =	vmul.f32 v16, v28;
	[tilespmem:s14+$0xFFFFFFC0] =	vst v49;
	v22 =	vpop (erf);
	(erf) = vpow2.f32 v15  }
0x4c7: {  	v15 =	vmul.f32 v16, v29;
	v49 =	vld [tilespmem:s13+$0xC0];
	v16 =	vmul.f32 v22, v31;
	[tilespmem:s14+$0xFFFFFFD0] =	vst v50;
	v17 =	vpop (erf)  }
0x4c8: {  	v29 =	vld [tilespmem:s13+$0xD0];
	[tilespmem:s14+$0xFFFFFF00] =	vst v28;
	v14 =	vsel vm1, v14, v17;
	v28 =	vmul.f32 v22, v30;
	v32 =	vmul.f32 v17, v32  }
0x4c9: {  	v24 =	vmul.f32 v21, v24;
	v31 =	vld [tilespmem:s16+$0xF0];
	[tilespmem:s14+$0xFFFFFF10] =	vst v15;
	v14 =	vsel vm2, v22, v14;
	v22 =	vmul.f32 v17, v34;
	v30 =	vpop (erf)  }
0x4ca: {  	v34 =	vadd.f32 v44, v35;
	v44 =	vadd.f32 v46, v37;
	v46 =	vld [tilespmem:s13+$0xE0];
	[tilespmem:s14+$0xFFFFFFF0] =	vst v14;
	v40 =	vmul.f32 v30, v40  }
0x4cb: {  	v20 =	vmul.f32 v21, v20;
	v47 =	vadd.f32 v47, v33;
	v41 =	vmul.f32 v30, v41;
	v50 =	vld [tilespmem:s13+$0xF0];
	[tilespmem:s14+$0xFFFFFF70] =	vst v16  }
0x4cc: {  	v48 =	vadd.f32 v48, v36;
	v16 =	vmul.f32 $2.000000030e-01, v34;
	v21 =	vmul.f32 $2.000000030e-01, v44;
	v17 =	vld [tilespmem:s16+$0xFFFFFF40];
	[tilespmem:s14+$0xFFFFFF80] =	vst v28;
	v28 =	vpop (erf)  }
0x4cd: {  	v51 =	vmul.f32 $2.000000030e-01, v47;
	v49 =	vadd.f32 v49, v38;
	v15 =	vld [tilespmem:s16+$0xFFFFFF50];
	v29 =	vadd.f32 v29, v13;
	[tilespmem:s14+$0xFFFFFF90] =	vst v32  }
0x4ce: {  	s15 =	sadd.s32 $0x4, s15;
	v32 =	vmax.f32 v34, v16;
	v21 =	vmax.f32 v44, v21;
	v34 =	vmul.f32 $2.000000030e-01, v48;
	v14 =	vld [tilespmem:s16+$0xFFFFFF60];
	[tilespmem:s14+$0xFFFFFFA0] =	vst v22  }
0x4cf: {  	p0 =	slt.u32 s15, $0xC;
	v22 =	vmul.f32 v32, v1;
	v21 =	vmul.f32 v21, v2;
	v16 =	vld [tilespmem:s16+$0xFFFFFF70];
	v44 =	vadd.f32 v46, v42;
	[tilespmem:s14+$0xFFFFFFE0] =	vst v19;
	v46 =	vpop (erf)  }
0x4d0: {  	v52 =	vmul.f32 $2.000000030e-01, v49;
	v53 =	vmul.f32 $2.000000030e-01, v29;
	v19 =	vld [tilespmem:s13+$0xFFFFFF40];
	v50 =	vadd.f32 v50, v31;
	[tilespmem:s14+$0x0] =	vst v40  }
0x4d1: {  	v32 =	vmax.f32 v47, v51;
	v34 =	vmax.f32 v48, v34;
	v21 =	vadd.f32 v21, v22;
	v40 =	vld [tilespmem:s13+$0xFFFFFF50];
	[tilespmem:s14+$0x10] =	vst v41  }
0x4d2: {  	v22 =	vmul.f32 v32, v3;
	v34 =	vmul.f32 v34, v4;
	v32 =	vsel vm1, v23, v46;
	v41 =	vld [tilespmem:s13+$0xFFFFFF60];
	[tilespmem:s14+$0x40] =	vst v24  }
0x4d3: {  	v23 =	vsel vm2, v28, v45;
	v47 =	vmul.f32 $2.000000030e-01, v44;
	v48 =	vmul.f32 $2.000000030e-01, v50;
	v24 =	vld [tilespmem:s13+$0xFFFFFF70];
	(xrf2) =	vadd.scan.msk.f32 $0xffff, v21  }
0x4d4: {  	v45 =	vmax.f32 v49, v52;
	v29 =	vmax.f32 v29, v53;
	v34 =	vadd.f32 v34, v22;
	v21 =	vld [tilespmem:s16+$0xFFFFFFC0];
	[tilespmem:s14+$0xFFFFFF60] =	vst v23  }
0x4d5: {  	v45 =	vmul.f32 v45, v5;
	v29 =	vmul.f32 v29, v6;
	v49 =	vadd.f32 v19, v17;
	v22 =	vld [tilespmem:s16+$0xFFFFFFD0];
	[tilespmem:s14+$0x50] =	vst v20  }
0x4d6: {  	v18 =	vmul.f32 v28, v18;
	v20 =	vadd.f32 v40, v15;
	v23 =	vld [tilespmem:s16+$0xFFFFFFE0];
	(xrf2) =	vadd.scan.msk.f32 $0xffff, v34;
	v34 =	vmul.f32 v28, v39  }
0x4d7: {  	v29 =	vadd.f32 v29, v45;
	v28 =	vmax.f32 v44, v47;
	v39 =	vmax.f32 v50, v48;
	v19 =	vld [tilespmem:s16+$0xFFFFFFF0]  }
0x4d8: {  	v40 =	vadd.f32 v41, v14;
	v28 =	vmul.f32 v28, v7;
	v39 =	vmul.f32 v39, v8;
	v41 =	vld [tilespmem:s13+$0xFFFFFFC0];
	[tilespmem:s14+$0xFFFFFEE0] =	vst v34  }
0x4d9: {  	v34 =	vmul.f32 $2.000000030e-01, v49;
	v44 =	vmul.f32 $2.000000030e-01, v20;
	v45 =	vadd.f32 v24, v16;
	v47 =	vld [tilespmem:s13+$0xFFFFFFD0];
	(xrf2) =	vadd.scan.msk.f32 $0xffff, v29  }
0x4da: {  	v24 =	vmul.f32 $2.000000030e-01, v40;
	v28 =	vadd.f32 v39, v28;
	v29 =	vld [tilespmem:s13+$0xFFFFFFE0];
	[tilespmem:s14+$0xFFFFFEF0] =	vst v18;
	v18 =	vmul.f32 v46, v27  }
0x4db: {  	v27 =	vmax.f32 v49, v34;
	v20 =	vmax.f32 v20, v44;
	v34 =	vmul.f32 $2.000000030e-01, v45;
	v39 =	vld [tilespmem:s13+$0xFFFFFFF0]  }
0x4dc: {  	v27 =	vmul.f32 v27, v5;
	v44 =	vmul.f32 v20, v6;
	v20 =	vmax.f32 v40, v24;
	v24 =	vld [tilespmem:s16+$0x40];
	(xrf2) =	vadd.scan.msk.f32 $0xffff, v28  }
0x4dd: {  	v28 =	vmul.f32 v20, v7;
	v34 =	vmax.f32 v45, v34;
	v40 =	vadd.f32 v41, v21;
	v20 =	vld [tilespmem:s16+$0x50];
	v41, _, _ =	vpop (xrf2);
	[tilespmem:s14+$0x20] =	vst v18  }
0x4de: {  	v18 =	vmul.f32 v34, v8;
	v48 =	vadd.f32 v44, v27;
	v34 =	vadd.f32 v47, v22;
	v44 =	vld [tilespmem:s16+$0x60]  }
0x4df: {  	v26 =	vmul.f32 v46, v26;
	v45 =	vmul.f32 $2.000000030e-01, v40;
	v29 =	vadd.f32 v29, v23;
	v47 =	vld [tilespmem:s16+$0x70]  }
0x4e0: {  	v18 =	vadd.f32 v18, v28;
	v28 =	vmul.f32 $2.000000030e-01, v34;
	v39 =	vadd.f32 v39, v19;
	v46 =	vld [tilespmem:s13+$0x40];
	(xrf2) =	vadd.scan.msk.f32 $0xffff, v48;
	v27, _, _ =	vpop (xrf2)  }
0x4e1: {  	v12 =	vmul.f32 v43, v12;
	v40 =	vmax.f32 v40, v45;
	v45 =	vmul.f32 $2.000000030e-01, v29;
	v48 =	vld [tilespmem:s13+$0x50];
	[tilespmem:s14+$0x30] =	vst v26  }
0x4e2: {  	v26 =	vmul.f32 v40, v5;
	v28 =	vmax.f32 v34, v28;
	v34 =	vmul.f32 $2.000000030e-01, v39;
	v40 =	vld [tilespmem:s13+$0x60]  }
0x4e3: {  	v11 =	vmul.f32 v43, v11;
	v49 =	vmul.f32 v28, v6;
	v28 =	vmax.f32 v29, v45;
	v45 =	vld [tilespmem:s13+$0x70];
	(xrf2) =	vadd.scan.msk.f32 $0xffff, v18;
	v50, _, _ =	vpop (xrf2)  }
0x4e4: {  	v52 =	vmul.f32 v25, v10;
	v18 =	vld [tilespmem:s16+$0xFFFFFF10];
	v51 =	vmul.f32 v28, v7;
	v29 =	vmax.f32 v39, v34;
	[tilespmem:s14+$0x60] =	vst v12  }
0x4e5: {  	v28 =	vld [tilespmem:s16+$0xFFFFFF20];
	v34 =	vmul.f32 v29, v8;
	v53 =	vadd.f32 v49, v26;
	v26 =	vadd.f32 v46, v24;
	[tilespmem:s14+$0x70] =	vst v11  }
0x4e6: {  	v50 =	vmul.f32 $1.442695020e+00, v50;
	v49 =	vmul.f32 v25, v9;
	v29 =	vld [tilespmem:s16+$0xFFFFFF30];
	v39 =	vadd.f32 v48, v20;
	v46, _, _ =	vpop (xrf2);
	[tilespmem:s14+$0xF0] =	vst v52  }
0x4e7: {  	v10 =	vmovc v42;
	v43 =	vld [tilespmem:s13+$0xFFFFFF00];
	v25 =	vmul.f32 $2.000000030e-01, v26;
	v40 =	vadd.f32 v40, v44;
	v46 =	vmul.f32 $1.442695020e+00, v46;
	(xrf2) =	vadd.scan.msk.f32 $0xffff, v53  }
0x4e8: {  	v27 =	vmul.f32 $1.442695020e+00, v27;
	v12 =	vmovc v44;
	v9 =	vmovc v31;
	v48 =	vbroadcast v50, $0xF;
	v42 =	vld [tilespmem:s13+$0xFFFFFF10];
	v45 =	vadd.f32 v45, v47;
	[tilespmem:s14+$0x100] =	vst v49  }
0x4e9: {  	v11 =	vmovc v47;
	v44 =	vld [tilespmem:s13+$0xFFFFFF20];
	v25 =	vmax.f32 v26, v25;
	v26 =	vmul.f32 $1.442695020e+00, v41;
	v41 =	vbroadcast v46, $0xF  }
0x4ea: {  	v27 =	vbroadcast v27, $0xF;
	v34 =	vadd.f32 v34, v51;
	v46 =	vld [tilespmem:s13+$0xFFFFFF30];
	v47, _, _ =	vpop (xrf2);
	(erf) = vpow2.f32 v48  }
0x4eb: {  	v32 =	vsel vm2, v30, v32;
	v31 =	vld [tilespmem:s16+$0xFFFFFF80];
	v26 =	vbroadcast v26, $0xF;
	(erf) = vpow2.f32 v41  }
0x4ec: {  	v41 =	vmul.f32 $2.000000030e-01, v39;
	v30 =	vld [tilespmem:s16+$0xFFFFFF90];
	(erf) = vpow2.f32 v27;
	[tilespmem:s14+$0x80] =	vst v32  }
0x4ed: {  	v27 =	vadd.f32 v42, v18;
	v32 =	vld [tilespmem:s16+$0xFFFFFFA0];
	v42 =	vmul.f32 $2.000000030e-01, v40;
	v48, _, _ =	vpop (xrf2);
	(xrf2) =	vadd.scan.msk.f32 $0xffff, v34;
	(erf) = vpow2.f32 v26  }
0x4ee: {  	v39 =	vmax.f32 v39, v41;
	v41 =	vmul.f32 $2.000000030e-01, v45;
	v26 =	vadd.f32 v44, v28;
	v34 =	vld [tilespmem:s16+$0xFFFFFFB0]  }
0x4ef: {  	v44 =	vmul.f32 $2.000000030e-01, v27;
	v46 =	vadd.f32 v46, v29;
	v49 =	vld [tilespmem:s13+$0xFFFFFF80];
	v40 =	vmax.f32 v40, v42  }
0x4f0: {  	v25 =	vmul.f32 v25, v5;
	v41 =	vmax.f32 v45, v41;
	v57 =	vmul.f32 $2.000000030e-01, v26;
	v50 =	vld [tilespmem:s13+$0xFFFFFF90]  }
0x4f1: {  	v39 =	vmul.f32 v39, v6;
	v27 =	vmax.f32 v27, v44;
	v44 =	vmul.f32 $2.000000030e-01, v46;
	v45 =	vld [tilespmem:s13+$0xFFFFFFA0];
	v51, _, _ =	vpop (xrf2)  }
0x4f2: {  	v53 =	vmul.f32 v40, v7;
	v26 =	vmax.f32 v26, v57;
	v52 =	vld [tilespmem:s13+$0xFFFFFFB0];
	v57 =	vmul.f32 v41, v8  }
0x4f3: {  	v55 =	vmul.f32 v27, v2;
	v56 =	vmul.f32 v26, v3;
	v26 =	vmax.f32 v46, v44;
	v40 =	vld [tilespmem:s16+$0x0];
	v42 =	vpop (erf)  }
0x4f4: {  	v39 =	vadd.f32 v39, v25;
	v44 =	vmul.f32 v26, v4;
	v46 =	vadd.f32 v49, v31;
	v41 =	vld [tilespmem:s16+$0x10];
	v25 =	vpop (erf)  }
0x4f5: {  	v49 =	vadd.f32 v50, v30;
	v27 =	vld [tilespmem:s16+$0x20];
	v50 =	vadd.f32 v57, v53;
	v53 =	vsel vm0, v25, v42;
	v54 =	vpop (erf)  }
0x4f6: {  	v57 =	vmul.f32 $2.000000030e-01, v46;
	v45 =	vadd.f32 v45, v32;
	v26 =	vld [tilespmem:s16+$0x30];
	v53 =	vsel vm1, v53, v54;
	(xrf2) =	vadd.scan.msk.f32 $0xffff, v39;
	v58 =	vpop (erf)  }
0x4f7: {  	s14 =	sadd.s32 $0x240, s14;
	v39 =	vmul.f32 $2.000000030e-01, v49;
	v52 =	vadd.f32 v52, v34;
	v59 =	vld [tilespmem:s13+$0x0];
	v53 =	vsel vm2, v58, v53;
	v60, _, _ =	vpop (xrf2)  }
0x4f8: {  	v44 =	vadd.f32 v44, v56;
	v46 =	vmax.f32 v46, v57;
	v56 =	vmul.f32 $2.000000030e-01, v45;
	v57 =	vld [tilespmem:s13+$0x10];
	[tilespmem:s14+$0x110] =	vst v53  }
0x4f9: {  	v46 =	vmul.f32 v46, v1;
	v39 =	vmax.f32 v49, v39;
	v49 =	vmul.f32 $2.000000030e-01, v52;
	v53 =	vld [tilespmem:s13+$0x20];
	(xrf2) =	vadd.scan.msk.f32 $0xffff, v50  }
0x4fa: {  	v47 =	vmul.f32 $1.442695020e+00, v47;
	v50 =	vmul.f32 v39, v2;
	v45 =	vmax.f32 v45, v56;
	v56 =	vld [tilespmem:s13+$0x30]  }
0x4fb: {  	v48 =	vmul.f32 $1.442695020e+00, v48;
	v39 =	vld [tilespmem:s16+$0xFFFFFF00];
	v45 =	vmul.f32 v45, v3;
	v49 =	vmax.f32 v52, v49  }
0x4fc: {  	v49 =	vmul.f32 v49, v4;
	v46 =	vadd.f32 v50, v46;
	v50 =	vadd.f32 v59, v40;
	(xrf2) =	vadd.scan.msk.f32 $0xffff, v44  }
0x4fd: {  	v44 =	vmul.f32 $1.442695020e+00, v51;
	v51 =	vmul.f32 $1.442695020e+00, v60;
	v52 =	vadd.f32 v57, v41  }
0x4fe: {  	v45 =	vadd.f32 v49, v45;
	v49 =	vmul.f32 $2.000000030e-01, v50;
	v53 =	vadd.f32 v53, v27  }
0x4ff: {  	v47 =	vbroadcast v47, $0xF;
	v57 =	vmul.f32 $2.000000030e-01, v52;
	v56 =	vadd.f32 v56, v26;
	(xrf2) =	vadd.scan.msk.f32 $0xffff, v46  }
0x500: {  	v43 =	vadd.f32 v43, v39;
	v46 =	vmax.f32 v50, v49;
	v49 =	vmul.f32 $2.000000030e-01, v53;
	v50, _, _ =	vpop (xrf2)  }
0x501: {  	v46 =	vmul.f32 v46, v1;
	v52 =	vmax.f32 v52, v57;
	v57 =	vmul.f32 $2.000000030e-01, v56  }
0x502: {  	v59 =	vmul.f32 $2.000000030e-01, v43;
	v52 =	vmul.f32 v52, v2;
	v49 =	vmax.f32 v53, v49;
	(xrf2) =	vadd.scan.msk.f32 $0xffff, v45  }
0x503: {  	v50 =	vmul.f32 $1.442695020e+00, v50;
	v45 =	vmul.f32 v49, v3;
	v49 =	vmax.f32 v56, v57;
	v53, _, _ =	vpop (xrf2)  }
0x504: {  	v43 =	vmax.f32 v43, v59;
	v49 =	vmul.f32 v49, v4;
	v46 =	vadd.f32 v52, v46  }
0x505: {  	v52 =	vmul.f32 $1.442695020e+00, v53;
	v43 =	vmul.f32 v43, v1  }
0x506: {  	v48 =	vbroadcast v48, $0xF;
	v53 =	vbroadcast v44, $0xF;
	v45 =	vadd.f32 v49, v45;
	v44, _, _ =	vpop (xrf2);
	(xrf2) =	vadd.scan.msk.f32 $0xffff, v46  }
0x507: {  	v49 =	vbroadcast v51, $0xF;
	v46 =	vadd.f32 v55, v43;
	v43 =	vmul.f32 $1.442695020e+00, v44  }
0x508: {  	v50 =	vbroadcast v50, $0xF;
	v51 =	vbroadcast v52, $0xF  }
0x509: {  	v43 =	vbroadcast v43, $0xF;
	(xrf2) =	vadd.scan.msk.f32 $0xffff, v46;
	(erf) = vpow2.f32 v47;
	v44, _, _ =	vpop (xrf2)  }
0x50a: {  	v46 =	vmul.f32 v58, v35;
	v44 =	vmul.f32 $1.442695020e+00, v44  }
0x50b: {  	v37 =	vmul.f32 v58, v37;
	(erf) = vpow2.f32 v48  }
.Ltmp6:
0x50c: {  	v44 =	vbroadcast v44, $0xF;
	[tilespmem:s14+$0x90] =	vst v46;
	v35, _, _ =	vpop (xrf2);
	(erf) = vpow2.f32 v53;
	(xrf2) =	vadd.scan.msk.f32 $0xffff, v45;
	(pc) =	sbr.rel @p0 .LBB2_14-.Ltmp6, $4  }
0x50d: {  	v33 =	vmul.f32 v54, v33;
	v35 =	vmul.f32 $1.442695020e+00, v35;
	[tilespmem:s14+$0xA0] =	vst v37  }
0x50e: {  	v45 =	vmul.f32 v54, v36;
	(erf) = vpow2.f32 v49  }
0x50f: {  	v36 =	vbroadcast v35, $0xF;
	[tilespmem:s14+$0xB0] =	vst v33;
	(erf) = vpow2.f32 v50  }
0x510: {  	s16 =	sadd.s32 $0x200, s16;
	v33 =	vmul.f32 v42, v38;
	[tilespmem:s14+$0xC0] =	vst v45;
	v37, _, _ =	vpop (xrf2);
	(erf) = vpow2.f32 v51  }
0x511: {  	_ = 	snop  }
0x512: {  	(erf) = vpow2.f32 v43;
	v2 =	vmul.f32 v42, v13  }
0x513: {  	v6 =	vmul.f32 $1.442695020e+00, v37;
	v1 =	vpop (erf);
	(erf) = vpow2.f32 v44  }
0x514: {  	v3, _, _ =	vpop (xrf2);
	(erf) = vpow2.f32 v36;
	[tilespmem:s14+$0xE0] =	vst v2;
	v2 =	vmul.f32 v1, v15  }
0x515: {  	[tilespmem:s14+$0xD0] =	vst v33;
	v4 =	vmul.f32 v1, v17;
	v5 =	vpop (erf)  }
0x516: {  	v6 =	vbroadcast v6, $0xF;
	v7 =	vpop (erf);
	[tilespmem:s14+$0xFFFFFF30] =	vst v2;
	v2 =	vmul.f32 v5, v16  }
0x517: {  	[tilespmem:s14+$0xFFFFFF20] =	vst v4;
	v48 =	vmul.f32 v5, v14;
	v50 =	vmul.f32 v7, v21;
	v49 =	vpop (erf)  }
0x518: {  	[tilespmem:s14+$0xFFFFFF50] =	vst v2;
	v2 =	vmul.f32 v7, v22;
	v51 =	vpop (erf);
	(erf) = vpow2.f32 v6  }
0x519: {  	v3 =	vmul.f32 $1.442695020e+00, v3;
	v8, _, _ =	vpop (xrf2);
	[tilespmem:s14+$0xFFFFFF40] =	vst v48  }
0x51a: {  	[tilespmem:s14+$0xFFFFFFB0] =	vst v50;
	v53 =	vmul.f32 v49, v23;
	v52 =	vpop (erf)  }
0x51b: {  	v3 =	vbroadcast v3, $0xF;
	[tilespmem:s14+$0xFFFFFFC0] =	vst v2;
	v62 =	vmul.f32 v51, v20;
	v54 =	vpop (erf)  }
0x51c: {  	v8 =	vmul.f32 $1.442695020e+00, v8;
	[tilespmem:s14+$0xFFFFFFD0] =	vst v53;
	v55 =	vmul.f32 v54, v28;
	v2 =	vpop (erf)  }
0x51d: {  	v7 =	vsel vm0, v49, v7;
	(erf) = vpow2.f32 v3;
	v56 =	vmul.f32 v54, v29;
	[tilespmem:s14+$0x50] =	vst v62;
	v57 =	vpop (erf)  }
0x51e: {  	v58 =	vbroadcast v8, $0xF;
	[tilespmem:s14+$0xFFFFFF00] =	vst v55;
	v3 =	vsel vm1, v7, v57  }
0x51f: {  	v59 =	vmul.f32 v2, v31;
	[tilespmem:s14+$0xFFFFFF10] =	vst v56;
	v3 =	vsel vm2, v2, v3  }
0x520: {  	(erf) = vpow2.f32 v58;
	[tilespmem:s14+$0xFFFFFFF0] =	vst v3;
	v3 =	vmul.f32 v57, v32  }
0x521: {  	v2 =	vmul.f32 v2, v30;
	[tilespmem:s14+$0xFFFFFF70] =	vst v59;
	v60 =	vpop (erf)  }
0x522: {  	v4 =	vmul.f32 v57, v34;
	[tilespmem:s14+$0xFFFFFF90] =	vst v3;
	v3 =	vmul.f32 v60, v40  }
0x523: {  	[tilespmem:s14+$0xFFFFFF80] =	vst v2;
	v2 =	vmul.f32 v49, v19  }
0x524: {  	[tilespmem:s14+$0xFFFFFFA0] =	vst v4  }
0x525: {  	v1 =	vsel vm0, v5, v1;
	v61 =	vmul.f32 v60, v41;
	[tilespmem:s14+$0xFFFFFFE0] =	vst v2;
	v2 =	vmul.f32 v51, v24  }
0x526: {  	v1 =	vsel vm1, v1, v54;
	[tilespmem:s14+$0x0] =	vst v3;
	v3 =	vpop (erf)  }
0x527: {  	[tilespmem:s14+$0x10] =	vst v61;
	v1 =	vsel vm2, v3, v1  }
0x528: {  	[tilespmem:s14+$0xFFFFFF60] =	vst v1;
	v1 =	vmul.f32 v3, v39  }
0x529: {  	[tilespmem:s14+$0x40] =	vst v2;
	v2 =	vpop (erf);
	v3 =	vmul.f32 v3, v18  }
0x52a: {  	[tilespmem:s14+$0xFFFFFEE0] =	vst v1;
	v1 =	vmul.f32 v2, v27  }
0x52b: {  	[tilespmem:s14+$0xFFFFFEF0] =	vst v3;
	v3 =	vmul.f32 v2, v26  }
0x52c: {  	[tilespmem:s14+$0x20] =	vst v1;
	v1 =	vmul.f32 v52, v12  }
0x52d: {  	[tilespmem:s14+$0x30] =	vst v3;
	v3 =	vmul.f32 v52, v11  }
0x52e: {  	[tilespmem:s14+$0x60] =	vst v1;
	v1 =	vmul.f32 v25, v10  }
0x52f: {  	v63 =	vsel vm0, v52, v51;
	[tilespmem:s14+$0x70] =	vst v3;
	v3 =	vmul.f32 v25, v9  }
0x530: {  	v2 =	vsel vm1, v63, v2;
	[tilespmem:s14+$0xF0] =	vst v1  }
0x531: {  	[tilespmem:s14+$0x100] =	vst v3;
	v1 =	vsel vm2, v60, v2  }
0x532: {  	[tilespmem:s14+$0x80] =	vst v1  }
0x533: {  	[spmem:s3] =	stream.indirect.scatter.add.f32 [tilespmem:s0], [sflag:$0x9], $0x90, s1, s12, $0xb8;
	[tilespmem:$0x1FA00] =	vst v63  }
0x534: {  	_ =	swait.ge [sflag:s6], $0x800  }
0x535: {  	[sflag:s6] =	ssyncset.done $0x0  }
0x536: {  	[sflag:s6] =	ssyncadd.s32 $0xFFFFF800  }
0x537: {  	_ =	swait.ge [sflag:s7], $0x800  }
0x538: {  	[sflag:s7] =	ssyncset.done $0x0  }
0x539: {  	s13 =	simm.s32 $0xA;
	[sflag:s7] =	ssyncadd.s32 $0xFFFFF800  }
0x53a: {  	_ =	swait.ge [sflag:s13], $0x900  }
0x53b: {  	[sflag:s13] =	ssyncset.done $0x0  }
0x53c: {  	[sflag:s13] =	ssyncadd.s32 $0xFFFFF700  }
0x53d: {  	_ =	swait.ge [sflag:s8], $0x800  }
0x53e: {  	[sflag:s8] =	ssyncset.done $0x0  }
0x53f: {  	[sflag:s8] =	ssyncadd.s32 $0xFFFFF800  }
0x540: {  	_ =	swait.ge [sflag:s11], $0x800  }
0x541: {  	[sflag:s11] =	ssyncset.done $0x0  }
0x542: {  	s15 =	simm.s32 $0xB;
	[sflag:s11] =	ssyncadd.s32 $0xFFFFF800  }
0x543: {  	_ =	swait.ge [sflag:s15], $0x900  }
0x544: {  	[sflag:s15] =	ssyncset.done $0x0  }
0x545: {  	[sflag:s15] =	ssyncadd.s32 $0xFFFFF700  }
0x546: {  	_ =	swait.ge [sflag:s9], $0x800  }
0x547: {  	[sflag:s9] =	ssyncset.done $0x0  }
0x548: {  	[sflag:s9] =	ssyncadd.s32 $0xFFFFF800  }
0x549: {  	_ =	swait.ge [sflag:s4], $0x800  }
0x54a: {  	[sflag:s4] =	ssyncset.done $0x0  }
0x54b: {  	s16 =	simm.s32 $0xC;
	[sflag:s4] =	ssyncadd.s32 $0xFFFFF800  }
0x54c: {  	_ =	swait.ge [sflag:s16], $0x900  }
0x54d: {  	[sflag:s16] =	ssyncset.done $0x0  }
0x54e: {  	[sflag:s16] =	ssyncadd.s32 $0xFFFFF700  }
0x54f: {  	_ =	swait.ge [sflag:s17], $0x900  }
0x550: {  	[sflag:s17] =	ssyncset.done $0x0  }
0x551: {  	[sflag:s17] =	ssyncadd.s32 $0xFFFFF700  }
0x552: {  	s17 =	stileid.u32;
	[bflag:$0x0] =	sbarrier.arrive $0xFFFF  }
0x553: {  	s13 =	sshll.u32 s17, $0x6;
	s15 =	rddreg [dreg:$0x6]  }
0x554: {  	s13 =	sor.u32 $0x1C0D, s13;
	s16 =	rddreg [dreg:$0x16];
	s18 =	sshrl.u32 s15, $0x3  }
0x555: {  	[hbm:s16], [sflag:s13] =	dma.local [spmem:s18], $0x2BF2  }
0x556: {  	_ =	swait.ge [sflag:s10], $0x2BF2  }
0x557: {  	s17 =	sld [smem:$0x7FB];
	_ =	sdelay $0x2  }
0x558: {  	s18 =	rddreg [dreg:$0x17];
	s14 =	sadd.s32 $0x1, s17  }
0x559: {  	p0 =	sne.s32 s14, s18  }
.Ltmp7:
0x55a: {  	_ = 	snop;
	(pc) =	sbr.rel @p0 .LBB2_1-.Ltmp7, $3  }
0x55b: {  	_ =	sdelay $0x1  }
0x55c: {  	[sflag:s10] =	ssyncset.done $0x0  }
0x55d: {  	[sflag:s10] =	ssyncadd.s32 $0xFFFFD40E  }
0x55e: {  	_ =	sfence.sel $0x180000  }
0x55f: {  	[bflag:$0x0] =	sbarrier.arrive $0xFFFF  }
0x560: {  	_ =	strace $0x90000047  }
0x561: {  	s0 =	stileid.u32;
	[bflag:$0x2] =	sbarrier.arrive $0xFFFF  }
0x562: {  	p0 =	sne.s32 s0, $0x0;
	s0 =	rddreg [dreg:$0x3]  }
0x563: {  	s0 =	sadd.s32 @!p0 $0x100000, s0  }
0x564: {  	[sflag:s0] =	ssyncadd.tile.s32 @!p0 $0x1;
	_ =	shalt  }
.Lfunc_end2:
_tile_overlayer_lowered:
.L_overlay_start_2:
0x565: {  	(tag) =	ssettag $0x2  }
0x566: {  	s0 =	rddreg [dreg:$0x0];
	s2 =	stileid.u32  }
0x567: {  	s1 =	rddreg [dreg:$0x1];
	p0 =	sne.s32 s2, $0x0  }
0x568: {  	s3 =	rddreg [dreg:$0x2];
	[bflag:$0x3] =	sbarrier.arrive $0xFFFF;
	s2 =	simm.s32 @!p0 $0x1C0D  }
0x569: {  	[timem:s3], [sflag:s2] =	dma.local @!p0 [hbm:s0], s1  }
0x56a: {  	s0 =	simm.s32 @!p0 $0xD  }
0x56b: {  	_ =	swait.ge @!p0 [sflag:s0], s1  }
0x56c: {  	s1 =	ssub.s32 @!p0 $0x0, s1;
	[sflag:s0] =	ssyncset.done @!p0 $0x0  }
0x56d: {  	[sflag:s0] =	ssyncadd.s32 @!p0 s1  }
0x56e: {  	[bflag:$0x3] =	sbarrier.arrive $0xFFFF  }
0x56f: {  	_ =	shalt  }

</sc_bundles>
